<compile_context>
chip_gen: v7x
topology: tpu7x:2x2x1
jax: 0.10.2.dev20260603
libtpu: 0.0.44.dev20260713+nightly
codegen_flags: <defaults>
</compile_context>

<pallas_src>
import functools

import jax
import jax.numpy as jnp
from jax import lax
from jax.experimental import pallas as pl
from jax.experimental.pallas import tpu as pltpu
from jax.experimental.pallas import tpu_sc as plsc

N_ITEM = 1000000
N_DIM = 64
BATCH = 16384

NC = 2
NS = 16
L = 16
NW = NC * NS
B_PER_W = BATCH // NW
CHUNK = 128
N_CHUNKS = B_PER_W // CHUNK
PAIR_W = 2 * N_DIM


def _sc_body(word_hbm, ctx_hbm, wp_hbm, cp_hbm, wtab_hbm, ctab_hbm, out_hbm,
             widx, cidx, wpair, cpair, wr0, wr1, cr0, cr1, out_v, sems):
    wid = lax.axis_index("s") * NC + lax.axis_index("c")
    base = wid * B_PER_W

    pltpu.sync_copy(word_hbm.at[pl.ds(base, B_PER_W)], widx)
    pltpu.sync_copy(ctx_hbm.at[pl.ds(base, B_PER_W)], cidx)
    pltpu.sync_copy(wp_hbm.at[pl.ds(base, B_PER_W)], wpair)
    pltpu.sync_copy(cp_hbm.at[pl.ds(base, B_PER_W)], cpair)

    wbufs = [wr0, wr1]
    cbufs = [cr0, cr1]

    def fire(c):
        return (
            pltpu.async_copy(
                wtab_hbm.at[wpair.at[pl.ds(c * CHUNK, CHUNK)]],
                wbufs[c % 2], sems.at[2 * (c % 2)]),
            pltpu.async_copy(
                ctab_hbm.at[cpair.at[pl.ds(c * CHUNK, CHUNK)]],
                cbufs[c % 2], sems.at[2 * (c % 2) + 1]),
        )

    pending = {0: fire(0), 1: fire(1)}

    for c in range(N_CHUNKS):
        pending[c][0].wait()
        pending[c][1].wait()
        wbuf, cbuf = wbufs[c % 2], cbufs[c % 2]

        def body(g, _, c=c, wbuf=wbuf, cbuf=cbuf):
            gbase = c * CHUNK + g * L
            ridx = jnp.arange(L, dtype=jnp.int32) + g * L
            wcol0 = (widx[pl.ds(gbase, L)] & 1) * N_DIM
            ccol0 = (cidx[pl.ds(gbase, L)] & 1) * N_DIM
            acc = jnp.zeros((L,), jnp.float32)
            for j in range(N_DIM):
                w = plsc.load_gather(wbuf, [ridx, wcol0 + j])
                x = plsc.load_gather(cbuf, [ridx, ccol0 + j])
                acc = acc + w * x
            out_v[pl.ds(gbase, L)] = 1.0 / (1.0 + jnp.exp(-acc))
            return 0

        lax.fori_loop(0, CHUNK // L, body, 0)
        if c + 2 < N_CHUNKS:
            pending[c + 2] = fire(c + 2)

    pltpu.sync_copy(out_v, out_hbm.at[pl.ds(base, B_PER_W)])


@jax.jit
def _skipgram_sc(word, ctx, wpair, cpair, wtab2, ctab2):
    mesh = plsc.VectorSubcoreMesh(core_axis_name="c", subcore_axis_name="s",
                                  num_cores=NC, num_subcores=NS)
    return pl.kernel(
        _sc_body,
        out_type=jax.ShapeDtypeStruct((BATCH,), jnp.float32),
        mesh=mesh,
        compiler_params=pltpu.CompilerParams(needs_layout_passes=False),
        scratch_types=[
            pltpu.VMEM((B_PER_W,), jnp.int32),
            pltpu.VMEM((B_PER_W,), jnp.int32),
            pltpu.VMEM((B_PER_W,), jnp.int32),
            pltpu.VMEM((B_PER_W,), jnp.int32),
            pltpu.VMEM((CHUNK, PAIR_W), jnp.float32),
            pltpu.VMEM((CHUNK, PAIR_W), jnp.float32),
            pltpu.VMEM((CHUNK, PAIR_W), jnp.float32),
            pltpu.VMEM((CHUNK, PAIR_W), jnp.float32),
            pltpu.VMEM((B_PER_W,), jnp.float32),
            pltpu.SemaphoreType.DMA((4,)),
        ],
    )(word, ctx, wpair, cpair, wtab2, ctab2)


def kernel(word, context, word_embeddings, context_embeddings):
    wtab2 = word_embeddings.reshape(N_ITEM // 2, PAIR_W)
    ctab2 = context_embeddings.reshape(N_ITEM // 2, PAIR_W)
    w32 = word.astype(jnp.int32)
    c32 = context.astype(jnp.int32)
    return _skipgram_sc(w32, c32, w32 >> 1, c32 >> 1, wtab2, ctab2)

# --- scband reference (transcript-rebuilt; emitter-appended) ---
"""Pipeline reference for scband-skip-gram-embeddings-40853728920256 (READ-ONLY COPY).

The authoritative reference and input builder live on the scoring server;
editing this copy changes nothing except your own understanding.
"""

import jax, jax.numpy as jnp
import numpy as np

N_ITEM = 1000000
N_DIM = 64
BATCH = 16384

def setup_inputs(seed: int = 0) -> dict:
    key = jax.random.key(seed)
    k1, k2, k3, k4 = jax.random.split(key, 4)
    word = jax.random.randint(k1, (BATCH,), 0, N_ITEM)
    context = jax.random.randint(k2, (BATCH,), 0, N_ITEM)
    # learned parameters, initialized like _init_weight: uniform(-0.5, 0.5) / n_dim
    word_embeddings = (jax.random.uniform(k3, (N_ITEM, N_DIM), dtype=jnp.float32, minval=-0.5, maxval=0.5) / N_DIM)
    context_embeddings = (jax.random.uniform(k4, (N_ITEM, N_DIM), dtype=jnp.float32, minval=-0.5, maxval=0.5) / N_DIM)
    return {"word": word, "context": context, "word_embeddings": word_embeddings, "context_embeddings": context_embeddings}

def reference(word, context, word_embeddings, context_embeddings):
    # word_emb = self.word_embeddings(word)
    word_emb = jnp.take(word_embeddings, word, axis=0)          # [B, d]
    # context_emb = self.context_embeddings(context)  (share=False default)
    context_emb = jnp.take(context_embeddings, context, axis=0)  # [B, d]
    # bmm([B,1,d], [B,d,1]) -> [B,1,1] -> squeeze -> [B]
    z = jnp.sum(word_emb * context_emb, axis=-1)
    return jax.nn.sigmoid(z)

if __name__ == "__main__":
    import jax
    _d = setup_inputs()
    print(jax.jit(kernel)(*tuple(_d.values())))

</pallas_src>

<mosaic_0001>
#map = affine_map<(d0, d1) -> (0)>
#map1 = affine_map<(d0, d1) -> (0, 0)>
module attributes {stable_mosaic.version = 14 : i64} {
  func.func @_sc_body(%arg0: i32, %arg1: i32, %arg2: memref<16384xi32, #tpu.memory_space<hbm>>, %arg3: memref<16384xi32, #tpu.memory_space<hbm>>, %arg4: memref<16384xi32, #tpu.memory_space<hbm>>, %arg5: memref<16384xi32, #tpu.memory_space<hbm>>, %arg6: memref<500000x128xf32, #tpu.memory_space<hbm>>, %arg7: memref<500000x128xf32, #tpu.memory_space<hbm>>, %arg8: memref<16384xf32, #tpu.memory_space<hbm>>, %arg9: memref<512xi32, #tpu.memory_space<vmem>>, %arg10: memref<512xi32, #tpu.memory_space<vmem>>, %arg11: memref<512xi32, #tpu.memory_space<vmem>>, %arg12: memref<512xi32, #tpu.memory_space<vmem>>, %arg13: memref<128x128xf32, #tpu.memory_space<vmem>>, %arg14: memref<128x128xf32, #tpu.memory_space<vmem>>, %arg15: memref<128x128xf32, #tpu.memory_space<vmem>>, %arg16: memref<128x128xf32, #tpu.memory_space<vmem>>, %arg17: memref<512xf32, #tpu.memory_space<vmem>>, %arg18: memref<4x!tpu.dma_semaphore, #tpu.memory_space<semaphore_mem>>) attributes {dimension_semantics = [#tpu.dimension_semantics<core_parallel>, #tpu.dimension_semantics<subcore_parallel>], iteration_bounds = array<i64: 2, 16>, scalar_prefetch = 0 : i64, scratch_operands = 10 : i64, tpu.core_type = #tpu.core_type<sc_vector_subcore>, window_params = [{transform_indices = #map}, {transform_indices = #map}, {transform_indices = #map}, {transform_indices = #map}, {transform_indices = #map1}, {transform_indices = #map1}, {transform_indices = #map}]} {
    %mul3A = arith.constant 2 : i32
    %mul3A_0 = arith.muli %arg1, %mul3A : i32
    %add3A = arith.addi %mul3A_0, %arg0 : i32
    %mul3A_1 = arith.constant 512 : i32
    %mul3A_2 = arith.muli %add3A, %mul3A_1 : i32
    "tpu.region"() ({
      %run_scoped3A = tpu.sem_alloc : memref<!tpu.dma_semaphore, #tpu.memory_space<semaphore_mem>>
      %dma_start3A_156 = tpu.memref_slice %arg2[%mul3A_2] : memref<16384xi32, #tpu.memory_space<hbm>> -> memref<512xi32, #tpu.memory_space<hbm>>
      %dma_start3A_157 = tpu.memref_slice %arg2[%mul3A_2] : memref<16384xi32, #tpu.memory_space<hbm>> -> memref<512xi32, #tpu.memory_space<hbm>>
      tpu.enqueue_dma source(%dma_start3A_157 : memref<512xi32, #tpu.memory_space<hbm>>) target(%arg9 : memref<512xi32, #tpu.memory_space<vmem>>) target_semaphore(%run_scoped3A : memref<!tpu.dma_semaphore, #tpu.memory_space<semaphore_mem>>)
      %dma_wait3A_158 = tpu.memref_slice %arg2[%mul3A_2] : memref<16384xi32, #tpu.memory_space<hbm>> -> memref<512xi32, #tpu.memory_space<hbm>>
      %dma_wait3A_159 = tpu.memref_slice %arg2[%mul3A_2] : memref<16384xi32, #tpu.memory_space<hbm>> -> memref<512xi32, #tpu.memory_space<hbm>>
      tpu.wait_dma2 semaphore(%run_scoped3A : memref<!tpu.dma_semaphore, #tpu.memory_space<semaphore_mem>>) src(%dma_wait3A_159 : memref<512xi32, #tpu.memory_space<hbm>>) dst(%arg9 : memref<512xi32, #tpu.memory_space<vmem>>)
      tpu.yield
    }) : () -> ()
    "tpu.region"() ({
      %run_scoped3A = tpu.sem_alloc : memref<!tpu.dma_semaphore, #tpu.memory_space<semaphore_mem>>
      %dma_start3A_156 = tpu.memref_slice %arg3[%mul3A_2] : memref<16384xi32, #tpu.memory_space<hbm>> -> memref<512xi32, #tpu.memory_space<hbm>>
      %dma_start3A_157 = tpu.memref_slice %arg3[%mul3A_2] : memref<16384xi32, #tpu.memory_space<hbm>> -> memref<512xi32, #tpu.memory_space<hbm>>
      tpu.enqueue_dma source(%dma_start3A_157 : memref<512xi32, #tpu.memory_space<hbm>>) target(%arg10 : memref<512xi32, #tpu.memory_space<vmem>>) target_semaphore(%run_scoped3A : memref<!tpu.dma_semaphore, #tpu.memory_space<semaphore_mem>>)
      %dma_wait3A_158 = tpu.memref_slice %arg3[%mul3A_2] : memref<16384xi32, #tpu.memory_space<hbm>> -> memref<512xi32, #tpu.memory_space<hbm>>
      %dma_wait3A_159 = tpu.memref_slice %arg3[%mul3A_2] : memref<16384xi32, #tpu.memory_space<hbm>> -> memref<512xi32, #tpu.memory_space<hbm>>
      tpu.wait_dma2 semaphore(%run_scoped3A : memref<!tpu.dma_semaphore, #tpu.memory_space<semaphore_mem>>) src(%dma_wait3A_159 : memref<512xi32, #tpu.memory_space<hbm>>) dst(%arg10 : memref<512xi32, #tpu.memory_space<vmem>>)
      tpu.yield
    }) : () -> ()
    "tpu.region"() ({
      %run_scoped3A = tpu.sem_alloc : memref<!tpu.dma_semaphore, #tpu.memory_space<semaphore_mem>>
      %dma_start3A_156 = tpu.memref_slice %arg4[%mul3A_2] : memref<16384xi32, #tpu.memory_space<hbm>> -> memref<512xi32, #tpu.memory_space<hbm>>
      %dma_start3A_157 = tpu.memref_slice %arg4[%mul3A_2] : memref<16384xi32, #tpu.memory_space<hbm>> -> memref<512xi32, #tpu.memory_space<hbm>>
      tpu.enqueue_dma source(%dma_start3A_157 : memref<512xi32, #tpu.memory_space<hbm>>) target(%arg11 : memref<512xi32, #tpu.memory_space<vmem>>) target_semaphore(%run_scoped3A : memref<!tpu.dma_semaphore, #tpu.memory_space<semaphore_mem>>)
      %dma_wait3A_158 = tpu.memref_slice %arg4[%mul3A_2] : memref<16384xi32, #tpu.memory_space<hbm>> -> memref<512xi32, #tpu.memory_space<hbm>>
      %dma_wait3A_159 = tpu.memref_slice %arg4[%mul3A_2] : memref<16384xi32, #tpu.memory_space<hbm>> -> memref<512xi32, #tpu.memory_space<hbm>>
      tpu.wait_dma2 semaphore(%run_scoped3A : memref<!tpu.dma_semaphore, #tpu.memory_space<semaphore_mem>>) src(%dma_wait3A_159 : memref<512xi32, #tpu.memory_space<hbm>>) dst(%arg11 : memref<512xi32, #tpu.memory_space<vmem>>)
      tpu.yield
    }) : () -> ()
    "tpu.region"() ({
      %run_scoped3A = tpu.sem_alloc : memref<!tpu.dma_semaphore, #tpu.memory_space<semaphore_mem>>
      %dma_start3A_156 = tpu.memref_slice %arg5[%mul3A_2] : memref<16384xi32, #tpu.memory_space<hbm>> -> memref<512xi32, #tpu.memory_space<hbm>>
      %dma_start3A_157 = tpu.memref_slice %arg5[%mul3A_2] : memref<16384xi32, #tpu.memory_space<hbm>> -> memref<512xi32, #tpu.memory_space<hbm>>
      tpu.enqueue_dma source(%dma_start3A_157 : memref<512xi32, #tpu.memory_space<hbm>>) target(%arg12 : memref<512xi32, #tpu.memory_space<vmem>>) target_semaphore(%run_scoped3A : memref<!tpu.dma_semaphore, #tpu.memory_space<semaphore_mem>>)
      %dma_wait3A_158 = tpu.memref_slice %arg5[%mul3A_2] : memref<16384xi32, #tpu.memory_space<hbm>> -> memref<512xi32, #tpu.memory_space<hbm>>
      %dma_wait3A_159 = tpu.memref_slice %arg5[%mul3A_2] : memref<16384xi32, #tpu.memory_space<hbm>> -> memref<512xi32, #tpu.memory_space<hbm>>
      tpu.wait_dma2 semaphore(%run_scoped3A : memref<!tpu.dma_semaphore, #tpu.memory_space<semaphore_mem>>) src(%dma_wait3A_159 : memref<512xi32, #tpu.memory_space<hbm>>) dst(%arg12 : memref<512xi32, #tpu.memory_space<vmem>>)
      tpu.yield
    }) : () -> ()
    %dma_start3A = arith.constant 0 : i32
    %dma_start3A_3 = arith.constant 0 : i32
    %dma_start3A_4 = tpu.memref_slice %arg11[%dma_start3A_3] : memref<512xi32, #tpu.memory_space<vmem>> -> memref<128xi32, #tpu.memory_space<vmem>>
    %dma_start3A_5 = arith.constant 0 : i32
    %dma_start3A_6 = arith.constant 0 : i32
    %dma_start3A_7 = tpu.memref_slice %arg6[%dma_start3A_5, %dma_start3A_6] : memref<500000x128xf32, #tpu.memory_space<hbm>> -> memref<500000x128xf32, #tpu.memory_space<hbm>>
    %dma_start3A_8 = tpu.memref_slice %arg18[%dma_start3A] : memref<4x!tpu.dma_semaphore, #tpu.memory_space<semaphore_mem>> -> memref<1x!tpu.dma_semaphore, #tpu.memory_space<semaphore_mem>>
    %dma_start3A_9 = tpu.memref_squeeze %dma_start3A_8 : memref<1x!tpu.dma_semaphore, #tpu.memory_space<semaphore_mem>> -> memref<!tpu.dma_semaphore, #tpu.memory_space<semaphore_mem>>
    tpu.enqueue_indirect_dma source(%dma_start3A_7 : memref<500000x128xf32, #tpu.memory_space<hbm>>) target(%arg13 : memref<128x128xf32, #tpu.memory_space<vmem>>) offsets(%dma_start3A_4 : memref<128xi32, #tpu.memory_space<vmem>>) semaphore(%dma_start3A_9 : memref<!tpu.dma_semaphore, #tpu.memory_space<semaphore_mem>>)
    %dma_start3A_10 = arith.constant 1 : i32
    %dma_start3A_11 = arith.constant 0 : i32
    %dma_start3A_12 = tpu.memref_slice %arg12[%dma_start3A_11] : memref<512xi32, #tpu.memory_space<vmem>> -> memref<128xi32, #tpu.memory_space<vmem>>
    %dma_start3A_13 = arith.constant 0 : i32
    %dma_start3A_14 = arith.constant 0 : i32
    %dma_start3A_15 = tpu.memref_slice %arg7[%dma_start3A_13, %dma_start3A_14] : memref<500000x128xf32, #tpu.memory_space<hbm>> -> memref<500000x128xf32, #tpu.memory_space<hbm>>
    %dma_start3A_16 = tpu.memref_slice %arg18[%dma_start3A_10] : memref<4x!tpu.dma_semaphore, #tpu.memory_space<semaphore_mem>> -> memref<1x!tpu.dma_semaphore, #tpu.memory_space<semaphore_mem>>
    %dma_start3A_17 = tpu.memref_squeeze %dma_start3A_16 : memref<1x!tpu.dma_semaphore, #tpu.memory_space<semaphore_mem>> -> memref<!tpu.dma_semaphore, #tpu.memory_space<semaphore_mem>>
    tpu.enqueue_indirect_dma source(%dma_start3A_15 : memref<500000x128xf32, #tpu.memory_space<hbm>>) target(%arg15 : memref<128x128xf32, #tpu.memory_space<vmem>>) offsets(%dma_start3A_12 : memref<128xi32, #tpu.memory_space<vmem>>) semaphore(%dma_start3A_17 : memref<!tpu.dma_semaphore, #tpu.memory_space<semaphore_mem>>)
    %dma_start3A_18 = arith.constant 2 : i32
    %dma_start3A_19 = arith.constant 128 : i32
    %dma_start3A_20 = tpu.memref_slice %arg11[%dma_start3A_19] : memref<512xi32, #tpu.memory_space<vmem>> -> memref<128xi32, #tpu.memory_space<vmem>>
    %dma_start3A_21 = arith.constant 0 : i32
    %dma_start3A_22 = arith.constant 0 : i32
    %dma_start3A_23 = tpu.memref_slice %arg6[%dma_start3A_21, %dma_start3A_22] : memref<500000x128xf32, #tpu.memory_space<hbm>> -> memref<500000x128xf32, #tpu.memory_space<hbm>>
    %dma_start3A_24 = tpu.memref_slice %arg18[%dma_start3A_18] : memref<4x!tpu.dma_semaphore, #tpu.memory_space<semaphore_mem>> -> memref<1x!tpu.dma_semaphore, #tpu.memory_space<semaphore_mem>>
    %dma_start3A_25 = tpu.memref_squeeze %dma_start3A_24 : memref<1x!tpu.dma_semaphore, #tpu.memory_space<semaphore_mem>> -> memref<!tpu.dma_semaphore, #tpu.memory_space<semaphore_mem>>
    tpu.enqueue_indirect_dma source(%dma_start3A_23 : memref<500000x128xf32, #tpu.memory_space<hbm>>) target(%arg14 : memref<128x128xf32, #tpu.memory_space<vmem>>) offsets(%dma_start3A_20 : memref<128xi32, #tpu.memory_space<vmem>>) semaphore(%dma_start3A_25 : memref<!tpu.dma_semaphore, #tpu.memory_space<semaphore_mem>>)
    %dma_start3A_26 = arith.constant 3 : i32
    %dma_start3A_27 = arith.constant 128 : i32
    %dma_start3A_28 = tpu.memref_slice %arg12[%dma_start3A_27] : memref<512xi32, #tpu.memory_space<vmem>> -> memref<128xi32, #tpu.memory_space<vmem>>
    %dma_start3A_29 = arith.constant 0 : i32
    %dma_start3A_30 = arith.constant 0 : i32
    %dma_start3A_31 = tpu.memref_slice %arg7[%dma_start3A_29, %dma_start3A_30] : memref<500000x128xf32, #tpu.memory_space<hbm>> -> memref<500000x128xf32, #tpu.memory_space<hbm>>
    %dma_start3A_32 = tpu.memref_slice %arg18[%dma_start3A_26] : memref<4x!tpu.dma_semaphore, #tpu.memory_space<semaphore_mem>> -> memref<1x!tpu.dma_semaphore, #tpu.memory_space<semaphore_mem>>
    %dma_start3A_33 = tpu.memref_squeeze %dma_start3A_32 : memref<1x!tpu.dma_semaphore, #tpu.memory_space<semaphore_mem>> -> memref<!tpu.dma_semaphore, #tpu.memory_space<semaphore_mem>>
    tpu.enqueue_indirect_dma source(%dma_start3A_31 : memref<500000x128xf32, #tpu.memory_space<hbm>>) target(%arg16 : memref<128x128xf32, #tpu.memory_space<vmem>>) offsets(%dma_start3A_28 : memref<128xi32, #tpu.memory_space<vmem>>) semaphore(%dma_start3A_33 : memref<!tpu.dma_semaphore, #tpu.memory_space<semaphore_mem>>)
    %dma_wait3A = arith.constant 0 : i32
    %dma_wait3A_34 = arith.constant 0 : i32
    %dma_wait3A_35 = tpu.memref_slice %arg11[%dma_wait3A_34] : memref<512xi32, #tpu.memory_space<vmem>> -> memref<128xi32, #tpu.memory_space<vmem>>
    %dma_wait3A_36 = arith.constant 0 : i32
    %dma_wait3A_37 = arith.constant 0 : i32
    %dma_wait3A_38 = tpu.memref_slice %arg6[%dma_wait3A_36, %dma_wait3A_37] : memref<500000x128xf32, #tpu.memory_space<hbm>> -> memref<500000x128xf32, #tpu.memory_space<hbm>>
    %dma_wait3A_39 = tpu.memref_slice %arg18[%dma_wait3A] : memref<4x!tpu.dma_semaphore, #tpu.memory_space<semaphore_mem>> -> memref<1x!tpu.dma_semaphore, #tpu.memory_space<semaphore_mem>>
    %dma_wait3A_40 = tpu.memref_squeeze %dma_wait3A_39 : memref<1x!tpu.dma_semaphore, #tpu.memory_space<semaphore_mem>> -> memref<!tpu.dma_semaphore, #tpu.memory_space<semaphore_mem>>
    tpu.wait_indirect_dma semaphore(%dma_wait3A_40 : memref<!tpu.dma_semaphore, #tpu.memory_space<semaphore_mem>>) src(%dma_wait3A_38 : memref<500000x128xf32, #tpu.memory_space<hbm>>) dst(%arg13 : memref<128x128xf32, #tpu.memory_space<vmem>>)
    %dma_wait3A_41 = arith.constant 1 : i32
    %dma_wait3A_42 = arith.constant 0 : i32
    %dma_wait3A_43 = tpu.memref_slice %arg12[%dma_wait3A_42] : memref<512xi32, #tpu.memory_space<vmem>> -> memref<128xi32, #tpu.memory_space<vmem>>
    %dma_wait3A_44 = arith.constant 0 : i32
    %dma_wait3A_45 = arith.constant 0 : i32
    %dma_wait3A_46 = tpu.memref_slice %arg7[%dma_wait3A_44, %dma_wait3A_45] : memref<500000x128xf32, #tpu.memory_space<hbm>> -> memref<500000x128xf32, #tpu.memory_space<hbm>>
    %dma_wait3A_47 = tpu.memref_slice %arg18[%dma_wait3A_41] : memref<4x!tpu.dma_semaphore, #tpu.memory_space<semaphore_mem>> -> memref<1x!tpu.dma_semaphore, #tpu.memory_space<semaphore_mem>>
    %dma_wait3A_48 = tpu.memref_squeeze %dma_wait3A_47 : memref<1x!tpu.dma_semaphore, #tpu.memory_space<semaphore_mem>> -> memref<!tpu.dma_semaphore, #tpu.memory_space<semaphore_mem>>
    tpu.wait_indirect_dma semaphore(%dma_wait3A_48 : memref<!tpu.dma_semaphore, #tpu.memory_space<semaphore_mem>>) src(%dma_wait3A_46 : memref<500000x128xf32, #tpu.memory_space<hbm>>) dst(%arg15 : memref<128x128xf32, #tpu.memory_space<vmem>>)
    %scan3A = arith.constant 0 : i32
    %scan3A_49 = arith.constant 0 : i32
    %scan3A_50 = arith.constant 8 : i32
    %scan3A_51 = arith.addi %scan3A_49, %scan3A_50 : i32
    %scan3A_52 = arith.constant 1 : i32
    %scan3A_53 = scf.for %scan3A_156 = %scan3A_49 to %scan3A_51 step %scan3A_52 iter_args(%scan3A_157 = %scan3A) -> (i32)  : i32 {
      %mul3A_158 = arith.constant 16 : i32
      %mul3A_159 = arith.muli %scan3A_156, %mul3A_158 : i32
      %add3A_160 = arith.constant 0 : i32
      %add3A_161 = arith.addi %add3A_160, %mul3A_159 : i32
      %iota3A = tpu.iota {dimensions = array<i32: 0>} : vector<16xi32>
      %mul3A_162 = arith.constant 16 : i32
      %mul3A_163 = arith.muli %scan3A_156, %mul3A_162 : i32
      %add3A_164 = vector.broadcast %mul3A_163 : i32 to vector<16xi32>
      %add3A_165 = arith.addi %iota3A, %add3A_164 : vector<16xi32>
      %get3A = arith.index_cast %add3A_161 : i32 to index
      %get3A_166 = tpu.vector_load %arg9[%get3A] {strides = array<i32>} : memref<512xi32, #tpu.memory_space<vmem>>, vector<16xi32>,
      %and3A = arith.constant 1 : i32
      %and3A_167 = vector.broadcast %and3A : i32 to vector<16xi32>
      %and3A_168 = arith.andi %get3A_166, %and3A_167 : vector<16xi32>
      %mul3A_169 = arith.constant 64 : i32
      %mul3A_170 = vector.broadcast %mul3A_169 : i32 to vector<16xi32>
      %mul3A_171 = arith.muli %and3A_168, %mul3A_170 : vector<16xi32>
      %get3A_172 = arith.index_cast %add3A_161 : i32 to index
      %get3A_173 = tpu.vector_load %arg10[%get3A_172] {strides = array<i32>} : memref<512xi32, #tpu.memory_space<vmem>>, vector<16xi32>,
      %and3A_174 = arith.constant 1 : i32
      %and3A_175 = vector.broadcast %and3A_174 : i32 to vector<16xi32>
      %and3A_176 = arith.andi %get3A_173, %and3A_175 : vector<16xi32>
      %mul3A_177 = arith.constant 64 : i32
      %mul3A_178 = vector.broadcast %mul3A_177 : i32 to vector<16xi32>
      %mul3A_179 = arith.muli %and3A_176, %mul3A_178 : vector<16xi32>
      %broadcast_in_dim3A = arith.constant 0.000000e+00 : f32
      %broadcast_in_dim3A_180 = vector.broadcast %broadcast_in_dim3A : f32 to vector<16xf32>
      %add3A_181 = arith.constant 0 : i32
      %add3A_182 = vector.broadcast %add3A_181 : i32 to vector<16xi32>
      %add3A_183 = arith.addi %mul3A_171, %add3A_182 : vector<16xi32>
      %gather3A = tpu.vector_load_idx %arg13[%add3A_165, %add3A_183] : memref<128x128xf32, #tpu.memory_space<vmem>>[vector<16xi32>, vector<16xi32>], vector<16xf32>,
      %add3A_184 = arith.constant 0 : i32
      %add3A_185 = vector.broadcast %add3A_184 : i32 to vector<16xi32>
      %add3A_186 = arith.addi %mul3A_179, %add3A_185 : vector<16xi32>
      %gather3A_187 = tpu.vector_load_idx %arg15[%add3A_165, %add3A_186] : memref<128x128xf32, #tpu.memory_space<vmem>>[vector<16xi32>, vector<16xi32>], vector<16xf32>,
      %mul3A_188 = arith.mulf %gather3A, %gather3A_187 : vector<16xf32>
      %add3A_189 = arith.addf %broadcast_in_dim3A_180, %mul3A_188 : vector<16xf32>
      %add3A_190 = arith.constant 1 : i32
      %add3A_191 = vector.broadcast %add3A_190 : i32 to vector<16xi32>
      %add3A_192 = arith.addi %mul3A_171, %add3A_191 : vector<16xi32>
      %gather3A_193 = tpu.vector_load_idx %arg13[%add3A_165, %add3A_192] : memref<128x128xf32, #tpu.memory_space<vmem>>[vector<16xi32>, vector<16xi32>], vector<16xf32>,
      %add3A_194 = arith.constant 1 : i32
      %add3A_195 = vector.broadcast %add3A_194 : i32 to vector<16xi32>
      %add3A_196 = arith.addi %mul3A_179, %add3A_195 : vector<16xi32>
      %gather3A_197 = tpu.vector_load_idx %arg15[%add3A_165, %add3A_196] : memref<128x128xf32, #tpu.memory_space<vmem>>[vector<16xi32>, vector<16xi32>], vector<16xf32>,
      %mul3A_198 = arith.mulf %gather3A_193, %gather3A_197 : vector<16xf32>
      %add3A_199 = arith.addf %add3A_189, %mul3A_198 : vector<16xf32>
      %add3A_200 = arith.constant 2 : i32
      %add3A_201 = vector.broadcast %add3A_200 : i32 to vector<16xi32>
      %add3A_202 = arith.addi %mul3A_171, %add3A_201 : vector<16xi32>
      %gather3A_203 = tpu.vector_load_idx %arg13[%add3A_165, %add3A_202] : memref<128x128xf32, #tpu.memory_space<vmem>>[vector<16xi32>, vector<16xi32>], vector<16xf32>,
      %add3A_204 = arith.constant 2 : i32
      %add3A_205 = vector.broadcast %add3A_204 : i32 to vector<16xi32>
      %add3A_206 = arith.addi %mul3A_179, %add3A_205 : vector<16xi32>
      %gather3A_207 = tpu.vector_load_idx %arg15[%add3A_165, %add3A_206] : memref<128x128xf32, #tpu.memory_space<vmem>>[vector<16xi32>, vector<16xi32>], vector<16xf32>,
      %mul3A_208 = arith.mulf %gather3A_203, %gather3A_207 : vector<16xf32>
      %add3A_209 = arith.addf %add3A_199, %mul3A_208 : vector<16xf32>
      %add3A_210 = arith.constant 3 : i32
      %add3A_211 = vector.broadcast %add3A_210 : i32 to vector<16xi32>
      %add3A_212 = arith.addi %mul3A_171, %add3A_211 : vector<16xi32>
      %gather3A_213 = tpu.vector_load_idx %arg13[%add3A_165, %add3A_212] : memref<128x128xf32, #tpu.memory_space<vmem>>[vector<16xi32>, vector<16xi32>], vector<16xf32>,
      %add3A_214 = arith.constant 3 : i32
      %add3A_215 = vector.broadcast %add3A_214 : i32 to vector<16xi32>
      %add3A_216 = arith.addi %mul3A_179, %add3A_215 : vector<16xi32>
      %gather3A_217 = tpu.vector_load_idx %arg15[%add3A_165, %add3A_216] : memref<128x128xf32, #tpu.memory_space<vmem>>[vector<16xi32>, vector<16xi32>], vector<16xf32>,
      %mul3A_218 = arith.mulf %gather3A_213, %gather3A_217 : vector<16xf32>
      %add3A_219 = arith.addf %add3A_209, %mul3A_218 : vector<16xf32>
      %add3A_220 = arith.constant 4 : i32
      %add3A_221 = vector.broadcast %add3A_220 : i32 to vector<16xi32>
      %add3A_222 = arith.addi %mul3A_171, %add3A_221 : vector<16xi32>
      %gather3A_223 = tpu.vector_load_idx %arg13[%add3A_165, %add3A_222] : memref<128x128xf32, #tpu.memory_space<vmem>>[vector<16xi32>, vector<16xi32>], vector<16xf32>,
      %add3A_224 = arith.constant 4 : i32
      %add3A_225 = vector.broadcast %add3A_224 : i32 to vector<16xi32>
      %add3A_226 = arith.addi %mul3A_179, %add3A_225 : vector<16xi32>
      %gather3A_227 = tpu.vector_load_idx %arg15[%add3A_165, %add3A_226] : memref<128x128xf32, #tpu.memory_space<vmem>>[vector<16xi32>, vector<16xi32>], vector<16xf32>,
      %mul3A_228 = arith.mulf %gather3A_223, %gather3A_227 : vector<16xf32>
      %add3A_229 = arith.addf %add3A_219, %mul3A_228 : vector<16xf32>
      %add3A_230 = arith.constant 5 : i32
      %add3A_231 = vector.broadcast %add3A_230 : i32 to vector<16xi32>
      %add3A_232 = arith.addi %mul3A_171, %add3A_231 : vector<16xi32>
      %gather3A_233 = tpu.vector_load_idx %arg13[%add3A_165, %add3A_232] : memref<128x128xf32, #tpu.memory_space<vmem>>[vector<16xi32>, vector<16xi32>], vector<16xf32>,
      %add3A_234 = arith.constant 5 : i32
      %add3A_235 = vector.broadcast %add3A_234 : i32 to vector<16xi32>
      %add3A_236 = arith.addi %mul3A_179, %add3A_235 : vector<16xi32>
      %gather3A_237 = tpu.vector_load_idx %arg15[%add3A_165, %add3A_236] : memref<128x128xf32, #tpu.memory_space<vmem>>[vector<16xi32>, vector<16xi32>], vector<16xf32>,
      %mul3A_238 = arith.mulf %gather3A_233, %gather3A_237 : vector<16xf32>
      %add3A_239 = arith.addf %add3A_229, %mul3A_238 : vector<16xf32>
      %add3A_240 = arith.constant 6 : i32
      %add3A_241 = vector.broadcast %add3A_240 : i32 to vector<16xi32>
      %add3A_242 = arith.addi %mul3A_171, %add3A_241 : vector<16xi32>
      %gather3A_243 = tpu.vector_load_idx %arg13[%add3A_165, %add3A_242] : memref<128x128xf32, #tpu.memory_space<vmem>>[vector<16xi32>, vector<16xi32>], vector<16xf32>,
      %add3A_244 = arith.constant 6 : i32
      %add3A_245 = vector.broadcast %add3A_244 : i32 to vector<16xi32>
      %add3A_246 = arith.addi %mul3A_179, %add3A_245 : vector<16xi32>
      %gather3A_247 = tpu.vector_load_idx %arg15[%add3A_165, %add3A_246] : memref<128x128xf32, #tpu.memory_space<vmem>>[vector<16xi32>, vector<16xi32>], vector<16xf32>,
      %mul3A_248 = arith.mulf %gather3A_243, %gather3A_247 : vector<16xf32>
      %add3A_249 = arith.addf %add3A_239, %mul3A_248 : vector<16xf32>
      %add3A_250 = arith.constant 7 : i32
      %add3A_251 = vector.broadcast %add3A_250 : i32 to vector<16xi32>
      %add3A_252 = arith.addi %mul3A_171, %add3A_251 : vector<16xi32>
      %gather3A_253 = tpu.vector_load_idx %arg13[%add3A_165, %add3A_252] : memref<128x128xf32, #tpu.memory_space<vmem>>[vector<16xi32>, vector<16xi32>], vector<16xf32>,
      %add3A_254 = arith.constant 7 : i32
      %add3A_255 = vector.broadcast %add3A_254 : i32 to vector<16xi32>
      %add3A_256 = arith.addi %mul3A_179, %add3A_255 : vector<16xi32>
      %gather3A_257 = tpu.vector_load_idx %arg15[%add3A_165, %add3A_256] : memref<128x128xf32, #tpu.memory_space<vmem>>[vector<16xi32>, vector<16xi32>], vector<16xf32>,
      %mul3A_258 = arith.mulf %gather3A_253, %gather3A_257 : vector<16xf32>
      %add3A_259 = arith.addf %add3A_249, %mul3A_258 : vector<16xf32>
      %add3A_260 = arith.constant 8 : i32
      %add3A_261 = vector.broadcast %add3A_260 : i32 to vector<16xi32>
      %add3A_262 = arith.addi %mul3A_171, %add3A_261 : vector<16xi32>
      %gather3A_263 = tpu.vector_load_idx %arg13[%add3A_165, %add3A_262] : memref<128x128xf32, #tpu.memory_space<vmem>>[vector<16xi32>, vector<16xi32>], vector<16xf32>,
      %add3A_264 = arith.constant 8 : i32
      %add3A_265 = vector.broadcast %add3A_264 : i32 to vector<16xi32>
      %add3A_266 = arith.addi %mul3A_179, %add3A_265 : vector<16xi32>
      %gather3A_267 = tpu.vector_load_idx %arg15[%add3A_165, %add3A_266] : memref<128x128xf32, #tpu.memory_space<vmem>>[vector<16xi32>, vector<16xi32>], vector<16xf32>,
      %mul3A_268 = arith.mulf %gather3A_263, %gather3A_267 : vector<16xf32>
      %add3A_269 = arith.addf %add3A_259, %mul3A_268 : vector<16xf32>
      %add3A_270 = arith.constant 9 : i32
      %add3A_271 = vector.broadcast %add3A_270 : i32 to vector<16xi32>
      %add3A_272 = arith.addi %mul3A_171, %add3A_271 : vector<16xi32>
      %gather3A_273 = tpu.vector_load_idx %arg13[%add3A_165, %add3A_272] : memref<128x128xf32, #tpu.memory_space<vmem>>[vector<16xi32>, vector<16xi32>], vector<16xf32>,
      %add3A_274 = arith.constant 9 : i32
      %add3A_275 = vector.broadcast %add3A_274 : i32 to vector<16xi32>
      %add3A_276 = arith.addi %mul3A_179, %add3A_275 : vector<16xi32>
      %gather3A_277 = tpu.vector_load_idx %arg15[%add3A_165, %add3A_276] : memref<128x128xf32, #tpu.memory_space<vmem>>[vector<16xi32>, vector<16xi32>], vector<16xf32>,
      %mul3A_278 = arith.mulf %gather3A_273, %gather3A_277 : vector<16xf32>
      %add3A_279 = arith.addf %add3A_269, %mul3A_278 : vector<16xf32>
      %add3A_280 = arith.constant 10 : i32
      %add3A_281 = vector.broadcast %add3A_280 : i32 to vector<16xi32>
      %add3A_282 = arith.addi %mul3A_171, %add3A_281 : vector<16xi32>
      %gather3A_283 = tpu.vector_load_idx %arg13[%add3A_165, %add3A_282] : memref<128x128xf32, #tpu.memory_space<vmem>>[vector<16xi32>, vector<16xi32>], vector<16xf32>,
      %add3A_284 = arith.constant 10 : i32
      %add3A_285 = vector.broadcast %add3A_284 : i32 to vector<16xi32>
      %add3A_286 = arith.addi %mul3A_179, %add3A_285 : vector<16xi32>
      %gather3A_287 = tpu.vector_load_idx %arg15[%add3A_165, %add3A_286] : memref<128x128xf32, #tpu.memory_space<vmem>>[vector<16xi32>, vector<16xi32>], vector<16xf32>,
      %mul3A_288 = arith.mulf %gather3A_283, %gather3A_287 : vector<16xf32>
      %add3A_289 = arith.addf %add3A_279, %mul3A_288 : vector<16xf32>
      %add3A_290 = arith.constant 11 : i32
      %add3A_291 = vector.broadcast %add3A_290 : i32 to vector<16xi32>
      %add3A_292 = arith.addi %mul3A_171, %add3A_291 : vector<16xi32>
      %gather3A_293 = tpu.vector_load_idx %arg13[%add3A_165, %add3A_292] : memref<128x128xf32, #tpu.memory_space<vmem>>[vector<16xi32>, vector<16xi32>], vector<16xf32>,
      %add3A_294 = arith.constant 11 : i32
      %add3A_295 = vector.broadcast %add3A_294 : i32 to vector<16xi32>
      %add3A_296 = arith.addi %mul3A_179, %add3A_295 : vector<16xi32>
      %gather3A_297 = tpu.vector_load_idx %arg15[%add3A_165, %add3A_296] : memref<128x128xf32, #tpu.memory_space<vmem>>[vector<16xi32>, vector<16xi32>], vector<16xf32>,
      %mul3A_298 = arith.mulf %gather3A_293, %gather3A_297 : vector<16xf32>
      %add3A_299 = arith.addf %add3A_289, %mul3A_298 : vector<16xf32>
      %add3A_300 = arith.constant 12 : i32
      %add3A_301 = vector.broadcast %add3A_300 : i32 to vector<16xi32>
      %add3A_302 = arith.addi %mul3A_171, %add3A_301 : vector<16xi32>
      %gather3A_303 = tpu.vector_load_idx %arg13[%add3A_165, %add3A_302] : memref<128x128xf32, #tpu.memory_space<vmem>>[vector<16xi32>, vector<16xi32>], vector<16xf32>,
      %add3A_304 = arith.constant 12 : i32
      %add3A_305 = vector.broadcast %add3A_304 : i32 to vector<16xi32>
      %add3A_306 = arith.addi %mul3A_179, %add3A_305 : vector<16xi32>
      %gather3A_307 = tpu.vector_load_idx %arg15[%add3A_165, %add3A_306] : memref<128x128xf32, #tpu.memory_space<vmem>>[vector<16xi32>, vector<16xi32>], vector<16xf32>,
      %mul3A_308 = arith.mulf %gather3A_303, %gather3A_307 : vector<16xf32>
      %add3A_309 = arith.addf %add3A_299, %mul3A_308 : vector<16xf32>
      %add3A_310 = arith.constant 13 : i32
      %add3A_311 = vector.broadcast %add3A_310 : i32 to vector<16xi32>
      %add3A_312 = arith.addi %mul3A_171, %add3A_311 : vector<16xi32>
      %gather3A_313 = tpu.vector_load_idx %arg13[%add3A_165, %add3A_312] : memref<128x128xf32, #tpu.memory_space<vmem>>[vector<16xi32>, vector<16xi32>], vector<16xf32>,
      %add3A_314 = arith.constant 13 : i32
      %add3A_315 = vector.broadcast %add3A_314 : i32 to vector<16xi32>
      %add3A_316 = arith.addi %mul3A_179, %add3A_315 : vector<16xi32>
      %gather3A_317 = tpu.vector_load_idx %arg15[%add3A_165, %add3A_316] : memref<128x128xf32, #tpu.memory_space<vmem>>[vector<16xi32>, vector<16xi32>], vector<16xf32>,
      %mul3A_318 = arith.mulf %gather3A_313, %gather3A_317 : vector<16xf32>
      %add3A_319 = arith.addf %add3A_309, %mul3A_318 : vector<16xf32>
      %add3A_320 = arith.constant 14 : i32
      %add3A_321 = vector.broadcast %add3A_320 : i32 to vector<16xi32>
      %add3A_322 = arith.addi %mul3A_171, %add3A_321 : vector<16xi32>
      %gather3A_323 = tpu.vector_load_idx %arg13[%add3A_165, %add3A_322] : memref<128x128xf32, #tpu.memory_space<vmem>>[vector<16xi32>, vector<16xi32>], vector<16xf32>,
      %add3A_324 = arith.constant 14 : i32
      %add3A_325 = vector.broadcast %add3A_324 : i32 to vector<16xi32>
      %add3A_326 = arith.addi %mul3A_179, %add3A_325 : vector<16xi32>
      %gather3A_327 = tpu.vector_load_idx %arg15[%add3A_165, %add3A_326] : memref<128x128xf32, #tpu.memory_space<vmem>>[vector<16xi32>, vector<16xi32>], vector<16xf32>,
      %mul3A_328 = arith.mulf %gather3A_323, %gather3A_327 : vector<16xf32>
      %add3A_329 = arith.addf %add3A_319, %mul3A_328 : vector<16xf32>
      %add3A_330 = arith.constant 15 : i32
      %add3A_331 = vector.broadcast %add3A_330 : i32 to vector<16xi32>
      %add3A_332 = arith.addi %mul3A_171, %add3A_331 : vector<16xi32>
      %gather3A_333 = tpu.vector_load_idx %arg13[%add3A_165, %add3A_332] : memref<128x128xf32, #tpu.memory_space<vmem>>[vector<16xi32>, vector<16xi32>], vector<16xf32>,
      %add3A_334 = arith.constant 15 : i32
      %add3A_335 = vector.broadcast %add3A_334 : i32 to vector<16xi32>
      %add3A_336 = arith.addi %mul3A_179, %add3A_335 : vector<16xi32>
      %gather3A_337 = tpu.vector_load_idx %arg15[%add3A_165, %add3A_336] : memref<128x128xf32, #tpu.memory_space<vmem>>[vector<16xi32>, vector<16xi32>], vector<16xf32>,
      %mul3A_338 = arith.mulf %gather3A_333, %gather3A_337 : vector<16xf32>
      %add3A_339 = arith.addf %add3A_329, %mul3A_338 : vector<16xf32>
      %add3A_340 = arith.constant 16 : i32
      %add3A_341 = vector.broadcast %add3A_340 : i32 to vector<16xi32>
      %add3A_342 = arith.addi %mul3A_171, %add3A_341 : vector<16xi32>
      %gather3A_343 = tpu.vector_load_idx %arg13[%add3A_165, %add3A_342] : memref<128x128xf32, #tpu.memory_space<vmem>>[vector<16xi32>, vector<16xi32>], vector<16xf32>,
      %add3A_344 = arith.constant 16 : i32
      %add3A_345 = vector.broadcast %add3A_344 : i32 to vector<16xi32>
      %add3A_346 = arith.addi %mul3A_179, %add3A_345 : vector<16xi32>
      %gather3A_347 = tpu.vector_load_idx %arg15[%add3A_165, %add3A_346] : memref<128x128xf32, #tpu.memory_space<vmem>>[vector<16xi32>, vector<16xi32>], vector<16xf32>,
      %mul3A_348 = arith.mulf %gather3A_343, %gather3A_347 : vector<16xf32>
      %add3A_349 = arith.addf %add3A_339, %mul3A_348 : vector<16xf32>
      %add3A_350 = arith.constant 17 : i32
      %add3A_351 = vector.broadcast %add3A_350 : i32 to vector<16xi32>
      %add3A_352 = arith.addi %mul3A_171, %add3A_351 : vector<16xi32>
      %gather3A_353 = tpu.vector_load_idx %arg13[%add3A_165, %add3A_352] : memref<128x128xf32, #tpu.memory_space<vmem>>[vector<16xi32>, vector<16xi32>], vector<16xf32>,
      %add3A_354 = arith.constant 17 : i32
      %add3A_355 = vector.broadcast %add3A_354 : i32 to vector<16xi32>
      %add3A_356 = arith.addi %mul3A_179, %add3A_355 : vector<16xi32>
      %gather3A_357 = tpu.vector_load_idx %arg15[%add3A_165, %add3A_356] : memref<128x128xf32, #tpu.memory_space<vmem>>[vector<16xi32>, vector<16xi32>], vector<16xf32>,
      %mul3A_358 = arith.mulf %gather3A_353, %gather3A_357 : vector<16xf32>
      %add3A_359 = arith.addf %add3A_349, %mul3A_358 : vector<16xf32>
      %add3A_360 = arith.constant 18 : i32
      %add3A_361 = vector.broadcast %add3A_360 : i32 to vector<16xi32>
      %add3A_362 = arith.addi %mul3A_171, %add3A_361 : vector<16xi32>
      %gather3A_363 = tpu.vector_load_idx %arg13[%add3A_165, %add3A_362] : memref<128x128xf32, #tpu.memory_space<vmem>>[vector<16xi32>, vector<16xi32>], vector<16xf32>,
      %add3A_364 = arith.constant 18 : i32
      %add3A_365 = vector.broadcast %add3A_364 : i32 to vector<16xi32>
      %add3A_366 = arith.addi %mul3A_179, %add3A_365 : vector<16xi32>
      %gather3A_367 = tpu.vector_load_idx %arg15[%add3A_165, %add3A_366] : memref<128x128xf32, #tpu.memory_space<vmem>>[vector<16xi32>, vector<16xi32>], vector<16xf32>,
      %mul3A_368 = arith.mulf %gather3A_363, %gather3A_367 : vector<16xf32>
      %add3A_369 = arith.addf %add3A_359, %mul3A_368 : vector<16xf32>
      %add3A_370 = arith.constant 19 : i32
      %add3A_371 = vector.broadcast %add3A_370 : i32 to vector<16xi32>
      %add3A_372 = arith.addi %mul3A_171, %add3A_371 : vector<16xi32>
      %gather3A_373 = tpu.vector_load_idx %arg13[%add3A_165, %add3A_372] : memref<128x128xf32, #tpu.memory_space<vmem>>[vector<16xi32>, vector<16xi32>], vector<16xf32>,
      %add3A_374 = arith.constant 19 : i32
      %add3A_375 = vector.broadcast %add3A_374 : i32 to vector<16xi32>
      %add3A_376 = arith.addi %mul3A_179, %add3A_375 : vector<16xi32>
      %gather3A_377 = tpu.vector_load_idx %arg15[%add3A_165, %add3A_376] : memref<128x128xf32, #tpu.memory_space<vmem>>[vector<16xi32>, vector<16xi32>], vector<16xf32>,
      %mul3A_378 = arith.mulf %gather3A_373, %gather3A_377 : vector<16xf32>
      %add3A_379 = arith.addf %add3A_369, %mul3A_378 : vector<16xf32>
      %add3A_380 = arith.constant 20 : i32
      %add3A_381 = vector.broadcast %add3A_380 : i32 to vector<16xi32>
      %add3A_382 = arith.addi %mul3A_171, %add3A_381 : vector<16xi32>
      %gather3A_383 = tpu.vector_load_idx %arg13[%add3A_165, %add3A_382] : memref<128x128xf32, #tpu.memory_space<vmem>>[vector<16xi32>, vector<16xi32>], vector<16xf32>,
      %add3A_384 = arith.constant 20 : i32
      %add3A_385 = vector.broadcast %add3A_384 : i32 to vector<16xi32>
      %add3A_386 = arith.addi %mul3A_179, %add3A_385 : vector<16xi32>
      %gather3A_387 = tpu.vector_load_idx %arg15[%add3A_165, %add3A_386] : memref<128x128xf32, #tpu.memory_space<vmem>>[vector<16xi32>, vector<16xi32>], vector<16xf32>,
      %mul3A_388 = arith.mulf %gather3A_383, %gather3A_387 : vector<16xf32>
      %add3A_389 = arith.addf %add3A_379, %mul3A_388 : vector<16xf32>
      %add3A_390 = arith.constant 21 : i32
      %add3A_391 = vector.broadcast %add3A_390 : i32 to vector<16xi32>
      %add3A_392 = arith.addi %mul3A_171, %add3A_391 : vector<16xi32>
      %gather3A_393 = tpu.vector_load_idx %arg13[%add3A_165, %add3A_392] : memref<128x128xf32, #tpu.memory_space<vmem>>[vector<16xi32>, vector<16xi32>], vector<16xf32>,
      %add3A_394 = arith.constant 21 : i32
      %add3A_395 = vector.broadcast %add3A_394 : i32 to vector<16xi32>
      %add3A_396 = arith.addi %mul3A_179, %add3A_395 : vector<16xi32>
      %gather3A_397 = tpu.vector_load_idx %arg15[%add3A_165, %add3A_396] : memref<128x128xf32, #tpu.memory_space<vmem>>[vector<16xi32>, vector<16xi32>], vector<16xf32>,
      %mul3A_398 = arith.mulf %gather3A_393, %gather3A_397 : vector<16xf32>
      %add3A_399 = arith.addf %add3A_389, %mul3A_398 : vector<16xf32>
      %add3A_400 = arith.constant 22 : i32
      %add3A_401 = vector.broadcast %add3A_400 : i32 to vector<16xi32>
      %add3A_402 = arith.addi %mul3A_171, %add3A_401 : vector<16xi32>
      %gather3A_403 = tpu.vector_load_idx %arg13[%add3A_165, %add3A_402] : memref<128x128xf32, #tpu.memory_space<vmem>>[vector<16xi32>, vector<16xi32>], vector<16xf32>,
      %add3A_404 = arith.constant 22 : i32
      %add3A_405 = vector.broadcast %add3A_404 : i32 to vector<16xi32>
      %add3A_406 = arith.addi %mul3A_179, %add3A_405 : vector<16xi32>
      %gather3A_407 = tpu.vector_load_idx %arg15[%add3A_165, %add3A_406] : memref<128x128xf32, #tpu.memory_space<vmem>>[vector<16xi32>, vector<16xi32>], vector<16xf32>,
      %mul3A_408 = arith.mulf %gather3A_403, %gather3A_407 : vector<16xf32>
      %add3A_409 = arith.addf %add3A_399, %mul3A_408 : vector<16xf32>
      %add3A_410 = arith.constant 23 : i32
      %add3A_411 = vector.broadcast %add3A_410 : i32 to vector<16xi32>
      %add3A_412 = arith.addi %mul3A_171, %add3A_411 : vector<16xi32>
      %gather3A_413 = tpu.vector_load_idx %arg13[%add3A_165, %add3A_412] : memref<128x128xf32, #tpu.memory_space<vmem>>[vector<16xi32>, vector<16xi32>], vector<16xf32>,
      %add3A_414 = arith.constant 23 : i32
      %add3A_415 = vector.broadcast %add3A_414 : i32 to vector<16xi32>
      %add3A_416 = arith.addi %mul3A_179, %add3A_415 : vector<16xi32>
      %gather3A_417 = tpu.vector_load_idx %arg15[%add3A_165, %add3A_416] : memref<128x128xf32, #tpu.memory_space<vmem>>[vector<16xi32>, vector<16xi32>], vector<16xf32>,
      %mul3A_418 = arith.mulf %gather3A_413, %gather3A_417 : vector<16xf32>
      %add3A_419 = arith.addf %add3A_409, %mul3A_418 : vector<16xf32>
      %add3A_420 = arith.constant 24 : i32
      %add3A_421 = vector.broadcast %add3A_420 : i32 to vector<16xi32>
      %add3A_422 = arith.addi %mul3A_171, %add3A_421 : vector<16xi32>
      %gather3A_423 = tpu.vector_load_idx %arg13[%add3A_165, %add3A_422] : memref<128x128xf32, #tpu.memory_space<vmem>>[vector<16xi32>, vector<16xi32>], vector<16xf32>,
      %add3A_424 = arith.constant 24 : i32
      %add3A_425 = vector.broadcast %add3A_424 : i32 to vector<16xi32>
      %add3A_426 = arith.addi %mul3A_179, %add3A_425 : vector<16xi32>
      %gather3A_427 = tpu.vector_load_idx %arg15[%add3A_165, %add3A_426] : memref<128x128xf32, #tpu.memory_space<vmem>>[vector<16xi32>, vector<16xi32>], vector<16xf32>,
      %mul3A_428 = arith.mulf %gather3A_423, %gather3A_427 : vector<16xf32>
      %add3A_429 = arith.addf %add3A_419, %mul3A_428 : vector<16xf32>
      %add3A_430 = arith.constant 25 : i32
      %add3A_431 = vector.broadcast %add3A_430 : i32 to vector<16xi32>
      %add3A_432 = arith.addi %mul3A_171, %add3A_431 : vector<16xi32>
      %gather3A_433 = tpu.vector_load_idx %arg13[%add3A_165, %add3A_432] : memref<128x128xf32, #tpu.memory_space<vmem>>[vector<16xi32>, vector<16xi32>], vector<16xf32>,
      %add3A_434 = arith.constant 25 : i32
      %add3A_435 = vector.broadcast %add3A_434 : i32 to vector<16xi32>
      %add3A_436 = arith.addi %mul3A_179, %add3A_435 : vector<16xi32>
      %gather3A_437 = tpu.vector_load_idx %arg15[%add3A_165, %add3A_436] : memref<128x128xf32, #tpu.memory_space<vmem>>[vector<16xi32>, vector<16xi32>], vector<16xf32>,
      %mul3A_438 = arith.mulf %gather3A_433, %gather3A_437 : vector<16xf32>
      %add3A_439 = arith.addf %add3A_429, %mul3A_438 : vector<16xf32>
      %add3A_440 = arith.constant 26 : i32
      %add3A_441 = vector.broadcast %add3A_440 : i32 to vector<16xi32>
      %add3A_442 = arith.addi %mul3A_171, %add3A_441 : vector<16xi32>
      %gather3A_443 = tpu.vector_load_idx %arg13[%add3A_165, %add3A_442] : memref<128x128xf32, #tpu.memory_space<vmem>>[vector<16xi32>, vector<16xi32>], vector<16xf32>,
      %add3A_444 = arith.constant 26 : i32
      %add3A_445 = vector.broadcast %add3A_444 : i32 to vector<16xi32>
      %add3A_446 = arith.addi %mul3A_179, %add3A_445 : vector<16xi32>
      %gather3A_447 = tpu.vector_load_idx %arg15[%add3A_165, %add3A_446] : memref<128x128xf32, #tpu.memory_space<vmem>>[vector<16xi32>, vector<16xi32>], vector<16xf32>,
      %mul3A_448 = arith.mulf %gather3A_443, %gather3A_447 : vector<16xf32>
      %add3A_449 = arith.addf %add3A_439, %mul3A_448 : vector<16xf32>
      %add3A_450 = arith.constant 27 : i32
      %add3A_451 = vector.broadcast %add3A_450 : i32 to vector<16xi32>
      %add3A_452 = arith.addi %mul3A_171, %add3A_451 : vector<16xi32>
      %gather3A_453 = tpu.vector_load_idx %arg13[%add3A_165, %add3A_452] : memref<128x128xf32, #tpu.memory_space<vmem>>[vector<16xi32>, vector<16xi32>], vector<16xf32>,
      %add3A_454 = arith.constant 27 : i32
      %add3A_455 = vector.broadcast %add3A_454 : i32 to vector<16xi32>
      %add3A_456 = arith.addi %mul3A_179, %add3A_455 : vector<16xi32>
      %gather3A_457 = tpu.vector_load_idx %arg15[%add3A_165, %add3A_456] : memref<128x128xf32, #tpu.memory_space<vmem>>[vector<16xi32>, vector<16xi32>], vector<16xf32>,
      %mul3A_458 = arith.mulf %gather3A_453, %gather3A_457 : vector<16xf32>
      %add3A_459 = arith.addf %add3A_449, %mul3A_458 : vector<16xf32>
      %add3A_460 = arith.constant 28 : i32
      %add3A_461 = vector.broadcast %add3A_460 : i32 to vector<16xi32>
      %add3A_462 = arith.addi %mul3A_171, %add3A_461 : vector<16xi32>
      %gather3A_463 = tpu.vector_load_idx %arg13[%add3A_165, %add3A_462] : memref<128x128xf32, #tpu.memory_space<vmem>>[vector<16xi32>, vector<16xi32>], vector<16xf32>,
      %add3A_464 = arith.constant 28 : i32
      %add3A_465 = vector.broadcast %add3A_464 : i32 to vector<16xi32>
      %add3A_466 = arith.addi %mul3A_179, %add3A_465 : vector<16xi32>
      %gather3A_467 = tpu.vector_load_idx %arg15[%add3A_165, %add3A_466] : memref<128x128xf32, #tpu.memory_space<vmem>>[vector<16xi32>, vector<16xi32>], vector<16xf32>,
      %mul3A_468 = arith.mulf %gather3A_463, %gather3A_467 : vector<16xf32>
      %add3A_469 = arith.addf %add3A_459, %mul3A_468 : vector<16xf32>
      %add3A_470 = arith.constant 29 : i32
      %add3A_471 = vector.broadcast %add3A_470 : i32 to vector<16xi32>
      %add3A_472 = arith.addi %mul3A_171, %add3A_471 : vector<16xi32>
      %gather3A_473 = tpu.vector_load_idx %arg13[%add3A_165, %add3A_472] : memref<128x128xf32, #tpu.memory_space<vmem>>[vector<16xi32>, vector<16xi32>], vector<16xf32>,
      %add3A_474 = arith.constant 29 : i32
      %add3A_475 = vector.broadcast %add3A_474 : i32 to vector<16xi32>
      %add3A_476 = arith.addi %mul3A_179, %add3A_475 : vector<16xi32>
      %gather3A_477 = tpu.vector_load_idx %arg15[%add3A_165, %add3A_476] : memref<128x128xf32, #tpu.memory_space<vmem>>[vector<16xi32>, vector<16xi32>], vector<16xf32>,
      %mul3A_478 = arith.mulf %gather3A_473, %gather3A_477 : vector<16xf32>
      %add3A_479 = arith.addf %add3A_469, %mul3A_478 : vector<16xf32>
      %add3A_480 = arith.constant 30 : i32
      %add3A_481 = vector.broadcast %add3A_480 : i32 to vector<16xi32>
      %add3A_482 = arith.addi %mul3A_171, %add3A_481 : vector<16xi32>
      %gather3A_483 = tpu.vector_load_idx %arg13[%add3A_165, %add3A_482] : memref<128x128xf32, #tpu.memory_space<vmem>>[vector<16xi32>, vector<16xi32>], vector<16xf32>,
      %add3A_484 = arith.constant 30 : i32
      %add3A_485 = vector.broadcast %add3A_484 : i32 to vector<16xi32>
      %add3A_486 = arith.addi %mul3A_179, %add3A_485 : vector<16xi32>
      %gather3A_487 = tpu.vector_load_idx %arg15[%add3A_165, %add3A_486] : memref<128x128xf32, #tpu.memory_space<vmem>>[vector<16xi32>, vector<16xi32>], vector<16xf32>,
      %mul3A_488 = arith.mulf %gather3A_483, %gather3A_487 : vector<16xf32>
      %add3A_489 = arith.addf %add3A_479, %mul3A_488 : vector<16xf32>
      %add3A_490 = arith.constant 31 : i32
      %add3A_491 = vector.broadcast %add3A_490 : i32 to vector<16xi32>
      %add3A_492 = arith.addi %mul3A_171, %add3A_491 : vector<16xi32>
      %gather3A_493 = tpu.vector_load_idx %arg13[%add3A_165, %add3A_492] : memref<128x128xf32, #tpu.memory_space<vmem>>[vector<16xi32>, vector<16xi32>], vector<16xf32>,
      %add3A_494 = arith.constant 31 : i32
      %add3A_495 = vector.broadcast %add3A_494 : i32 to vector<16xi32>
      %add3A_496 = arith.addi %mul3A_179, %add3A_495 : vector<16xi32>
      %gather3A_497 = tpu.vector_load_idx %arg15[%add3A_165, %add3A_496] : memref<128x128xf32, #tpu.memory_space<vmem>>[vector<16xi32>, vector<16xi32>], vector<16xf32>,
      %mul3A_498 = arith.mulf %gather3A_493, %gather3A_497 : vector<16xf32>
      %add3A_499 = arith.addf %add3A_489, %mul3A_498 : vector<16xf32>
      %add3A_500 = arith.constant 32 : i32
      %add3A_501 = vector.broadcast %add3A_500 : i32 to vector<16xi32>
      %add3A_502 = arith.addi %mul3A_171, %add3A_501 : vector<16xi32>
      %gather3A_503 = tpu.vector_load_idx %arg13[%add3A_165, %add3A_502] : memref<128x128xf32, #tpu.memory_space<vmem>>[vector<16xi32>, vector<16xi32>], vector<16xf32>,
      %add3A_504 = arith.constant 32 : i32
      %add3A_505 = vector.broadcast %add3A_504 : i32 to vector<16xi32>
      %add3A_506 = arith.addi %mul3A_179, %add3A_505 : vector<16xi32>
      %gather3A_507 = tpu.vector_load_idx %arg15[%add3A_165, %add3A_506] : memref<128x128xf32, #tpu.memory_space<vmem>>[vector<16xi32>, vector<16xi32>], vector<16xf32>,
      %mul3A_508 = arith.mulf %gather3A_503, %gather3A_507 : vector<16xf32>
      %add3A_509 = arith.addf %add3A_499, %mul3A_508 : vector<16xf32>
      %add3A_510 = arith.constant 33 : i32
      %add3A_511 = vector.broadcast %add3A_510 : i32 to vector<16xi32>
      %add3A_512 = arith.addi %mul3A_171, %add3A_511 : vector<16xi32>
      %gather3A_513 = tpu.vector_load_idx %arg13[%add3A_165, %add3A_512] : memref<128x128xf32, #tpu.memory_space<vmem>>[vector<16xi32>, vector<16xi32>], vector<16xf32>,
      %add3A_514 = arith.constant 33 : i32
      %add3A_515 = vector.broadcast %add3A_514 : i32 to vector<16xi32>
      %add3A_516 = arith.addi %mul3A_179, %add3A_515 : vector<16xi32>
      %gather3A_517 = tpu.vector_load_idx %arg15[%add3A_165, %add3A_516] : memref<128x128xf32, #tpu.memory_space<vmem>>[vector<16xi32>, vector<16xi32>], vector<16xf32>,
      %mul3A_518 = arith.mulf %gather3A_513, %gather3A_517 : vector<16xf32>
      %add3A_519 = arith.addf %add3A_509, %mul3A_518 : vector<16xf32>
      %add3A_520 = arith.constant 34 : i32
      %add3A_521 = vector.broadcast %add3A_520 : i32 to vector<16xi32>
      %add3A_522 = arith.addi %mul3A_171, %add3A_521 : vector<16xi32>
      %gather3A_523 = tpu.vector_load_idx %arg13[%add3A_165, %add3A_522] : memref<128x128xf32, #tpu.memory_space<vmem>>[vector<16xi32>, vector<16xi32>], vector<16xf32>,
      %add3A_524 = arith.constant 34 : i32
      %add3A_525 = vector.broadcast %add3A_524 : i32 to vector<16xi32>
      %add3A_526 = arith.addi %mul3A_179, %add3A_525 : vector<16xi32>
      %gather3A_527 = tpu.vector_load_idx %arg15[%add3A_165, %add3A_526] : memref<128x128xf32, #tpu.memory_space<vmem>>[vector<16xi32>, vector<16xi32>], vector<16xf32>,
      %mul3A_528 = arith.mulf %gather3A_523, %gather3A_527 : vector<16xf32>
      %add3A_529 = arith.addf %add3A_519, %mul3A_528 : vector<16xf32>
      %add3A_530 = arith.constant 35 : i32
      %add3A_531 = vector.broadcast %add3A_530 : i32 to vector<16xi32>
      %add3A_532 = arith.addi %mul3A_171, %add3A_531 : vector<16xi32>
      %gather3A_533 = tpu.vector_load_idx %arg13[%add3A_165, %add3A_532] : memref<128x128xf32, #tpu.memory_space<vmem>>[vector<16xi32>, vector<16xi32>], vector<16xf32>,
      %add3A_534 = arith.constant 35 : i32
      %add3A_535 = vector.broadcast %add3A_534 : i32 to vector<16xi32>
      %add3A_536 = arith.addi %mul3A_179, %add3A_535 : vector<16xi32>
      %gather3A_537 = tpu.vector_load_idx %arg15[%add3A_165, %add3A_536] : memref<128x128xf32, #tpu.memory_space<vmem>>[vector<16xi32>, vector<16xi32>], vector<16xf32>,
      %mul3A_538 = arith.mulf %gather3A_533, %gather3A_537 : vector<16xf32>
      %add3A_539 = arith.addf %add3A_529, %mul3A_538 : vector<16xf32>
      %add3A_540 = arith.constant 36 : i32
      %add3A_541 = vector.broadcast %add3A_540 : i32 to vector<16xi32>
      %add3A_542 = arith.addi %mul3A_171, %add3A_541 : vector<16xi32>
      %gather3A_543 = tpu.vector_load_idx %arg13[%add3A_165, %add3A_542] : memref<128x128xf32, #tpu.memory_space<vmem>>[vector<16xi32>, vector<16xi32>], vector<16xf32>,
      %add3A_544 = arith.constant 36 : i32
      %add3A_545 = vector.broadcast %add3A_544 : i32 to vector<16xi32>
      %add3A_546 = arith.addi %mul3A_179, %add3A_545 : vector<16xi32>
      %gather3A_547 = tpu.vector_load_idx %arg15[%add3A_165, %add3A_546] : memref<128x128xf32, #tpu.memory_space<vmem>>[vector<16xi32>, vector<16xi32>], vector<16xf32>,
      %mul3A_548 = arith.mulf %gather3A_543, %gather3A_547 : vector<16xf32>
      %add3A_549 = arith.addf %add3A_539, %mul3A_548 : vector<16xf32>
      %add3A_550 = arith.constant 37 : i32
      %add3A_551 = vector.broadcast %add3A_550 : i32 to vector<16xi32>
      %add3A_552 = arith.addi %mul3A_171, %add3A_551 : vector<16xi32>
      %gather3A_553 = tpu.vector_load_idx %arg13[%add3A_165, %add3A_552] : memref<128x128xf32, #tpu.memory_space<vmem>>[vector<16xi32>, vector<16xi32>], vector<16xf32>,
      %add3A_554 = arith.constant 37 : i32
      %add3A_555 = vector.broadcast %add3A_554 : i32 to vector<16xi32>
      %add3A_556 = arith.addi %mul3A_179, %add3A_555 : vector<16xi32>
      %gather3A_557 = tpu.vector_load_idx %arg15[%add3A_165, %add3A_556] : memref<128x128xf32, #tpu.memory_space<vmem>>[vector<16xi32>, vector<16xi32>], vector<16xf32>,
      %mul3A_558 = arith.mulf %gather3A_553, %gather3A_557 : vector<16xf32>
      %add3A_559 = arith.addf %add3A_549, %mul3A_558 : vector<16xf32>
      %add3A_560 = arith.constant 38 : i32
      %add3A_561 = vector.broadcast %add3A_560 : i32 to vector<16xi32>
      %add3A_562 = arith.addi %mul3A_171, %add3A_561 : vector<16xi32>
      %gather3A_563 = tpu.vector_load_idx %arg13[%add3A_165, %add3A_562] : memref<128x128xf32, #tpu.memory_space<vmem>>[vector<16xi32>, vector<16xi32>], vector<16xf32>,
      %add3A_564 = arith.constant 38 : i32
      %add3A_565 = vector.broadcast %add3A_564 : i32 to vector<16xi32>
      %add3A_566 = arith.addi %mul3A_179, %add3A_565 : vector<16xi32>
      %gather3A_567 = tpu.vector_load_idx %arg15[%add3A_165, %add3A_566] : memref<128x128xf32, #tpu.memory_space<vmem>>[vector<16xi32>, vector<16xi32>], vector<16xf32>,
      %mul3A_568 = arith.mulf %gather3A_563, %gather3A_567 : vector<16xf32>
      %add3A_569 = arith.addf %add3A_559, %mul3A_568 : vector<16xf32>
      %add3A_570 = arith.constant 39 : i32
      %add3A_571 = vector.broadcast %add3A_570 : i32 to vector<16xi32>
      %add3A_572 = arith.addi %mul3A_171, %add3A_571 : vector<16xi32>
      %gather3A_573 = tpu.vector_load_idx %arg13[%add3A_165, %add3A_572] : memref<128x128xf32, #tpu.memory_space<vmem>>[vector<16xi32>, vector<16xi32>], vector<16xf32>,
      %add3A_574 = arith.constant 39 : i32
      %add3A_575 = vector.broadcast %add3A_574 : i32 to vector<16xi32>
      %add3A_576 = arith.addi %mul3A_179, %add3A_575 : vector<16xi32>
      %gather3A_577 = tpu.vector_load_idx %arg15[%add3A_165, %add3A_576] : memref<128x128xf32, #tpu.memory_space<vmem>>[vector<16xi32>, vector<16xi32>], vector<16xf32>,
      %mul3A_578 = arith.mulf %gather3A_573, %gather3A_577 : vector<16xf32>
      %add3A_579 = arith.addf %add3A_569, %mul3A_578 : vector<16xf32>
      %add3A_580 = arith.constant 40 : i32
      %add3A_581 = vector.broadcast %add3A_580 : i32 to vector<16xi32>
      %add3A_582 = arith.addi %mul3A_171, %add3A_581 : vector<16xi32>
      %gather3A_583 = tpu.vector_load_idx %arg13[%add3A_165, %add3A_582] : memref<128x128xf32, #tpu.memory_space<vmem>>[vector<16xi32>, vector<16xi32>], vector<16xf32>,
      %add3A_584 = arith.constant 40 : i32
      %add3A_585 = vector.broadcast %add3A_584 : i32 to vector<16xi32>
      %add3A_586 = arith.addi %mul3A_179, %add3A_585 : vector<16xi32>
      %gather3A_587 = tpu.vector_load_idx %arg15[%add3A_165, %add3A_586] : memref<128x128xf32, #tpu.memory_space<vmem>>[vector<16xi32>, vector<16xi32>], vector<16xf32>,
      %mul3A_588 = arith.mulf %gather3A_583, %gather3A_587 : vector<16xf32>
      %add3A_589 = arith.addf %add3A_579, %mul3A_588 : vector<16xf32>
      %add3A_590 = arith.constant 41 : i32
      %add3A_591 = vector.broadcast %add3A_590 : i32 to vector<16xi32>
      %add3A_592 = arith.addi %mul3A_171, %add3A_591 : vector<16xi32>
      %gather3A_593 = tpu.vector_load_idx %arg13[%add3A_165, %add3A_592] : memref<128x128xf32, #tpu.memory_space<vmem>>[vector<16xi32>, vector<16xi32>], vector<16xf32>,
      %add3A_594 = arith.constant 41 : i32
      %add3A_595 = vector.broadcast %add3A_594 : i32 to vector<16xi32>
      %add3A_596 = arith.addi %mul3A_179, %add3A_595 : vector<16xi32>
      %gather3A_597 = tpu.vector_load_idx %arg15[%add3A_165, %add3A_596] : memref<128x128xf32, #tpu.memory_space<vmem>>[vector<16xi32>, vector<16xi32>], vector<16xf32>,
      %mul3A_598 = arith.mulf %gather3A_593, %gather3A_597 : vector<16xf32>
      %add3A_599 = arith.addf %add3A_589, %mul3A_598 : vector<16xf32>
      %add3A_600 = arith.constant 42 : i32
      %add3A_601 = vector.broadcast %add3A_600 : i32 to vector<16xi32>
      %add3A_602 = arith.addi %mul3A_171, %add3A_601 : vector<16xi32>
      %gather3A_603 = tpu.vector_load_idx %arg13[%add3A_165, %add3A_602] : memref<128x128xf32, #tpu.memory_space<vmem>>[vector<16xi32>, vector<16xi32>], vector<16xf32>,
      %add3A_604 = arith.constant 42 : i32
      %add3A_605 = vector.broadcast %add3A_604 : i32 to vector<16xi32>
      %add3A_606 = arith.addi %mul3A_179, %add3A_605 : vector<16xi32>
      %gather3A_607 = tpu.vector_load_idx %arg15[%add3A_165, %add3A_606] : memref<128x128xf32, #tpu.memory_space<vmem>>[vector<16xi32>, vector<16xi32>], vector<16xf32>,
      %mul3A_608 = arith.mulf %gather3A_603, %gather3A_607 : vector<16xf32>
      %add3A_609 = arith.addf %add3A_599, %mul3A_608 : vector<16xf32>
      %add3A_610 = arith.constant 43 : i32
      %add3A_611 = vector.broadcast %add3A_610 : i32 to vector<16xi32>
      %add3A_612 = arith.addi %mul3A_171, %add3A_611 : vector<16xi32>
      %gather3A_613 = tpu.vector_load_idx %arg13[%add3A_165, %add3A_612] : memref<128x128xf32, #tpu.memory_space<vmem>>[vector<16xi32>, vector<16xi32>], vector<16xf32>,
      %add3A_614 = arith.constant 43 : i32
      %add3A_615 = vector.broadcast %add3A_614 : i32 to vector<16xi32>
      %add3A_616 = arith.addi %mul3A_179, %add3A_615 : vector<16xi32>
      %gather3A_617 = tpu.vector_load_idx %arg15[%add3A_165, %add3A_616] : memref<128x128xf32, #tpu.memory_space<vmem>>[vector<16xi32>, vector<16xi32>], vector<16xf32>,
      %mul3A_618 = arith.mulf %gather3A_613, %gather3A_617 : vector<16xf32>
      %add3A_619 = arith.addf %add3A_609, %mul3A_618 : vector<16xf32>
      %add3A_620 = arith.constant 44 : i32
      %add3A_621 = vector.broadcast %add3A_620 : i32 to vector<16xi32>
      %add3A_622 = arith.addi %mul3A_171, %add3A_621 : vector<16xi32>
      %gather3A_623 = tpu.vector_load_idx %arg13[%add3A_165, %add3A_622] : memref<128x128xf32, #tpu.memory_space<vmem>>[vector<16xi32>, vector<16xi32>], vector<16xf32>,
      %add3A_624 = arith.constant 44 : i32
      %add3A_625 = vector.broadcast %add3A_624 : i32 to vector<16xi32>
      %add3A_626 = arith.addi %mul3A_179, %add3A_625 : vector<16xi32>
      %gather3A_627 = tpu.vector_load_idx %arg15[%add3A_165, %add3A_626] : memref<128x128xf32, #tpu.memory_space<vmem>>[vector<16xi32>, vector<16xi32>], vector<16xf32>,
      %mul3A_628 = arith.mulf %gather3A_623, %gather3A_627 : vector<16xf32>
      %add3A_629 = arith.addf %add3A_619, %mul3A_628 : vector<16xf32>
      %add3A_630 = arith.constant 45 : i32
      %add3A_631 = vector.broadcast %add3A_630 : i32 to vector<16xi32>
      %add3A_632 = arith.addi %mul3A_171, %add3A_631 : vector<16xi32>
      %gather3A_633 = tpu.vector_load_idx %arg13[%add3A_165, %add3A_632] : memref<128x128xf32, #tpu.memory_space<vmem>>[vector<16xi32>, vector<16xi32>], vector<16xf32>,
      %add3A_634 = arith.constant 45 : i32
      %add3A_635 = vector.broadcast %add3A_634 : i32 to vector<16xi32>
      %add3A_636 = arith.addi %mul3A_179, %add3A_635 : vector<16xi32>
      %gather3A_637 = tpu.vector_load_idx %arg15[%add3A_165, %add3A_636] : memref<128x128xf32, #tpu.memory_space<vmem>>[vector<16xi32>, vector<16xi32>], vector<16xf32>,
      %mul3A_638 = arith.mulf %gather3A_633, %gather3A_637 : vector<16xf32>
      %add3A_639 = arith.addf %add3A_629, %mul3A_638 : vector<16xf32>
      %add3A_640 = arith.constant 46 : i32
      %add3A_641 = vector.broadcast %add3A_640 : i32 to vector<16xi32>
      %add3A_642 = arith.addi %mul3A_171, %add3A_641 : vector<16xi32>
      %gather3A_643 = tpu.vector_load_idx %arg13[%add3A_165, %add3A_642] : memref<128x128xf32, #tpu.memory_space<vmem>>[vector<16xi32>, vector<16xi32>], vector<16xf32>,
      %add3A_644 = arith.constant 46 : i32
      %add3A_645 = vector.broadcast %add3A_644 : i32 to vector<16xi32>
      %add3A_646 = arith.addi %mul3A_179, %add3A_645 : vector<16xi32>
      %gather3A_647 = tpu.vector_load_idx %arg15[%add3A_165, %add3A_646] : memref<128x128xf32, #tpu.memory_space<vmem>>[vector<16xi32>, vector<16xi32>], vector<16xf32>,
      %mul3A_648 = arith.mulf %gather3A_643, %gather3A_647 : vector<16xf32>
      %add3A_649 = arith.addf %add3A_639, %mul3A_648 : vector<16xf32>
      %add3A_650 = arith.constant 47 : i32
      %add3A_651 = vector.broadcast %add3A_650 : i32 to vector<16xi32>
      %add3A_652 = arith.addi %mul3A_171, %add3A_651 : vector<16xi32>
      %gather3A_653 = tpu.vector_load_idx %arg13[%add3A_165, %add3A_652] : memref<128x128xf32, #tpu.memory_space<vmem>>[vector<16xi32>, vector<16xi32>], vector<16xf32>,
      %add3A_654 = arith.constant 47 : i32
      %add3A_655 = vector.broadcast %add3A_654 : i32 to vector<16xi32>
      %add3A_656 = arith.addi %mul3A_179, %add3A_655 : vector<16xi32>
      %gather3A_657 = tpu.vector_load_idx %arg15[%add3A_165, %add3A_656] : memref<128x128xf32, #tpu.memory_space<vmem>>[vector<16xi32>, vector<16xi32>], vector<16xf32>,
      %mul3A_658 = arith.mulf %gather3A_653, %gather3A_657 : vector<16xf32>
      %add3A_659 = arith.addf %add3A_649, %mul3A_658 : vector<16xf32>
      %add3A_660 = arith.constant 48 : i32
      %add3A_661 = vector.broadcast %add3A_660 : i32 to vector<16xi32>
      %add3A_662 = arith.addi %mul3A_171, %add3A_661 : vector<16xi32>
      %gather3A_663 = tpu.vector_load_idx %arg13[%add3A_165, %add3A_662] : memref<128x128xf32, #tpu.memory_space<vmem>>[vector<16xi32>, vector<16xi32>], vector<16xf32>,
      %add3A_664 = arith.constant 48 : i32
      %add3A_665 = vector.broadcast %add3A_664 : i32 to vector<16xi32>
      %add3A_666 = arith.addi %mul3A_179, %add3A_665 : vector<16xi32>
      %gather3A_667 = tpu.vector_load_idx %arg15[%add3A_165, %add3A_666] : memref<128x128xf32, #tpu.memory_space<vmem>>[vector<16xi32>, vector<16xi32>], vector<16xf32>,
      %mul3A_668 = arith.mulf %gather3A_663, %gather3A_667 : vector<16xf32>
      %add3A_669 = arith.addf %add3A_659, %mul3A_668 : vector<16xf32>
      %add3A_670 = arith.constant 49 : i32
      %add3A_671 = vector.broadcast %add3A_670 : i32 to vector<16xi32>
      %add3A_672 = arith.addi %mul3A_171, %add3A_671 : vector<16xi32>
      %gather3A_673 = tpu.vector_load_idx %arg13[%add3A_165, %add3A_672] : memref<128x128xf32, #tpu.memory_space<vmem>>[vector<16xi32>, vector<16xi32>], vector<16xf32>,
      %add3A_674 = arith.constant 49 : i32
      %add3A_675 = vector.broadcast %add3A_674 : i32 to vector<16xi32>
      %add3A_676 = arith.addi %mul3A_179, %add3A_675 : vector<16xi32>
      %gather3A_677 = tpu.vector_load_idx %arg15[%add3A_165, %add3A_676] : memref<128x128xf32, #tpu.memory_space<vmem>>[vector<16xi32>, vector<16xi32>], vector<16xf32>,
      %mul3A_678 = arith.mulf %gather3A_673, %gather3A_677 : vector<16xf32>
      %add3A_679 = arith.addf %add3A_669, %mul3A_678 : vector<16xf32>
      %add3A_680 = arith.constant 50 : i32
      %add3A_681 = vector.broadcast %add3A_680 : i32 to vector<16xi32>
      %add3A_682 = arith.addi %mul3A_171, %add3A_681 : vector<16xi32>
      %gather3A_683 = tpu.vector_load_idx %arg13[%add3A_165, %add3A_682] : memref<128x128xf32, #tpu.memory_space<vmem>>[vector<16xi32>, vector<16xi32>], vector<16xf32>,
      %add3A_684 = arith.constant 50 : i32
      %add3A_685 = vector.broadcast %add3A_684 : i32 to vector<16xi32>
      %add3A_686 = arith.addi %mul3A_179, %add3A_685 : vector<16xi32>
      %gather3A_687 = tpu.vector_load_idx %arg15[%add3A_165, %add3A_686] : memref<128x128xf32, #tpu.memory_space<vmem>>[vector<16xi32>, vector<16xi32>], vector<16xf32>,
      %mul3A_688 = arith.mulf %gather3A_683, %gather3A_687 : vector<16xf32>
      %add3A_689 = arith.addf %add3A_679, %mul3A_688 : vector<16xf32>
      %add3A_690 = arith.constant 51 : i32
      %add3A_691 = vector.broadcast %add3A_690 : i32 to vector<16xi32>
      %add3A_692 = arith.addi %mul3A_171, %add3A_691 : vector<16xi32>
      %gather3A_693 = tpu.vector_load_idx %arg13[%add3A_165, %add3A_692] : memref<128x128xf32, #tpu.memory_space<vmem>>[vector<16xi32>, vector<16xi32>], vector<16xf32>,
      %add3A_694 = arith.constant 51 : i32
      %add3A_695 = vector.broadcast %add3A_694 : i32 to vector<16xi32>
      %add3A_696 = arith.addi %mul3A_179, %add3A_695 : vector<16xi32>
      %gather3A_697 = tpu.vector_load_idx %arg15[%add3A_165, %add3A_696] : memref<128x128xf32, #tpu.memory_space<vmem>>[vector<16xi32>, vector<16xi32>], vector<16xf32>,
      %mul3A_698 = arith.mulf %gather3A_693, %gather3A_697 : vector<16xf32>
      %add3A_699 = arith.addf %add3A_689, %mul3A_698 : vector<16xf32>
      %add3A_700 = arith.constant 52 : i32
      %add3A_701 = vector.broadcast %add3A_700 : i32 to vector<16xi32>
      %add3A_702 = arith.addi %mul3A_171, %add3A_701 : vector<16xi32>
      %gather3A_703 = tpu.vector_load_idx %arg13[%add3A_165, %add3A_702] : memref<128x128xf32, #tpu.memory_space<vmem>>[vector<16xi32>, vector<16xi32>], vector<16xf32>,
      %add3A_704 = arith.constant 52 : i32
      %add3A_705 = vector.broadcast %add3A_704 : i32 to vector<16xi32>
      %add3A_706 = arith.addi %mul3A_179, %add3A_705 : vector<16xi32>
      %gather3A_707 = tpu.vector_load_idx %arg15[%add3A_165, %add3A_706] : memref<128x128xf32, #tpu.memory_space<vmem>>[vector<16xi32>, vector<16xi32>], vector<16xf32>,
      %mul3A_708 = arith.mulf %gather3A_703, %gather3A_707 : vector<16xf32>
      %add3A_709 = arith.addf %add3A_699, %mul3A_708 : vector<16xf32>
      %add3A_710 = arith.constant 53 : i32
      %add3A_711 = vector.broadcast %add3A_710 : i32 to vector<16xi32>
      %add3A_712 = arith.addi %mul3A_171, %add3A_711 : vector<16xi32>
      %gather3A_713 = tpu.vector_load_idx %arg13[%add3A_165, %add3A_712] : memref<128x128xf32, #tpu.memory_space<vmem>>[vector<16xi32>, vector<16xi32>], vector<16xf32>,
      %add3A_714 = arith.constant 53 : i32
      %add3A_715 = vector.broadcast %add3A_714 : i32 to vector<16xi32>
      %add3A_716 = arith.addi %mul3A_179, %add3A_715 : vector<16xi32>
      %gather3A_717 = tpu.vector_load_idx %arg15[%add3A_165, %add3A_716] : memref<128x128xf32, #tpu.memory_space<vmem>>[vector<16xi32>, vector<16xi32>], vector<16xf32>,
      %mul3A_718 = arith.mulf %gather3A_713, %gather3A_717 : vector<16xf32>
      %add3A_719 = arith.addf %add3A_709, %mul3A_718 : vector<16xf32>
      %add3A_720 = arith.constant 54 : i32
      %add3A_721 = vector.broadcast %add3A_720 : i32 to vector<16xi32>
      %add3A_722 = arith.addi %mul3A_171, %add3A_721 : vector<16xi32>
      %gather3A_723 = tpu.vector_load_idx %arg13[%add3A_165, %add3A_722] : memref<128x128xf32, #tpu.memory_space<vmem>>[vector<16xi32>, vector<16xi32>], vector<16xf32>,
      %add3A_724 = arith.constant 54 : i32
      %add3A_725 = vector.broadcast %add3A_724 : i32 to vector<16xi32>
      %add3A_726 = arith.addi %mul3A_179, %add3A_725 : vector<16xi32>
      %gather3A_727 = tpu.vector_load_idx %arg15[%add3A_165, %add3A_726] : memref<128x128xf32, #tpu.memory_space<vmem>>[vector<16xi32>, vector<16xi32>], vector<16xf32>,
      %mul3A_728 = arith.mulf %gather3A_723, %gather3A_727 : vector<16xf32>
      %add3A_729 = arith.addf %add3A_719, %mul3A_728 : vector<16xf32>
      %add3A_730 = arith.constant 55 : i32
      %add3A_731 = vector.broadcast %add3A_730 : i32 to vector<16xi32>
      %add3A_732 = arith.addi %mul3A_171, %add3A_731 : vector<16xi32>
      %gather3A_733 = tpu.vector_load_idx %arg13[%add3A_165, %add3A_732] : memref<128x128xf32, #tpu.memory_space<vmem>>[vector<16xi32>, vector<16xi32>], vector<16xf32>,
      %add3A_734 = arith.constant 55 : i32
      %add3A_735 = vector.broadcast %add3A_734 : i32 to vector<16xi32>
      %add3A_736 = arith.addi %mul3A_179, %add3A_735 : vector<16xi32>
      %gather3A_737 = tpu.vector_load_idx %arg15[%add3A_165, %add3A_736] : memref<128x128xf32, #tpu.memory_space<vmem>>[vector<16xi32>, vector<16xi32>], vector<16xf32>,
      %mul3A_738 = arith.mulf %gather3A_733, %gather3A_737 : vector<16xf32>
      %add3A_739 = arith.addf %add3A_729, %mul3A_738 : vector<16xf32>
      %add3A_740 = arith.constant 56 : i32
      %add3A_741 = vector.broadcast %add3A_740 : i32 to vector<16xi32>
      %add3A_742 = arith.addi %mul3A_171, %add3A_741 : vector<16xi32>
      %gather3A_743 = tpu.vector_load_idx %arg13[%add3A_165, %add3A_742] : memref<128x128xf32, #tpu.memory_space<vmem>>[vector<16xi32>, vector<16xi32>], vector<16xf32>,
      %add3A_744 = arith.constant 56 : i32
      %add3A_745 = vector.broadcast %add3A_744 : i32 to vector<16xi32>
      %add3A_746 = arith.addi %mul3A_179, %add3A_745 : vector<16xi32>
      %gather3A_747 = tpu.vector_load_idx %arg15[%add3A_165, %add3A_746] : memref<128x128xf32, #tpu.memory_space<vmem>>[vector<16xi32>, vector<16xi32>], vector<16xf32>,
      %mul3A_748 = arith.mulf %gather3A_743, %gather3A_747 : vector<16xf32>
      %add3A_749 = arith.addf %add3A_739, %mul3A_748 : vector<16xf32>
      %add3A_750 = arith.constant 57 : i32
      %add3A_751 = vector.broadcast %add3A_750 : i32 to vector<16xi32>
      %add3A_752 = arith.addi %mul3A_171, %add3A_751 : vector<16xi32>
      %gather3A_753 = tpu.vector_load_idx %arg13[%add3A_165, %add3A_752] : memref<128x128xf32, #tpu.memory_space<vmem>>[vector<16xi32>, vector<16xi32>], vector<16xf32>,
      %add3A_754 = arith.constant 57 : i32
      %add3A_755 = vector.broadcast %add3A_754 : i32 to vector<16xi32>
      %add3A_756 = arith.addi %mul3A_179, %add3A_755 : vector<16xi32>
      %gather3A_757 = tpu.vector_load_idx %arg15[%add3A_165, %add3A_756] : memref<128x128xf32, #tpu.memory_space<vmem>>[vector<16xi32>, vector<16xi32>], vector<16xf32>,
      %mul3A_758 = arith.mulf %gather3A_753, %gather3A_757 : vector<16xf32>
      %add3A_759 = arith.addf %add3A_749, %mul3A_758 : vector<16xf32>
      %add3A_760 = arith.constant 58 : i32
      %add3A_761 = vector.broadcast %add3A_760 : i32 to vector<16xi32>
      %add3A_762 = arith.addi %mul3A_171, %add3A_761 : vector<16xi32>
      %gather3A_763 = tpu.vector_load_idx %arg13[%add3A_165, %add3A_762] : memref<128x128xf32, #tpu.memory_space<vmem>>[vector<16xi32>, vector<16xi32>], vector<16xf32>,
      %add3A_764 = arith.constant 58 : i32
      %add3A_765 = vector.broadcast %add3A_764 : i32 to vector<16xi32>
      %add3A_766 = arith.addi %mul3A_179, %add3A_765 : vector<16xi32>
      %gather3A_767 = tpu.vector_load_idx %arg15[%add3A_165, %add3A_766] : memref<128x128xf32, #tpu.memory_space<vmem>>[vector<16xi32>, vector<16xi32>], vector<16xf32>,
      %mul3A_768 = arith.mulf %gather3A_763, %gather3A_767 : vector<16xf32>
      %add3A_769 = arith.addf %add3A_759, %mul3A_768 : vector<16xf32>
      %add3A_770 = arith.constant 59 : i32
      %add3A_771 = vector.broadcast %add3A_770 : i32 to vector<16xi32>
      %add3A_772 = arith.addi %mul3A_171, %add3A_771 : vector<16xi32>
      %gather3A_773 = tpu.vector_load_idx %arg13[%add3A_165, %add3A_772] : memref<128x128xf32, #tpu.memory_space<vmem>>[vector<16xi32>, vector<16xi32>], vector<16xf32>,
      %add3A_774 = arith.constant 59 : i32
      %add3A_775 = vector.broadcast %add3A_774 : i32 to vector<16xi32>
      %add3A_776 = arith.addi %mul3A_179, %add3A_775 : vector<16xi32>
      %gather3A_777 = tpu.vector_load_idx %arg15[%add3A_165, %add3A_776] : memref<128x128xf32, #tpu.memory_space<vmem>>[vector<16xi32>, vector<16xi32>], vector<16xf32>,
      %mul3A_778 = arith.mulf %gather3A_773, %gather3A_777 : vector<16xf32>
      %add3A_779 = arith.addf %add3A_769, %mul3A_778 : vector<16xf32>
      %add3A_780 = arith.constant 60 : i32
      %add3A_781 = vector.broadcast %add3A_780 : i32 to vector<16xi32>
      %add3A_782 = arith.addi %mul3A_171, %add3A_781 : vector<16xi32>
      %gather3A_783 = tpu.vector_load_idx %arg13[%add3A_165, %add3A_782] : memref<128x128xf32, #tpu.memory_space<vmem>>[vector<16xi32>, vector<16xi32>], vector<16xf32>,
      %add3A_784 = arith.constant 60 : i32
      %add3A_785 = vector.broadcast %add3A_784 : i32 to vector<16xi32>
      %add3A_786 = arith.addi %mul3A_179, %add3A_785 : vector<16xi32>
      %gather3A_787 = tpu.vector_load_idx %arg15[%add3A_165, %add3A_786] : memref<128x128xf32, #tpu.memory_space<vmem>>[vector<16xi32>, vector<16xi32>], vector<16xf32>,
      %mul3A_788 = arith.mulf %gather3A_783, %gather3A_787 : vector<16xf32>
      %add3A_789 = arith.addf %add3A_779, %mul3A_788 : vector<16xf32>
      %add3A_790 = arith.constant 61 : i32
      %add3A_791 = vector.broadcast %add3A_790 : i32 to vector<16xi32>
      %add3A_792 = arith.addi %mul3A_171, %add3A_791 : vector<16xi32>
      %gather3A_793 = tpu.vector_load_idx %arg13[%add3A_165, %add3A_792] : memref<128x128xf32, #tpu.memory_space<vmem>>[vector<16xi32>, vector<16xi32>], vector<16xf32>,
      %add3A_794 = arith.constant 61 : i32
      %add3A_795 = vector.broadcast %add3A_794 : i32 to vector<16xi32>
      %add3A_796 = arith.addi %mul3A_179, %add3A_795 : vector<16xi32>
      %gather3A_797 = tpu.vector_load_idx %arg15[%add3A_165, %add3A_796] : memref<128x128xf32, #tpu.memory_space<vmem>>[vector<16xi32>, vector<16xi32>], vector<16xf32>,
      %mul3A_798 = arith.mulf %gather3A_793, %gather3A_797 : vector<16xf32>
      %add3A_799 = arith.addf %add3A_789, %mul3A_798 : vector<16xf32>
      %add3A_800 = arith.constant 62 : i32
      %add3A_801 = vector.broadcast %add3A_800 : i32 to vector<16xi32>
      %add3A_802 = arith.addi %mul3A_171, %add3A_801 : vector<16xi32>
      %gather3A_803 = tpu.vector_load_idx %arg13[%add3A_165, %add3A_802] : memref<128x128xf32, #tpu.memory_space<vmem>>[vector<16xi32>, vector<16xi32>], vector<16xf32>,
      %add3A_804 = arith.constant 62 : i32
      %add3A_805 = vector.broadcast %add3A_804 : i32 to vector<16xi32>
      %add3A_806 = arith.addi %mul3A_179, %add3A_805 : vector<16xi32>
      %gather3A_807 = tpu.vector_load_idx %arg15[%add3A_165, %add3A_806] : memref<128x128xf32, #tpu.memory_space<vmem>>[vector<16xi32>, vector<16xi32>], vector<16xf32>,
      %mul3A_808 = arith.mulf %gather3A_803, %gather3A_807 : vector<16xf32>
      %add3A_809 = arith.addf %add3A_799, %mul3A_808 : vector<16xf32>
      %add3A_810 = arith.constant 63 : i32
      %add3A_811 = vector.broadcast %add3A_810 : i32 to vector<16xi32>
      %add3A_812 = arith.addi %mul3A_171, %add3A_811 : vector<16xi32>
      %gather3A_813 = tpu.vector_load_idx %arg13[%add3A_165, %add3A_812] : memref<128x128xf32, #tpu.memory_space<vmem>>[vector<16xi32>, vector<16xi32>], vector<16xf32>,
      %add3A_814 = arith.constant 63 : i32
      %add3A_815 = vector.broadcast %add3A_814 : i32 to vector<16xi32>
      %add3A_816 = arith.addi %mul3A_179, %add3A_815 : vector<16xi32>
      %gather3A_817 = tpu.vector_load_idx %arg15[%add3A_165, %add3A_816] : memref<128x128xf32, #tpu.memory_space<vmem>>[vector<16xi32>, vector<16xi32>], vector<16xf32>,
      %mul3A_818 = arith.mulf %gather3A_813, %gather3A_817 : vector<16xf32>
      %add3A_819 = arith.addf %add3A_809, %mul3A_818 : vector<16xf32>
      %neg3A = arith.constant 0.000000e+00 : f32
      %neg3A_820 = vector.broadcast %neg3A : f32 to vector<16xf32>
      %neg3A_821 = arith.subf %neg3A_820, %add3A_819 : vector<16xf32>
      %exp3A = math.exp %neg3A_821 : vector<16xf32>
      %add3A_822 = arith.constant 1.000000e+00 : f32
      %add3A_823 = vector.broadcast %add3A_822 : f32 to vector<16xf32>
      %add3A_824 = arith.addf %add3A_823, %exp3A : vector<16xf32>
      %div3A = arith.constant 1.000000e+00 : f32
      %div3A_825 = vector.broadcast %div3A : f32 to vector<16xf32>
      %div3A_826 = arith.divf %div3A_825, %add3A_824 : vector<16xf32>
      %swap3A = arith.index_cast %add3A_161 : i32 to index
      %swap3A_827 = tpu.vector_load %arg17[%swap3A] {strides = array<i32>} : memref<512xf32, #tpu.memory_space<vmem>>, vector<16xf32>,
      tpu.vector_store %arg17[%swap3A], %div3A_826 {strides = array<i32>} : memref<512xf32, #tpu.memory_space<vmem>>, vector<16xf32>,
      %scan3A_828 = arith.constant 0 : i32
      scf.yield %scan3A_828 : i32
    }
    %scan3A_54 = arith.constant 8 : i32
    %dma_start3A_55 = arith.constant 0 : i32
    %dma_start3A_56 = arith.constant 256 : i32
    %dma_start3A_57 = tpu.memref_slice %arg11[%dma_start3A_56] : memref<512xi32, #tpu.memory_space<vmem>> -> memref<128xi32, #tpu.memory_space<vmem>>
    %dma_start3A_58 = arith.constant 0 : i32
    %dma_start3A_59 = arith.constant 0 : i32
    %dma_start3A_60 = tpu.memref_slice %arg6[%dma_start3A_58, %dma_start3A_59] : memref<500000x128xf32, #tpu.memory_space<hbm>> -> memref<500000x128xf32, #tpu.memory_space<hbm>>
    %dma_start3A_61 = tpu.memref_slice %arg18[%dma_start3A_55] : memref<4x!tpu.dma_semaphore, #tpu.memory_space<semaphore_mem>> -> memref<1x!tpu.dma_semaphore, #tpu.memory_space<semaphore_mem>>
    %dma_start3A_62 = tpu.memref_squeeze %dma_start3A_61 : memref<1x!tpu.dma_semaphore, #tpu.memory_space<semaphore_mem>> -> memref<!tpu.dma_semaphore, #tpu.memory_space<semaphore_mem>>
    tpu.enqueue_indirect_dma source(%dma_start3A_60 : memref<500000x128xf32, #tpu.memory_space<hbm>>) target(%arg13 : memref<128x128xf32, #tpu.memory_space<vmem>>) offsets(%dma_start3A_57 : memref<128xi32, #tpu.memory_space<vmem>>) semaphore(%dma_start3A_62 : memref<!tpu.dma_semaphore, #tpu.memory_space<semaphore_mem>>)
    %dma_start3A_63 = arith.constant 1 : i32
    %dma_start3A_64 = arith.constant 256 : i32
    %dma_start3A_65 = tpu.memref_slice %arg12[%dma_start3A_64] : memref<512xi32, #tpu.memory_space<vmem>> -> memref<128xi32, #tpu.memory_space<vmem>>
    %dma_start3A_66 = arith.constant 0 : i32
    %dma_start3A_67 = arith.constant 0 : i32
    %dma_start3A_68 = tpu.memref_slice %arg7[%dma_start3A_66, %dma_start3A_67] : memref<500000x128xf32, #tpu.memory_space<hbm>> -> memref<500000x128xf32, #tpu.memory_space<hbm>>
    %dma_start3A_69 = tpu.memref_slice %arg18[%dma_start3A_63] : memref<4x!tpu.dma_semaphore, #tpu.memory_space<semaphore_mem>> -> memref<1x!tpu.dma_semaphore, #tpu.memory_space<semaphore_mem>>
    %dma_start3A_70 = tpu.memref_squeeze %dma_start3A_69 : memref<1x!tpu.dma_semaphore, #tpu.memory_space<semaphore_mem>> -> memref<!tpu.dma_semaphore, #tpu.memory_space<semaphore_mem>>
    tpu.enqueue_indirect_dma source(%dma_start3A_68 : memref<500000x128xf32, #tpu.memory_space<hbm>>) target(%arg15 : memref<128x128xf32, #tpu.memory_space<vmem>>) offsets(%dma_start3A_65 : memref<128xi32, #tpu.memory_space<vmem>>) semaphore(%dma_start3A_70 : memref<!tpu.dma_semaphore, #tpu.memory_space<semaphore_mem>>)
    %dma_wait3A_71 = arith.constant 2 : i32
    %dma_wait3A_72 = arith.constant 128 : i32
    %dma_wait3A_73 = tpu.memref_slice %arg11[%dma_wait3A_72] : memref<512xi32, #tpu.memory_space<vmem>> -> memref<128xi32, #tpu.memory_space<vmem>>
    %dma_wait3A_74 = arith.constant 0 : i32
    %dma_wait3A_75 = arith.constant 0 : i32
    %dma_wait3A_76 = tpu.memref_slice %arg6[%dma_wait3A_74, %dma_wait3A_75] : memref<500000x128xf32, #tpu.memory_space<hbm>> -> memref<500000x128xf32, #tpu.memory_space<hbm>>
    %dma_wait3A_77 = tpu.memref_slice %arg18[%dma_wait3A_71] : memref<4x!tpu.dma_semaphore, #tpu.memory_space<semaphore_mem>> -> memref<1x!tpu.dma_semaphore, #tpu.memory_space<semaphore_mem>>
    %dma_wait3A_78 = tpu.memref_squeeze %dma_wait3A_77 : memref<1x!tpu.dma_semaphore, #tpu.memory_space<semaphore_mem>> -> memref<!tpu.dma_semaphore, #tpu.memory_space<semaphore_mem>>
    tpu.wait_indirect_dma semaphore(%dma_wait3A_78 : memref<!tpu.dma_semaphore, #tpu.memory_space<semaphore_mem>>) src(%dma_wait3A_76 : memref<500000x128xf32, #tpu.memory_space<hbm>>) dst(%arg14 : memref<128x128xf32, #tpu.memory_space<vmem>>)
    %dma_wait3A_79 = arith.constant 3 : i32
    %dma_wait3A_80 = arith.constant 128 : i32
    %dma_wait3A_81 = tpu.memref_slice %arg12[%dma_wait3A_80] : memref<512xi32, #tpu.memory_space<vmem>> -> memref<128xi32, #tpu.memory_space<vmem>>
    %dma_wait3A_82 = arith.constant 0 : i32
    %dma_wait3A_83 = arith.constant 0 : i32
    %dma_wait3A_84 = tpu.memref_slice %arg7[%dma_wait3A_82, %dma_wait3A_83] : memref<500000x128xf32, #tpu.memory_space<hbm>> -> memref<500000x128xf32, #tpu.memory_space<hbm>>
    %dma_wait3A_85 = tpu.memref_slice %arg18[%dma_wait3A_79] : memref<4x!tpu.dma_semaphore, #tpu.memory_space<semaphore_mem>> -> memref<1x!tpu.dma_semaphore, #tpu.memory_space<semaphore_mem>>
    %dma_wait3A_86 = tpu.memref_squeeze %dma_wait3A_85 : memref<1x!tpu.dma_semaphore, #tpu.memory_space<semaphore_mem>> -> memref<!tpu.dma_semaphore, #tpu.memory_space<semaphore_mem>>
    tpu.wait_indirect_dma semaphore(%dma_wait3A_86 : memref<!tpu.dma_semaphore, #tpu.memory_space<semaphore_mem>>) src(%dma_wait3A_84 : memref<500000x128xf32, #tpu.memory_space<hbm>>) dst(%arg16 : memref<128x128xf32, #tpu.memory_space<vmem>>)
    %scan3A_87 = arith.constant 0 : i32
    %scan3A_88 = arith.constant 0 : i32
    %scan3A_89 = arith.constant 8 : i32
    %scan3A_90 = arith.addi %scan3A_88, %scan3A_89 : i32
    %scan3A_91 = arith.constant 1 : i32
    %scan3A_92 = scf.for %scan3A_156 = %scan3A_88 to %scan3A_90 step %scan3A_91 iter_args(%scan3A_157 = %scan3A_87) -> (i32)  : i32 {
      %mul3A_158 = arith.constant 16 : i32
      %mul3A_159 = arith.muli %scan3A_156, %mul3A_158 : i32
      %add3A_160 = arith.constant 128 : i32
      %add3A_161 = arith.addi %add3A_160, %mul3A_159 : i32
      %iota3A = tpu.iota {dimensions = array<i32: 0>} : vector<16xi32>
      %mul3A_162 = arith.constant 16 : i32
      %mul3A_163 = arith.muli %scan3A_156, %mul3A_162 : i32
      %add3A_164 = vector.broadcast %mul3A_163 : i32 to vector<16xi32>
      %add3A_165 = arith.addi %iota3A, %add3A_164 : vector<16xi32>
      %get3A = arith.index_cast %add3A_161 : i32 to index
      %get3A_166 = tpu.vector_load %arg9[%get3A] {strides = array<i32>} : memref<512xi32, #tpu.memory_space<vmem>>, vector<16xi32>,
      %and3A = arith.constant 1 : i32
      %and3A_167 = vector.broadcast %and3A : i32 to vector<16xi32>
      %and3A_168 = arith.andi %get3A_166, %and3A_167 : vector<16xi32>
      %mul3A_169 = arith.constant 64 : i32
      %mul3A_170 = vector.broadcast %mul3A_169 : i32 to vector<16xi32>
      %mul3A_171 = arith.muli %and3A_168, %mul3A_170 : vector<16xi32>
      %get3A_172 = arith.index_cast %add3A_161 : i32 to index
      %get3A_173 = tpu.vector_load %arg10[%get3A_172] {strides = array<i32>} : memref<512xi32, #tpu.memory_space<vmem>>, vector<16xi32>,
      %and3A_174 = arith.constant 1 : i32
      %and3A_175 = vector.broadcast %and3A_174 : i32 to vector<16xi32>
      %and3A_176 = arith.andi %get3A_173, %and3A_175 : vector<16xi32>
      %mul3A_177 = arith.constant 64 : i32
      %mul3A_178 = vector.broadcast %mul3A_177 : i32 to vector<16xi32>
      %mul3A_179 = arith.muli %and3A_176, %mul3A_178 : vector<16xi32>
      %broadcast_in_dim3A = arith.constant 0.000000e+00 : f32
      %broadcast_in_dim3A_180 = vector.broadcast %broadcast_in_dim3A : f32 to vector<16xf32>
      %add3A_181 = arith.constant 0 : i32
      %add3A_182 = vector.broadcast %add3A_181 : i32 to vector<16xi32>
      %add3A_183 = arith.addi %mul3A_171, %add3A_182 : vector<16xi32>
      %gather3A = tpu.vector_load_idx %arg14[%add3A_165, %add3A_183] : memref<128x128xf32, #tpu.memory_space<vmem>>[vector<16xi32>, vector<16xi32>], vector<16xf32>,
      %add3A_184 = arith.constant 0 : i32
      %add3A_185 = vector.broadcast %add3A_184 : i32 to vector<16xi32>
      %add3A_186 = arith.addi %mul3A_179, %add3A_185 : vector<16xi32>
      %gather3A_187 = tpu.vector_load_idx %arg16[%add3A_165, %add3A_186] : memref<128x128xf32, #tpu.memory_space<vmem>>[vector<16xi32>, vector<16xi32>], vector<16xf32>,
      %mul3A_188 = arith.mulf %gather3A, %gather3A_187 : vector<16xf32>
      %add3A_189 = arith.addf %broadcast_in_dim3A_180, %mul3A_188 : vector<16xf32>
      %add3A_190 = arith.constant 1 : i32
      %add3A_191 = vector.broadcast %add3A_190 : i32 to vector<16xi32>
      %add3A_192 = arith.addi %mul3A_171, %add3A_191 : vector<16xi32>
      %gather3A_193 = tpu.vector_load_idx %arg14[%add3A_165, %add3A_192] : memref<128x128xf32, #tpu.memory_space<vmem>>[vector<16xi32>, vector<16xi32>], vector<16xf32>,
      %add3A_194 = arith.constant 1 : i32
      %add3A_195 = vector.broadcast %add3A_194 : i32 to vector<16xi32>
      %add3A_196 = arith.addi %mul3A_179, %add3A_195 : vector<16xi32>
      %gather3A_197 = tpu.vector_load_idx %arg16[%add3A_165, %add3A_196] : memref<128x128xf32, #tpu.memory_space<vmem>>[vector<16xi32>, vector<16xi32>], vector<16xf32>,
      %mul3A_198 = arith.mulf %gather3A_193, %gather3A_197 : vector<16xf32>
      %add3A_199 = arith.addf %add3A_189, %mul3A_198 : vector<16xf32>
      %add3A_200 = arith.constant 2 : i32
      %add3A_201 = vector.broadcast %add3A_200 : i32 to vector<16xi32>
      %add3A_202 = arith.addi %mul3A_171, %add3A_201 : vector<16xi32>
      %gather3A_203 = tpu.vector_load_idx %arg14[%add3A_165, %add3A_202] : memref<128x128xf32, #tpu.memory_space<vmem>>[vector<16xi32>, vector<16xi32>], vector<16xf32>,
      %add3A_204 = arith.constant 2 : i32
      %add3A_205 = vector.broadcast %add3A_204 : i32 to vector<16xi32>
      %add3A_206 = arith.addi %mul3A_179, %add3A_205 : vector<16xi32>
      %gather3A_207 = tpu.vector_load_idx %arg16[%add3A_165, %add3A_206] : memref<128x128xf32, #tpu.memory_space<vmem>>[vector<16xi32>, vector<16xi32>], vector<16xf32>,
      %mul3A_208 = arith.mulf %gather3A_203, %gather3A_207 : vector<16xf32>
      %add3A_209 = arith.addf %add3A_199, %mul3A_208 : vector<16xf32>
      %add3A_210 = arith.constant 3 : i32
      %add3A_211 = vector.broadcast %add3A_210 : i32 to vector<16xi32>
      %add3A_212 = arith.addi %mul3A_171, %add3A_211 : vector<16xi32>
      %gather3A_213 = tpu.vector_load_idx %arg14[%add3A_165, %add3A_212] : memref<128x128xf32, #tpu.memory_space<vmem>>[vector<16xi32>, vector<16xi32>], vector<16xf32>,
      %add3A_214 = arith.constant 3 : i32
      %add3A_215 = vector.broadcast %add3A_214 : i32 to vector<16xi32>
      %add3A_216 = arith.addi %mul3A_179, %add3A_215 : vector<16xi32>
      %gather3A_217 = tpu.vector_load_idx %arg16[%add3A_165, %add3A_216] : memref<128x128xf32, #tpu.memory_space<vmem>>[vector<16xi32>, vector<16xi32>], vector<16xf32>,
      %mul3A_218 = arith.mulf %gather3A_213, %gather3A_217 : vector<16xf32>
      %add3A_219 = arith.addf %add3A_209, %mul3A_218 : vector<16xf32>
      %add3A_220 = arith.constant 4 : i32
      %add3A_221 = vector.broadcast %add3A_220 : i32 to vector<16xi32>
      %add3A_222 = arith.addi %mul3A_171, %add3A_221 : vector<16xi32>
      %gather3A_223 = tpu.vector_load_idx %arg14[%add3A_165, %add3A_222] : memref<128x128xf32, #tpu.memory_space<vmem>>[vector<16xi32>, vector<16xi32>], vector<16xf32>,
      %add3A_224 = arith.constant 4 : i32
      %add3A_225 = vector.broadcast %add3A_224 : i32 to vector<16xi32>
      %add3A_226 = arith.addi %mul3A_179, %add3A_225 : vector<16xi32>
      %gather3A_227 = tpu.vector_load_idx %arg16[%add3A_165, %add3A_226] : memref<128x128xf32, #tpu.memory_space<vmem>>[vector<16xi32>, vector<16xi32>], vector<16xf32>,
      %mul3A_228 = arith.mulf %gather3A_223, %gather3A_227 : vector<16xf32>
      %add3A_229 = arith.addf %add3A_219, %mul3A_228 : vector<16xf32>
      %add3A_230 = arith.constant 5 : i32
      %add3A_231 = vector.broadcast %add3A_230 : i32 to vector<16xi32>
      %add3A_232 = arith.addi %mul3A_171, %add3A_231 : vector<16xi32>
      %gather3A_233 = tpu.vector_load_idx %arg14[%add3A_165, %add3A_232] : memref<128x128xf32, #tpu.memory_space<vmem>>[vector<16xi32>, vector<16xi32>], vector<16xf32>,
      %add3A_234 = arith.constant 5 : i32
      %add3A_235 = vector.broadcast %add3A_234 : i32 to vector<16xi32>
      %add3A_236 = arith.addi %mul3A_179, %add3A_235 : vector<16xi32>
      %gather3A_237 = tpu.vector_load_idx %arg16[%add3A_165, %add3A_236] : memref<128x128xf32, #tpu.memory_space<vmem>>[vector<16xi32>, vector<16xi32>], vector<16xf32>,
      %mul3A_238 = arith.mulf %gather3A_233, %gather3A_237 : vector<16xf32>
      %add3A_239 = arith.addf %add3A_229, %mul3A_238 : vector<16xf32>
      %add3A_240 = arith.constant 6 : i32
      %add3A_241 = vector.broadcast %add3A_240 : i32 to vector<16xi32>
      %add3A_242 = arith.addi %mul3A_171, %add3A_241 : vector<16xi32>
      %gather3A_243 = tpu.vector_load_idx %arg14[%add3A_165, %add3A_242] : memref<128x128xf32, #tpu.memory_space<vmem>>[vector<16xi32>, vector<16xi32>], vector<16xf32>,
      %add3A_244 = arith.constant 6 : i32
      %add3A_245 = vector.broadcast %add3A_244 : i32 to vector<16xi32>
      %add3A_246 = arith.addi %mul3A_179, %add3A_245 : vector<16xi32>
      %gather3A_247 = tpu.vector_load_idx %arg16[%add3A_165, %add3A_246] : memref<128x128xf32, #tpu.memory_space<vmem>>[vector<16xi32>, vector<16xi32>], vector<16xf32>,
      %mul3A_248 = arith.mulf %gather3A_243, %gather3A_247 : vector<16xf32>
      %add3A_249 = arith.addf %add3A_239, %mul3A_248 : vector<16xf32>
      %add3A_250 = arith.constant 7 : i32
      %add3A_251 = vector.broadcast %add3A_250 : i32 to vector<16xi32>
      %add3A_252 = arith.addi %mul3A_171, %add3A_251 : vector<16xi32>
      %gather3A_253 = tpu.vector_load_idx %arg14[%add3A_165, %add3A_252] : memref<128x128xf32, #tpu.memory_space<vmem>>[vector<16xi32>, vector<16xi32>], vector<16xf32>,
      %add3A_254 = arith.constant 7 : i32
      %add3A_255 = vector.broadcast %add3A_254 : i32 to vector<16xi32>
      %add3A_256 = arith.addi %mul3A_179, %add3A_255 : vector<16xi32>
      %gather3A_257 = tpu.vector_load_idx %arg16[%add3A_165, %add3A_256] : memref<128x128xf32, #tpu.memory_space<vmem>>[vector<16xi32>, vector<16xi32>], vector<16xf32>,
      %mul3A_258 = arith.mulf %gather3A_253, %gather3A_257 : vector<16xf32>
      %add3A_259 = arith.addf %add3A_249, %mul3A_258 : vector<16xf32>
      %add3A_260 = arith.constant 8 : i32
      %add3A_261 = vector.broadcast %add3A_260 : i32 to vector<16xi32>
      %add3A_262 = arith.addi %mul3A_171, %add3A_261 : vector<16xi32>
      %gather3A_263 = tpu.vector_load_idx %arg14[%add3A_165, %add3A_262] : memref<128x128xf32, #tpu.memory_space<vmem>>[vector<16xi32>, vector<16xi32>], vector<16xf32>,
      %add3A_264 = arith.constant 8 : i32
      %add3A_265 = vector.broadcast %add3A_264 : i32 to vector<16xi32>
      %add3A_266 = arith.addi %mul3A_179, %add3A_265 : vector<16xi32>
      %gather3A_267 = tpu.vector_load_idx %arg16[%add3A_165, %add3A_266] : memref<128x128xf32, #tpu.memory_space<vmem>>[vector<16xi32>, vector<16xi32>], vector<16xf32>,
      %mul3A_268 = arith.mulf %gather3A_263, %gather3A_267 : vector<16xf32>
      %add3A_269 = arith.addf %add3A_259, %mul3A_268 : vector<16xf32>
      %add3A_270 = arith.constant 9 : i32
      %add3A_271 = vector.broadcast %add3A_270 : i32 to vector<16xi32>
      %add3A_272 = arith.addi %mul3A_171, %add3A_271 : vector<16xi32>
      %gather3A_273 = tpu.vector_load_idx %arg14[%add3A_165, %add3A_272] : memref<128x128xf32, #tpu.memory_space<vmem>>[vector<16xi32>, vector<16xi32>], vector<16xf32>,
      %add3A_274 = arith.constant 9 : i32
      %add3A_275 = vector.broadcast %add3A_274 : i32 to vector<16xi32>
      %add3A_276 = arith.addi %mul3A_179, %add3A_275 : vector<16xi32>
      %gather3A_277 = tpu.vector_load_idx %arg16[%add3A_165, %add3A_276] : memref<128x128xf32, #tpu.memory_space<vmem>>[vector<16xi32>, vector<16xi32>], vector<16xf32>,
      %mul3A_278 = arith.mulf %gather3A_273, %gather3A_277 : vector<16xf32>
      %add3A_279 = arith.addf %add3A_269, %mul3A_278 : vector<16xf32>
      %add3A_280 = arith.constant 10 : i32
      %add3A_281 = vector.broadcast %add3A_280 : i32 to vector<16xi32>
      %add3A_282 = arith.addi %mul3A_171, %add3A_281 : vector<16xi32>
      %gather3A_283 = tpu.vector_load_idx %arg14[%add3A_165, %add3A_282] : memref<128x128xf32, #tpu.memory_space<vmem>>[vector<16xi32>, vector<16xi32>], vector<16xf32>,
      %add3A_284 = arith.constant 10 : i32
      %add3A_285 = vector.broadcast %add3A_284 : i32 to vector<16xi32>
      %add3A_286 = arith.addi %mul3A_179, %add3A_285 : vector<16xi32>
      %gather3A_287 = tpu.vector_load_idx %arg16[%add3A_165, %add3A_286] : memref<128x128xf32, #tpu.memory_space<vmem>>[vector<16xi32>, vector<16xi32>], vector<16xf32>,
      %mul3A_288 = arith.mulf %gather3A_283, %gather3A_287 : vector<16xf32>
      %add3A_289 = arith.addf %add3A_279, %mul3A_288 : vector<16xf32>
      %add3A_290 = arith.constant 11 : i32
      %add3A_291 = vector.broadcast %add3A_290 : i32 to vector<16xi32>
      %add3A_292 = arith.addi %mul3A_171, %add3A_291 : vector<16xi32>
      %gather3A_293 = tpu.vector_load_idx %arg14[%add3A_165, %add3A_292] : memref<128x128xf32, #tpu.memory_space<vmem>>[vector<16xi32>, vector<16xi32>], vector<16xf32>,
      %add3A_294 = arith.constant 11 : i32
      %add3A_295 = vector.broadcast %add3A_294 : i32 to vector<16xi32>
      %add3A_296 = arith.addi %mul3A_179, %add3A_295 : vector<16xi32>
      %gather3A_297 = tpu.vector_load_idx %arg16[%add3A_165, %add3A_296] : memref<128x128xf32, #tpu.memory_space<vmem>>[vector<16xi32>, vector<16xi32>], vector<16xf32>,
      %mul3A_298 = arith.mulf %gather3A_293, %gather3A_297 : vector<16xf32>
      %add3A_299 = arith.addf %add3A_289, %mul3A_298 : vector<16xf32>
      %add3A_300 = arith.constant 12 : i32
      %add3A_301 = vector.broadcast %add3A_300 : i32 to vector<16xi32>
      %add3A_302 = arith.addi %mul3A_171, %add3A_301 : vector<16xi32>
      %gather3A_303 = tpu.vector_load_idx %arg14[%add3A_165, %add3A_302] : memref<128x128xf32, #tpu.memory_space<vmem>>[vector<16xi32>, vector<16xi32>], vector<16xf32>,
      %add3A_304 = arith.constant 12 : i32
      %add3A_305 = vector.broadcast %add3A_304 : i32 to vector<16xi32>
      %add3A_306 = arith.addi %mul3A_179, %add3A_305 : vector<16xi32>
      %gather3A_307 = tpu.vector_load_idx %arg16[%add3A_165, %add3A_306] : memref<128x128xf32, #tpu.memory_space<vmem>>[vector<16xi32>, vector<16xi32>], vector<16xf32>,
      %mul3A_308 = arith.mulf %gather3A_303, %gather3A_307 : vector<16xf32>
      %add3A_309 = arith.addf %add3A_299, %mul3A_308 : vector<16xf32>
      %add3A_310 = arith.constant 13 : i32
      %add3A_311 = vector.broadcast %add3A_310 : i32 to vector<16xi32>
      %add3A_312 = arith.addi %mul3A_171, %add3A_311 : vector<16xi32>
      %gather3A_313 = tpu.vector_load_idx %arg14[%add3A_165, %add3A_312] : memref<128x128xf32, #tpu.memory_space<vmem>>[vector<16xi32>, vector<16xi32>], vector<16xf32>,
      %add3A_314 = arith.constant 13 : i32
      %add3A_315 = vector.broadcast %add3A_314 : i32 to vector<16xi32>
      %add3A_316 = arith.addi %mul3A_179, %add3A_315 : vector<16xi32>
      %gather3A_317 = tpu.vector_load_idx %arg16[%add3A_165, %add3A_316] : memref<128x128xf32, #tpu.memory_space<vmem>>[vector<16xi32>, vector<16xi32>], vector<16xf32>,
      %mul3A_318 = arith.mulf %gather3A_313, %gather3A_317 : vector<16xf32>
      %add3A_319 = arith.addf %add3A_309, %mul3A_318 : vector<16xf32>
      %add3A_320 = arith.constant 14 : i32
      %add3A_321 = vector.broadcast %add3A_320 : i32 to vector<16xi32>
      %add3A_322 = arith.addi %mul3A_171, %add3A_321 : vector<16xi32>
      %gather3A_323 = tpu.vector_load_idx %arg14[%add3A_165, %add3A_322] : memref<128x128xf32, #tpu.memory_space<vmem>>[vector<16xi32>, vector<16xi32>], vector<16xf32>,
      %add3A_324 = arith.constant 14 : i32
      %add3A_325 = vector.broadcast %add3A_324 : i32 to vector<16xi32>
      %add3A_326 = arith.addi %mul3A_179, %add3A_325 : vector<16xi32>
      %gather3A_327 = tpu.vector_load_idx %arg16[%add3A_165, %add3A_326] : memref<128x128xf32, #tpu.memory_space<vmem>>[vector<16xi32>, vector<16xi32>], vector<16xf32>,
      %mul3A_328 = arith.mulf %gather3A_323, %gather3A_327 : vector<16xf32>
      %add3A_329 = arith.addf %add3A_319, %mul3A_328 : vector<16xf32>
      %add3A_330 = arith.constant 15 : i32
      %add3A_331 = vector.broadcast %add3A_330 : i32 to vector<16xi32>
      %add3A_332 = arith.addi %mul3A_171, %add3A_331 : vector<16xi32>
      %gather3A_333 = tpu.vector_load_idx %arg14[%add3A_165, %add3A_332] : memref<128x128xf32, #tpu.memory_space<vmem>>[vector<16xi32>, vector<16xi32>], vector<16xf32>,
      %add3A_334 = arith.constant 15 : i32
      %add3A_335 = vector.broadcast %add3A_334 : i32 to vector<16xi32>
      %add3A_336 = arith.addi %mul3A_179, %add3A_335 : vector<16xi32>
      %gather3A_337 = tpu.vector_load_idx %arg16[%add3A_165, %add3A_336] : memref<128x128xf32, #tpu.memory_space<vmem>>[vector<16xi32>, vector<16xi32>], vector<16xf32>,
      %mul3A_338 = arith.mulf %gather3A_333, %gather3A_337 : vector<16xf32>
      %add3A_339 = arith.addf %add3A_329, %mul3A_338 : vector<16xf32>
      %add3A_340 = arith.constant 16 : i32
      %add3A_341 = vector.broadcast %add3A_340 : i32 to vector<16xi32>
      %add3A_342 = arith.addi %mul3A_171, %add3A_341 : vector<16xi32>
      %gather3A_343 = tpu.vector_load_idx %arg14[%add3A_165, %add3A_342] : memref<128x128xf32, #tpu.memory_space<vmem>>[vector<16xi32>, vector<16xi32>], vector<16xf32>,
      %add3A_344 = arith.constant 16 : i32
      %add3A_345 = vector.broadcast %add3A_344 : i32 to vector<16xi32>
      %add3A_346 = arith.addi %mul3A_179, %add3A_345 : vector<16xi32>
      %gather3A_347 = tpu.vector_load_idx %arg16[%add3A_165, %add3A_346] : memref<128x128xf32, #tpu.memory_space<vmem>>[vector<16xi32>, vector<16xi32>], vector<16xf32>,
      %mul3A_348 = arith.mulf %gather3A_343, %gather3A_347 : vector<16xf32>
      %add3A_349 = arith.addf %add3A_339, %mul3A_348 : vector<16xf32>
      %add3A_350 = arith.constant 17 : i32
      %add3A_351 = vector.broadcast %add3A_350 : i32 to vector<16xi32>
      %add3A_352 = arith.addi %mul3A_171, %add3A_351 : vector<16xi32>
      %gather3A_353 = tpu.vector_load_idx %arg14[%add3A_165, %add3A_352] : memref<128x128xf32, #tpu.memory_space<vmem>>[vector<16xi32>, vector<16xi32>], vector<16xf32>,
      %add3A_354 = arith.constant 17 : i32
      %add3A_355 = vector.broadcast %add3A_354 : i32 to vector<16xi32>
      %add3A_356 = arith.addi %mul3A_179, %add3A_355 : vector<16xi32>
      %gather3A_357 = tpu.vector_load_idx %arg16[%add3A_165, %add3A_356] : memref<128x128xf32, #tpu.memory_space<vmem>>[vector<16xi32>, vector<16xi32>], vector<16xf32>,
      %mul3A_358 = arith.mulf %gather3A_353, %gather3A_357 : vector<16xf32>
      %add3A_359 = arith.addf %add3A_349, %mul3A_358 : vector<16xf32>
      %add3A_360 = arith.constant 18 : i32
      %add3A_361 = vector.broadcast %add3A_360 : i32 to vector<16xi32>
      %add3A_362 = arith.addi %mul3A_171, %add3A_361 : vector<16xi32>
      %gather3A_363 = tpu.vector_load_idx %arg14[%add3A_165, %add3A_362] : memref<128x128xf32, #tpu.memory_space<vmem>>[vector<16xi32>, vector<16xi32>], vector<16xf32>,
      %add3A_364 = arith.constant 18 : i32
      %add3A_365 = vector.broadcast %add3A_364 : i32 to vector<16xi32>
      %add3A_366 = arith.addi %mul3A_179, %add3A_365 : vector<16xi32>
      %gather3A_367 = tpu.vector_load_idx %arg16[%add3A_165, %add3A_366] : memref<128x128xf32, #tpu.memory_space<vmem>>[vector<16xi32>, vector<16xi32>], vector<16xf32>,
      %mul3A_368 = arith.mulf %gather3A_363, %gather3A_367 : vector<16xf32>
      %add3A_369 = arith.addf %add3A_359, %mul3A_368 : vector<16xf32>
      %add3A_370 = arith.constant 19 : i32
      %add3A_371 = vector.broadcast %add3A_370 : i32 to vector<16xi32>
      %add3A_372 = arith.addi %mul3A_171, %add3A_371 : vector<16xi32>
      %gather3A_373 = tpu.vector_load_idx %arg14[%add3A_165, %add3A_372] : memref<128x128xf32, #tpu.memory_space<vmem>>[vector<16xi32>, vector<16xi32>], vector<16xf32>,
      %add3A_374 = arith.constant 19 : i32
      %add3A_375 = vector.broadcast %add3A_374 : i32 to vector<16xi32>
      %add3A_376 = arith.addi %mul3A_179, %add3A_375 : vector<16xi32>
      %gather3A_377 = tpu.vector_load_idx %arg16[%add3A_165, %add3A_376] : memref<128x128xf32, #tpu.memory_space<vmem>>[vector<16xi32>, vector<16xi32>], vector<16xf32>,
      %mul3A_378 = arith.mulf %gather3A_373, %gather3A_377 : vector<16xf32>
      %add3A_379 = arith.addf %add3A_369, %mul3A_378 : vector<16xf32>
      %add3A_380 = arith.constant 20 : i32
      %add3A_381 = vector.broadcast %add3A_380 : i32 to vector<16xi32>
      %add3A_382 = arith.addi %mul3A_171, %add3A_381 : vector<16xi32>
      %gather3A_383 = tpu.vector_load_idx %arg14[%add3A_165, %add3A_382] : memref<128x128xf32, #tpu.memory_space<vmem>>[vector<16xi32>, vector<16xi32>], vector<16xf32>,
      %add3A_384 = arith.constant 20 : i32
      %add3A_385 = vector.broadcast %add3A_384 : i32 to vector<16xi32>
      %add3A_386 = arith.addi %mul3A_179, %add3A_385 : vector<16xi32>
      %gather3A_387 = tpu.vector_load_idx %arg16[%add3A_165, %add3A_386] : memref<128x128xf32, #tpu.memory_space<vmem>>[vector<16xi32>, vector<16xi32>], vector<16xf32>,
      %mul3A_388 = arith.mulf %gather3A_383, %gather3A_387 : vector<16xf32>
      %add3A_389 = arith.addf %add3A_379, %mul3A_388 : vector<16xf32>
      %add3A_390 = arith.constant 21 : i32
      %add3A_391 = vector.broadcast %add3A_390 : i32 to vector<16xi32>
      %add3A_392 = arith.addi %mul3A_171, %add3A_391 : vector<16xi32>
      %gather3A_393 = tpu.vector_load_idx %arg14[%add3A_165, %add3A_392] : memref<128x128xf32, #tpu.memory_space<vmem>>[vector<16xi32>, vector<16xi32>], vector<16xf32>,
      %add3A_394 = arith.constant 21 : i32
      %add3A_395 = vector.broadcast %add3A_394 : i32 to vector<16xi32>
      %add3A_396 = arith.addi %mul3A_179, %add3A_395 : vector<16xi32>
      %gather3A_397 = tpu.vector_load_idx %arg16[%add3A_165, %add3A_396] : memref<128x128xf32, #tpu.memory_space<vmem>>[vector<16xi32>, vector<16xi32>], vector<16xf32>,
      %mul3A_398 = arith.mulf %gather3A_393, %gather3A_397 : vector<16xf32>
      %add3A_399 = arith.addf %add3A_389, %mul3A_398 : vector<16xf32>
      %add3A_400 = arith.constant 22 : i32
      %add3A_401 = vector.broadcast %add3A_400 : i32 to vector<16xi32>
      %add3A_402 = arith.addi %mul3A_171, %add3A_401 : vector<16xi32>
      %gather3A_403 = tpu.vector_load_idx %arg14[%add3A_165, %add3A_402] : memref<128x128xf32, #tpu.memory_space<vmem>>[vector<16xi32>, vector<16xi32>], vector<16xf32>,
      %add3A_404 = arith.constant 22 : i32
      %add3A_405 = vector.broadcast %add3A_404 : i32 to vector<16xi32>
      %add3A_406 = arith.addi %mul3A_179, %add3A_405 : vector<16xi32>
      %gather3A_407 = tpu.vector_load_idx %arg16[%add3A_165, %add3A_406] : memref<128x128xf32, #tpu.memory_space<vmem>>[vector<16xi32>, vector<16xi32>], vector<16xf32>,
      %mul3A_408 = arith.mulf %gather3A_403, %gather3A_407 : vector<16xf32>
      %add3A_409 = arith.addf %add3A_399, %mul3A_408 : vector<16xf32>
      %add3A_410 = arith.constant 23 : i32
      %add3A_411 = vector.broadcast %add3A_410 : i32 to vector<16xi32>
      %add3A_412 = arith.addi %mul3A_171, %add3A_411 : vector<16xi32>
      %gather3A_413 = tpu.vector_load_idx %arg14[%add3A_165, %add3A_412] : memref<128x128xf32, #tpu.memory_space<vmem>>[vector<16xi32>, vector<16xi32>], vector<16xf32>,
      %add3A_414 = arith.constant 23 : i32
      %add3A_415 = vector.broadcast %add3A_414 : i32 to vector<16xi32>
      %add3A_416 = arith.addi %mul3A_179, %add3A_415 : vector<16xi32>
      %gather3A_417 = tpu.vector_load_idx %arg16[%add3A_165, %add3A_416] : memref<128x128xf32, #tpu.memory_space<vmem>>[vector<16xi32>, vector<16xi32>], vector<16xf32>,
      %mul3A_418 = arith.mulf %gather3A_413, %gather3A_417 : vector<16xf32>
      %add3A_419 = arith.addf %add3A_409, %mul3A_418 : vector<16xf32>
      %add3A_420 = arith.constant 24 : i32
      %add3A_421 = vector.broadcast %add3A_420 : i32 to vector<16xi32>
      %add3A_422 = arith.addi %mul3A_171, %add3A_421 : vector<16xi32>
      %gather3A_423 = tpu.vector_load_idx %arg14[%add3A_165, %add3A_422] : memref<128x128xf32, #tpu.memory_space<vmem>>[vector<16xi32>, vector<16xi32>], vector<16xf32>,
      %add3A_424 = arith.constant 24 : i32
      %add3A_425 = vector.broadcast %add3A_424 : i32 to vector<16xi32>
      %add3A_426 = arith.addi %mul3A_179, %add3A_425 : vector<16xi32>
      %gather3A_427 = tpu.vector_load_idx %arg16[%add3A_165, %add3A_426] : memref<128x128xf32, #tpu.memory_space<vmem>>[vector<16xi32>, vector<16xi32>], vector<16xf32>,
      %mul3A_428 = arith.mulf %gather3A_423, %gather3A_427 : vector<16xf32>
      %add3A_429 = arith.addf %add3A_419, %mul3A_428 : vector<16xf32>
      %add3A_430 = arith.constant 25 : i32
      %add3A_431 = vector.broadcast %add3A_430 : i32 to vector<16xi32>
      %add3A_432 = arith.addi %mul3A_171, %add3A_431 : vector<16xi32>
      %gather3A_433 = tpu.vector_load_idx %arg14[%add3A_165, %add3A_432] : memref<128x128xf32, #tpu.memory_space<vmem>>[vector<16xi32>, vector<16xi32>], vector<16xf32>,
      %add3A_434 = arith.constant 25 : i32
      %add3A_435 = vector.broadcast %add3A_434 : i32 to vector<16xi32>
      %add3A_436 = arith.addi %mul3A_179, %add3A_435 : vector<16xi32>
      %gather3A_437 = tpu.vector_load_idx %arg16[%add3A_165, %add3A_436] : memref<128x128xf32, #tpu.memory_space<vmem>>[vector<16xi32>, vector<16xi32>], vector<16xf32>,
      %mul3A_438 = arith.mulf %gather3A_433, %gather3A_437 : vector<16xf32>
      %add3A_439 = arith.addf %add3A_429, %mul3A_438 : vector<16xf32>
      %add3A_440 = arith.constant 26 : i32
      %add3A_441 = vector.broadcast %add3A_440 : i32 to vector<16xi32>
      %add3A_442 = arith.addi %mul3A_171, %add3A_441 : vector<16xi32>
      %gather3A_443 = tpu.vector_load_idx %arg14[%add3A_165, %add3A_442] : memref<128x128xf32, #tpu.memory_space<vmem>>[vector<16xi32>, vector<16xi32>], vector<16xf32>,
      %add3A_444 = arith.constant 26 : i32
      %add3A_445 = vector.broadcast %add3A_444 : i32 to vector<16xi32>
      %add3A_446 = arith.addi %mul3A_179, %add3A_445 : vector<16xi32>
      %gather3A_447 = tpu.vector_load_idx %arg16[%add3A_165, %add3A_446] : memref<128x128xf32, #tpu.memory_space<vmem>>[vector<16xi32>, vector<16xi32>], vector<16xf32>,
      %mul3A_448 = arith.mulf %gather3A_443, %gather3A_447 : vector<16xf32>
      %add3A_449 = arith.addf %add3A_439, %mul3A_448 : vector<16xf32>
      %add3A_450 = arith.constant 27 : i32
      %add3A_451 = vector.broadcast %add3A_450 : i32 to vector<16xi32>
      %add3A_452 = arith.addi %mul3A_171, %add3A_451 : vector<16xi32>
      %gather3A_453 = tpu.vector_load_idx %arg14[%add3A_165, %add3A_452] : memref<128x128xf32, #tpu.memory_space<vmem>>[vector<16xi32>, vector<16xi32>], vector<16xf32>,
      %add3A_454 = arith.constant 27 : i32
      %add3A_455 = vector.broadcast %add3A_454 : i32 to vector<16xi32>
      %add3A_456 = arith.addi %mul3A_179, %add3A_455 : vector<16xi32>
      %gather3A_457 = tpu.vector_load_idx %arg16[%add3A_165, %add3A_456] : memref<128x128xf32, #tpu.memory_space<vmem>>[vector<16xi32>, vector<16xi32>], vector<16xf32>,
      %mul3A_458 = arith.mulf %gather3A_453, %gather3A_457 : vector<16xf32>
      %add3A_459 = arith.addf %add3A_449, %mul3A_458 : vector<16xf32>
      %add3A_460 = arith.constant 28 : i32
      %add3A_461 = vector.broadcast %add3A_460 : i32 to vector<16xi32>
      %add3A_462 = arith.addi %mul3A_171, %add3A_461 : vector<16xi32>
      %gather3A_463 = tpu.vector_load_idx %arg14[%add3A_165, %add3A_462] : memref<128x128xf32, #tpu.memory_space<vmem>>[vector<16xi32>, vector<16xi32>], vector<16xf32>,
      %add3A_464 = arith.constant 28 : i32
      %add3A_465 = vector.broadcast %add3A_464 : i32 to vector<16xi32>
      %add3A_466 = arith.addi %mul3A_179, %add3A_465 : vector<16xi32>
      %gather3A_467 = tpu.vector_load_idx %arg16[%add3A_165, %add3A_466] : memref<128x128xf32, #tpu.memory_space<vmem>>[vector<16xi32>, vector<16xi32>], vector<16xf32>,
      %mul3A_468 = arith.mulf %gather3A_463, %gather3A_467 : vector<16xf32>
      %add3A_469 = arith.addf %add3A_459, %mul3A_468 : vector<16xf32>
      %add3A_470 = arith.constant 29 : i32
      %add3A_471 = vector.broadcast %add3A_470 : i32 to vector<16xi32>
      %add3A_472 = arith.addi %mul3A_171, %add3A_471 : vector<16xi32>
      %gather3A_473 = tpu.vector_load_idx %arg14[%add3A_165, %add3A_472] : memref<128x128xf32, #tpu.memory_space<vmem>>[vector<16xi32>, vector<16xi32>], vector<16xf32>,
      %add3A_474 = arith.constant 29 : i32
      %add3A_475 = vector.broadcast %add3A_474 : i32 to vector<16xi32>
      %add3A_476 = arith.addi %mul3A_179, %add3A_475 : vector<16xi32>
      %gather3A_477 = tpu.vector_load_idx %arg16[%add3A_165, %add3A_476] : memref<128x128xf32, #tpu.memory_space<vmem>>[vector<16xi32>, vector<16xi32>], vector<16xf32>,
      %mul3A_478 = arith.mulf %gather3A_473, %gather3A_477 : vector<16xf32>
      %add3A_479 = arith.addf %add3A_469, %mul3A_478 : vector<16xf32>
      %add3A_480 = arith.constant 30 : i32
      %add3A_481 = vector.broadcast %add3A_480 : i32 to vector<16xi32>
      %add3A_482 = arith.addi %mul3A_171, %add3A_481 : vector<16xi32>
      %gather3A_483 = tpu.vector_load_idx %arg14[%add3A_165, %add3A_482] : memref<128x128xf32, #tpu.memory_space<vmem>>[vector<16xi32>, vector<16xi32>], vector<16xf32>,
      %add3A_484 = arith.constant 30 : i32
      %add3A_485 = vector.broadcast %add3A_484 : i32 to vector<16xi32>
      %add3A_486 = arith.addi %mul3A_179, %add3A_485 : vector<16xi32>
      %gather3A_487 = tpu.vector_load_idx %arg16[%add3A_165, %add3A_486] : memref<128x128xf32, #tpu.memory_space<vmem>>[vector<16xi32>, vector<16xi32>], vector<16xf32>,
      %mul3A_488 = arith.mulf %gather3A_483, %gather3A_487 : vector<16xf32>
      %add3A_489 = arith.addf %add3A_479, %mul3A_488 : vector<16xf32>
      %add3A_490 = arith.constant 31 : i32
      %add3A_491 = vector.broadcast %add3A_490 : i32 to vector<16xi32>
      %add3A_492 = arith.addi %mul3A_171, %add3A_491 : vector<16xi32>
      %gather3A_493 = tpu.vector_load_idx %arg14[%add3A_165, %add3A_492] : memref<128x128xf32, #tpu.memory_space<vmem>>[vector<16xi32>, vector<16xi32>], vector<16xf32>,
      %add3A_494 = arith.constant 31 : i32
      %add3A_495 = vector.broadcast %add3A_494 : i32 to vector<16xi32>
      %add3A_496 = arith.addi %mul3A_179, %add3A_495 : vector<16xi32>
      %gather3A_497 = tpu.vector_load_idx %arg16[%add3A_165, %add3A_496] : memref<128x128xf32, #tpu.memory_space<vmem>>[vector<16xi32>, vector<16xi32>], vector<16xf32>,
      %mul3A_498 = arith.mulf %gather3A_493, %gather3A_497 : vector<16xf32>
      %add3A_499 = arith.addf %add3A_489, %mul3A_498 : vector<16xf32>
      %add3A_500 = arith.constant 32 : i32
      %add3A_501 = vector.broadcast %add3A_500 : i32 to vector<16xi32>
      %add3A_502 = arith.addi %mul3A_171, %add3A_501 : vector<16xi32>
      %gather3A_503 = tpu.vector_load_idx %arg14[%add3A_165, %add3A_502] : memref<128x128xf32, #tpu.memory_space<vmem>>[vector<16xi32>, vector<16xi32>], vector<16xf32>,
      %add3A_504 = arith.constant 32 : i32
      %add3A_505 = vector.broadcast %add3A_504 : i32 to vector<16xi32>
      %add3A_506 = arith.addi %mul3A_179, %add3A_505 : vector<16xi32>
      %gather3A_507 = tpu.vector_load_idx %arg16[%add3A_165, %add3A_506] : memref<128x128xf32, #tpu.memory_space<vmem>>[vector<16xi32>, vector<16xi32>], vector<16xf32>,
      %mul3A_508 = arith.mulf %gather3A_503, %gather3A_507 : vector<16xf32>
      %add3A_509 = arith.addf %add3A_499, %mul3A_508 : vector<16xf32>
      %add3A_510 = arith.constant 33 : i32
      %add3A_511 = vector.broadcast %add3A_510 : i32 to vector<16xi32>
      %add3A_512 = arith.addi %mul3A_171, %add3A_511 : vector<16xi32>
      %gather3A_513 = tpu.vector_load_idx %arg14[%add3A_165, %add3A_512] : memref<128x128xf32, #tpu.memory_space<vmem>>[vector<16xi32>, vector<16xi32>], vector<16xf32>,
      %add3A_514 = arith.constant 33 : i32
      %add3A_515 = vector.broadcast %add3A_514 : i32 to vector<16xi32>
      %add3A_516 = arith.addi %mul3A_179, %add3A_515 : vector<16xi32>
      %gather3A_517 = tpu.vector_load_idx %arg16[%add3A_165, %add3A_516] : memref<128x128xf32, #tpu.memory_space<vmem>>[vector<16xi32>, vector<16xi32>], vector<16xf32>,
      %mul3A_518 = arith.mulf %gather3A_513, %gather3A_517 : vector<16xf32>
      %add3A_519 = arith.addf %add3A_509, %mul3A_518 : vector<16xf32>
      %add3A_520 = arith.constant 34 : i32
      %add3A_521 = vector.broadcast %add3A_520 : i32 to vector<16xi32>
      %add3A_522 = arith.addi %mul3A_171, %add3A_521 : vector<16xi32>
      %gather3A_523 = tpu.vector_load_idx %arg14[%add3A_165, %add3A_522] : memref<128x128xf32, #tpu.memory_space<vmem>>[vector<16xi32>, vector<16xi32>], vector<16xf32>,
      %add3A_524 = arith.constant 34 : i32
      %add3A_525 = vector.broadcast %add3A_524 : i32 to vector<16xi32>
      %add3A_526 = arith.addi %mul3A_179, %add3A_525 : vector<16xi32>
      %gather3A_527 = tpu.vector_load_idx %arg16[%add3A_165, %add3A_526] : memref<128x128xf32, #tpu.memory_space<vmem>>[vector<16xi32>, vector<16xi32>], vector<16xf32>,
      %mul3A_528 = arith.mulf %gather3A_523, %gather3A_527 : vector<16xf32>
      %add3A_529 = arith.addf %add3A_519, %mul3A_528 : vector<16xf32>
      %add3A_530 = arith.constant 35 : i32
      %add3A_531 = vector.broadcast %add3A_530 : i32 to vector<16xi32>
      %add3A_532 = arith.addi %mul3A_171, %add3A_531 : vector<16xi32>
      %gather3A_533 = tpu.vector_load_idx %arg14[%add3A_165, %add3A_532] : memref<128x128xf32, #tpu.memory_space<vmem>>[vector<16xi32>, vector<16xi32>], vector<16xf32>,
      %add3A_534 = arith.constant 35 : i32
      %add3A_535 = vector.broadcast %add3A_534 : i32 to vector<16xi32>
      %add3A_536 = arith.addi %mul3A_179, %add3A_535 : vector<16xi32>
      %gather3A_537 = tpu.vector_load_idx %arg16[%add3A_165, %add3A_536] : memref<128x128xf32, #tpu.memory_space<vmem>>[vector<16xi32>, vector<16xi32>], vector<16xf32>,
      %mul3A_538 = arith.mulf %gather3A_533, %gather3A_537 : vector<16xf32>
      %add3A_539 = arith.addf %add3A_529, %mul3A_538 : vector<16xf32>
      %add3A_540 = arith.constant 36 : i32
      %add3A_541 = vector.broadcast %add3A_540 : i32 to vector<16xi32>
      %add3A_542 = arith.addi %mul3A_171, %add3A_541 : vector<16xi32>
      %gather3A_543 = tpu.vector_load_idx %arg14[%add3A_165, %add3A_542] : memref<128x128xf32, #tpu.memory_space<vmem>>[vector<16xi32>, vector<16xi32>], vector<16xf32>,
      %add3A_544 = arith.constant 36 : i32
      %add3A_545 = vector.broadcast %add3A_544 : i32 to vector<16xi32>
      %add3A_546 = arith.addi %mul3A_179, %add3A_545 : vector<16xi32>
      %gather3A_547 = tpu.vector_load_idx %arg16[%add3A_165, %add3A_546] : memref<128x128xf32, #tpu.memory_space<vmem>>[vector<16xi32>, vector<16xi32>], vector<16xf32>,
      %mul3A_548 = arith.mulf %gather3A_543, %gather3A_547 : vector<16xf32>
      %add3A_549 = arith.addf %add3A_539, %mul3A_548 : vector<16xf32>
      %add3A_550 = arith.constant 37 : i32
      %add3A_551 = vector.broadcast %add3A_550 : i32 to vector<16xi32>
      %add3A_552 = arith.addi %mul3A_171, %add3A_551 : vector<16xi32>
      %gather3A_553 = tpu.vector_load_idx %arg14[%add3A_165, %add3A_552] : memref<128x128xf32, #tpu.memory_space<vmem>>[vector<16xi32>, vector<16xi32>], vector<16xf32>,
      %add3A_554 = arith.constant 37 : i32
      %add3A_555 = vector.broadcast %add3A_554 : i32 to vector<16xi32>
      %add3A_556 = arith.addi %mul3A_179, %add3A_555 : vector<16xi32>
      %gather3A_557 = tpu.vector_load_idx %arg16[%add3A_165, %add3A_556] : memref<128x128xf32, #tpu.memory_space<vmem>>[vector<16xi32>, vector<16xi32>], vector<16xf32>,
      %mul3A_558 = arith.mulf %gather3A_553, %gather3A_557 : vector<16xf32>
      %add3A_559 = arith.addf %add3A_549, %mul3A_558 : vector<16xf32>
      %add3A_560 = arith.constant 38 : i32
      %add3A_561 = vector.broadcast %add3A_560 : i32 to vector<16xi32>
      %add3A_562 = arith.addi %mul3A_171, %add3A_561 : vector<16xi32>
      %gather3A_563 = tpu.vector_load_idx %arg14[%add3A_165, %add3A_562] : memref<128x128xf32, #tpu.memory_space<vmem>>[vector<16xi32>, vector<16xi32>], vector<16xf32>,
      %add3A_564 = arith.constant 38 : i32
      %add3A_565 = vector.broadcast %add3A_564 : i32 to vector<16xi32>
      %add3A_566 = arith.addi %mul3A_179, %add3A_565 : vector<16xi32>
      %gather3A_567 = tpu.vector_load_idx %arg16[%add3A_165, %add3A_566] : memref<128x128xf32, #tpu.memory_space<vmem>>[vector<16xi32>, vector<16xi32>], vector<16xf32>,
      %mul3A_568 = arith.mulf %gather3A_563, %gather3A_567 : vector<16xf32>
      %add3A_569 = arith.addf %add3A_559, %mul3A_568 : vector<16xf32>
      %add3A_570 = arith.constant 39 : i32
      %add3A_571 = vector.broadcast %add3A_570 : i32 to vector<16xi32>
      %add3A_572 = arith.addi %mul3A_171, %add3A_571 : vector<16xi32>
      %gather3A_573 = tpu.vector_load_idx %arg14[%add3A_165, %add3A_572] : memref<128x128xf32, #tpu.memory_space<vmem>>[vector<16xi32>, vector<16xi32>], vector<16xf32>,
      %add3A_574 = arith.constant 39 : i32
      %add3A_575 = vector.broadcast %add3A_574 : i32 to vector<16xi32>
      %add3A_576 = arith.addi %mul3A_179, %add3A_575 : vector<16xi32>
      %gather3A_577 = tpu.vector_load_idx %arg16[%add3A_165, %add3A_576] : memref<128x128xf32, #tpu.memory_space<vmem>>[vector<16xi32>, vector<16xi32>], vector<16xf32>,
      %mul3A_578 = arith.mulf %gather3A_573, %gather3A_577 : vector<16xf32>
      %add3A_579 = arith.addf %add3A_569, %mul3A_578 : vector<16xf32>
      %add3A_580 = arith.constant 40 : i32
      %add3A_581 = vector.broadcast %add3A_580 : i32 to vector<16xi32>
      %add3A_582 = arith.addi %mul3A_171, %add3A_581 : vector<16xi32>
      %gather3A_583 = tpu.vector_load_idx %arg14[%add3A_165, %add3A_582] : memref<128x128xf32, #tpu.memory_space<vmem>>[vector<16xi32>, vector<16xi32>], vector<16xf32>,
      %add3A_584 = arith.constant 40 : i32
      %add3A_585 = vector.broadcast %add3A_584 : i32 to vector<16xi32>
      %add3A_586 = arith.addi %mul3A_179, %add3A_585 : vector<16xi32>
      %gather3A_587 = tpu.vector_load_idx %arg16[%add3A_165, %add3A_586] : memref<128x128xf32, #tpu.memory_space<vmem>>[vector<16xi32>, vector<16xi32>], vector<16xf32>,
      %mul3A_588 = arith.mulf %gather3A_583, %gather3A_587 : vector<16xf32>
      %add3A_589 = arith.addf %add3A_579, %mul3A_588 : vector<16xf32>
      %add3A_590 = arith.constant 41 : i32
      %add3A_591 = vector.broadcast %add3A_590 : i32 to vector<16xi32>
      %add3A_592 = arith.addi %mul3A_171, %add3A_591 : vector<16xi32>
      %gather3A_593 = tpu.vector_load_idx %arg14[%add3A_165, %add3A_592] : memref<128x128xf32, #tpu.memory_space<vmem>>[vector<16xi32>, vector<16xi32>], vector<16xf32>,
      %add3A_594 = arith.constant 41 : i32
      %add3A_595 = vector.broadcast %add3A_594 : i32 to vector<16xi32>
      %add3A_596 = arith.addi %mul3A_179, %add3A_595 : vector<16xi32>
      %gather3A_597 = tpu.vector_load_idx %arg16[%add3A_165, %add3A_596] : memref<128x128xf32, #tpu.memory_space<vmem>>[vector<16xi32>, vector<16xi32>], vector<16xf32>,
      %mul3A_598 = arith.mulf %gather3A_593, %gather3A_597 : vector<16xf32>
      %add3A_599 = arith.addf %add3A_589, %mul3A_598 : vector<16xf32>
      %add3A_600 = arith.constant 42 : i32
      %add3A_601 = vector.broadcast %add3A_600 : i32 to vector<16xi32>
      %add3A_602 = arith.addi %mul3A_171, %add3A_601 : vector<16xi32>
      %gather3A_603 = tpu.vector_load_idx %arg14[%add3A_165, %add3A_602] : memref<128x128xf32, #tpu.memory_space<vmem>>[vector<16xi32>, vector<16xi32>], vector<16xf32>,
      %add3A_604 = arith.constant 42 : i32
      %add3A_605 = vector.broadcast %add3A_604 : i32 to vector<16xi32>
      %add3A_606 = arith.addi %mul3A_179, %add3A_605 : vector<16xi32>
      %gather3A_607 = tpu.vector_load_idx %arg16[%add3A_165, %add3A_606] : memref<128x128xf32, #tpu.memory_space<vmem>>[vector<16xi32>, vector<16xi32>], vector<16xf32>,
      %mul3A_608 = arith.mulf %gather3A_603, %gather3A_607 : vector<16xf32>
      %add3A_609 = arith.addf %add3A_599, %mul3A_608 : vector<16xf32>
      %add3A_610 = arith.constant 43 : i32
      %add3A_611 = vector.broadcast %add3A_610 : i32 to vector<16xi32>
      %add3A_612 = arith.addi %mul3A_171, %add3A_611 : vector<16xi32>
      %gather3A_613 = tpu.vector_load_idx %arg14[%add3A_165, %add3A_612] : memref<128x128xf32, #tpu.memory_space<vmem>>[vector<16xi32>, vector<16xi32>], vector<16xf32>,
      %add3A_614 = arith.constant 43 : i32
      %add3A_615 = vector.broadcast %add3A_614 : i32 to vector<16xi32>
      %add3A_616 = arith.addi %mul3A_179, %add3A_615 : vector<16xi32>
      %gather3A_617 = tpu.vector_load_idx %arg16[%add3A_165, %add3A_616] : memref<128x128xf32, #tpu.memory_space<vmem>>[vector<16xi32>, vector<16xi32>], vector<16xf32>,
      %mul3A_618 = arith.mulf %gather3A_613, %gather3A_617 : vector<16xf32>
      %add3A_619 = arith.addf %add3A_609, %mul3A_618 : vector<16xf32>
      %add3A_620 = arith.constant 44 : i32
      %add3A_621 = vector.broadcast %add3A_620 : i32 to vector<16xi32>
      %add3A_622 = arith.addi %mul3A_171, %add3A_621 : vector<16xi32>
      %gather3A_623 = tpu.vector_load_idx %arg14[%add3A_165, %add3A_622] : memref<128x128xf32, #tpu.memory_space<vmem>>[vector<16xi32>, vector<16xi32>], vector<16xf32>,
      %add3A_624 = arith.constant 44 : i32
      %add3A_625 = vector.broadcast %add3A_624 : i32 to vector<16xi32>
      %add3A_626 = arith.addi %mul3A_179, %add3A_625 : vector<16xi32>
      %gather3A_627 = tpu.vector_load_idx %arg16[%add3A_165, %add3A_626] : memref<128x128xf32, #tpu.memory_space<vmem>>[vector<16xi32>, vector<16xi32>], vector<16xf32>,
      %mul3A_628 = arith.mulf %gather3A_623, %gather3A_627 : vector<16xf32>
      %add3A_629 = arith.addf %add3A_619, %mul3A_628 : vector<16xf32>
      %add3A_630 = arith.constant 45 : i32
      %add3A_631 = vector.broadcast %add3A_630 : i32 to vector<16xi32>
      %add3A_632 = arith.addi %mul3A_171, %add3A_631 : vector<16xi32>
      %gather3A_633 = tpu.vector_load_idx %arg14[%add3A_165, %add3A_632] : memref<128x128xf32, #tpu.memory_space<vmem>>[vector<16xi32>, vector<16xi32>], vector<16xf32>,
      %add3A_634 = arith.constant 45 : i32
      %add3A_635 = vector.broadcast %add3A_634 : i32 to vector<16xi32>
      %add3A_636 = arith.addi %mul3A_179, %add3A_635 : vector<16xi32>
      %gather3A_637 = tpu.vector_load_idx %arg16[%add3A_165, %add3A_636] : memref<128x128xf32, #tpu.memory_space<vmem>>[vector<16xi32>, vector<16xi32>], vector<16xf32>,
      %mul3A_638 = arith.mulf %gather3A_633, %gather3A_637 : vector<16xf32>
      %add3A_639 = arith.addf %add3A_629, %mul3A_638 : vector<16xf32>
      %add3A_640 = arith.constant 46 : i32
      %add3A_641 = vector.broadcast %add3A_640 : i32 to vector<16xi32>
      %add3A_642 = arith.addi %mul3A_171, %add3A_641 : vector<16xi32>
      %gather3A_643 = tpu.vector_load_idx %arg14[%add3A_165, %add3A_642] : memref<128x128xf32, #tpu.memory_space<vmem>>[vector<16xi32>, vector<16xi32>], vector<16xf32>,
      %add3A_644 = arith.constant 46 : i32
      %add3A_645 = vector.broadcast %add3A_644 : i32 to vector<16xi32>
      %add3A_646 = arith.addi %mul3A_179, %add3A_645 : vector<16xi32>
      %gather3A_647 = tpu.vector_load_idx %arg16[%add3A_165, %add3A_646] : memref<128x128xf32, #tpu.memory_space<vmem>>[vector<16xi32>, vector<16xi32>], vector<16xf32>,
      %mul3A_648 = arith.mulf %gather3A_643, %gather3A_647 : vector<16xf32>
      %add3A_649 = arith.addf %add3A_639, %mul3A_648 : vector<16xf32>
      %add3A_650 = arith.constant 47 : i32
      %add3A_651 = vector.broadcast %add3A_650 : i32 to vector<16xi32>
      %add3A_652 = arith.addi %mul3A_171, %add3A_651 : vector<16xi32>
      %gather3A_653 = tpu.vector_load_idx %arg14[%add3A_165, %add3A_652] : memref<128x128xf32, #tpu.memory_space<vmem>>[vector<16xi32>, vector<16xi32>], vector<16xf32>,
      %add3A_654 = arith.constant 47 : i32
      %add3A_655 = vector.broadcast %add3A_654 : i32 to vector<16xi32>
      %add3A_656 = arith.addi %mul3A_179, %add3A_655 : vector<16xi32>
      %gather3A_657 = tpu.vector_load_idx %arg16[%add3A_165, %add3A_656] : memref<128x128xf32, #tpu.memory_space<vmem>>[vector<16xi32>, vector<16xi32>], vector<16xf32>,
      %mul3A_658 = arith.mulf %gather3A_653, %gather3A_657 : vector<16xf32>
      %add3A_659 = arith.addf %add3A_649, %mul3A_658 : vector<16xf32>
      %add3A_660 = arith.constant 48 : i32
      %add3A_661 = vector.broadcast %add3A_660 : i32 to vector<16xi32>
      %add3A_662 = arith.addi %mul3A_171, %add3A_661 : vector<16xi32>
      %gather3A_663 = tpu.vector_load_idx %arg14[%add3A_165, %add3A_662] : memref<128x128xf32, #tpu.memory_space<vmem>>[vector<16xi32>, vector<16xi32>], vector<16xf32>,
      %add3A_664 = arith.constant 48 : i32
      %add3A_665 = vector.broadcast %add3A_664 : i32 to vector<16xi32>
      %add3A_666 = arith.addi %mul3A_179, %add3A_665 : vector<16xi32>
      %gather3A_667 = tpu.vector_load_idx %arg16[%add3A_165, %add3A_666] : memref<128x128xf32, #tpu.memory_space<vmem>>[vector<16xi32>, vector<16xi32>], vector<16xf32>,
      %mul3A_668 = arith.mulf %gather3A_663, %gather3A_667 : vector<16xf32>
      %add3A_669 = arith.addf %add3A_659, %mul3A_668 : vector<16xf32>
      %add3A_670 = arith.constant 49 : i32
      %add3A_671 = vector.broadcast %add3A_670 : i32 to vector<16xi32>
      %add3A_672 = arith.addi %mul3A_171, %add3A_671 : vector<16xi32>
      %gather3A_673 = tpu.vector_load_idx %arg14[%add3A_165, %add3A_672] : memref<128x128xf32, #tpu.memory_space<vmem>>[vector<16xi32>, vector<16xi32>], vector<16xf32>,
      %add3A_674 = arith.constant 49 : i32
      %add3A_675 = vector.broadcast %add3A_674 : i32 to vector<16xi32>
      %add3A_676 = arith.addi %mul3A_179, %add3A_675 : vector<16xi32>
      %gather3A_677 = tpu.vector_load_idx %arg16[%add3A_165, %add3A_676] : memref<128x128xf32, #tpu.memory_space<vmem>>[vector<16xi32>, vector<16xi32>], vector<16xf32>,
      %mul3A_678 = arith.mulf %gather3A_673, %gather3A_677 : vector<16xf32>
      %add3A_679 = arith.addf %add3A_669, %mul3A_678 : vector<16xf32>
      %add3A_680 = arith.constant 50 : i32
      %add3A_681 = vector.broadcast %add3A_680 : i32 to vector<16xi32>
      %add3A_682 = arith.addi %mul3A_171, %add3A_681 : vector<16xi32>
      %gather3A_683 = tpu.vector_load_idx %arg14[%add3A_165, %add3A_682] : memref<128x128xf32, #tpu.memory_space<vmem>>[vector<16xi32>, vector<16xi32>], vector<16xf32>,
      %add3A_684 = arith.constant 50 : i32
      %add3A_685 = vector.broadcast %add3A_684 : i32 to vector<16xi32>
      %add3A_686 = arith.addi %mul3A_179, %add3A_685 : vector<16xi32>
      %gather3A_687 = tpu.vector_load_idx %arg16[%add3A_165, %add3A_686] : memref<128x128xf32, #tpu.memory_space<vmem>>[vector<16xi32>, vector<16xi32>], vector<16xf32>,
      %mul3A_688 = arith.mulf %gather3A_683, %gather3A_687 : vector<16xf32>
      %add3A_689 = arith.addf %add3A_679, %mul3A_688 : vector<16xf32>
      %add3A_690 = arith.constant 51 : i32
      %add3A_691 = vector.broadcast %add3A_690 : i32 to vector<16xi32>
      %add3A_692 = arith.addi %mul3A_171, %add3A_691 : vector<16xi32>
      %gather3A_693 = tpu.vector_load_idx %arg14[%add3A_165, %add3A_692] : memref<128x128xf32, #tpu.memory_space<vmem>>[vector<16xi32>, vector<16xi32>], vector<16xf32>,
      %add3A_694 = arith.constant 51 : i32
      %add3A_695 = vector.broadcast %add3A_694 : i32 to vector<16xi32>
      %add3A_696 = arith.addi %mul3A_179, %add3A_695 : vector<16xi32>
      %gather3A_697 = tpu.vector_load_idx %arg16[%add3A_165, %add3A_696] : memref<128x128xf32, #tpu.memory_space<vmem>>[vector<16xi32>, vector<16xi32>], vector<16xf32>,
      %mul3A_698 = arith.mulf %gather3A_693, %gather3A_697 : vector<16xf32>
      %add3A_699 = arith.addf %add3A_689, %mul3A_698 : vector<16xf32>
      %add3A_700 = arith.constant 52 : i32
      %add3A_701 = vector.broadcast %add3A_700 : i32 to vector<16xi32>
      %add3A_702 = arith.addi %mul3A_171, %add3A_701 : vector<16xi32>
      %gather3A_703 = tpu.vector_load_idx %arg14[%add3A_165, %add3A_702] : memref<128x128xf32, #tpu.memory_space<vmem>>[vector<16xi32>, vector<16xi32>], vector<16xf32>,
      %add3A_704 = arith.constant 52 : i32
      %add3A_705 = vector.broadcast %add3A_704 : i32 to vector<16xi32>
      %add3A_706 = arith.addi %mul3A_179, %add3A_705 : vector<16xi32>
      %gather3A_707 = tpu.vector_load_idx %arg16[%add3A_165, %add3A_706] : memref<128x128xf32, #tpu.memory_space<vmem>>[vector<16xi32>, vector<16xi32>], vector<16xf32>,
      %mul3A_708 = arith.mulf %gather3A_703, %gather3A_707 : vector<16xf32>
      %add3A_709 = arith.addf %add3A_699, %mul3A_708 : vector<16xf32>
      %add3A_710 = arith.constant 53 : i32
      %add3A_711 = vector.broadcast %add3A_710 : i32 to vector<16xi32>
      %add3A_712 = arith.addi %mul3A_171, %add3A_711 : vector<16xi32>
      %gather3A_713 = tpu.vector_load_idx %arg14[%add3A_165, %add3A_712] : memref<128x128xf32, #tpu.memory_space<vmem>>[vector<16xi32>, vector<16xi32>], vector<16xf32>,
      %add3A_714 = arith.constant 53 : i32
      %add3A_715 = vector.broadcast %add3A_714 : i32 to vector<16xi32>
      %add3A_716 = arith.addi %mul3A_179, %add3A_715 : vector<16xi32>
      %gather3A_717 = tpu.vector_load_idx %arg16[%add3A_165, %add3A_716] : memref<128x128xf32, #tpu.memory_space<vmem>>[vector<16xi32>, vector<16xi32>], vector<16xf32>,
      %mul3A_718 = arith.mulf %gather3A_713, %gather3A_717 : vector<16xf32>
      %add3A_719 = arith.addf %add3A_709, %mul3A_718 : vector<16xf32>
      %add3A_720 = arith.constant 54 : i32
      %add3A_721 = vector.broadcast %add3A_720 : i32 to vector<16xi32>
      %add3A_722 = arith.addi %mul3A_171, %add3A_721 : vector<16xi32>
      %gather3A_723 = tpu.vector_load_idx %arg14[%add3A_165, %add3A_722] : memref<128x128xf32, #tpu.memory_space<vmem>>[vector<16xi32>, vector<16xi32>], vector<16xf32>,
      %add3A_724 = arith.constant 54 : i32
      %add3A_725 = vector.broadcast %add3A_724 : i32 to vector<16xi32>
      %add3A_726 = arith.addi %mul3A_179, %add3A_725 : vector<16xi32>
      %gather3A_727 = tpu.vector_load_idx %arg16[%add3A_165, %add3A_726] : memref<128x128xf32, #tpu.memory_space<vmem>>[vector<16xi32>, vector<16xi32>], vector<16xf32>,
      %mul3A_728 = arith.mulf %gather3A_723, %gather3A_727 : vector<16xf32>
      %add3A_729 = arith.addf %add3A_719, %mul3A_728 : vector<16xf32>
      %add3A_730 = arith.constant 55 : i32
      %add3A_731 = vector.broadcast %add3A_730 : i32 to vector<16xi32>
      %add3A_732 = arith.addi %mul3A_171, %add3A_731 : vector<16xi32>
      %gather3A_733 = tpu.vector_load_idx %arg14[%add3A_165, %add3A_732] : memref<128x128xf32, #tpu.memory_space<vmem>>[vector<16xi32>, vector<16xi32>], vector<16xf32>,
      %add3A_734 = arith.constant 55 : i32
      %add3A_735 = vector.broadcast %add3A_734 : i32 to vector<16xi32>
      %add3A_736 = arith.addi %mul3A_179, %add3A_735 : vector<16xi32>
      %gather3A_737 = tpu.vector_load_idx %arg16[%add3A_165, %add3A_736] : memref<128x128xf32, #tpu.memory_space<vmem>>[vector<16xi32>, vector<16xi32>], vector<16xf32>,
      %mul3A_738 = arith.mulf %gather3A_733, %gather3A_737 : vector<16xf32>
      %add3A_739 = arith.addf %add3A_729, %mul3A_738 : vector<16xf32>
      %add3A_740 = arith.constant 56 : i32
      %add3A_741 = vector.broadcast %add3A_740 : i32 to vector<16xi32>
      %add3A_742 = arith.addi %mul3A_171, %add3A_741 : vector<16xi32>
      %gather3A_743 = tpu.vector_load_idx %arg14[%add3A_165, %add3A_742] : memref<128x128xf32, #tpu.memory_space<vmem>>[vector<16xi32>, vector<16xi32>], vector<16xf32>,
      %add3A_744 = arith.constant 56 : i32
      %add3A_745 = vector.broadcast %add3A_744 : i32 to vector<16xi32>
      %add3A_746 = arith.addi %mul3A_179, %add3A_745 : vector<16xi32>
      %gather3A_747 = tpu.vector_load_idx %arg16[%add3A_165, %add3A_746] : memref<128x128xf32, #tpu.memory_space<vmem>>[vector<16xi32>, vector<16xi32>], vector<16xf32>,
      %mul3A_748 = arith.mulf %gather3A_743, %gather3A_747 : vector<16xf32>
      %add3A_749 = arith.addf %add3A_739, %mul3A_748 : vector<16xf32>
      %add3A_750 = arith.constant 57 : i32
      %add3A_751 = vector.broadcast %add3A_750 : i32 to vector<16xi32>
      %add3A_752 = arith.addi %mul3A_171, %add3A_751 : vector<16xi32>
      %gather3A_753 = tpu.vector_load_idx %arg14[%add3A_165, %add3A_752] : memref<128x128xf32, #tpu.memory_space<vmem>>[vector<16xi32>, vector<16xi32>], vector<16xf32>,
      %add3A_754 = arith.constant 57 : i32
      %add3A_755 = vector.broadcast %add3A_754 : i32 to vector<16xi32>
      %add3A_756 = arith.addi %mul3A_179, %add3A_755 : vector<16xi32>
      %gather3A_757 = tpu.vector_load_idx %arg16[%add3A_165, %add3A_756] : memref<128x128xf32, #tpu.memory_space<vmem>>[vector<16xi32>, vector<16xi32>], vector<16xf32>,
      %mul3A_758 = arith.mulf %gather3A_753, %gather3A_757 : vector<16xf32>
      %add3A_759 = arith.addf %add3A_749, %mul3A_758 : vector<16xf32>
      %add3A_760 = arith.constant 58 : i32
      %add3A_761 = vector.broadcast %add3A_760 : i32 to vector<16xi32>
      %add3A_762 = arith.addi %mul3A_171, %add3A_761 : vector<16xi32>
      %gather3A_763 = tpu.vector_load_idx %arg14[%add3A_165, %add3A_762] : memref<128x128xf32, #tpu.memory_space<vmem>>[vector<16xi32>, vector<16xi32>], vector<16xf32>,
      %add3A_764 = arith.constant 58 : i32
      %add3A_765 = vector.broadcast %add3A_764 : i32 to vector<16xi32>
      %add3A_766 = arith.addi %mul3A_179, %add3A_765 : vector<16xi32>
      %gather3A_767 = tpu.vector_load_idx %arg16[%add3A_165, %add3A_766] : memref<128x128xf32, #tpu.memory_space<vmem>>[vector<16xi32>, vector<16xi32>], vector<16xf32>,
      %mul3A_768 = arith.mulf %gather3A_763, %gather3A_767 : vector<16xf32>
      %add3A_769 = arith.addf %add3A_759, %mul3A_768 : vector<16xf32>
      %add3A_770 = arith.constant 59 : i32
      %add3A_771 = vector.broadcast %add3A_770 : i32 to vector<16xi32>
      %add3A_772 = arith.addi %mul3A_171, %add3A_771 : vector<16xi32>
      %gather3A_773 = tpu.vector_load_idx %arg14[%add3A_165, %add3A_772] : memref<128x128xf32, #tpu.memory_space<vmem>>[vector<16xi32>, vector<16xi32>], vector<16xf32>,
      %add3A_774 = arith.constant 59 : i32
      %add3A_775 = vector.broadcast %add3A_774 : i32 to vector<16xi32>
      %add3A_776 = arith.addi %mul3A_179, %add3A_775 : vector<16xi32>
      %gather3A_777 = tpu.vector_load_idx %arg16[%add3A_165, %add3A_776] : memref<128x128xf32, #tpu.memory_space<vmem>>[vector<16xi32>, vector<16xi32>], vector<16xf32>,
      %mul3A_778 = arith.mulf %gather3A_773, %gather3A_777 : vector<16xf32>
      %add3A_779 = arith.addf %add3A_769, %mul3A_778 : vector<16xf32>
      %add3A_780 = arith.constant 60 : i32
      %add3A_781 = vector.broadcast %add3A_780 : i32 to vector<16xi32>
      %add3A_782 = arith.addi %mul3A_171, %add3A_781 : vector<16xi32>
      %gather3A_783 = tpu.vector_load_idx %arg14[%add3A_165, %add3A_782] : memref<128x128xf32, #tpu.memory_space<vmem>>[vector<16xi32>, vector<16xi32>], vector<16xf32>,
      %add3A_784 = arith.constant 60 : i32
      %add3A_785 = vector.broadcast %add3A_784 : i32 to vector<16xi32>
      %add3A_786 = arith.addi %mul3A_179, %add3A_785 : vector<16xi32>
      %gather3A_787 = tpu.vector_load_idx %arg16[%add3A_165, %add3A_786] : memref<128x128xf32, #tpu.memory_space<vmem>>[vector<16xi32>, vector<16xi32>], vector<16xf32>,
      %mul3A_788 = arith.mulf %gather3A_783, %gather3A_787 : vector<16xf32>
      %add3A_789 = arith.addf %add3A_779, %mul3A_788 : vector<16xf32>
      %add3A_790 = arith.constant 61 : i32
      %add3A_791 = vector.broadcast %add3A_790 : i32 to vector<16xi32>
      %add3A_792 = arith.addi %mul3A_171, %add3A_791 : vector<16xi32>
      %gather3A_793 = tpu.vector_load_idx %arg14[%add3A_165, %add3A_792] : memref<128x128xf32, #tpu.memory_space<vmem>>[vector<16xi32>, vector<16xi32>], vector<16xf32>,
      %add3A_794 = arith.constant 61 : i32
      %add3A_795 = vector.broadcast %add3A_794 : i32 to vector<16xi32>
      %add3A_796 = arith.addi %mul3A_179, %add3A_795 : vector<16xi32>
      %gather3A_797 = tpu.vector_load_idx %arg16[%add3A_165, %add3A_796] : memref<128x128xf32, #tpu.memory_space<vmem>>[vector<16xi32>, vector<16xi32>], vector<16xf32>,
      %mul3A_798 = arith.mulf %gather3A_793, %gather3A_797 : vector<16xf32>
      %add3A_799 = arith.addf %add3A_789, %mul3A_798 : vector<16xf32>
      %add3A_800 = arith.constant 62 : i32
      %add3A_801 = vector.broadcast %add3A_800 : i32 to vector<16xi32>
      %add3A_802 = arith.addi %mul3A_171, %add3A_801 : vector<16xi32>
      %gather3A_803 = tpu.vector_load_idx %arg14[%add3A_165, %add3A_802] : memref<128x128xf32, #tpu.memory_space<vmem>>[vector<16xi32>, vector<16xi32>], vector<16xf32>,
      %add3A_804 = arith.constant 62 : i32
      %add3A_805 = vector.broadcast %add3A_804 : i32 to vector<16xi32>
      %add3A_806 = arith.addi %mul3A_179, %add3A_805 : vector<16xi32>
      %gather3A_807 = tpu.vector_load_idx %arg16[%add3A_165, %add3A_806] : memref<128x128xf32, #tpu.memory_space<vmem>>[vector<16xi32>, vector<16xi32>], vector<16xf32>,
      %mul3A_808 = arith.mulf %gather3A_803, %gather3A_807 : vector<16xf32>
      %add3A_809 = arith.addf %add3A_799, %mul3A_808 : vector<16xf32>
      %add3A_810 = arith.constant 63 : i32
      %add3A_811 = vector.broadcast %add3A_810 : i32 to vector<16xi32>
      %add3A_812 = arith.addi %mul3A_171, %add3A_811 : vector<16xi32>
      %gather3A_813 = tpu.vector_load_idx %arg14[%add3A_165, %add3A_812] : memref<128x128xf32, #tpu.memory_space<vmem>>[vector<16xi32>, vector<16xi32>], vector<16xf32>,
      %add3A_814 = arith.constant 63 : i32
      %add3A_815 = vector.broadcast %add3A_814 : i32 to vector<16xi32>
      %add3A_816 = arith.addi %mul3A_179, %add3A_815 : vector<16xi32>
      %gather3A_817 = tpu.vector_load_idx %arg16[%add3A_165, %add3A_816] : memref<128x128xf32, #tpu.memory_space<vmem>>[vector<16xi32>, vector<16xi32>], vector<16xf32>,
      %mul3A_818 = arith.mulf %gather3A_813, %gather3A_817 : vector<16xf32>
      %add3A_819 = arith.addf %add3A_809, %mul3A_818 : vector<16xf32>
      %neg3A = arith.constant 0.000000e+00 : f32
      %neg3A_820 = vector.broadcast %neg3A : f32 to vector<16xf32>
      %neg3A_821 = arith.subf %neg3A_820, %add3A_819 : vector<16xf32>
      %exp3A = math.exp %neg3A_821 : vector<16xf32>
      %add3A_822 = arith.constant 1.000000e+00 : f32
      %add3A_823 = vector.broadcast %add3A_822 : f32 to vector<16xf32>
      %add3A_824 = arith.addf %add3A_823, %exp3A : vector<16xf32>
      %div3A = arith.constant 1.000000e+00 : f32
      %div3A_825 = vector.broadcast %div3A : f32 to vector<16xf32>
      %div3A_826 = arith.divf %div3A_825, %add3A_824 : vector<16xf32>
      %swap3A = arith.index_cast %add3A_161 : i32 to index
      %swap3A_827 = tpu.vector_load %arg17[%swap3A] {strides = array<i32>} : memref<512xf32, #tpu.memory_space<vmem>>, vector<16xf32>,
      tpu.vector_store %arg17[%swap3A], %div3A_826 {strides = array<i32>} : memref<512xf32, #tpu.memory_space<vmem>>, vector<16xf32>,
      %scan3A_828 = arith.constant 0 : i32
      scf.yield %scan3A_828 : i32
    }
    %scan3A_93 = arith.constant 8 : i32
    %dma_start3A_94 = arith.constant 2 : i32
    %dma_start3A_95 = arith.constant 384 : i32
    %dma_start3A_96 = tpu.memref_slice %arg11[%dma_start3A_95] : memref<512xi32, #tpu.memory_space<vmem>> -> memref<128xi32, #tpu.memory_space<vmem>>
    %dma_start3A_97 = arith.constant 0 : i32
    %dma_start3A_98 = arith.constant 0 : i32
    %dma_start3A_99 = tpu.memref_slice %arg6[%dma_start3A_97, %dma_start3A_98] : memref<500000x128xf32, #tpu.memory_space<hbm>> -> memref<500000x128xf32, #tpu.memory_space<hbm>>
    %dma_start3A_100 = tpu.memref_slice %arg18[%dma_start3A_94] : memref<4x!tpu.dma_semaphore, #tpu.memory_space<semaphore_mem>> -> memref<1x!tpu.dma_semaphore, #tpu.memory_space<semaphore_mem>>
    %dma_start3A_101 = tpu.memref_squeeze %dma_start3A_100 : memref<1x!tpu.dma_semaphore, #tpu.memory_space<semaphore_mem>> -> memref<!tpu.dma_semaphore, #tpu.memory_space<semaphore_mem>>
    tpu.enqueue_indirect_dma source(%dma_start3A_99 : memref<500000x128xf32, #tpu.memory_space<hbm>>) target(%arg14 : memref<128x128xf32, #tpu.memory_space<vmem>>) offsets(%dma_start3A_96 : memref<128xi32, #tpu.memory_space<vmem>>) semaphore(%dma_start3A_101 : memref<!tpu.dma_semaphore, #tpu.memory_space<semaphore_mem>>)
    %dma_start3A_102 = arith.constant 3 : i32
    %dma_start3A_103 = arith.constant 384 : i32
    %dma_start3A_104 = tpu.memref_slice %arg12[%dma_start3A_103] : memref<512xi32, #tpu.memory_space<vmem>> -> memref<128xi32, #tpu.memory_space<vmem>>
    %dma_start3A_105 = arith.constant 0 : i32
    %dma_start3A_106 = arith.constant 0 : i32
    %dma_start3A_107 = tpu.memref_slice %arg7[%dma_start3A_105, %dma_start3A_106] : memref<500000x128xf32, #tpu.memory_space<hbm>> -> memref<500000x128xf32, #tpu.memory_space<hbm>>
    %dma_start3A_108 = tpu.memref_slice %arg18[%dma_start3A_102] : memref<4x!tpu.dma_semaphore, #tpu.memory_space<semaphore_mem>> -> memref<1x!tpu.dma_semaphore, #tpu.memory_space<semaphore_mem>>
    %dma_start3A_109 = tpu.memref_squeeze %dma_start3A_108 : memref<1x!tpu.dma_semaphore, #tpu.memory_space<semaphore_mem>> -> memref<!tpu.dma_semaphore, #tpu.memory_space<semaphore_mem>>
    tpu.enqueue_indirect_dma source(%dma_start3A_107 : memref<500000x128xf32, #tpu.memory_space<hbm>>) target(%arg16 : memref<128x128xf32, #tpu.memory_space<vmem>>) offsets(%dma_start3A_104 : memref<128xi32, #tpu.memory_space<vmem>>) semaphore(%dma_start3A_109 : memref<!tpu.dma_semaphore, #tpu.memory_space<semaphore_mem>>)
    %dma_wait3A_110 = arith.constant 0 : i32
    %dma_wait3A_111 = arith.constant 256 : i32
    %dma_wait3A_112 = tpu.memref_slice %arg11[%dma_wait3A_111] : memref<512xi32, #tpu.memory_space<vmem>> -> memref<128xi32, #tpu.memory_space<vmem>>
    %dma_wait3A_113 = arith.constant 0 : i32
    %dma_wait3A_114 = arith.constant 0 : i32
    %dma_wait3A_115 = tpu.memref_slice %arg6[%dma_wait3A_113, %dma_wait3A_114] : memref<500000x128xf32, #tpu.memory_space<hbm>> -> memref<500000x128xf32, #tpu.memory_space<hbm>>
    %dma_wait3A_116 = tpu.memref_slice %arg18[%dma_wait3A_110] : memref<4x!tpu.dma_semaphore, #tpu.memory_space<semaphore_mem>> -> memref<1x!tpu.dma_semaphore, #tpu.memory_space<semaphore_mem>>
    %dma_wait3A_117 = tpu.memref_squeeze %dma_wait3A_116 : memref<1x!tpu.dma_semaphore, #tpu.memory_space<semaphore_mem>> -> memref<!tpu.dma_semaphore, #tpu.memory_space<semaphore_mem>>
    tpu.wait_indirect_dma semaphore(%dma_wait3A_117 : memref<!tpu.dma_semaphore, #tpu.memory_space<semaphore_mem>>) src(%dma_wait3A_115 : memref<500000x128xf32, #tpu.memory_space<hbm>>) dst(%arg13 : memref<128x128xf32, #tpu.memory_space<vmem>>)
    %dma_wait3A_118 = arith.constant 1 : i32
    %dma_wait3A_119 = arith.constant 256 : i32
    %dma_wait3A_120 = tpu.memref_slice %arg12[%dma_wait3A_119] : memref<512xi32, #tpu.memory_space<vmem>> -> memref<128xi32, #tpu.memory_space<vmem>>
    %dma_wait3A_121 = arith.constant 0 : i32
    %dma_wait3A_122 = arith.constant 0 : i32
    %dma_wait3A_123 = tpu.memref_slice %arg7[%dma_wait3A_121, %dma_wait3A_122] : memref<500000x128xf32, #tpu.memory_space<hbm>> -> memref<500000x128xf32, #tpu.memory_space<hbm>>
    %dma_wait3A_124 = tpu.memref_slice %arg18[%dma_wait3A_118] : memref<4x!tpu.dma_semaphore, #tpu.memory_space<semaphore_mem>> -> memref<1x!tpu.dma_semaphore, #tpu.memory_space<semaphore_mem>>
    %dma_wait3A_125 = tpu.memref_squeeze %dma_wait3A_124 : memref<1x!tpu.dma_semaphore, #tpu.memory_space<semaphore_mem>> -> memref<!tpu.dma_semaphore, #tpu.memory_space<semaphore_mem>>
    tpu.wait_indirect_dma semaphore(%dma_wait3A_125 : memref<!tpu.dma_semaphore, #tpu.memory_space<semaphore_mem>>) src(%dma_wait3A_123 : memref<500000x128xf32, #tpu.memory_space<hbm>>) dst(%arg15 : memref<128x128xf32, #tpu.memory_space<vmem>>)
    %scan3A_126 = arith.constant 0 : i32
    %scan3A_127 = arith.constant 0 : i32
    %scan3A_128 = arith.constant 8 : i32
    %scan3A_129 = arith.addi %scan3A_127, %scan3A_128 : i32
    %scan3A_130 = arith.constant 1 : i32
    %scan3A_131 = scf.for %scan3A_156 = %scan3A_127 to %scan3A_129 step %scan3A_130 iter_args(%scan3A_157 = %scan3A_126) -> (i32)  : i32 {
      %mul3A_158 = arith.constant 16 : i32
      %mul3A_159 = arith.muli %scan3A_156, %mul3A_158 : i32
      %add3A_160 = arith.constant 256 : i32
      %add3A_161 = arith.addi %add3A_160, %mul3A_159 : i32
      %iota3A = tpu.iota {dimensions = array<i32: 0>} : vector<16xi32>
      %mul3A_162 = arith.constant 16 : i32
      %mul3A_163 = arith.muli %scan3A_156, %mul3A_162 : i32
      %add3A_164 = vector.broadcast %mul3A_163 : i32 to vector<16xi32>
      %add3A_165 = arith.addi %iota3A, %add3A_164 : vector<16xi32>
      %get3A = arith.index_cast %add3A_161 : i32 to index
      %get3A_166 = tpu.vector_load %arg9[%get3A] {strides = array<i32>} : memref<512xi32, #tpu.memory_space<vmem>>, vector<16xi32>,
      %and3A = arith.constant 1 : i32
      %and3A_167 = vector.broadcast %and3A : i32 to vector<16xi32>
      %and3A_168 = arith.andi %get3A_166, %and3A_167 : vector<16xi32>
      %mul3A_169 = arith.constant 64 : i32
      %mul3A_170 = vector.broadcast %mul3A_169 : i32 to vector<16xi32>
      %mul3A_171 = arith.muli %and3A_168, %mul3A_170 : vector<16xi32>
      %get3A_172 = arith.index_cast %add3A_161 : i32 to index
      %get3A_173 = tpu.vector_load %arg10[%get3A_172] {strides = array<i32>} : memref<512xi32, #tpu.memory_space<vmem>>, vector<16xi32>,
      %and3A_174 = arith.constant 1 : i32
      %and3A_175 = vector.broadcast %and3A_174 : i32 to vector<16xi32>
      %and3A_176 = arith.andi %get3A_173, %and3A_175 : vector<16xi32>
      %mul3A_177 = arith.constant 64 : i32
      %mul3A_178 = vector.broadcast %mul3A_177 : i32 to vector<16xi32>
      %mul3A_179 = arith.muli %and3A_176, %mul3A_178 : vector<16xi32>
      %broadcast_in_dim3A = arith.constant 0.000000e+00 : f32
      %broadcast_in_dim3A_180 = vector.broadcast %broadcast_in_dim3A : f32 to vector<16xf32>
      %add3A_181 = arith.constant 0 : i32
      %add3A_182 = vector.broadcast %add3A_181 : i32 to vector<16xi32>
      %add3A_183 = arith.addi %mul3A_171, %add3A_182 : vector<16xi32>
      %gather3A = tpu.vector_load_idx %arg13[%add3A_165, %add3A_183] : memref<128x128xf32, #tpu.memory_space<vmem>>[vector<16xi32>, vector<16xi32>], vector<16xf32>,
      %add3A_184 = arith.constant 0 : i32
      %add3A_185 = vector.broadcast %add3A_184 : i32 to vector<16xi32>
      %add3A_186 = arith.addi %mul3A_179, %add3A_185 : vector<16xi32>
      %gather3A_187 = tpu.vector_load_idx %arg15[%add3A_165, %add3A_186] : memref<128x128xf32, #tpu.memory_space<vmem>>[vector<16xi32>, vector<16xi32>], vector<16xf32>,
      %mul3A_188 = arith.mulf %gather3A, %gather3A_187 : vector<16xf32>
      %add3A_189 = arith.addf %broadcast_in_dim3A_180, %mul3A_188 : vector<16xf32>
      %add3A_190 = arith.constant 1 : i32
      %add3A_191 = vector.broadcast %add3A_190 : i32 to vector<16xi32>
      %add3A_192 = arith.addi %mul3A_171, %add3A_191 : vector<16xi32>
      %gather3A_193 = tpu.vector_load_idx %arg13[%add3A_165, %add3A_192] : memref<128x128xf32, #tpu.memory_space<vmem>>[vector<16xi32>, vector<16xi32>], vector<16xf32>,
      %add3A_194 = arith.constant 1 : i32
      %add3A_195 = vector.broadcast %add3A_194 : i32 to vector<16xi32>
      %add3A_196 = arith.addi %mul3A_179, %add3A_195 : vector<16xi32>
      %gather3A_197 = tpu.vector_load_idx %arg15[%add3A_165, %add3A_196] : memref<128x128xf32, #tpu.memory_space<vmem>>[vector<16xi32>, vector<16xi32>], vector<16xf32>,
      %mul3A_198 = arith.mulf %gather3A_193, %gather3A_197 : vector<16xf32>
      %add3A_199 = arith.addf %add3A_189, %mul3A_198 : vector<16xf32>
      %add3A_200 = arith.constant 2 : i32
      %add3A_201 = vector.broadcast %add3A_200 : i32 to vector<16xi32>
      %add3A_202 = arith.addi %mul3A_171, %add3A_201 : vector<16xi32>
      %gather3A_203 = tpu.vector_load_idx %arg13[%add3A_165, %add3A_202] : memref<128x128xf32, #tpu.memory_space<vmem>>[vector<16xi32>, vector<16xi32>], vector<16xf32>,
      %add3A_204 = arith.constant 2 : i32
      %add3A_205 = vector.broadcast %add3A_204 : i32 to vector<16xi32>
      %add3A_206 = arith.addi %mul3A_179, %add3A_205 : vector<16xi32>
      %gather3A_207 = tpu.vector_load_idx %arg15[%add3A_165, %add3A_206] : memref<128x128xf32, #tpu.memory_space<vmem>>[vector<16xi32>, vector<16xi32>], vector<16xf32>,
      %mul3A_208 = arith.mulf %gather3A_203, %gather3A_207 : vector<16xf32>
      %add3A_209 = arith.addf %add3A_199, %mul3A_208 : vector<16xf32>
      %add3A_210 = arith.constant 3 : i32
      %add3A_211 = vector.broadcast %add3A_210 : i32 to vector<16xi32>
      %add3A_212 = arith.addi %mul3A_171, %add3A_211 : vector<16xi32>
      %gather3A_213 = tpu.vector_load_idx %arg13[%add3A_165, %add3A_212] : memref<128x128xf32, #tpu.memory_space<vmem>>[vector<16xi32>, vector<16xi32>], vector<16xf32>,
      %add3A_214 = arith.constant 3 : i32
      %add3A_215 = vector.broadcast %add3A_214 : i32 to vector<16xi32>
      %add3A_216 = arith.addi %mul3A_179, %add3A_215 : vector<16xi32>
      %gather3A_217 = tpu.vector_load_idx %arg15[%add3A_165, %add3A_216] : memref<128x128xf32, #tpu.memory_space<vmem>>[vector<16xi32>, vector<16xi32>], vector<16xf32>,
      %mul3A_218 = arith.mulf %gather3A_213, %gather3A_217 : vector<16xf32>
      %add3A_219 = arith.addf %add3A_209, %mul3A_218 : vector<16xf32>
      %add3A_220 = arith.constant 4 : i32
      %add3A_221 = vector.broadcast %add3A_220 : i32 to vector<16xi32>
      %add3A_222 = arith.addi %mul3A_171, %add3A_221 : vector<16xi32>
      %gather3A_223 = tpu.vector_load_idx %arg13[%add3A_165, %add3A_222] : memref<128x128xf32, #tpu.memory_space<vmem>>[vector<16xi32>, vector<16xi32>], vector<16xf32>,
      %add3A_224 = arith.constant 4 : i32
      %add3A_225 = vector.broadcast %add3A_224 : i32 to vector<16xi32>
      %add3A_226 = arith.addi %mul3A_179, %add3A_225 : vector<16xi32>
      %gather3A_227 = tpu.vector_load_idx %arg15[%add3A_165, %add3A_226] : memref<128x128xf32, #tpu.memory_space<vmem>>[vector<16xi32>, vector<16xi32>], vector<16xf32>,
      %mul3A_228 = arith.mulf %gather3A_223, %gather3A_227 : vector<16xf32>
      %add3A_229 = arith.addf %add3A_219, %mul3A_228 : vector<16xf32>
      %add3A_230 = arith.constant 5 : i32
      %add3A_231 = vector.broadcast %add3A_230 : i32 to vector<16xi32>
      %add3A_232 = arith.addi %mul3A_171, %add3A_231 : vector<16xi32>
      %gather3A_233 = tpu.vector_load_idx %arg13[%add3A_165, %add3A_232] : memref<128x128xf32, #tpu.memory_space<vmem>>[vector<16xi32>, vector<16xi32>], vector<16xf32>,
      %add3A_234 = arith.constant 5 : i32
      %add3A_235 = vector.broadcast %add3A_234 : i32 to vector<16xi32>
      %add3A_236 = arith.addi %mul3A_179, %add3A_235 : vector<16xi32>
      %gather3A_237 = tpu.vector_load_idx %arg15[%add3A_165, %add3A_236] : memref<128x128xf32, #tpu.memory_space<vmem>>[vector<16xi32>, vector<16xi32>], vector<16xf32>,
      %mul3A_238 = arith.mulf %gather3A_233, %gather3A_237 : vector<16xf32>
      %add3A_239 = arith.addf %add3A_229, %mul3A_238 : vector<16xf32>
      %add3A_240 = arith.constant 6 : i32
      %add3A_241 = vector.broadcast %add3A_240 : i32 to vector<16xi32>
      %add3A_242 = arith.addi %mul3A_171, %add3A_241 : vector<16xi32>
      %gather3A_243 = tpu.vector_load_idx %arg13[%add3A_165, %add3A_242] : memref<128x128xf32, #tpu.memory_space<vmem>>[vector<16xi32>, vector<16xi32>], vector<16xf32>,
      %add3A_244 = arith.constant 6 : i32
      %add3A_245 = vector.broadcast %add3A_244 : i32 to vector<16xi32>
      %add3A_246 = arith.addi %mul3A_179, %add3A_245 : vector<16xi32>
      %gather3A_247 = tpu.vector_load_idx %arg15[%add3A_165, %add3A_246] : memref<128x128xf32, #tpu.memory_space<vmem>>[vector<16xi32>, vector<16xi32>], vector<16xf32>,
      %mul3A_248 = arith.mulf %gather3A_243, %gather3A_247 : vector<16xf32>
      %add3A_249 = arith.addf %add3A_239, %mul3A_248 : vector<16xf32>
      %add3A_250 = arith.constant 7 : i32
      %add3A_251 = vector.broadcast %add3A_250 : i32 to vector<16xi32>
      %add3A_252 = arith.addi %mul3A_171, %add3A_251 : vector<16xi32>
      %gather3A_253 = tpu.vector_load_idx %arg13[%add3A_165, %add3A_252] : memref<128x128xf32, #tpu.memory_space<vmem>>[vector<16xi32>, vector<16xi32>], vector<16xf32>,
      %add3A_254 = arith.constant 7 : i32
      %add3A_255 = vector.broadcast %add3A_254 : i32 to vector<16xi32>
      %add3A_256 = arith.addi %mul3A_179, %add3A_255 : vector<16xi32>
      %gather3A_257 = tpu.vector_load_idx %arg15[%add3A_165, %add3A_256] : memref<128x128xf32, #tpu.memory_space<vmem>>[vector<16xi32>, vector<16xi32>], vector<16xf32>,
      %mul3A_258 = arith.mulf %gather3A_253, %gather3A_257 : vector<16xf32>
      %add3A_259 = arith.addf %add3A_249, %mul3A_258 : vector<16xf32>
      %add3A_260 = arith.constant 8 : i32
      %add3A_261 = vector.broadcast %add3A_260 : i32 to vector<16xi32>
      %add3A_262 = arith.addi %mul3A_171, %add3A_261 : vector<16xi32>
      %gather3A_263 = tpu.vector_load_idx %arg13[%add3A_165, %add3A_262] : memref<128x128xf32, #tpu.memory_space<vmem>>[vector<16xi32>, vector<16xi32>], vector<16xf32>,
      %add3A_264 = arith.constant 8 : i32
      %add3A_265 = vector.broadcast %add3A_264 : i32 to vector<16xi32>
      %add3A_266 = arith.addi %mul3A_179, %add3A_265 : vector<16xi32>
      %gather3A_267 = tpu.vector_load_idx %arg15[%add3A_165, %add3A_266] : memref<128x128xf32, #tpu.memory_space<vmem>>[vector<16xi32>, vector<16xi32>], vector<16xf32>,
      %mul3A_268 = arith.mulf %gather3A_263, %gather3A_267 : vector<16xf32>
      %add3A_269 = arith.addf %add3A_259, %mul3A_268 : vector<16xf32>
      %add3A_270 = arith.constant 9 : i32
      %add3A_271 = vector.broadcast %add3A_270 : i32 to vector<16xi32>
      %add3A_272 = arith.addi %mul3A_171, %add3A_271 : vector<16xi32>
      %gather3A_273 = tpu.vector_load_idx %arg13[%add3A_165, %add3A_272] : memref<128x128xf32, #tpu.memory_space<vmem>>[vector<16xi32>, vector<16xi32>], vector<16xf32>,
      %add3A_274 = arith.constant 9 : i32
      %add3A_275 = vector.broadcast %add3A_274 : i32 to vector<16xi32>
      %add3A_276 = arith.addi %mul3A_179, %add3A_275 : vector<16xi32>
      %gather3A_277 = tpu.vector_load_idx %arg15[%add3A_165, %add3A_276] : memref<128x128xf32, #tpu.memory_space<vmem>>[vector<16xi32>, vector<16xi32>], vector<16xf32>,
      %mul3A_278 = arith.mulf %gather3A_273, %gather3A_277 : vector<16xf32>
      %add3A_279 = arith.addf %add3A_269, %mul3A_278 : vector<16xf32>
      %add3A_280 = arith.constant 10 : i32
      %add3A_281 = vector.broadcast %add3A_280 : i32 to vector<16xi32>
      %add3A_282 = arith.addi %mul3A_171, %add3A_281 : vector<16xi32>
      %gather3A_283 = tpu.vector_load_idx %arg13[%add3A_165, %add3A_282] : memref<128x128xf32, #tpu.memory_space<vmem>>[vector<16xi32>, vector<16xi32>], vector<16xf32>,
      %add3A_284 = arith.constant 10 : i32
      %add3A_285 = vector.broadcast %add3A_284 : i32 to vector<16xi32>
      %add3A_286 = arith.addi %mul3A_179, %add3A_285 : vector<16xi32>
      %gather3A_287 = tpu.vector_load_idx %arg15[%add3A_165, %add3A_286] : memref<128x128xf32, #tpu.memory_space<vmem>>[vector<16xi32>, vector<16xi32>], vector<16xf32>,
      %mul3A_288 = arith.mulf %gather3A_283, %gather3A_287 : vector<16xf32>
      %add3A_289 = arith.addf %add3A_279, %mul3A_288 : vector<16xf32>
      %add3A_290 = arith.constant 11 : i32
      %add3A_291 = vector.broadcast %add3A_290 : i32 to vector<16xi32>
      %add3A_292 = arith.addi %mul3A_171, %add3A_291 : vector<16xi32>
      %gather3A_293 = tpu.vector_load_idx %arg13[%add3A_165, %add3A_292] : memref<128x128xf32, #tpu.memory_space<vmem>>[vector<16xi32>, vector<16xi32>], vector<16xf32>,
      %add3A_294 = arith.constant 11 : i32
      %add3A_295 = vector.broadcast %add3A_294 : i32 to vector<16xi32>
      %add3A_296 = arith.addi %mul3A_179, %add3A_295 : vector<16xi32>
      %gather3A_297 = tpu.vector_load_idx %arg15[%add3A_165, %add3A_296] : memref<128x128xf32, #tpu.memory_space<vmem>>[vector<16xi32>, vector<16xi32>], vector<16xf32>,
      %mul3A_298 = arith.mulf %gather3A_293, %gather3A_297 : vector<16xf32>
      %add3A_299 = arith.addf %add3A_289, %mul3A_298 : vector<16xf32>
      %add3A_300 = arith.constant 12 : i32
      %add3A_301 = vector.broadcast %add3A_300 : i32 to vector<16xi32>
      %add3A_302 = arith.addi %mul3A_171, %add3A_301 : vector<16xi32>
      %gather3A_303 = tpu.vector_load_idx %arg13[%add3A_165, %add3A_302] : memref<128x128xf32, #tpu.memory_space<vmem>>[vector<16xi32>, vector<16xi32>], vector<16xf32>,
      %add3A_304 = arith.constant 12 : i32
      %add3A_305 = vector.broadcast %add3A_304 : i32 to vector<16xi32>
      %add3A_306 = arith.addi %mul3A_179, %add3A_305 : vector<16xi32>
      %gather3A_307 = tpu.vector_load_idx %arg15[%add3A_165, %add3A_306] : memref<128x128xf32, #tpu.memory_space<vmem>>[vector<16xi32>, vector<16xi32>], vector<16xf32>,
      %mul3A_308 = arith.mulf %gather3A_303, %gather3A_307 : vector<16xf32>
      %add3A_309 = arith.addf %add3A_299, %mul3A_308 : vector<16xf32>
      %add3A_310 = arith.constant 13 : i32
      %add3A_311 = vector.broadcast %add3A_310 : i32 to vector<16xi32>
      %add3A_312 = arith.addi %mul3A_171, %add3A_311 : vector<16xi32>
      %gather3A_313 = tpu.vector_load_idx %arg13[%add3A_165, %add3A_312] : memref<128x128xf32, #tpu.memory_space<vmem>>[vector<16xi32>, vector<16xi32>], vector<16xf32>,
      %add3A_314 = arith.constant 13 : i32
      %add3A_315 = vector.broadcast %add3A_314 : i32 to vector<16xi32>
      %add3A_316 = arith.addi %mul3A_179, %add3A_315 : vector<16xi32>
      %gather3A_317 = tpu.vector_load_idx %arg15[%add3A_165, %add3A_316] : memref<128x128xf32, #tpu.memory_space<vmem>>[vector<16xi32>, vector<16xi32>], vector<16xf32>,
      %mul3A_318 = arith.mulf %gather3A_313, %gather3A_317 : vector<16xf32>
      %add3A_319 = arith.addf %add3A_309, %mul3A_318 : vector<16xf32>
      %add3A_320 = arith.constant 14 : i32
      %add3A_321 = vector.broadcast %add3A_320 : i32 to vector<16xi32>
      %add3A_322 = arith.addi %mul3A_171, %add3A_321 : vector<16xi32>
      %gather3A_323 = tpu.vector_load_idx %arg13[%add3A_165, %add3A_322] : memref<128x128xf32, #tpu.memory_space<vmem>>[vector<16xi32>, vector<16xi32>], vector<16xf32>,
      %add3A_324 = arith.constant 14 : i32
      %add3A_325 = vector.broadcast %add3A_324 : i32 to vector<16xi32>
      %add3A_326 = arith.addi %mul3A_179, %add3A_325 : vector<16xi32>
      %gather3A_327 = tpu.vector_load_idx %arg15[%add3A_165, %add3A_326] : memref<128x128xf32, #tpu.memory_space<vmem>>[vector<16xi32>, vector<16xi32>], vector<16xf32>,
      %mul3A_328 = arith.mulf %gather3A_323, %gather3A_327 : vector<16xf32>
      %add3A_329 = arith.addf %add3A_319, %mul3A_328 : vector<16xf32>
      %add3A_330 = arith.constant 15 : i32
      %add3A_331 = vector.broadcast %add3A_330 : i32 to vector<16xi32>
      %add3A_332 = arith.addi %mul3A_171, %add3A_331 : vector<16xi32>
      %gather3A_333 = tpu.vector_load_idx %arg13[%add3A_165, %add3A_332] : memref<128x128xf32, #tpu.memory_space<vmem>>[vector<16xi32>, vector<16xi32>], vector<16xf32>,
      %add3A_334 = arith.constant 15 : i32
      %add3A_335 = vector.broadcast %add3A_334 : i32 to vector<16xi32>
      %add3A_336 = arith.addi %mul3A_179, %add3A_335 : vector<16xi32>
      %gather3A_337 = tpu.vector_load_idx %arg15[%add3A_165, %add3A_336] : memref<128x128xf32, #tpu.memory_space<vmem>>[vector<16xi32>, vector<16xi32>], vector<16xf32>,
      %mul3A_338 = arith.mulf %gather3A_333, %gather3A_337 : vector<16xf32>
      %add3A_339 = arith.addf %add3A_329, %mul3A_338 : vector<16xf32>
      %add3A_340 = arith.constant 16 : i32
      %add3A_341 = vector.broadcast %add3A_340 : i32 to vector<16xi32>
      %add3A_342 = arith.addi %mul3A_171, %add3A_341 : vector<16xi32>
      %gather3A_343 = tpu.vector_load_idx %arg13[%add3A_165, %add3A_342] : memref<128x128xf32, #tpu.memory_space<vmem>>[vector<16xi32>, vector<16xi32>], vector<16xf32>,
      %add3A_344 = arith.constant 16 : i32
      %add3A_345 = vector.broadcast %add3A_344 : i32 to vector<16xi32>
      %add3A_346 = arith.addi %mul3A_179, %add3A_345 : vector<16xi32>
      %gather3A_347 = tpu.vector_load_idx %arg15[%add3A_165, %add3A_346] : memref<128x128xf32, #tpu.memory_space<vmem>>[vector<16xi32>, vector<16xi32>], vector<16xf32>,
      %mul3A_348 = arith.mulf %gather3A_343, %gather3A_347 : vector<16xf32>
      %add3A_349 = arith.addf %add3A_339, %mul3A_348 : vector<16xf32>
      %add3A_350 = arith.constant 17 : i32
      %add3A_351 = vector.broadcast %add3A_350 : i32 to vector<16xi32>
      %add3A_352 = arith.addi %mul3A_171, %add3A_351 : vector<16xi32>
      %gather3A_353 = tpu.vector_load_idx %arg13[%add3A_165, %add3A_352] : memref<128x128xf32, #tpu.memory_space<vmem>>[vector<16xi32>, vector<16xi32>], vector<16xf32>,
      %add3A_354 = arith.constant 17 : i32
      %add3A_355 = vector.broadcast %add3A_354 : i32 to vector<16xi32>
      %add3A_356 = arith.addi %mul3A_179, %add3A_355 : vector<16xi32>
      %gather3A_357 = tpu.vector_load_idx %arg15[%add3A_165, %add3A_356] : memref<128x128xf32, #tpu.memory_space<vmem>>[vector<16xi32>, vector<16xi32>], vector<16xf32>,
      %mul3A_358 = arith.mulf %gather3A_353, %gather3A_357 : vector<16xf32>
      %add3A_359 = arith.addf %add3A_349, %mul3A_358 : vector<16xf32>
      %add3A_360 = arith.constant 18 : i32
      %add3A_361 = vector.broadcast %add3A_360 : i32 to vector<16xi32>
      %add3A_362 = arith.addi %mul3A_171, %add3A_361 : vector<16xi32>
      %gather3A_363 = tpu.vector_load_idx %arg13[%add3A_165, %add3A_362] : memref<128x128xf32, #tpu.memory_space<vmem>>[vector<16xi32>, vector<16xi32>], vector<16xf32>,
      %add3A_364 = arith.constant 18 : i32
      %add3A_365 = vector.broadcast %add3A_364 : i32 to vector<16xi32>
      %add3A_366 = arith.addi %mul3A_179, %add3A_365 : vector<16xi32>
      %gather3A_367 = tpu.vector_load_idx %arg15[%add3A_165, %add3A_366] : memref<128x128xf32, #tpu.memory_space<vmem>>[vector<16xi32>, vector<16xi32>], vector<16xf32>,
      %mul3A_368 = arith.mulf %gather3A_363, %gather3A_367 : vector<16xf32>
      %add3A_369 = arith.addf %add3A_359, %mul3A_368 : vector<16xf32>
      %add3A_370 = arith.constant 19 : i32
      %add3A_371 = vector.broadcast %add3A_370 : i32 to vector<16xi32>
      %add3A_372 = arith.addi %mul3A_171, %add3A_371 : vector<16xi32>
      %gather3A_373 = tpu.vector_load_idx %arg13[%add3A_165, %add3A_372] : memref<128x128xf32, #tpu.memory_space<vmem>>[vector<16xi32>, vector<16xi32>], vector<16xf32>,
      %add3A_374 = arith.constant 19 : i32
      %add3A_375 = vector.broadcast %add3A_374 : i32 to vector<16xi32>
      %add3A_376 = arith.addi %mul3A_179, %add3A_375 : vector<16xi32>
      %gather3A_377 = tpu.vector_load_idx %arg15[%add3A_165, %add3A_376] : memref<128x128xf32, #tpu.memory_space<vmem>>[vector<16xi32>, vector<16xi32>], vector<16xf32>,
      %mul3A_378 = arith.mulf %gather3A_373, %gather3A_377 : vector<16xf32>
      %add3A_379 = arith.addf %add3A_369, %mul3A_378 : vector<16xf32>
      %add3A_380 = arith.constant 20 : i32
      %add3A_381 = vector.broadcast %add3A_380 : i32 to vector<16xi32>
      %add3A_382 = arith.addi %mul3A_171, %add3A_381 : vector<16xi32>
      %gather3A_383 = tpu.vector_load_idx %arg13[%add3A_165, %add3A_382] : memref<128x128xf32, #tpu.memory_space<vmem>>[vector<16xi32>, vector<16xi32>], vector<16xf32>,
      %add3A_384 = arith.constant 20 : i32
      %add3A_385 = vector.broadcast %add3A_384 : i32 to vector<16xi32>
      %add3A_386 = arith.addi %mul3A_179, %add3A_385 : vector<16xi32>
      %gather3A_387 = tpu.vector_load_idx %arg15[%add3A_165, %add3A_386] : memref<128x128xf32, #tpu.memory_space<vmem>>[vector<16xi32>, vector<16xi32>], vector<16xf32>,
      %mul3A_388 = arith.mulf %gather3A_383, %gather3A_387 : vector<16xf32>
      %add3A_389 = arith.addf %add3A_379, %mul3A_388 : vector<16xf32>
      %add3A_390 = arith.constant 21 : i32
      %add3A_391 = vector.broadcast %add3A_390 : i32 to vector<16xi32>
      %add3A_392 = arith.addi %mul3A_171, %add3A_391 : vector<16xi32>
      %gather3A_393 = tpu.vector_load_idx %arg13[%add3A_165, %add3A_392] : memref<128x128xf32, #tpu.memory_space<vmem>>[vector<16xi32>, vector<16xi32>], vector<16xf32>,
      %add3A_394 = arith.constant 21 : i32
      %add3A_395 = vector.broadcast %add3A_394 : i32 to vector<16xi32>
      %add3A_396 = arith.addi %mul3A_179, %add3A_395 : vector<16xi32>
      %gather3A_397 = tpu.vector_load_idx %arg15[%add3A_165, %add3A_396] : memref<128x128xf32, #tpu.memory_space<vmem>>[vector<16xi32>, vector<16xi32>], vector<16xf32>,
      %mul3A_398 = arith.mulf %gather3A_393, %gather3A_397 : vector<16xf32>
      %add3A_399 = arith.addf %add3A_389, %mul3A_398 : vector<16xf32>
      %add3A_400 = arith.constant 22 : i32
      %add3A_401 = vector.broadcast %add3A_400 : i32 to vector<16xi32>
      %add3A_402 = arith.addi %mul3A_171, %add3A_401 : vector<16xi32>
      %gather3A_403 = tpu.vector_load_idx %arg13[%add3A_165, %add3A_402] : memref<128x128xf32, #tpu.memory_space<vmem>>[vector<16xi32>, vector<16xi32>], vector<16xf32>,
      %add3A_404 = arith.constant 22 : i32
      %add3A_405 = vector.broadcast %add3A_404 : i32 to vector<16xi32>
      %add3A_406 = arith.addi %mul3A_179, %add3A_405 : vector<16xi32>
      %gather3A_407 = tpu.vector_load_idx %arg15[%add3A_165, %add3A_406] : memref<128x128xf32, #tpu.memory_space<vmem>>[vector<16xi32>, vector<16xi32>], vector<16xf32>,
      %mul3A_408 = arith.mulf %gather3A_403, %gather3A_407 : vector<16xf32>
      %add3A_409 = arith.addf %add3A_399, %mul3A_408 : vector<16xf32>
      %add3A_410 = arith.constant 23 : i32
      %add3A_411 = vector.broadcast %add3A_410 : i32 to vector<16xi32>
      %add3A_412 = arith.addi %mul3A_171, %add3A_411 : vector<16xi32>
      %gather3A_413 = tpu.vector_load_idx %arg13[%add3A_165, %add3A_412] : memref<128x128xf32, #tpu.memory_space<vmem>>[vector<16xi32>, vector<16xi32>], vector<16xf32>,
      %add3A_414 = arith.constant 23 : i32
      %add3A_415 = vector.broadcast %add3A_414 : i32 to vector<16xi32>
      %add3A_416 = arith.addi %mul3A_179, %add3A_415 : vector<16xi32>
      %gather3A_417 = tpu.vector_load_idx %arg15[%add3A_165, %add3A_416] : memref<128x128xf32, #tpu.memory_space<vmem>>[vector<16xi32>, vector<16xi32>], vector<16xf32>,
      %mul3A_418 = arith.mulf %gather3A_413, %gather3A_417 : vector<16xf32>
      %add3A_419 = arith.addf %add3A_409, %mul3A_418 : vector<16xf32>
      %add3A_420 = arith.constant 24 : i32
      %add3A_421 = vector.broadcast %add3A_420 : i32 to vector<16xi32>
      %add3A_422 = arith.addi %mul3A_171, %add3A_421 : vector<16xi32>
      %gather3A_423 = tpu.vector_load_idx %arg13[%add3A_165, %add3A_422] : memref<128x128xf32, #tpu.memory_space<vmem>>[vector<16xi32>, vector<16xi32>], vector<16xf32>,
      %add3A_424 = arith.constant 24 : i32
      %add3A_425 = vector.broadcast %add3A_424 : i32 to vector<16xi32>
      %add3A_426 = arith.addi %mul3A_179, %add3A_425 : vector<16xi32>
      %gather3A_427 = tpu.vector_load_idx %arg15[%add3A_165, %add3A_426] : memref<128x128xf32, #tpu.memory_space<vmem>>[vector<16xi32>, vector<16xi32>], vector<16xf32>,
      %mul3A_428 = arith.mulf %gather3A_423, %gather3A_427 : vector<16xf32>
      %add3A_429 = arith.addf %add3A_419, %mul3A_428 : vector<16xf32>
      %add3A_430 = arith.constant 25 : i32
      %add3A_431 = vector.broadcast %add3A_430 : i32 to vector<16xi32>
      %add3A_432 = arith.addi %mul3A_171, %add3A_431 : vector<16xi32>
      %gather3A_433 = tpu.vector_load_idx %arg13[%add3A_165, %add3A_432] : memref<128x128xf32, #tpu.memory_space<vmem>>[vector<16xi32>, vector<16xi32>], vector<16xf32>,
      %add3A_434 = arith.constant 25 : i32
      %add3A_435 = vector.broadcast %add3A_434 : i32 to vector<16xi32>
      %add3A_436 = arith.addi %mul3A_179, %add3A_435 : vector<16xi32>
      %gather3A_437 = tpu.vector_load_idx %arg15[%add3A_165, %add3A_436] : memref<128x128xf32, #tpu.memory_space<vmem>>[vector<16xi32>, vector<16xi32>], vector<16xf32>,
      %mul3A_438 = arith.mulf %gather3A_433, %gather3A_437 : vector<16xf32>
      %add3A_439 = arith.addf %add3A_429, %mul3A_438 : vector<16xf32>
      %add3A_440 = arith.constant 26 : i32
      %add3A_441 = vector.broadcast %add3A_440 : i32 to vector<16xi32>
      %add3A_442 = arith.addi %mul3A_171, %add3A_441 : vector<16xi32>
      %gather3A_443 = tpu.vector_load_idx %arg13[%add3A_165, %add3A_442] : memref<128x128xf32, #tpu.memory_space<vmem>>[vector<16xi32>, vector<16xi32>], vector<16xf32>,
      %add3A_444 = arith.constant 26 : i32
      %add3A_445 = vector.broadcast %add3A_444 : i32 to vector<16xi32>
      %add3A_446 = arith.addi %mul3A_179, %add3A_445 : vector<16xi32>
      %gather3A_447 = tpu.vector_load_idx %arg15[%add3A_165, %add3A_446] : memref<128x128xf32, #tpu.memory_space<vmem>>[vector<16xi32>, vector<16xi32>], vector<16xf32>,
      %mul3A_448 = arith.mulf %gather3A_443, %gather3A_447 : vector<16xf32>
      %add3A_449 = arith.addf %add3A_439, %mul3A_448 : vector<16xf32>
      %add3A_450 = arith.constant 27 : i32
      %add3A_451 = vector.broadcast %add3A_450 : i32 to vector<16xi32>
      %add3A_452 = arith.addi %mul3A_171, %add3A_451 : vector<16xi32>
      %gather3A_453 = tpu.vector_load_idx %arg13[%add3A_165, %add3A_452] : memref<128x128xf32, #tpu.memory_space<vmem>>[vector<16xi32>, vector<16xi32>], vector<16xf32>,
      %add3A_454 = arith.constant 27 : i32
      %add3A_455 = vector.broadcast %add3A_454 : i32 to vector<16xi32>
      %add3A_456 = arith.addi %mul3A_179, %add3A_455 : vector<16xi32>
      %gather3A_457 = tpu.vector_load_idx %arg15[%add3A_165, %add3A_456] : memref<128x128xf32, #tpu.memory_space<vmem>>[vector<16xi32>, vector<16xi32>], vector<16xf32>,
      %mul3A_458 = arith.mulf %gather3A_453, %gather3A_457 : vector<16xf32>
      %add3A_459 = arith.addf %add3A_449, %mul3A_458 : vector<16xf32>
      %add3A_460 = arith.constant 28 : i32
      %add3A_461 = vector.broadcast %add3A_460 : i32 to vector<16xi32>
      %add3A_462 = arith.addi %mul3A_171, %add3A_461 : vector<16xi32>
      %gather3A_463 = tpu.vector_load_idx %arg13[%add3A_165, %add3A_462] : memref<128x128xf32, #tpu.memory_space<vmem>>[vector<16xi32>, vector<16xi32>], vector<16xf32>,
      %add3A_464 = arith.constant 28 : i32
      %add3A_465 = vector.broadcast %add3A_464 : i32 to vector<16xi32>
      %add3A_466 = arith.addi %mul3A_179, %add3A_465 : vector<16xi32>
      %gather3A_467 = tpu.vector_load_idx %arg15[%add3A_165, %add3A_466] : memref<128x128xf32, #tpu.memory_space<vmem>>[vector<16xi32>, vector<16xi32>], vector<16xf32>,
      %mul3A_468 = arith.mulf %gather3A_463, %gather3A_467 : vector<16xf32>
      %add3A_469 = arith.addf %add3A_459, %mul3A_468 : vector<16xf32>
      %add3A_470 = arith.constant 29 : i32
      %add3A_471 = vector.broadcast %add3A_470 : i32 to vector<16xi32>
      %add3A_472 = arith.addi %mul3A_171, %add3A_471 : vector<16xi32>
      %gather3A_473 = tpu.vector_load_idx %arg13[%add3A_165, %add3A_472] : memref<128x128xf32, #tpu.memory_space<vmem>>[vector<16xi32>, vector<16xi32>], vector<16xf32>,
      %add3A_474 = arith.constant 29 : i32
      %add3A_475 = vector.broadcast %add3A_474 : i32 to vector<16xi32>
      %add3A_476 = arith.addi %mul3A_179, %add3A_475 : vector<16xi32>
      %gather3A_477 = tpu.vector_load_idx %arg15[%add3A_165, %add3A_476] : memref<128x128xf32, #tpu.memory_space<vmem>>[vector<16xi32>, vector<16xi32>], vector<16xf32>,
      %mul3A_478 = arith.mulf %gather3A_473, %gather3A_477 : vector<16xf32>
      %add3A_479 = arith.addf %add3A_469, %mul3A_478 : vector<16xf32>
      %add3A_480 = arith.constant 30 : i32
      %add3A_481 = vector.broadcast %add3A_480 : i32 to vector<16xi32>
      %add3A_482 = arith.addi %mul3A_171, %add3A_481 : vector<16xi32>
      %gather3A_483 = tpu.vector_load_idx %arg13[%add3A_165, %add3A_482] : memref<128x128xf32, #tpu.memory_space<vmem>>[vector<16xi32>, vector<16xi32>], vector<16xf32>,
      %add3A_484 = arith.constant 30 : i32
      %add3A_485 = vector.broadcast %add3A_484 : i32 to vector<16xi32>
      %add3A_486 = arith.addi %mul3A_179, %add3A_485 : vector<16xi32>
      %gather3A_487 = tpu.vector_load_idx %arg15[%add3A_165, %add3A_486] : memref<128x128xf32, #tpu.memory_space<vmem>>[vector<16xi32>, vector<16xi32>], vector<16xf32>,
      %mul3A_488 = arith.mulf %gather3A_483, %gather3A_487 : vector<16xf32>
      %add3A_489 = arith.addf %add3A_479, %mul3A_488 : vector<16xf32>
      %add3A_490 = arith.constant 31 : i32
      %add3A_491 = vector.broadcast %add3A_490 : i32 to vector<16xi32>
      %add3A_492 = arith.addi %mul3A_171, %add3A_491 : vector<16xi32>
      %gather3A_493 = tpu.vector_load_idx %arg13[%add3A_165, %add3A_492] : memref<128x128xf32, #tpu.memory_space<vmem>>[vector<16xi32>, vector<16xi32>], vector<16xf32>,
      %add3A_494 = arith.constant 31 : i32
      %add3A_495 = vector.broadcast %add3A_494 : i32 to vector<16xi32>
      %add3A_496 = arith.addi %mul3A_179, %add3A_495 : vector<16xi32>
      %gather3A_497 = tpu.vector_load_idx %arg15[%add3A_165, %add3A_496] : memref<128x128xf32, #tpu.memory_space<vmem>>[vector<16xi32>, vector<16xi32>], vector<16xf32>,
      %mul3A_498 = arith.mulf %gather3A_493, %gather3A_497 : vector<16xf32>
      %add3A_499 = arith.addf %add3A_489, %mul3A_498 : vector<16xf32>
      %add3A_500 = arith.constant 32 : i32
      %add3A_501 = vector.broadcast %add3A_500 : i32 to vector<16xi32>
      %add3A_502 = arith.addi %mul3A_171, %add3A_501 : vector<16xi32>
      %gather3A_503 = tpu.vector_load_idx %arg13[%add3A_165, %add3A_502] : memref<128x128xf32, #tpu.memory_space<vmem>>[vector<16xi32>, vector<16xi32>], vector<16xf32>,
      %add3A_504 = arith.constant 32 : i32
      %add3A_505 = vector.broadcast %add3A_504 : i32 to vector<16xi32>
      %add3A_506 = arith.addi %mul3A_179, %add3A_505 : vector<16xi32>
      %gather3A_507 = tpu.vector_load_idx %arg15[%add3A_165, %add3A_506] : memref<128x128xf32, #tpu.memory_space<vmem>>[vector<16xi32>, vector<16xi32>], vector<16xf32>,
      %mul3A_508 = arith.mulf %gather3A_503, %gather3A_507 : vector<16xf32>
      %add3A_509 = arith.addf %add3A_499, %mul3A_508 : vector<16xf32>
      %add3A_510 = arith.constant 33 : i32
      %add3A_511 = vector.broadcast %add3A_510 : i32 to vector<16xi32>
      %add3A_512 = arith.addi %mul3A_171, %add3A_511 : vector<16xi32>
      %gather3A_513 = tpu.vector_load_idx %arg13[%add3A_165, %add3A_512] : memref<128x128xf32, #tpu.memory_space<vmem>>[vector<16xi32>, vector<16xi32>], vector<16xf32>,
      %add3A_514 = arith.constant 33 : i32
      %add3A_515 = vector.broadcast %add3A_514 : i32 to vector<16xi32>
      %add3A_516 = arith.addi %mul3A_179, %add3A_515 : vector<16xi32>
      %gather3A_517 = tpu.vector_load_idx %arg15[%add3A_165, %add3A_516] : memref<128x128xf32, #tpu.memory_space<vmem>>[vector<16xi32>, vector<16xi32>], vector<16xf32>,
      %mul3A_518 = arith.mulf %gather3A_513, %gather3A_517 : vector<16xf32>
      %add3A_519 = arith.addf %add3A_509, %mul3A_518 : vector<16xf32>
      %add3A_520 = arith.constant 34 : i32
      %add3A_521 = vector.broadcast %add3A_520 : i32 to vector<16xi32>
      %add3A_522 = arith.addi %mul3A_171, %add3A_521 : vector<16xi32>
      %gather3A_523 = tpu.vector_load_idx %arg13[%add3A_165, %add3A_522] : memref<128x128xf32, #tpu.memory_space<vmem>>[vector<16xi32>, vector<16xi32>], vector<16xf32>,
      %add3A_524 = arith.constant 34 : i32
      %add3A_525 = vector.broadcast %add3A_524 : i32 to vector<16xi32>
      %add3A_526 = arith.addi %mul3A_179, %add3A_525 : vector<16xi32>
      %gather3A_527 = tpu.vector_load_idx %arg15[%add3A_165, %add3A_526] : memref<128x128xf32, #tpu.memory_space<vmem>>[vector<16xi32>, vector<16xi32>], vector<16xf32>,
      %mul3A_528 = arith.mulf %gather3A_523, %gather3A_527 : vector<16xf32>
      %add3A_529 = arith.addf %add3A_519, %mul3A_528 : vector<16xf32>
      %add3A_530 = arith.constant 35 : i32
      %add3A_531 = vector.broadcast %add3A_530 : i32 to vector<16xi32>
      %add3A_532 = arith.addi %mul3A_171, %add3A_531 : vector<16xi32>
      %gather3A_533 = tpu.vector_load_idx %arg13[%add3A_165, %add3A_532] : memref<128x128xf32, #tpu.memory_space<vmem>>[vector<16xi32>, vector<16xi32>], vector<16xf32>,
      %add3A_534 = arith.constant 35 : i32
      %add3A_535 = vector.broadcast %add3A_534 : i32 to vector<16xi32>
      %add3A_536 = arith.addi %mul3A_179, %add3A_535 : vector<16xi32>
      %gather3A_537 = tpu.vector_load_idx %arg15[%add3A_165, %add3A_536] : memref<128x128xf32, #tpu.memory_space<vmem>>[vector<16xi32>, vector<16xi32>], vector<16xf32>,
      %mul3A_538 = arith.mulf %gather3A_533, %gather3A_537 : vector<16xf32>
      %add3A_539 = arith.addf %add3A_529, %mul3A_538 : vector<16xf32>
      %add3A_540 = arith.constant 36 : i32
      %add3A_541 = vector.broadcast %add3A_540 : i32 to vector<16xi32>
      %add3A_542 = arith.addi %mul3A_171, %add3A_541 : vector<16xi32>
      %gather3A_543 = tpu.vector_load_idx %arg13[%add3A_165, %add3A_542] : memref<128x128xf32, #tpu.memory_space<vmem>>[vector<16xi32>, vector<16xi32>], vector<16xf32>,
      %add3A_544 = arith.constant 36 : i32
      %add3A_545 = vector.broadcast %add3A_544 : i32 to vector<16xi32>
      %add3A_546 = arith.addi %mul3A_179, %add3A_545 : vector<16xi32>
      %gather3A_547 = tpu.vector_load_idx %arg15[%add3A_165, %add3A_546] : memref<128x128xf32, #tpu.memory_space<vmem>>[vector<16xi32>, vector<16xi32>], vector<16xf32>,
      %mul3A_548 = arith.mulf %gather3A_543, %gather3A_547 : vector<16xf32>
      %add3A_549 = arith.addf %add3A_539, %mul3A_548 : vector<16xf32>
      %add3A_550 = arith.constant 37 : i32
      %add3A_551 = vector.broadcast %add3A_550 : i32 to vector<16xi32>
      %add3A_552 = arith.addi %mul3A_171, %add3A_551 : vector<16xi32>
      %gather3A_553 = tpu.vector_load_idx %arg13[%add3A_165, %add3A_552] : memref<128x128xf32, #tpu.memory_space<vmem>>[vector<16xi32>, vector<16xi32>], vector<16xf32>,
      %add3A_554 = arith.constant 37 : i32
      %add3A_555 = vector.broadcast %add3A_554 : i32 to vector<16xi32>
      %add3A_556 = arith.addi %mul3A_179, %add3A_555 : vector<16xi32>
      %gather3A_557 = tpu.vector_load_idx %arg15[%add3A_165, %add3A_556] : memref<128x128xf32, #tpu.memory_space<vmem>>[vector<16xi32>, vector<16xi32>], vector<16xf32>,
      %mul3A_558 = arith.mulf %gather3A_553, %gather3A_557 : vector<16xf32>
      %add3A_559 = arith.addf %add3A_549, %mul3A_558 : vector<16xf32>
      %add3A_560 = arith.constant 38 : i32
      %add3A_561 = vector.broadcast %add3A_560 : i32 to vector<16xi32>
      %add3A_562 = arith.addi %mul3A_171, %add3A_561 : vector<16xi32>
      %gather3A_563 = tpu.vector_load_idx %arg13[%add3A_165, %add3A_562] : memref<128x128xf32, #tpu.memory_space<vmem>>[vector<16xi32>, vector<16xi32>], vector<16xf32>,
      %add3A_564 = arith.constant 38 : i32
      %add3A_565 = vector.broadcast %add3A_564 : i32 to vector<16xi32>
      %add3A_566 = arith.addi %mul3A_179, %add3A_565 : vector<16xi32>
      %gather3A_567 = tpu.vector_load_idx %arg15[%add3A_165, %add3A_566] : memref<128x128xf32, #tpu.memory_space<vmem>>[vector<16xi32>, vector<16xi32>], vector<16xf32>,
      %mul3A_568 = arith.mulf %gather3A_563, %gather3A_567 : vector<16xf32>
      %add3A_569 = arith.addf %add3A_559, %mul3A_568 : vector<16xf32>
      %add3A_570 = arith.constant 39 : i32
      %add3A_571 = vector.broadcast %add3A_570 : i32 to vector<16xi32>
      %add3A_572 = arith.addi %mul3A_171, %add3A_571 : vector<16xi32>
      %gather3A_573 = tpu.vector_load_idx %arg13[%add3A_165, %add3A_572] : memref<128x128xf32, #tpu.memory_space<vmem>>[vector<16xi32>, vector<16xi32>], vector<16xf32>,
      %add3A_574 = arith.constant 39 : i32
      %add3A_575 = vector.broadcast %add3A_574 : i32 to vector<16xi32>
      %add3A_576 = arith.addi %mul3A_179, %add3A_575 : vector<16xi32>
      %gather3A_577 = tpu.vector_load_idx %arg15[%add3A_165, %add3A_576] : memref<128x128xf32, #tpu.memory_space<vmem>>[vector<16xi32>, vector<16xi32>], vector<16xf32>,
      %mul3A_578 = arith.mulf %gather3A_573, %gather3A_577 : vector<16xf32>
      %add3A_579 = arith.addf %add3A_569, %mul3A_578 : vector<16xf32>
      %add3A_580 = arith.constant 40 : i32
      %add3A_581 = vector.broadcast %add3A_580 : i32 to vector<16xi32>
      %add3A_582 = arith.addi %mul3A_171, %add3A_581 : vector<16xi32>
      %gather3A_583 = tpu.vector_load_idx %arg13[%add3A_165, %add3A_582] : memref<128x128xf32, #tpu.memory_space<vmem>>[vector<16xi32>, vector<16xi32>], vector<16xf32>,
      %add3A_584 = arith.constant 40 : i32
      %add3A_585 = vector.broadcast %add3A_584 : i32 to vector<16xi32>
      %add3A_586 = arith.addi %mul3A_179, %add3A_585 : vector<16xi32>
      %gather3A_587 = tpu.vector_load_idx %arg15[%add3A_165, %add3A_586] : memref<128x128xf32, #tpu.memory_space<vmem>>[vector<16xi32>, vector<16xi32>], vector<16xf32>,
      %mul3A_588 = arith.mulf %gather3A_583, %gather3A_587 : vector<16xf32>
      %add3A_589 = arith.addf %add3A_579, %mul3A_588 : vector<16xf32>
      %add3A_590 = arith.constant 41 : i32
      %add3A_591 = vector.broadcast %add3A_590 : i32 to vector<16xi32>
      %add3A_592 = arith.addi %mul3A_171, %add3A_591 : vector<16xi32>
      %gather3A_593 = tpu.vector_load_idx %arg13[%add3A_165, %add3A_592] : memref<128x128xf32, #tpu.memory_space<vmem>>[vector<16xi32>, vector<16xi32>], vector<16xf32>,
      %add3A_594 = arith.constant 41 : i32
      %add3A_595 = vector.broadcast %add3A_594 : i32 to vector<16xi32>
      %add3A_596 = arith.addi %mul3A_179, %add3A_595 : vector<16xi32>
      %gather3A_597 = tpu.vector_load_idx %arg15[%add3A_165, %add3A_596] : memref<128x128xf32, #tpu.memory_space<vmem>>[vector<16xi32>, vector<16xi32>], vector<16xf32>,
      %mul3A_598 = arith.mulf %gather3A_593, %gather3A_597 : vector<16xf32>
      %add3A_599 = arith.addf %add3A_589, %mul3A_598 : vector<16xf32>
      %add3A_600 = arith.constant 42 : i32
      %add3A_601 = vector.broadcast %add3A_600 : i32 to vector<16xi32>
      %add3A_602 = arith.addi %mul3A_171, %add3A_601 : vector<16xi32>
      %gather3A_603 = tpu.vector_load_idx %arg13[%add3A_165, %add3A_602] : memref<128x128xf32, #tpu.memory_space<vmem>>[vector<16xi32>, vector<16xi32>], vector<16xf32>,
      %add3A_604 = arith.constant 42 : i32
      %add3A_605 = vector.broadcast %add3A_604 : i32 to vector<16xi32>
      %add3A_606 = arith.addi %mul3A_179, %add3A_605 : vector<16xi32>
      %gather3A_607 = tpu.vector_load_idx %arg15[%add3A_165, %add3A_606] : memref<128x128xf32, #tpu.memory_space<vmem>>[vector<16xi32>, vector<16xi32>], vector<16xf32>,
      %mul3A_608 = arith.mulf %gather3A_603, %gather3A_607 : vector<16xf32>
      %add3A_609 = arith.addf %add3A_599, %mul3A_608 : vector<16xf32>
      %add3A_610 = arith.constant 43 : i32
      %add3A_611 = vector.broadcast %add3A_610 : i32 to vector<16xi32>
      %add3A_612 = arith.addi %mul3A_171, %add3A_611 : vector<16xi32>
      %gather3A_613 = tpu.vector_load_idx %arg13[%add3A_165, %add3A_612] : memref<128x128xf32, #tpu.memory_space<vmem>>[vector<16xi32>, vector<16xi32>], vector<16xf32>,
      %add3A_614 = arith.constant 43 : i32
      %add3A_615 = vector.broadcast %add3A_614 : i32 to vector<16xi32>
      %add3A_616 = arith.addi %mul3A_179, %add3A_615 : vector<16xi32>
      %gather3A_617 = tpu.vector_load_idx %arg15[%add3A_165, %add3A_616] : memref<128x128xf32, #tpu.memory_space<vmem>>[vector<16xi32>, vector<16xi32>], vector<16xf32>,
      %mul3A_618 = arith.mulf %gather3A_613, %gather3A_617 : vector<16xf32>
      %add3A_619 = arith.addf %add3A_609, %mul3A_618 : vector<16xf32>
      %add3A_620 = arith.constant 44 : i32
      %add3A_621 = vector.broadcast %add3A_620 : i32 to vector<16xi32>
      %add3A_622 = arith.addi %mul3A_171, %add3A_621 : vector<16xi32>
      %gather3A_623 = tpu.vector_load_idx %arg13[%add3A_165, %add3A_622] : memref<128x128xf32, #tpu.memory_space<vmem>>[vector<16xi32>, vector<16xi32>], vector<16xf32>,
      %add3A_624 = arith.constant 44 : i32
      %add3A_625 = vector.broadcast %add3A_624 : i32 to vector<16xi32>
      %add3A_626 = arith.addi %mul3A_179, %add3A_625 : vector<16xi32>
      %gather3A_627 = tpu.vector_load_idx %arg15[%add3A_165, %add3A_626] : memref<128x128xf32, #tpu.memory_space<vmem>>[vector<16xi32>, vector<16xi32>], vector<16xf32>,
      %mul3A_628 = arith.mulf %gather3A_623, %gather3A_627 : vector<16xf32>
      %add3A_629 = arith.addf %add3A_619, %mul3A_628 : vector<16xf32>
      %add3A_630 = arith.constant 45 : i32
      %add3A_631 = vector.broadcast %add3A_630 : i32 to vector<16xi32>
      %add3A_632 = arith.addi %mul3A_171, %add3A_631 : vector<16xi32>
      %gather3A_633 = tpu.vector_load_idx %arg13[%add3A_165, %add3A_632] : memref<128x128xf32, #tpu.memory_space<vmem>>[vector<16xi32>, vector<16xi32>], vector<16xf32>,
      %add3A_634 = arith.constant 45 : i32
      %add3A_635 = vector.broadcast %add3A_634 : i32 to vector<16xi32>
      %add3A_636 = arith.addi %mul3A_179, %add3A_635 : vector<16xi32>
      %gather3A_637 = tpu.vector_load_idx %arg15[%add3A_165, %add3A_636] : memref<128x128xf32, #tpu.memory_space<vmem>>[vector<16xi32>, vector<16xi32>], vector<16xf32>,
      %mul3A_638 = arith.mulf %gather3A_633, %gather3A_637 : vector<16xf32>
      %add3A_639 = arith.addf %add3A_629, %mul3A_638 : vector<16xf32>
      %add3A_640 = arith.constant 46 : i32
      %add3A_641 = vector.broadcast %add3A_640 : i32 to vector<16xi32>
      %add3A_642 = arith.addi %mul3A_171, %add3A_641 : vector<16xi32>
      %gather3A_643 = tpu.vector_load_idx %arg13[%add3A_165, %add3A_642] : memref<128x128xf32, #tpu.memory_space<vmem>>[vector<16xi32>, vector<16xi32>], vector<16xf32>,
      %add3A_644 = arith.constant 46 : i32
      %add3A_645 = vector.broadcast %add3A_644 : i32 to vector<16xi32>
      %add3A_646 = arith.addi %mul3A_179, %add3A_645 : vector<16xi32>
      %gather3A_647 = tpu.vector_load_idx %arg15[%add3A_165, %add3A_646] : memref<128x128xf32, #tpu.memory_space<vmem>>[vector<16xi32>, vector<16xi32>], vector<16xf32>,
      %mul3A_648 = arith.mulf %gather3A_643, %gather3A_647 : vector<16xf32>
      %add3A_649 = arith.addf %add3A_639, %mul3A_648 : vector<16xf32>
      %add3A_650 = arith.constant 47 : i32
      %add3A_651 = vector.broadcast %add3A_650 : i32 to vector<16xi32>
      %add3A_652 = arith.addi %mul3A_171, %add3A_651 : vector<16xi32>
      %gather3A_653 = tpu.vector_load_idx %arg13[%add3A_165, %add3A_652] : memref<128x128xf32, #tpu.memory_space<vmem>>[vector<16xi32>, vector<16xi32>], vector<16xf32>,
      %add3A_654 = arith.constant 47 : i32
      %add3A_655 = vector.broadcast %add3A_654 : i32 to vector<16xi32>
      %add3A_656 = arith.addi %mul3A_179, %add3A_655 : vector<16xi32>
      %gather3A_657 = tpu.vector_load_idx %arg15[%add3A_165, %add3A_656] : memref<128x128xf32, #tpu.memory_space<vmem>>[vector<16xi32>, vector<16xi32>], vector<16xf32>,
      %mul3A_658 = arith.mulf %gather3A_653, %gather3A_657 : vector<16xf32>
      %add3A_659 = arith.addf %add3A_649, %mul3A_658 : vector<16xf32>
      %add3A_660 = arith.constant 48 : i32
      %add3A_661 = vector.broadcast %add3A_660 : i32 to vector<16xi32>
      %add3A_662 = arith.addi %mul3A_171, %add3A_661 : vector<16xi32>
      %gather3A_663 = tpu.vector_load_idx %arg13[%add3A_165, %add3A_662] : memref<128x128xf32, #tpu.memory_space<vmem>>[vector<16xi32>, vector<16xi32>], vector<16xf32>,
      %add3A_664 = arith.constant 48 : i32
      %add3A_665 = vector.broadcast %add3A_664 : i32 to vector<16xi32>
      %add3A_666 = arith.addi %mul3A_179, %add3A_665 : vector<16xi32>
      %gather3A_667 = tpu.vector_load_idx %arg15[%add3A_165, %add3A_666] : memref<128x128xf32, #tpu.memory_space<vmem>>[vector<16xi32>, vector<16xi32>], vector<16xf32>,
      %mul3A_668 = arith.mulf %gather3A_663, %gather3A_667 : vector<16xf32>
      %add3A_669 = arith.addf %add3A_659, %mul3A_668 : vector<16xf32>
      %add3A_670 = arith.constant 49 : i32
      %add3A_671 = vector.broadcast %add3A_670 : i32 to vector<16xi32>
      %add3A_672 = arith.addi %mul3A_171, %add3A_671 : vector<16xi32>
      %gather3A_673 = tpu.vector_load_idx %arg13[%add3A_165, %add3A_672] : memref<128x128xf32, #tpu.memory_space<vmem>>[vector<16xi32>, vector<16xi32>], vector<16xf32>,
      %add3A_674 = arith.constant 49 : i32
      %add3A_675 = vector.broadcast %add3A_674 : i32 to vector<16xi32>
      %add3A_676 = arith.addi %mul3A_179, %add3A_675 : vector<16xi32>
      %gather3A_677 = tpu.vector_load_idx %arg15[%add3A_165, %add3A_676] : memref<128x128xf32, #tpu.memory_space<vmem>>[vector<16xi32>, vector<16xi32>], vector<16xf32>,
      %mul3A_678 = arith.mulf %gather3A_673, %gather3A_677 : vector<16xf32>
      %add3A_679 = arith.addf %add3A_669, %mul3A_678 : vector<16xf32>
      %add3A_680 = arith.constant 50 : i32
      %add3A_681 = vector.broadcast %add3A_680 : i32 to vector<16xi32>
      %add3A_682 = arith.addi %mul3A_171, %add3A_681 : vector<16xi32>
      %gather3A_683 = tpu.vector_load_idx %arg13[%add3A_165, %add3A_682] : memref<128x128xf32, #tpu.memory_space<vmem>>[vector<16xi32>, vector<16xi32>], vector<16xf32>,
      %add3A_684 = arith.constant 50 : i32
      %add3A_685 = vector.broadcast %add3A_684 : i32 to vector<16xi32>
      %add3A_686 = arith.addi %mul3A_179, %add3A_685 : vector<16xi32>
      %gather3A_687 = tpu.vector_load_idx %arg15[%add3A_165, %add3A_686] : memref<128x128xf32, #tpu.memory_space<vmem>>[vector<16xi32>, vector<16xi32>], vector<16xf32>,
      %mul3A_688 = arith.mulf %gather3A_683, %gather3A_687 : vector<16xf32>
      %add3A_689 = arith.addf %add3A_679, %mul3A_688 : vector<16xf32>
      %add3A_690 = arith.constant 51 : i32
      %add3A_691 = vector.broadcast %add3A_690 : i32 to vector<16xi32>
      %add3A_692 = arith.addi %mul3A_171, %add3A_691 : vector<16xi32>
      %gather3A_693 = tpu.vector_load_idx %arg13[%add3A_165, %add3A_692] : memref<128x128xf32, #tpu.memory_space<vmem>>[vector<16xi32>, vector<16xi32>], vector<16xf32>,
      %add3A_694 = arith.constant 51 : i32
      %add3A_695 = vector.broadcast %add3A_694 : i32 to vector<16xi32>
      %add3A_696 = arith.addi %mul3A_179, %add3A_695 : vector<16xi32>
      %gather3A_697 = tpu.vector_load_idx %arg15[%add3A_165, %add3A_696] : memref<128x128xf32, #tpu.memory_space<vmem>>[vector<16xi32>, vector<16xi32>], vector<16xf32>,
      %mul3A_698 = arith.mulf %gather3A_693, %gather3A_697 : vector<16xf32>
      %add3A_699 = arith.addf %add3A_689, %mul3A_698 : vector<16xf32>
      %add3A_700 = arith.constant 52 : i32
      %add3A_701 = vector.broadcast %add3A_700 : i32 to vector<16xi32>
      %add3A_702 = arith.addi %mul3A_171, %add3A_701 : vector<16xi32>
      %gather3A_703 = tpu.vector_load_idx %arg13[%add3A_165, %add3A_702] : memref<128x128xf32, #tpu.memory_space<vmem>>[vector<16xi32>, vector<16xi32>], vector<16xf32>,
      %add3A_704 = arith.constant 52 : i32
      %add3A_705 = vector.broadcast %add3A_704 : i32 to vector<16xi32>
      %add3A_706 = arith.addi %mul3A_179, %add3A_705 : vector<16xi32>
      %gather3A_707 = tpu.vector_load_idx %arg15[%add3A_165, %add3A_706] : memref<128x128xf32, #tpu.memory_space<vmem>>[vector<16xi32>, vector<16xi32>], vector<16xf32>,
      %mul3A_708 = arith.mulf %gather3A_703, %gather3A_707 : vector<16xf32>
      %add3A_709 = arith.addf %add3A_699, %mul3A_708 : vector<16xf32>
      %add3A_710 = arith.constant 53 : i32
      %add3A_711 = vector.broadcast %add3A_710 : i32 to vector<16xi32>
      %add3A_712 = arith.addi %mul3A_171, %add3A_711 : vector<16xi32>
      %gather3A_713 = tpu.vector_load_idx %arg13[%add3A_165, %add3A_712] : memref<128x128xf32, #tpu.memory_space<vmem>>[vector<16xi32>, vector<16xi32>], vector<16xf32>,
      %add3A_714 = arith.constant 53 : i32
      %add3A_715 = vector.broadcast %add3A_714 : i32 to vector<16xi32>
      %add3A_716 = arith.addi %mul3A_179, %add3A_715 : vector<16xi32>
      %gather3A_717 = tpu.vector_load_idx %arg15[%add3A_165, %add3A_716] : memref<128x128xf32, #tpu.memory_space<vmem>>[vector<16xi32>, vector<16xi32>], vector<16xf32>,
      %mul3A_718 = arith.mulf %gather3A_713, %gather3A_717 : vector<16xf32>
      %add3A_719 = arith.addf %add3A_709, %mul3A_718 : vector<16xf32>
      %add3A_720 = arith.constant 54 : i32
      %add3A_721 = vector.broadcast %add3A_720 : i32 to vector<16xi32>
      %add3A_722 = arith.addi %mul3A_171, %add3A_721 : vector<16xi32>
      %gather3A_723 = tpu.vector_load_idx %arg13[%add3A_165, %add3A_722] : memref<128x128xf32, #tpu.memory_space<vmem>>[vector<16xi32>, vector<16xi32>], vector<16xf32>,
      %add3A_724 = arith.constant 54 : i32
      %add3A_725 = vector.broadcast %add3A_724 : i32 to vector<16xi32>
      %add3A_726 = arith.addi %mul3A_179, %add3A_725 : vector<16xi32>
      %gather3A_727 = tpu.vector_load_idx %arg15[%add3A_165, %add3A_726] : memref<128x128xf32, #tpu.memory_space<vmem>>[vector<16xi32>, vector<16xi32>], vector<16xf32>,
      %mul3A_728 = arith.mulf %gather3A_723, %gather3A_727 : vector<16xf32>
      %add3A_729 = arith.addf %add3A_719, %mul3A_728 : vector<16xf32>
      %add3A_730 = arith.constant 55 : i32
      %add3A_731 = vector.broadcast %add3A_730 : i32 to vector<16xi32>
      %add3A_732 = arith.addi %mul3A_171, %add3A_731 : vector<16xi32>
      %gather3A_733 = tpu.vector_load_idx %arg13[%add3A_165, %add3A_732] : memref<128x128xf32, #tpu.memory_space<vmem>>[vector<16xi32>, vector<16xi32>], vector<16xf32>,
      %add3A_734 = arith.constant 55 : i32
      %add3A_735 = vector.broadcast %add3A_734 : i32 to vector<16xi32>
      %add3A_736 = arith.addi %mul3A_179, %add3A_735 : vector<16xi32>
      %gather3A_737 = tpu.vector_load_idx %arg15[%add3A_165, %add3A_736] : memref<128x128xf32, #tpu.memory_space<vmem>>[vector<16xi32>, vector<16xi32>], vector<16xf32>,
      %mul3A_738 = arith.mulf %gather3A_733, %gather3A_737 : vector<16xf32>
      %add3A_739 = arith.addf %add3A_729, %mul3A_738 : vector<16xf32>
      %add3A_740 = arith.constant 56 : i32
      %add3A_741 = vector.broadcast %add3A_740 : i32 to vector<16xi32>
      %add3A_742 = arith.addi %mul3A_171, %add3A_741 : vector<16xi32>
      %gather3A_743 = tpu.vector_load_idx %arg13[%add3A_165, %add3A_742] : memref<128x128xf32, #tpu.memory_space<vmem>>[vector<16xi32>, vector<16xi32>], vector<16xf32>,
      %add3A_744 = arith.constant 56 : i32
      %add3A_745 = vector.broadcast %add3A_744 : i32 to vector<16xi32>
      %add3A_746 = arith.addi %mul3A_179, %add3A_745 : vector<16xi32>
      %gather3A_747 = tpu.vector_load_idx %arg15[%add3A_165, %add3A_746] : memref<128x128xf32, #tpu.memory_space<vmem>>[vector<16xi32>, vector<16xi32>], vector<16xf32>,
      %mul3A_748 = arith.mulf %gather3A_743, %gather3A_747 : vector<16xf32>
      %add3A_749 = arith.addf %add3A_739, %mul3A_748 : vector<16xf32>
      %add3A_750 = arith.constant 57 : i32
      %add3A_751 = vector.broadcast %add3A_750 : i32 to vector<16xi32>
      %add3A_752 = arith.addi %mul3A_171, %add3A_751 : vector<16xi32>
      %gather3A_753 = tpu.vector_load_idx %arg13[%add3A_165, %add3A_752] : memref<128x128xf32, #tpu.memory_space<vmem>>[vector<16xi32>, vector<16xi32>], vector<16xf32>,
      %add3A_754 = arith.constant 57 : i32
      %add3A_755 = vector.broadcast %add3A_754 : i32 to vector<16xi32>
      %add3A_756 = arith.addi %mul3A_179, %add3A_755 : vector<16xi32>
      %gather3A_757 = tpu.vector_load_idx %arg15[%add3A_165, %add3A_756] : memref<128x128xf32, #tpu.memory_space<vmem>>[vector<16xi32>, vector<16xi32>], vector<16xf32>,
      %mul3A_758 = arith.mulf %gather3A_753, %gather3A_757 : vector<16xf32>
      %add3A_759 = arith.addf %add3A_749, %mul3A_758 : vector<16xf32>
      %add3A_760 = arith.constant 58 : i32
      %add3A_761 = vector.broadcast %add3A_760 : i32 to vector<16xi32>
      %add3A_762 = arith.addi %mul3A_171, %add3A_761 : vector<16xi32>
      %gather3A_763 = tpu.vector_load_idx %arg13[%add3A_165, %add3A_762] : memref<128x128xf32, #tpu.memory_space<vmem>>[vector<16xi32>, vector<16xi32>], vector<16xf32>,
      %add3A_764 = arith.constant 58 : i32
      %add3A_765 = vector.broadcast %add3A_764 : i32 to vector<16xi32>
      %add3A_766 = arith.addi %mul3A_179, %add3A_765 : vector<16xi32>
      %gather3A_767 = tpu.vector_load_idx %arg15[%add3A_165, %add3A_766] : memref<128x128xf32, #tpu.memory_space<vmem>>[vector<16xi32>, vector<16xi32>], vector<16xf32>,
      %mul3A_768 = arith.mulf %gather3A_763, %gather3A_767 : vector<16xf32>
      %add3A_769 = arith.addf %add3A_759, %mul3A_768 : vector<16xf32>
      %add3A_770 = arith.constant 59 : i32
      %add3A_771 = vector.broadcast %add3A_770 : i32 to vector<16xi32>
      %add3A_772 = arith.addi %mul3A_171, %add3A_771 : vector<16xi32>
      %gather3A_773 = tpu.vector_load_idx %arg13[%add3A_165, %add3A_772] : memref<128x128xf32, #tpu.memory_space<vmem>>[vector<16xi32>, vector<16xi32>], vector<16xf32>,
      %add3A_774 = arith.constant 59 : i32
      %add3A_775 = vector.broadcast %add3A_774 : i32 to vector<16xi32>
      %add3A_776 = arith.addi %mul3A_179, %add3A_775 : vector<16xi32>
      %gather3A_777 = tpu.vector_load_idx %arg15[%add3A_165, %add3A_776] : memref<128x128xf32, #tpu.memory_space<vmem>>[vector<16xi32>, vector<16xi32>], vector<16xf32>,
      %mul3A_778 = arith.mulf %gather3A_773, %gather3A_777 : vector<16xf32>
      %add3A_779 = arith.addf %add3A_769, %mul3A_778 : vector<16xf32>
      %add3A_780 = arith.constant 60 : i32
      %add3A_781 = vector.broadcast %add3A_780 : i32 to vector<16xi32>
      %add3A_782 = arith.addi %mul3A_171, %add3A_781 : vector<16xi32>
      %gather3A_783 = tpu.vector_load_idx %arg13[%add3A_165, %add3A_782] : memref<128x128xf32, #tpu.memory_space<vmem>>[vector<16xi32>, vector<16xi32>], vector<16xf32>,
      %add3A_784 = arith.constant 60 : i32
      %add3A_785 = vector.broadcast %add3A_784 : i32 to vector<16xi32>
      %add3A_786 = arith.addi %mul3A_179, %add3A_785 : vector<16xi32>
      %gather3A_787 = tpu.vector_load_idx %arg15[%add3A_165, %add3A_786] : memref<128x128xf32, #tpu.memory_space<vmem>>[vector<16xi32>, vector<16xi32>], vector<16xf32>,
      %mul3A_788 = arith.mulf %gather3A_783, %gather3A_787 : vector<16xf32>
      %add3A_789 = arith.addf %add3A_779, %mul3A_788 : vector<16xf32>
      %add3A_790 = arith.constant 61 : i32
      %add3A_791 = vector.broadcast %add3A_790 : i32 to vector<16xi32>
      %add3A_792 = arith.addi %mul3A_171, %add3A_791 : vector<16xi32>
      %gather3A_793 = tpu.vector_load_idx %arg13[%add3A_165, %add3A_792] : memref<128x128xf32, #tpu.memory_space<vmem>>[vector<16xi32>, vector<16xi32>], vector<16xf32>,
      %add3A_794 = arith.constant 61 : i32
      %add3A_795 = vector.broadcast %add3A_794 : i32 to vector<16xi32>
      %add3A_796 = arith.addi %mul3A_179, %add3A_795 : vector<16xi32>
      %gather3A_797 = tpu.vector_load_idx %arg15[%add3A_165, %add3A_796] : memref<128x128xf32, #tpu.memory_space<vmem>>[vector<16xi32>, vector<16xi32>], vector<16xf32>,
      %mul3A_798 = arith.mulf %gather3A_793, %gather3A_797 : vector<16xf32>
      %add3A_799 = arith.addf %add3A_789, %mul3A_798 : vector<16xf32>
      %add3A_800 = arith.constant 62 : i32
      %add3A_801 = vector.broadcast %add3A_800 : i32 to vector<16xi32>
      %add3A_802 = arith.addi %mul3A_171, %add3A_801 : vector<16xi32>
      %gather3A_803 = tpu.vector_load_idx %arg13[%add3A_165, %add3A_802] : memref<128x128xf32, #tpu.memory_space<vmem>>[vector<16xi32>, vector<16xi32>], vector<16xf32>,
      %add3A_804 = arith.constant 62 : i32
      %add3A_805 = vector.broadcast %add3A_804 : i32 to vector<16xi32>
      %add3A_806 = arith.addi %mul3A_179, %add3A_805 : vector<16xi32>
      %gather3A_807 = tpu.vector_load_idx %arg15[%add3A_165, %add3A_806] : memref<128x128xf32, #tpu.memory_space<vmem>>[vector<16xi32>, vector<16xi32>], vector<16xf32>,
      %mul3A_808 = arith.mulf %gather3A_803, %gather3A_807 : vector<16xf32>
      %add3A_809 = arith.addf %add3A_799, %mul3A_808 : vector<16xf32>
      %add3A_810 = arith.constant 63 : i32
      %add3A_811 = vector.broadcast %add3A_810 : i32 to vector<16xi32>
      %add3A_812 = arith.addi %mul3A_171, %add3A_811 : vector<16xi32>
      %gather3A_813 = tpu.vector_load_idx %arg13[%add3A_165, %add3A_812] : memref<128x128xf32, #tpu.memory_space<vmem>>[vector<16xi32>, vector<16xi32>], vector<16xf32>,
      %add3A_814 = arith.constant 63 : i32
      %add3A_815 = vector.broadcast %add3A_814 : i32 to vector<16xi32>
      %add3A_816 = arith.addi %mul3A_179, %add3A_815 : vector<16xi32>
      %gather3A_817 = tpu.vector_load_idx %arg15[%add3A_165, %add3A_816] : memref<128x128xf32, #tpu.memory_space<vmem>>[vector<16xi32>, vector<16xi32>], vector<16xf32>,
      %mul3A_818 = arith.mulf %gather3A_813, %gather3A_817 : vector<16xf32>
      %add3A_819 = arith.addf %add3A_809, %mul3A_818 : vector<16xf32>
      %neg3A = arith.constant 0.000000e+00 : f32
      %neg3A_820 = vector.broadcast %neg3A : f32 to vector<16xf32>
      %neg3A_821 = arith.subf %neg3A_820, %add3A_819 : vector<16xf32>
      %exp3A = math.exp %neg3A_821 : vector<16xf32>
      %add3A_822 = arith.constant 1.000000e+00 : f32
      %add3A_823 = vector.broadcast %add3A_822 : f32 to vector<16xf32>
      %add3A_824 = arith.addf %add3A_823, %exp3A : vector<16xf32>
      %div3A = arith.constant 1.000000e+00 : f32
      %div3A_825 = vector.broadcast %div3A : f32 to vector<16xf32>
      %div3A_826 = arith.divf %div3A_825, %add3A_824 : vector<16xf32>
      %swap3A = arith.index_cast %add3A_161 : i32 to index
      %swap3A_827 = tpu.vector_load %arg17[%swap3A] {strides = array<i32>} : memref<512xf32, #tpu.memory_space<vmem>>, vector<16xf32>,
      tpu.vector_store %arg17[%swap3A], %div3A_826 {strides = array<i32>} : memref<512xf32, #tpu.memory_space<vmem>>, vector<16xf32>,
      %scan3A_828 = arith.constant 0 : i32
      scf.yield %scan3A_828 : i32
    }
    %scan3A_132 = arith.constant 8 : i32
    %dma_wait3A_133 = arith.constant 2 : i32
    %dma_wait3A_134 = arith.constant 384 : i32
    %dma_wait3A_135 = tpu.memref_slice %arg11[%dma_wait3A_134] : memref<512xi32, #tpu.memory_space<vmem>> -> memref<128xi32, #tpu.memory_space<vmem>>
    %dma_wait3A_136 = arith.constant 0 : i32
    %dma_wait3A_137 = arith.constant 0 : i32
    %dma_wait3A_138 = tpu.memref_slice %arg6[%dma_wait3A_136, %dma_wait3A_137] : memref<500000x128xf32, #tpu.memory_space<hbm>> -> memref<500000x128xf32, #tpu.memory_space<hbm>>
    %dma_wait3A_139 = tpu.memref_slice %arg18[%dma_wait3A_133] : memref<4x!tpu.dma_semaphore, #tpu.memory_space<semaphore_mem>> -> memref<1x!tpu.dma_semaphore, #tpu.memory_space<semaphore_mem>>
    %dma_wait3A_140 = tpu.memref_squeeze %dma_wait3A_139 : memref<1x!tpu.dma_semaphore, #tpu.memory_space<semaphore_mem>> -> memref<!tpu.dma_semaphore, #tpu.memory_space<semaphore_mem>>
    tpu.wait_indirect_dma semaphore(%dma_wait3A_140 : memref<!tpu.dma_semaphore, #tpu.memory_space<semaphore_mem>>) src(%dma_wait3A_138 : memref<500000x128xf32, #tpu.memory_space<hbm>>) dst(%arg14 : memref<128x128xf32, #tpu.memory_space<vmem>>)
    %dma_wait3A_141 = arith.constant 3 : i32
    %dma_wait3A_142 = arith.constant 384 : i32
    %dma_wait3A_143 = tpu.memref_slice %arg12[%dma_wait3A_142] : memref<512xi32, #tpu.memory_space<vmem>> -> memref<128xi32, #tpu.memory_space<vmem>>
    %dma_wait3A_144 = arith.constant 0 : i32
    %dma_wait3A_145 = arith.constant 0 : i32
    %dma_wait3A_146 = tpu.memref_slice %arg7[%dma_wait3A_144, %dma_wait3A_145] : memref<500000x128xf32, #tpu.memory_space<hbm>> -> memref<500000x128xf32, #tpu.memory_space<hbm>>
    %dma_wait3A_147 = tpu.memref_slice %arg18[%dma_wait3A_141] : memref<4x!tpu.dma_semaphore, #tpu.memory_space<semaphore_mem>> -> memref<1x!tpu.dma_semaphore, #tpu.memory_space<semaphore_mem>>
    %dma_wait3A_148 = tpu.memref_squeeze %dma_wait3A_147 : memref<1x!tpu.dma_semaphore, #tpu.memory_space<semaphore_mem>> -> memref<!tpu.dma_semaphore, #tpu.memory_space<semaphore_mem>>
    tpu.wait_indirect_dma semaphore(%dma_wait3A_148 : memref<!tpu.dma_semaphore, #tpu.memory_space<semaphore_mem>>) src(%dma_wait3A_146 : memref<500000x128xf32, #tpu.memory_space<hbm>>) dst(%arg16 : memref<128x128xf32, #tpu.memory_space<vmem>>)
    %scan3A_149 = arith.constant 0 : i32
    %scan3A_150 = arith.constant 0 : i32
    %scan3A_151 = arith.constant 8 : i32
    %scan3A_152 = arith.addi %scan3A_150, %scan3A_151 : i32
    %scan3A_153 = arith.constant 1 : i32
    %scan3A_154 = scf.for %scan3A_156 = %scan3A_150 to %scan3A_152 step %scan3A_153 iter_args(%scan3A_157 = %scan3A_149) -> (i32)  : i32 {
      %mul3A_158 = arith.constant 16 : i32
      %mul3A_159 = arith.muli %scan3A_156, %mul3A_158 : i32
      %add3A_160 = arith.constant 384 : i32
      %add3A_161 = arith.addi %add3A_160, %mul3A_159 : i32
      %iota3A = tpu.iota {dimensions = array<i32: 0>} : vector<16xi32>
      %mul3A_162 = arith.constant 16 : i32
      %mul3A_163 = arith.muli %scan3A_156, %mul3A_162 : i32
      %add3A_164 = vector.broadcast %mul3A_163 : i32 to vector<16xi32>
      %add3A_165 = arith.addi %iota3A, %add3A_164 : vector<16xi32>
      %get3A = arith.index_cast %add3A_161 : i32 to index
      %get3A_166 = tpu.vector_load %arg9[%get3A] {strides = array<i32>} : memref<512xi32, #tpu.memory_space<vmem>>, vector<16xi32>,
      %and3A = arith.constant 1 : i32
      %and3A_167 = vector.broadcast %and3A : i32 to vector<16xi32>
      %and3A_168 = arith.andi %get3A_166, %and3A_167 : vector<16xi32>
      %mul3A_169 = arith.constant 64 : i32
      %mul3A_170 = vector.broadcast %mul3A_169 : i32 to vector<16xi32>
      %mul3A_171 = arith.muli %and3A_168, %mul3A_170 : vector<16xi32>
      %get3A_172 = arith.index_cast %add3A_161 : i32 to index
      %get3A_173 = tpu.vector_load %arg10[%get3A_172] {strides = array<i32>} : memref<512xi32, #tpu.memory_space<vmem>>, vector<16xi32>,
      %and3A_174 = arith.constant 1 : i32
      %and3A_175 = vector.broadcast %and3A_174 : i32 to vector<16xi32>
      %and3A_176 = arith.andi %get3A_173, %and3A_175 : vector<16xi32>
      %mul3A_177 = arith.constant 64 : i32
      %mul3A_178 = vector.broadcast %mul3A_177 : i32 to vector<16xi32>
      %mul3A_179 = arith.muli %and3A_176, %mul3A_178 : vector<16xi32>
      %broadcast_in_dim3A = arith.constant 0.000000e+00 : f32
      %broadcast_in_dim3A_180 = vector.broadcast %broadcast_in_dim3A : f32 to vector<16xf32>
      %add3A_181 = arith.constant 0 : i32
      %add3A_182 = vector.broadcast %add3A_181 : i32 to vector<16xi32>
      %add3A_183 = arith.addi %mul3A_171, %add3A_182 : vector<16xi32>
      %gather3A = tpu.vector_load_idx %arg14[%add3A_165, %add3A_183] : memref<128x128xf32, #tpu.memory_space<vmem>>[vector<16xi32>, vector<16xi32>], vector<16xf32>,
      %add3A_184 = arith.constant 0 : i32
      %add3A_185 = vector.broadcast %add3A_184 : i32 to vector<16xi32>
      %add3A_186 = arith.addi %mul3A_179, %add3A_185 : vector<16xi32>
      %gather3A_187 = tpu.vector_load_idx %arg16[%add3A_165, %add3A_186] : memref<128x128xf32, #tpu.memory_space<vmem>>[vector<16xi32>, vector<16xi32>], vector<16xf32>,
      %mul3A_188 = arith.mulf %gather3A, %gather3A_187 : vector<16xf32>
      %add3A_189 = arith.addf %broadcast_in_dim3A_180, %mul3A_188 : vector<16xf32>
      %add3A_190 = arith.constant 1 : i32
      %add3A_191 = vector.broadcast %add3A_190 : i32 to vector<16xi32>
      %add3A_192 = arith.addi %mul3A_171, %add3A_191 : vector<16xi32>
      %gather3A_193 = tpu.vector_load_idx %arg14[%add3A_165, %add3A_192] : memref<128x128xf32, #tpu.memory_space<vmem>>[vector<16xi32>, vector<16xi32>], vector<16xf32>,
      %add3A_194 = arith.constant 1 : i32
      %add3A_195 = vector.broadcast %add3A_194 : i32 to vector<16xi32>
      %add3A_196 = arith.addi %mul3A_179, %add3A_195 : vector<16xi32>
      %gather3A_197 = tpu.vector_load_idx %arg16[%add3A_165, %add3A_196] : memref<128x128xf32, #tpu.memory_space<vmem>>[vector<16xi32>, vector<16xi32>], vector<16xf32>,
      %mul3A_198 = arith.mulf %gather3A_193, %gather3A_197 : vector<16xf32>
      %add3A_199 = arith.addf %add3A_189, %mul3A_198 : vector<16xf32>
      %add3A_200 = arith.constant 2 : i32
      %add3A_201 = vector.broadcast %add3A_200 : i32 to vector<16xi32>
      %add3A_202 = arith.addi %mul3A_171, %add3A_201 : vector<16xi32>
      %gather3A_203 = tpu.vector_load_idx %arg14[%add3A_165, %add3A_202] : memref<128x128xf32, #tpu.memory_space<vmem>>[vector<16xi32>, vector<16xi32>], vector<16xf32>,
      %add3A_204 = arith.constant 2 : i32
      %add3A_205 = vector.broadcast %add3A_204 : i32 to vector<16xi32>
      %add3A_206 = arith.addi %mul3A_179, %add3A_205 : vector<16xi32>
      %gather3A_207 = tpu.vector_load_idx %arg16[%add3A_165, %add3A_206] : memref<128x128xf32, #tpu.memory_space<vmem>>[vector<16xi32>, vector<16xi32>], vector<16xf32>,
      %mul3A_208 = arith.mulf %gather3A_203, %gather3A_207 : vector<16xf32>
      %add3A_209 = arith.addf %add3A_199, %mul3A_208 : vector<16xf32>
      %add3A_210 = arith.constant 3 : i32
      %add3A_211 = vector.broadcast %add3A_210 : i32 to vector<16xi32>
      %add3A_212 = arith.addi %mul3A_171, %add3A_211 : vector<16xi32>
      %gather3A_213 = tpu.vector_load_idx %arg14[%add3A_165, %add3A_212] : memref<128x128xf32, #tpu.memory_space<vmem>>[vector<16xi32>, vector<16xi32>], vector<16xf32>,
      %add3A_214 = arith.constant 3 : i32
      %add3A_215 = vector.broadcast %add3A_214 : i32 to vector<16xi32>
      %add3A_216 = arith.addi %mul3A_179, %add3A_215 : vector<16xi32>
      %gather3A_217 = tpu.vector_load_idx %arg16[%add3A_165, %add3A_216] : memref<128x128xf32, #tpu.memory_space<vmem>>[vector<16xi32>, vector<16xi32>], vector<16xf32>,
      %mul3A_218 = arith.mulf %gather3A_213, %gather3A_217 : vector<16xf32>
      %add3A_219 = arith.addf %add3A_209, %mul3A_218 : vector<16xf32>
      %add3A_220 = arith.constant 4 : i32
      %add3A_221 = vector.broadcast %add3A_220 : i32 to vector<16xi32>
      %add3A_222 = arith.addi %mul3A_171, %add3A_221 : vector<16xi32>
      %gather3A_223 = tpu.vector_load_idx %arg14[%add3A_165, %add3A_222] : memref<128x128xf32, #tpu.memory_space<vmem>>[vector<16xi32>, vector<16xi32>], vector<16xf32>,
      %add3A_224 = arith.constant 4 : i32
      %add3A_225 = vector.broadcast %add3A_224 : i32 to vector<16xi32>
      %add3A_226 = arith.addi %mul3A_179, %add3A_225 : vector<16xi32>
      %gather3A_227 = tpu.vector_load_idx %arg16[%add3A_165, %add3A_226] : memref<128x128xf32, #tpu.memory_space<vmem>>[vector<16xi32>, vector<16xi32>], vector<16xf32>,
      %mul3A_228 = arith.mulf %gather3A_223, %gather3A_227 : vector<16xf32>
      %add3A_229 = arith.addf %add3A_219, %mul3A_228 : vector<16xf32>
      %add3A_230 = arith.constant 5 : i32
      %add3A_231 = vector.broadcast %add3A_230 : i32 to vector<16xi32>
      %add3A_232 = arith.addi %mul3A_171, %add3A_231 : vector<16xi32>
      %gather3A_233 = tpu.vector_load_idx %arg14[%add3A_165, %add3A_232] : memref<128x128xf32, #tpu.memory_space<vmem>>[vector<16xi32>, vector<16xi32>], vector<16xf32>,
      %add3A_234 = arith.constant 5 : i32
      %add3A_235 = vector.broadcast %add3A_234 : i32 to vector<16xi32>
      %add3A_236 = arith.addi %mul3A_179, %add3A_235 : vector<16xi32>
      %gather3A_237 = tpu.vector_load_idx %arg16[%add3A_165, %add3A_236] : memref<128x128xf32, #tpu.memory_space<vmem>>[vector<16xi32>, vector<16xi32>], vector<16xf32>,
      %mul3A_238 = arith.mulf %gather3A_233, %gather3A_237 : vector<16xf32>
      %add3A_239 = arith.addf %add3A_229, %mul3A_238 : vector<16xf32>
      %add3A_240 = arith.constant 6 : i32
      %add3A_241 = vector.broadcast %add3A_240 : i32 to vector<16xi32>
      %add3A_242 = arith.addi %mul3A_171, %add3A_241 : vector<16xi32>
      %gather3A_243 = tpu.vector_load_idx %arg14[%add3A_165, %add3A_242] : memref<128x128xf32, #tpu.memory_space<vmem>>[vector<16xi32>, vector<16xi32>], vector<16xf32>,
      %add3A_244 = arith.constant 6 : i32
      %add3A_245 = vector.broadcast %add3A_244 : i32 to vector<16xi32>
      %add3A_246 = arith.addi %mul3A_179, %add3A_245 : vector<16xi32>
      %gather3A_247 = tpu.vector_load_idx %arg16[%add3A_165, %add3A_246] : memref<128x128xf32, #tpu.memory_space<vmem>>[vector<16xi32>, vector<16xi32>], vector<16xf32>,
      %mul3A_248 = arith.mulf %gather3A_243, %gather3A_247 : vector<16xf32>
      %add3A_249 = arith.addf %add3A_239, %mul3A_248 : vector<16xf32>
      %add3A_250 = arith.constant 7 : i32
      %add3A_251 = vector.broadcast %add3A_250 : i32 to vector<16xi32>
      %add3A_252 = arith.addi %mul3A_171, %add3A_251 : vector<16xi32>
      %gather3A_253 = tpu.vector_load_idx %arg14[%add3A_165, %add3A_252] : memref<128x128xf32, #tpu.memory_space<vmem>>[vector<16xi32>, vector<16xi32>], vector<16xf32>,
      %add3A_254 = arith.constant 7 : i32
      %add3A_255 = vector.broadcast %add3A_254 : i32 to vector<16xi32>
      %add3A_256 = arith.addi %mul3A_179, %add3A_255 : vector<16xi32>
      %gather3A_257 = tpu.vector_load_idx %arg16[%add3A_165, %add3A_256] : memref<128x128xf32, #tpu.memory_space<vmem>>[vector<16xi32>, vector<16xi32>], vector<16xf32>,
      %mul3A_258 = arith.mulf %gather3A_253, %gather3A_257 : vector<16xf32>
      %add3A_259 = arith.addf %add3A_249, %mul3A_258 : vector<16xf32>
      %add3A_260 = arith.constant 8 : i32
      %add3A_261 = vector.broadcast %add3A_260 : i32 to vector<16xi32>
      %add3A_262 = arith.addi %mul3A_171, %add3A_261 : vector<16xi32>
      %gather3A_263 = tpu.vector_load_idx %arg14[%add3A_165, %add3A_262] : memref<128x128xf32, #tpu.memory_space<vmem>>[vector<16xi32>, vector<16xi32>], vector<16xf32>,
      %add3A_264 = arith.constant 8 : i32
      %add3A_265 = vector.broadcast %add3A_264 : i32 to vector<16xi32>
      %add3A_266 = arith.addi %mul3A_179, %add3A_265 : vector<16xi32>
      %gather3A_267 = tpu.vector_load_idx %arg16[%add3A_165, %add3A_266] : memref<128x128xf32, #tpu.memory_space<vmem>>[vector<16xi32>, vector<16xi32>], vector<16xf32>,
      %mul3A_268 = arith.mulf %gather3A_263, %gather3A_267 : vector<16xf32>
      %add3A_269 = arith.addf %add3A_259, %mul3A_268 : vector<16xf32>
      %add3A_270 = arith.constant 9 : i32
      %add3A_271 = vector.broadcast %add3A_270 : i32 to vector<16xi32>
      %add3A_272 = arith.addi %mul3A_171, %add3A_271 : vector<16xi32>
      %gather3A_273 = tpu.vector_load_idx %arg14[%add3A_165, %add3A_272] : memref<128x128xf32, #tpu.memory_space<vmem>>[vector<16xi32>, vector<16xi32>], vector<16xf32>,
      %add3A_274 = arith.constant 9 : i32
      %add3A_275 = vector.broadcast %add3A_274 : i32 to vector<16xi32>
      %add3A_276 = arith.addi %mul3A_179, %add3A_275 : vector<16xi32>
      %gather3A_277 = tpu.vector_load_idx %arg16[%add3A_165, %add3A_276] : memref<128x128xf32, #tpu.memory_space<vmem>>[vector<16xi32>, vector<16xi32>], vector<16xf32>,
      %mul3A_278 = arith.mulf %gather3A_273, %gather3A_277 : vector<16xf32>
      %add3A_279 = arith.addf %add3A_269, %mul3A_278 : vector<16xf32>
      %add3A_280 = arith.constant 10 : i32
      %add3A_281 = vector.broadcast %add3A_280 : i32 to vector<16xi32>
      %add3A_282 = arith.addi %mul3A_171, %add3A_281 : vector<16xi32>
      %gather3A_283 = tpu.vector_load_idx %arg14[%add3A_165, %add3A_282] : memref<128x128xf32, #tpu.memory_space<vmem>>[vector<16xi32>, vector<16xi32>], vector<16xf32>,
      %add3A_284 = arith.constant 10 : i32
      %add3A_285 = vector.broadcast %add3A_284 : i32 to vector<16xi32>
      %add3A_286 = arith.addi %mul3A_179, %add3A_285 : vector<16xi32>
      %gather3A_287 = tpu.vector_load_idx %arg16[%add3A_165, %add3A_286] : memref<128x128xf32, #tpu.memory_space<vmem>>[vector<16xi32>, vector<16xi32>], vector<16xf32>,
      %mul3A_288 = arith.mulf %gather3A_283, %gather3A_287 : vector<16xf32>
      %add3A_289 = arith.addf %add3A_279, %mul3A_288 : vector<16xf32>
      %add3A_290 = arith.constant 11 : i32
      %add3A_291 = vector.broadcast %add3A_290 : i32 to vector<16xi32>
      %add3A_292 = arith.addi %mul3A_171, %add3A_291 : vector<16xi32>
      %gather3A_293 = tpu.vector_load_idx %arg14[%add3A_165, %add3A_292] : memref<128x128xf32, #tpu.memory_space<vmem>>[vector<16xi32>, vector<16xi32>], vector<16xf32>,
      %add3A_294 = arith.constant 11 : i32
      %add3A_295 = vector.broadcast %add3A_294 : i32 to vector<16xi32>
      %add3A_296 = arith.addi %mul3A_179, %add3A_295 : vector<16xi32>
      %gather3A_297 = tpu.vector_load_idx %arg16[%add3A_165, %add3A_296] : memref<128x128xf32, #tpu.memory_space<vmem>>[vector<16xi32>, vector<16xi32>], vector<16xf32>,
      %mul3A_298 = arith.mulf %gather3A_293, %gather3A_297 : vector<16xf32>
      %add3A_299 = arith.addf %add3A_289, %mul3A_298 : vector<16xf32>
      %add3A_300 = arith.constant 12 : i32
      %add3A_301 = vector.broadcast %add3A_300 : i32 to vector<16xi32>
      %add3A_302 = arith.addi %mul3A_171, %add3A_301 : vector<16xi32>
      %gather3A_303 = tpu.vector_load_idx %arg14[%add3A_165, %add3A_302] : memref<128x128xf32, #tpu.memory_space<vmem>>[vector<16xi32>, vector<16xi32>], vector<16xf32>,
      %add3A_304 = arith.constant 12 : i32
      %add3A_305 = vector.broadcast %add3A_304 : i32 to vector<16xi32>
      %add3A_306 = arith.addi %mul3A_179, %add3A_305 : vector<16xi32>
      %gather3A_307 = tpu.vector_load_idx %arg16[%add3A_165, %add3A_306] : memref<128x128xf32, #tpu.memory_space<vmem>>[vector<16xi32>, vector<16xi32>], vector<16xf32>,
      %mul3A_308 = arith.mulf %gather3A_303, %gather3A_307 : vector<16xf32>
      %add3A_309 = arith.addf %add3A_299, %mul3A_308 : vector<16xf32>
      %add3A_310 = arith.constant 13 : i32
      %add3A_311 = vector.broadcast %add3A_310 : i32 to vector<16xi32>
      %add3A_312 = arith.addi %mul3A_171, %add3A_311 : vector<16xi32>
      %gather3A_313 = tpu.vector_load_idx %arg14[%add3A_165, %add3A_312] : memref<128x128xf32, #tpu.memory_space<vmem>>[vector<16xi32>, vector<16xi32>], vector<16xf32>,
      %add3A_314 = arith.constant 13 : i32
      %add3A_315 = vector.broadcast %add3A_314 : i32 to vector<16xi32>
      %add3A_316 = arith.addi %mul3A_179, %add3A_315 : vector<16xi32>
      %gather3A_317 = tpu.vector_load_idx %arg16[%add3A_165, %add3A_316] : memref<128x128xf32, #tpu.memory_space<vmem>>[vector<16xi32>, vector<16xi32>], vector<16xf32>,
      %mul3A_318 = arith.mulf %gather3A_313, %gather3A_317 : vector<16xf32>
      %add3A_319 = arith.addf %add3A_309, %mul3A_318 : vector<16xf32>
      %add3A_320 = arith.constant 14 : i32
      %add3A_321 = vector.broadcast %add3A_320 : i32 to vector<16xi32>
      %add3A_322 = arith.addi %mul3A_171, %add3A_321 : vector<16xi32>
      %gather3A_323 = tpu.vector_load_idx %arg14[%add3A_165, %add3A_322] : memref<128x128xf32, #tpu.memory_space<vmem>>[vector<16xi32>, vector<16xi32>], vector<16xf32>,
      %add3A_324 = arith.constant 14 : i32
      %add3A_325 = vector.broadcast %add3A_324 : i32 to vector<16xi32>
      %add3A_326 = arith.addi %mul3A_179, %add3A_325 : vector<16xi32>
      %gather3A_327 = tpu.vector_load_idx %arg16[%add3A_165, %add3A_326] : memref<128x128xf32, #tpu.memory_space<vmem>>[vector<16xi32>, vector<16xi32>], vector<16xf32>,
      %mul3A_328 = arith.mulf %gather3A_323, %gather3A_327 : vector<16xf32>
      %add3A_329 = arith.addf %add3A_319, %mul3A_328 : vector<16xf32>
      %add3A_330 = arith.constant 15 : i32
      %add3A_331 = vector.broadcast %add3A_330 : i32 to vector<16xi32>
      %add3A_332 = arith.addi %mul3A_171, %add3A_331 : vector<16xi32>
      %gather3A_333 = tpu.vector_load_idx %arg14[%add3A_165, %add3A_332] : memref<128x128xf32, #tpu.memory_space<vmem>>[vector<16xi32>, vector<16xi32>], vector<16xf32>,
      %add3A_334 = arith.constant 15 : i32
      %add3A_335 = vector.broadcast %add3A_334 : i32 to vector<16xi32>
      %add3A_336 = arith.addi %mul3A_179, %add3A_335 : vector<16xi32>
      %gather3A_337 = tpu.vector_load_idx %arg16[%add3A_165, %add3A_336] : memref<128x128xf32, #tpu.memory_space<vmem>>[vector<16xi32>, vector<16xi32>], vector<16xf32>,
      %mul3A_338 = arith.mulf %gather3A_333, %gather3A_337 : vector<16xf32>
      %add3A_339 = arith.addf %add3A_329, %mul3A_338 : vector<16xf32>
      %add3A_340 = arith.constant 16 : i32
      %add3A_341 = vector.broadcast %add3A_340 : i32 to vector<16xi32>
      %add3A_342 = arith.addi %mul3A_171, %add3A_341 : vector<16xi32>
      %gather3A_343 = tpu.vector_load_idx %arg14[%add3A_165, %add3A_342] : memref<128x128xf32, #tpu.memory_space<vmem>>[vector<16xi32>, vector<16xi32>], vector<16xf32>,
      %add3A_344 = arith.constant 16 : i32
      %add3A_345 = vector.broadcast %add3A_344 : i32 to vector<16xi32>
      %add3A_346 = arith.addi %mul3A_179, %add3A_345 : vector<16xi32>
      %gather3A_347 = tpu.vector_load_idx %arg16[%add3A_165, %add3A_346] : memref<128x128xf32, #tpu.memory_space<vmem>>[vector<16xi32>, vector<16xi32>], vector<16xf32>,
      %mul3A_348 = arith.mulf %gather3A_343, %gather3A_347 : vector<16xf32>
      %add3A_349 = arith.addf %add3A_339, %mul3A_348 : vector<16xf32>
      %add3A_350 = arith.constant 17 : i32
      %add3A_351 = vector.broadcast %add3A_350 : i32 to vector<16xi32>
      %add3A_352 = arith.addi %mul3A_171, %add3A_351 : vector<16xi32>
      %gather3A_353 = tpu.vector_load_idx %arg14[%add3A_165, %add3A_352] : memref<128x128xf32, #tpu.memory_space<vmem>>[vector<16xi32>, vector<16xi32>], vector<16xf32>,
      %add3A_354 = arith.constant 17 : i32
      %add3A_355 = vector.broadcast %add3A_354 : i32 to vector<16xi32>
      %add3A_356 = arith.addi %mul3A_179, %add3A_355 : vector<16xi32>
      %gather3A_357 = tpu.vector_load_idx %arg16[%add3A_165, %add3A_356] : memref<128x128xf32, #tpu.memory_space<vmem>>[vector<16xi32>, vector<16xi32>], vector<16xf32>,
      %mul3A_358 = arith.mulf %gather3A_353, %gather3A_357 : vector<16xf32>
      %add3A_359 = arith.addf %add3A_349, %mul3A_358 : vector<16xf32>
      %add3A_360 = arith.constant 18 : i32
      %add3A_361 = vector.broadcast %add3A_360 : i32 to vector<16xi32>
      %add3A_362 = arith.addi %mul3A_171, %add3A_361 : vector<16xi32>
      %gather3A_363 = tpu.vector_load_idx %arg14[%add3A_165, %add3A_362] : memref<128x128xf32, #tpu.memory_space<vmem>>[vector<16xi32>, vector<16xi32>], vector<16xf32>,
      %add3A_364 = arith.constant 18 : i32
      %add3A_365 = vector.broadcast %add3A_364 : i32 to vector<16xi32>
      %add3A_366 = arith.addi %mul3A_179, %add3A_365 : vector<16xi32>
      %gather3A_367 = tpu.vector_load_idx %arg16[%add3A_165, %add3A_366] : memref<128x128xf32, #tpu.memory_space<vmem>>[vector<16xi32>, vector<16xi32>], vector<16xf32>,
      %mul3A_368 = arith.mulf %gather3A_363, %gather3A_367 : vector<16xf32>
      %add3A_369 = arith.addf %add3A_359, %mul3A_368 : vector<16xf32>
      %add3A_370 = arith.constant 19 : i32
      %add3A_371 = vector.broadcast %add3A_370 : i32 to vector<16xi32>
      %add3A_372 = arith.addi %mul3A_171, %add3A_371 : vector<16xi32>
      %gather3A_373 = tpu.vector_load_idx %arg14[%add3A_165, %add3A_372] : memref<128x128xf32, #tpu.memory_space<vmem>>[vector<16xi32>, vector<16xi32>], vector<16xf32>,
      %add3A_374 = arith.constant 19 : i32
      %add3A_375 = vector.broadcast %add3A_374 : i32 to vector<16xi32>
      %add3A_376 = arith.addi %mul3A_179, %add3A_375 : vector<16xi32>
      %gather3A_377 = tpu.vector_load_idx %arg16[%add3A_165, %add3A_376] : memref<128x128xf32, #tpu.memory_space<vmem>>[vector<16xi32>, vector<16xi32>], vector<16xf32>,
      %mul3A_378 = arith.mulf %gather3A_373, %gather3A_377 : vector<16xf32>
      %add3A_379 = arith.addf %add3A_369, %mul3A_378 : vector<16xf32>
      %add3A_380 = arith.constant 20 : i32
      %add3A_381 = vector.broadcast %add3A_380 : i32 to vector<16xi32>
      %add3A_382 = arith.addi %mul3A_171, %add3A_381 : vector<16xi32>
      %gather3A_383 = tpu.vector_load_idx %arg14[%add3A_165, %add3A_382] : memref<128x128xf32, #tpu.memory_space<vmem>>[vector<16xi32>, vector<16xi32>], vector<16xf32>,
      %add3A_384 = arith.constant 20 : i32
      %add3A_385 = vector.broadcast %add3A_384 : i32 to vector<16xi32>
      %add3A_386 = arith.addi %mul3A_179, %add3A_385 : vector<16xi32>
      %gather3A_387 = tpu.vector_load_idx %arg16[%add3A_165, %add3A_386] : memref<128x128xf32, #tpu.memory_space<vmem>>[vector<16xi32>, vector<16xi32>], vector<16xf32>,
      %mul3A_388 = arith.mulf %gather3A_383, %gather3A_387 : vector<16xf32>
      %add3A_389 = arith.addf %add3A_379, %mul3A_388 : vector<16xf32>
      %add3A_390 = arith.constant 21 : i32
      %add3A_391 = vector.broadcast %add3A_390 : i32 to vector<16xi32>
      %add3A_392 = arith.addi %mul3A_171, %add3A_391 : vector<16xi32>
      %gather3A_393 = tpu.vector_load_idx %arg14[%add3A_165, %add3A_392] : memref<128x128xf32, #tpu.memory_space<vmem>>[vector<16xi32>, vector<16xi32>], vector<16xf32>,
      %add3A_394 = arith.constant 21 : i32
      %add3A_395 = vector.broadcast %add3A_394 : i32 to vector<16xi32>
      %add3A_396 = arith.addi %mul3A_179, %add3A_395 : vector<16xi32>
      %gather3A_397 = tpu.vector_load_idx %arg16[%add3A_165, %add3A_396] : memref<128x128xf32, #tpu.memory_space<vmem>>[vector<16xi32>, vector<16xi32>], vector<16xf32>,
      %mul3A_398 = arith.mulf %gather3A_393, %gather3A_397 : vector<16xf32>
      %add3A_399 = arith.addf %add3A_389, %mul3A_398 : vector<16xf32>
      %add3A_400 = arith.constant 22 : i32
      %add3A_401 = vector.broadcast %add3A_400 : i32 to vector<16xi32>
      %add3A_402 = arith.addi %mul3A_171, %add3A_401 : vector<16xi32>
      %gather3A_403 = tpu.vector_load_idx %arg14[%add3A_165, %add3A_402] : memref<128x128xf32, #tpu.memory_space<vmem>>[vector<16xi32>, vector<16xi32>], vector<16xf32>,
      %add3A_404 = arith.constant 22 : i32
      %add3A_405 = vector.broadcast %add3A_404 : i32 to vector<16xi32>
      %add3A_406 = arith.addi %mul3A_179, %add3A_405 : vector<16xi32>
      %gather3A_407 = tpu.vector_load_idx %arg16[%add3A_165, %add3A_406] : memref<128x128xf32, #tpu.memory_space<vmem>>[vector<16xi32>, vector<16xi32>], vector<16xf32>,
      %mul3A_408 = arith.mulf %gather3A_403, %gather3A_407 : vector<16xf32>
      %add3A_409 = arith.addf %add3A_399, %mul3A_408 : vector<16xf32>
      %add3A_410 = arith.constant 23 : i32
      %add3A_411 = vector.broadcast %add3A_410 : i32 to vector<16xi32>
      %add3A_412 = arith.addi %mul3A_171, %add3A_411 : vector<16xi32>
      %gather3A_413 = tpu.vector_load_idx %arg14[%add3A_165, %add3A_412] : memref<128x128xf32, #tpu.memory_space<vmem>>[vector<16xi32>, vector<16xi32>], vector<16xf32>,
      %add3A_414 = arith.constant 23 : i32
      %add3A_415 = vector.broadcast %add3A_414 : i32 to vector<16xi32>
      %add3A_416 = arith.addi %mul3A_179, %add3A_415 : vector<16xi32>
      %gather3A_417 = tpu.vector_load_idx %arg16[%add3A_165, %add3A_416] : memref<128x128xf32, #tpu.memory_space<vmem>>[vector<16xi32>, vector<16xi32>], vector<16xf32>,
      %mul3A_418 = arith.mulf %gather3A_413, %gather3A_417 : vector<16xf32>
      %add3A_419 = arith.addf %add3A_409, %mul3A_418 : vector<16xf32>
      %add3A_420 = arith.constant 24 : i32
      %add3A_421 = vector.broadcast %add3A_420 : i32 to vector<16xi32>
      %add3A_422 = arith.addi %mul3A_171, %add3A_421 : vector<16xi32>
      %gather3A_423 = tpu.vector_load_idx %arg14[%add3A_165, %add3A_422] : memref<128x128xf32, #tpu.memory_space<vmem>>[vector<16xi32>, vector<16xi32>], vector<16xf32>,
      %add3A_424 = arith.constant 24 : i32
      %add3A_425 = vector.broadcast %add3A_424 : i32 to vector<16xi32>
      %add3A_426 = arith.addi %mul3A_179, %add3A_425 : vector<16xi32>
      %gather3A_427 = tpu.vector_load_idx %arg16[%add3A_165, %add3A_426] : memref<128x128xf32, #tpu.memory_space<vmem>>[vector<16xi32>, vector<16xi32>], vector<16xf32>,
      %mul3A_428 = arith.mulf %gather3A_423, %gather3A_427 : vector<16xf32>
      %add3A_429 = arith.addf %add3A_419, %mul3A_428 : vector<16xf32>
      %add3A_430 = arith.constant 25 : i32
      %add3A_431 = vector.broadcast %add3A_430 : i32 to vector<16xi32>
      %add3A_432 = arith.addi %mul3A_171, %add3A_431 : vector<16xi32>
      %gather3A_433 = tpu.vector_load_idx %arg14[%add3A_165, %add3A_432] : memref<128x128xf32, #tpu.memory_space<vmem>>[vector<16xi32>, vector<16xi32>], vector<16xf32>,
      %add3A_434 = arith.constant 25 : i32
      %add3A_435 = vector.broadcast %add3A_434 : i32 to vector<16xi32>
      %add3A_436 = arith.addi %mul3A_179, %add3A_435 : vector<16xi32>
      %gather3A_437 = tpu.vector_load_idx %arg16[%add3A_165, %add3A_436] : memref<128x128xf32, #tpu.memory_space<vmem>>[vector<16xi32>, vector<16xi32>], vector<16xf32>,
      %mul3A_438 = arith.mulf %gather3A_433, %gather3A_437 : vector<16xf32>
      %add3A_439 = arith.addf %add3A_429, %mul3A_438 : vector<16xf32>
      %add3A_440 = arith.constant 26 : i32
      %add3A_441 = vector.broadcast %add3A_440 : i32 to vector<16xi32>
      %add3A_442 = arith.addi %mul3A_171, %add3A_441 : vector<16xi32>
      %gather3A_443 = tpu.vector_load_idx %arg14[%add3A_165, %add3A_442] : memref<128x128xf32, #tpu.memory_space<vmem>>[vector<16xi32>, vector<16xi32>], vector<16xf32>,
      %add3A_444 = arith.constant 26 : i32
      %add3A_445 = vector.broadcast %add3A_444 : i32 to vector<16xi32>
      %add3A_446 = arith.addi %mul3A_179, %add3A_445 : vector<16xi32>
      %gather3A_447 = tpu.vector_load_idx %arg16[%add3A_165, %add3A_446] : memref<128x128xf32, #tpu.memory_space<vmem>>[vector<16xi32>, vector<16xi32>], vector<16xf32>,
      %mul3A_448 = arith.mulf %gather3A_443, %gather3A_447 : vector<16xf32>
      %add3A_449 = arith.addf %add3A_439, %mul3A_448 : vector<16xf32>
      %add3A_450 = arith.constant 27 : i32
      %add3A_451 = vector.broadcast %add3A_450 : i32 to vector<16xi32>
      %add3A_452 = arith.addi %mul3A_171, %add3A_451 : vector<16xi32>
      %gather3A_453 = tpu.vector_load_idx %arg14[%add3A_165, %add3A_452] : memref<128x128xf32, #tpu.memory_space<vmem>>[vector<16xi32>, vector<16xi32>], vector<16xf32>,
      %add3A_454 = arith.constant 27 : i32
      %add3A_455 = vector.broadcast %add3A_454 : i32 to vector<16xi32>
      %add3A_456 = arith.addi %mul3A_179, %add3A_455 : vector<16xi32>
      %gather3A_457 = tpu.vector_load_idx %arg16[%add3A_165, %add3A_456] : memref<128x128xf32, #tpu.memory_space<vmem>>[vector<16xi32>, vector<16xi32>], vector<16xf32>,
      %mul3A_458 = arith.mulf %gather3A_453, %gather3A_457 : vector<16xf32>
      %add3A_459 = arith.addf %add3A_449, %mul3A_458 : vector<16xf32>
      %add3A_460 = arith.constant 28 : i32
      %add3A_461 = vector.broadcast %add3A_460 : i32 to vector<16xi32>
      %add3A_462 = arith.addi %mul3A_171, %add3A_461 : vector<16xi32>
      %gather3A_463 = tpu.vector_load_idx %arg14[%add3A_165, %add3A_462] : memref<128x128xf32, #tpu.memory_space<vmem>>[vector<16xi32>, vector<16xi32>], vector<16xf32>,
      %add3A_464 = arith.constant 28 : i32
      %add3A_465 = vector.broadcast %add3A_464 : i32 to vector<16xi32>
      %add3A_466 = arith.addi %mul3A_179, %add3A_465 : vector<16xi32>
      %gather3A_467 = tpu.vector_load_idx %arg16[%add3A_165, %add3A_466] : memref<128x128xf32, #tpu.memory_space<vmem>>[vector<16xi32>, vector<16xi32>], vector<16xf32>,
      %mul3A_468 = arith.mulf %gather3A_463, %gather3A_467 : vector<16xf32>
      %add3A_469 = arith.addf %add3A_459, %mul3A_468 : vector<16xf32>
      %add3A_470 = arith.constant 29 : i32
      %add3A_471 = vector.broadcast %add3A_470 : i32 to vector<16xi32>
      %add3A_472 = arith.addi %mul3A_171, %add3A_471 : vector<16xi32>
      %gather3A_473 = tpu.vector_load_idx %arg14[%add3A_165, %add3A_472] : memref<128x128xf32, #tpu.memory_space<vmem>>[vector<16xi32>, vector<16xi32>], vector<16xf32>,
      %add3A_474 = arith.constant 29 : i32
      %add3A_475 = vector.broadcast %add3A_474 : i32 to vector<16xi32>
      %add3A_476 = arith.addi %mul3A_179, %add3A_475 : vector<16xi32>
      %gather3A_477 = tpu.vector_load_idx %arg16[%add3A_165, %add3A_476] : memref<128x128xf32, #tpu.memory_space<vmem>>[vector<16xi32>, vector<16xi32>], vector<16xf32>,
      %mul3A_478 = arith.mulf %gather3A_473, %gather3A_477 : vector<16xf32>
      %add3A_479 = arith.addf %add3A_469, %mul3A_478 : vector<16xf32>
      %add3A_480 = arith.constant 30 : i32
      %add3A_481 = vector.broadcast %add3A_480 : i32 to vector<16xi32>
      %add3A_482 = arith.addi %mul3A_171, %add3A_481 : vector<16xi32>
      %gather3A_483 = tpu.vector_load_idx %arg14[%add3A_165, %add3A_482] : memref<128x128xf32, #tpu.memory_space<vmem>>[vector<16xi32>, vector<16xi32>], vector<16xf32>,
      %add3A_484 = arith.constant 30 : i32
      %add3A_485 = vector.broadcast %add3A_484 : i32 to vector<16xi32>
      %add3A_486 = arith.addi %mul3A_179, %add3A_485 : vector<16xi32>
      %gather3A_487 = tpu.vector_load_idx %arg16[%add3A_165, %add3A_486] : memref<128x128xf32, #tpu.memory_space<vmem>>[vector<16xi32>, vector<16xi32>], vector<16xf32>,
      %mul3A_488 = arith.mulf %gather3A_483, %gather3A_487 : vector<16xf32>
      %add3A_489 = arith.addf %add3A_479, %mul3A_488 : vector<16xf32>
      %add3A_490 = arith.constant 31 : i32
      %add3A_491 = vector.broadcast %add3A_490 : i32 to vector<16xi32>
      %add3A_492 = arith.addi %mul3A_171, %add3A_491 : vector<16xi32>
      %gather3A_493 = tpu.vector_load_idx %arg14[%add3A_165, %add3A_492] : memref<128x128xf32, #tpu.memory_space<vmem>>[vector<16xi32>, vector<16xi32>], vector<16xf32>,
      %add3A_494 = arith.constant 31 : i32
      %add3A_495 = vector.broadcast %add3A_494 : i32 to vector<16xi32>
      %add3A_496 = arith.addi %mul3A_179, %add3A_495 : vector<16xi32>
      %gather3A_497 = tpu.vector_load_idx %arg16[%add3A_165, %add3A_496] : memref<128x128xf32, #tpu.memory_space<vmem>>[vector<16xi32>, vector<16xi32>], vector<16xf32>,
      %mul3A_498 = arith.mulf %gather3A_493, %gather3A_497 : vector<16xf32>
      %add3A_499 = arith.addf %add3A_489, %mul3A_498 : vector<16xf32>
      %add3A_500 = arith.constant 32 : i32
      %add3A_501 = vector.broadcast %add3A_500 : i32 to vector<16xi32>
      %add3A_502 = arith.addi %mul3A_171, %add3A_501 : vector<16xi32>
      %gather3A_503 = tpu.vector_load_idx %arg14[%add3A_165, %add3A_502] : memref<128x128xf32, #tpu.memory_space<vmem>>[vector<16xi32>, vector<16xi32>], vector<16xf32>,
      %add3A_504 = arith.constant 32 : i32
      %add3A_505 = vector.broadcast %add3A_504 : i32 to vector<16xi32>
      %add3A_506 = arith.addi %mul3A_179, %add3A_505 : vector<16xi32>
      %gather3A_507 = tpu.vector_load_idx %arg16[%add3A_165, %add3A_506] : memref<128x128xf32, #tpu.memory_space<vmem>>[vector<16xi32>, vector<16xi32>], vector<16xf32>,
      %mul3A_508 = arith.mulf %gather3A_503, %gather3A_507 : vector<16xf32>
      %add3A_509 = arith.addf %add3A_499, %mul3A_508 : vector<16xf32>
      %add3A_510 = arith.constant 33 : i32
      %add3A_511 = vector.broadcast %add3A_510 : i32 to vector<16xi32>
      %add3A_512 = arith.addi %mul3A_171, %add3A_511 : vector<16xi32>
      %gather3A_513 = tpu.vector_load_idx %arg14[%add3A_165, %add3A_512] : memref<128x128xf32, #tpu.memory_space<vmem>>[vector<16xi32>, vector<16xi32>], vector<16xf32>,
      %add3A_514 = arith.constant 33 : i32
      %add3A_515 = vector.broadcast %add3A_514 : i32 to vector<16xi32>
      %add3A_516 = arith.addi %mul3A_179, %add3A_515 : vector<16xi32>
      %gather3A_517 = tpu.vector_load_idx %arg16[%add3A_165, %add3A_516] : memref<128x128xf32, #tpu.memory_space<vmem>>[vector<16xi32>, vector<16xi32>], vector<16xf32>,
      %mul3A_518 = arith.mulf %gather3A_513, %gather3A_517 : vector<16xf32>
      %add3A_519 = arith.addf %add3A_509, %mul3A_518 : vector<16xf32>
      %add3A_520 = arith.constant 34 : i32
      %add3A_521 = vector.broadcast %add3A_520 : i32 to vector<16xi32>
      %add3A_522 = arith.addi %mul3A_171, %add3A_521 : vector<16xi32>
      %gather3A_523 = tpu.vector_load_idx %arg14[%add3A_165, %add3A_522] : memref<128x128xf32, #tpu.memory_space<vmem>>[vector<16xi32>, vector<16xi32>], vector<16xf32>,
      %add3A_524 = arith.constant 34 : i32
      %add3A_525 = vector.broadcast %add3A_524 : i32 to vector<16xi32>
      %add3A_526 = arith.addi %mul3A_179, %add3A_525 : vector<16xi32>
      %gather3A_527 = tpu.vector_load_idx %arg16[%add3A_165, %add3A_526] : memref<128x128xf32, #tpu.memory_space<vmem>>[vector<16xi32>, vector<16xi32>], vector<16xf32>,
      %mul3A_528 = arith.mulf %gather3A_523, %gather3A_527 : vector<16xf32>
      %add3A_529 = arith.addf %add3A_519, %mul3A_528 : vector<16xf32>
      %add3A_530 = arith.constant 35 : i32
      %add3A_531 = vector.broadcast %add3A_530 : i32 to vector<16xi32>
      %add3A_532 = arith.addi %mul3A_171, %add3A_531 : vector<16xi32>
      %gather3A_533 = tpu.vector_load_idx %arg14[%add3A_165, %add3A_532] : memref<128x128xf32, #tpu.memory_space<vmem>>[vector<16xi32>, vector<16xi32>], vector<16xf32>,
      %add3A_534 = arith.constant 35 : i32
      %add3A_535 = vector.broadcast %add3A_534 : i32 to vector<16xi32>
      %add3A_536 = arith.addi %mul3A_179, %add3A_535 : vector<16xi32>
      %gather3A_537 = tpu.vector_load_idx %arg16[%add3A_165, %add3A_536] : memref<128x128xf32, #tpu.memory_space<vmem>>[vector<16xi32>, vector<16xi32>], vector<16xf32>,
      %mul3A_538 = arith.mulf %gather3A_533, %gather3A_537 : vector<16xf32>
      %add3A_539 = arith.addf %add3A_529, %mul3A_538 : vector<16xf32>
      %add3A_540 = arith.constant 36 : i32
      %add3A_541 = vector.broadcast %add3A_540 : i32 to vector<16xi32>
      %add3A_542 = arith.addi %mul3A_171, %add3A_541 : vector<16xi32>
      %gather3A_543 = tpu.vector_load_idx %arg14[%add3A_165, %add3A_542] : memref<128x128xf32, #tpu.memory_space<vmem>>[vector<16xi32>, vector<16xi32>], vector<16xf32>,
      %add3A_544 = arith.constant 36 : i32
      %add3A_545 = vector.broadcast %add3A_544 : i32 to vector<16xi32>
      %add3A_546 = arith.addi %mul3A_179, %add3A_545 : vector<16xi32>
      %gather3A_547 = tpu.vector_load_idx %arg16[%add3A_165, %add3A_546] : memref<128x128xf32, #tpu.memory_space<vmem>>[vector<16xi32>, vector<16xi32>], vector<16xf32>,
      %mul3A_548 = arith.mulf %gather3A_543, %gather3A_547 : vector<16xf32>
      %add3A_549 = arith.addf %add3A_539, %mul3A_548 : vector<16xf32>
      %add3A_550 = arith.constant 37 : i32
      %add3A_551 = vector.broadcast %add3A_550 : i32 to vector<16xi32>
      %add3A_552 = arith.addi %mul3A_171, %add3A_551 : vector<16xi32>
      %gather3A_553 = tpu.vector_load_idx %arg14[%add3A_165, %add3A_552] : memref<128x128xf32, #tpu.memory_space<vmem>>[vector<16xi32>, vector<16xi32>], vector<16xf32>,
      %add3A_554 = arith.constant 37 : i32
      %add3A_555 = vector.broadcast %add3A_554 : i32 to vector<16xi32>
      %add3A_556 = arith.addi %mul3A_179, %add3A_555 : vector<16xi32>
      %gather3A_557 = tpu.vector_load_idx %arg16[%add3A_165, %add3A_556] : memref<128x128xf32, #tpu.memory_space<vmem>>[vector<16xi32>, vector<16xi32>], vector<16xf32>,
      %mul3A_558 = arith.mulf %gather3A_553, %gather3A_557 : vector<16xf32>
      %add3A_559 = arith.addf %add3A_549, %mul3A_558 : vector<16xf32>
      %add3A_560 = arith.constant 38 : i32
      %add3A_561 = vector.broadcast %add3A_560 : i32 to vector<16xi32>
      %add3A_562 = arith.addi %mul3A_171, %add3A_561 : vector<16xi32>
      %gather3A_563 = tpu.vector_load_idx %arg14[%add3A_165, %add3A_562] : memref<128x128xf32, #tpu.memory_space<vmem>>[vector<16xi32>, vector<16xi32>], vector<16xf32>,
      %add3A_564 = arith.constant 38 : i32
      %add3A_565 = vector.broadcast %add3A_564 : i32 to vector<16xi32>
      %add3A_566 = arith.addi %mul3A_179, %add3A_565 : vector<16xi32>
      %gather3A_567 = tpu.vector_load_idx %arg16[%add3A_165, %add3A_566] : memref<128x128xf32, #tpu.memory_space<vmem>>[vector<16xi32>, vector<16xi32>], vector<16xf32>,
      %mul3A_568 = arith.mulf %gather3A_563, %gather3A_567 : vector<16xf32>
      %add3A_569 = arith.addf %add3A_559, %mul3A_568 : vector<16xf32>
      %add3A_570 = arith.constant 39 : i32
      %add3A_571 = vector.broadcast %add3A_570 : i32 to vector<16xi32>
      %add3A_572 = arith.addi %mul3A_171, %add3A_571 : vector<16xi32>
      %gather3A_573 = tpu.vector_load_idx %arg14[%add3A_165, %add3A_572] : memref<128x128xf32, #tpu.memory_space<vmem>>[vector<16xi32>, vector<16xi32>], vector<16xf32>,
      %add3A_574 = arith.constant 39 : i32
      %add3A_575 = vector.broadcast %add3A_574 : i32 to vector<16xi32>
      %add3A_576 = arith.addi %mul3A_179, %add3A_575 : vector<16xi32>
      %gather3A_577 = tpu.vector_load_idx %arg16[%add3A_165, %add3A_576] : memref<128x128xf32, #tpu.memory_space<vmem>>[vector<16xi32>, vector<16xi32>], vector<16xf32>,
      %mul3A_578 = arith.mulf %gather3A_573, %gather3A_577 : vector<16xf32>
      %add3A_579 = arith.addf %add3A_569, %mul3A_578 : vector<16xf32>
      %add3A_580 = arith.constant 40 : i32
      %add3A_581 = vector.broadcast %add3A_580 : i32 to vector<16xi32>
      %add3A_582 = arith.addi %mul3A_171, %add3A_581 : vector<16xi32>
      %gather3A_583 = tpu.vector_load_idx %arg14[%add3A_165, %add3A_582] : memref<128x128xf32, #tpu.memory_space<vmem>>[vector<16xi32>, vector<16xi32>], vector<16xf32>,
      %add3A_584 = arith.constant 40 : i32
      %add3A_585 = vector.broadcast %add3A_584 : i32 to vector<16xi32>
      %add3A_586 = arith.addi %mul3A_179, %add3A_585 : vector<16xi32>
      %gather3A_587 = tpu.vector_load_idx %arg16[%add3A_165, %add3A_586] : memref<128x128xf32, #tpu.memory_space<vmem>>[vector<16xi32>, vector<16xi32>], vector<16xf32>,
      %mul3A_588 = arith.mulf %gather3A_583, %gather3A_587 : vector<16xf32>
      %add3A_589 = arith.addf %add3A_579, %mul3A_588 : vector<16xf32>
      %add3A_590 = arith.constant 41 : i32
      %add3A_591 = vector.broadcast %add3A_590 : i32 to vector<16xi32>
      %add3A_592 = arith.addi %mul3A_171, %add3A_591 : vector<16xi32>
      %gather3A_593 = tpu.vector_load_idx %arg14[%add3A_165, %add3A_592] : memref<128x128xf32, #tpu.memory_space<vmem>>[vector<16xi32>, vector<16xi32>], vector<16xf32>,
      %add3A_594 = arith.constant 41 : i32
      %add3A_595 = vector.broadcast %add3A_594 : i32 to vector<16xi32>
      %add3A_596 = arith.addi %mul3A_179, %add3A_595 : vector<16xi32>
      %gather3A_597 = tpu.vector_load_idx %arg16[%add3A_165, %add3A_596] : memref<128x128xf32, #tpu.memory_space<vmem>>[vector<16xi32>, vector<16xi32>], vector<16xf32>,
      %mul3A_598 = arith.mulf %gather3A_593, %gather3A_597 : vector<16xf32>
      %add3A_599 = arith.addf %add3A_589, %mul3A_598 : vector<16xf32>
      %add3A_600 = arith.constant 42 : i32
      %add3A_601 = vector.broadcast %add3A_600 : i32 to vector<16xi32>
      %add3A_602 = arith.addi %mul3A_171, %add3A_601 : vector<16xi32>
      %gather3A_603 = tpu.vector_load_idx %arg14[%add3A_165, %add3A_602] : memref<128x128xf32, #tpu.memory_space<vmem>>[vector<16xi32>, vector<16xi32>], vector<16xf32>,
      %add3A_604 = arith.constant 42 : i32
      %add3A_605 = vector.broadcast %add3A_604 : i32 to vector<16xi32>
      %add3A_606 = arith.addi %mul3A_179, %add3A_605 : vector<16xi32>
      %gather3A_607 = tpu.vector_load_idx %arg16[%add3A_165, %add3A_606] : memref<128x128xf32, #tpu.memory_space<vmem>>[vector<16xi32>, vector<16xi32>], vector<16xf32>,
      %mul3A_608 = arith.mulf %gather3A_603, %gather3A_607 : vector<16xf32>
      %add3A_609 = arith.addf %add3A_599, %mul3A_608 : vector<16xf32>
      %add3A_610 = arith.constant 43 : i32
      %add3A_611 = vector.broadcast %add3A_610 : i32 to vector<16xi32>
      %add3A_612 = arith.addi %mul3A_171, %add3A_611 : vector<16xi32>
      %gather3A_613 = tpu.vector_load_idx %arg14[%add3A_165, %add3A_612] : memref<128x128xf32, #tpu.memory_space<vmem>>[vector<16xi32>, vector<16xi32>], vector<16xf32>,
      %add3A_614 = arith.constant 43 : i32
      %add3A_615 = vector.broadcast %add3A_614 : i32 to vector<16xi32>
      %add3A_616 = arith.addi %mul3A_179, %add3A_615 : vector<16xi32>
      %gather3A_617 = tpu.vector_load_idx %arg16[%add3A_165, %add3A_616] : memref<128x128xf32, #tpu.memory_space<vmem>>[vector<16xi32>, vector<16xi32>], vector<16xf32>,
      %mul3A_618 = arith.mulf %gather3A_613, %gather3A_617 : vector<16xf32>
      %add3A_619 = arith.addf %add3A_609, %mul3A_618 : vector<16xf32>
      %add3A_620 = arith.constant 44 : i32
      %add3A_621 = vector.broadcast %add3A_620 : i32 to vector<16xi32>
      %add3A_622 = arith.addi %mul3A_171, %add3A_621 : vector<16xi32>
      %gather3A_623 = tpu.vector_load_idx %arg14[%add3A_165, %add3A_622] : memref<128x128xf32, #tpu.memory_space<vmem>>[vector<16xi32>, vector<16xi32>], vector<16xf32>,
      %add3A_624 = arith.constant 44 : i32
      %add3A_625 = vector.broadcast %add3A_624 : i32 to vector<16xi32>
      %add3A_626 = arith.addi %mul3A_179, %add3A_625 : vector<16xi32>
      %gather3A_627 = tpu.vector_load_idx %arg16[%add3A_165, %add3A_626] : memref<128x128xf32, #tpu.memory_space<vmem>>[vector<16xi32>, vector<16xi32>], vector<16xf32>,
      %mul3A_628 = arith.mulf %gather3A_623, %gather3A_627 : vector<16xf32>
      %add3A_629 = arith.addf %add3A_619, %mul3A_628 : vector<16xf32>
      %add3A_630 = arith.constant 45 : i32
      %add3A_631 = vector.broadcast %add3A_630 : i32 to vector<16xi32>
      %add3A_632 = arith.addi %mul3A_171, %add3A_631 : vector<16xi32>
      %gather3A_633 = tpu.vector_load_idx %arg14[%add3A_165, %add3A_632] : memref<128x128xf32, #tpu.memory_space<vmem>>[vector<16xi32>, vector<16xi32>], vector<16xf32>,
      %add3A_634 = arith.constant 45 : i32
      %add3A_635 = vector.broadcast %add3A_634 : i32 to vector<16xi32>
      %add3A_636 = arith.addi %mul3A_179, %add3A_635 : vector<16xi32>
      %gather3A_637 = tpu.vector_load_idx %arg16[%add3A_165, %add3A_636] : memref<128x128xf32, #tpu.memory_space<vmem>>[vector<16xi32>, vector<16xi32>], vector<16xf32>,
      %mul3A_638 = arith.mulf %gather3A_633, %gather3A_637 : vector<16xf32>
      %add3A_639 = arith.addf %add3A_629, %mul3A_638 : vector<16xf32>
      %add3A_640 = arith.constant 46 : i32
      %add3A_641 = vector.broadcast %add3A_640 : i32 to vector<16xi32>
      %add3A_642 = arith.addi %mul3A_171, %add3A_641 : vector<16xi32>
      %gather3A_643 = tpu.vector_load_idx %arg14[%add3A_165, %add3A_642] : memref<128x128xf32, #tpu.memory_space<vmem>>[vector<16xi32>, vector<16xi32>], vector<16xf32>,
      %add3A_644 = arith.constant 46 : i32
      %add3A_645 = vector.broadcast %add3A_644 : i32 to vector<16xi32>
      %add3A_646 = arith.addi %mul3A_179, %add3A_645 : vector<16xi32>
      %gather3A_647 = tpu.vector_load_idx %arg16[%add3A_165, %add3A_646] : memref<128x128xf32, #tpu.memory_space<vmem>>[vector<16xi32>, vector<16xi32>], vector<16xf32>,
      %mul3A_648 = arith.mulf %gather3A_643, %gather3A_647 : vector<16xf32>
      %add3A_649 = arith.addf %add3A_639, %mul3A_648 : vector<16xf32>
      %add3A_650 = arith.constant 47 : i32
      %add3A_651 = vector.broadcast %add3A_650 : i32 to vector<16xi32>
      %add3A_652 = arith.addi %mul3A_171, %add3A_651 : vector<16xi32>
      %gather3A_653 = tpu.vector_load_idx %arg14[%add3A_165, %add3A_652] : memref<128x128xf32, #tpu.memory_space<vmem>>[vector<16xi32>, vector<16xi32>], vector<16xf32>,
      %add3A_654 = arith.constant 47 : i32
      %add3A_655 = vector.broadcast %add3A_654 : i32 to vector<16xi32>
      %add3A_656 = arith.addi %mul3A_179, %add3A_655 : vector<16xi32>
      %gather3A_657 = tpu.vector_load_idx %arg16[%add3A_165, %add3A_656] : memref<128x128xf32, #tpu.memory_space<vmem>>[vector<16xi32>, vector<16xi32>], vector<16xf32>,
      %mul3A_658 = arith.mulf %gather3A_653, %gather3A_657 : vector<16xf32>
      %add3A_659 = arith.addf %add3A_649, %mul3A_658 : vector<16xf32>
      %add3A_660 = arith.constant 48 : i32
      %add3A_661 = vector.broadcast %add3A_660 : i32 to vector<16xi32>
      %add3A_662 = arith.addi %mul3A_171, %add3A_661 : vector<16xi32>
      %gather3A_663 = tpu.vector_load_idx %arg14[%add3A_165, %add3A_662] : memref<128x128xf32, #tpu.memory_space<vmem>>[vector<16xi32>, vector<16xi32>], vector<16xf32>,
      %add3A_664 = arith.constant 48 : i32
      %add3A_665 = vector.broadcast %add3A_664 : i32 to vector<16xi32>
      %add3A_666 = arith.addi %mul3A_179, %add3A_665 : vector<16xi32>
      %gather3A_667 = tpu.vector_load_idx %arg16[%add3A_165, %add3A_666] : memref<128x128xf32, #tpu.memory_space<vmem>>[vector<16xi32>, vector<16xi32>], vector<16xf32>,
      %mul3A_668 = arith.mulf %gather3A_663, %gather3A_667 : vector<16xf32>
      %add3A_669 = arith.addf %add3A_659, %mul3A_668 : vector<16xf32>
      %add3A_670 = arith.constant 49 : i32
      %add3A_671 = vector.broadcast %add3A_670 : i32 to vector<16xi32>
      %add3A_672 = arith.addi %mul3A_171, %add3A_671 : vector<16xi32>
      %gather3A_673 = tpu.vector_load_idx %arg14[%add3A_165, %add3A_672] : memref<128x128xf32, #tpu.memory_space<vmem>>[vector<16xi32>, vector<16xi32>], vector<16xf32>,
      %add3A_674 = arith.constant 49 : i32
      %add3A_675 = vector.broadcast %add3A_674 : i32 to vector<16xi32>
      %add3A_676 = arith.addi %mul3A_179, %add3A_675 : vector<16xi32>
      %gather3A_677 = tpu.vector_load_idx %arg16[%add3A_165, %add3A_676] : memref<128x128xf32, #tpu.memory_space<vmem>>[vector<16xi32>, vector<16xi32>], vector<16xf32>,
      %mul3A_678 = arith.mulf %gather3A_673, %gather3A_677 : vector<16xf32>
      %add3A_679 = arith.addf %add3A_669, %mul3A_678 : vector<16xf32>
      %add3A_680 = arith.constant 50 : i32
      %add3A_681 = vector.broadcast %add3A_680 : i32 to vector<16xi32>
      %add3A_682 = arith.addi %mul3A_171, %add3A_681 : vector<16xi32>
      %gather3A_683 = tpu.vector_load_idx %arg14[%add3A_165, %add3A_682] : memref<128x128xf32, #tpu.memory_space<vmem>>[vector<16xi32>, vector<16xi32>], vector<16xf32>,
      %add3A_684 = arith.constant 50 : i32
      %add3A_685 = vector.broadcast %add3A_684 : i32 to vector<16xi32>
      %add3A_686 = arith.addi %mul3A_179, %add3A_685 : vector<16xi32>
      %gather3A_687 = tpu.vector_load_idx %arg16[%add3A_165, %add3A_686] : memref<128x128xf32, #tpu.memory_space<vmem>>[vector<16xi32>, vector<16xi32>], vector<16xf32>,
      %mul3A_688 = arith.mulf %gather3A_683, %gather3A_687 : vector<16xf32>
      %add3A_689 = arith.addf %add3A_679, %mul3A_688 : vector<16xf32>
      %add3A_690 = arith.constant 51 : i32
      %add3A_691 = vector.broadcast %add3A_690 : i32 to vector<16xi32>
      %add3A_692 = arith.addi %mul3A_171, %add3A_691 : vector<16xi32>
      %gather3A_693 = tpu.vector_load_idx %arg14[%add3A_165, %add3A_692] : memref<128x128xf32, #tpu.memory_space<vmem>>[vector<16xi32>, vector<16xi32>], vector<16xf32>,
      %add3A_694 = arith.constant 51 : i32
      %add3A_695 = vector.broadcast %add3A_694 : i32 to vector<16xi32>
      %add3A_696 = arith.addi %mul3A_179, %add3A_695 : vector<16xi32>
      %gather3A_697 = tpu.vector_load_idx %arg16[%add3A_165, %add3A_696] : memref<128x128xf32, #tpu.memory_space<vmem>>[vector<16xi32>, vector<16xi32>], vector<16xf32>,
      %mul3A_698 = arith.mulf %gather3A_693, %gather3A_697 : vector<16xf32>
      %add3A_699 = arith.addf %add3A_689, %mul3A_698 : vector<16xf32>
      %add3A_700 = arith.constant 52 : i32
      %add3A_701 = vector.broadcast %add3A_700 : i32 to vector<16xi32>
      %add3A_702 = arith.addi %mul3A_171, %add3A_701 : vector<16xi32>
      %gather3A_703 = tpu.vector_load_idx %arg14[%add3A_165, %add3A_702] : memref<128x128xf32, #tpu.memory_space<vmem>>[vector<16xi32>, vector<16xi32>], vector<16xf32>,
      %add3A_704 = arith.constant 52 : i32
      %add3A_705 = vector.broadcast %add3A_704 : i32 to vector<16xi32>
      %add3A_706 = arith.addi %mul3A_179, %add3A_705 : vector<16xi32>
      %gather3A_707 = tpu.vector_load_idx %arg16[%add3A_165, %add3A_706] : memref<128x128xf32, #tpu.memory_space<vmem>>[vector<16xi32>, vector<16xi32>], vector<16xf32>,
      %mul3A_708 = arith.mulf %gather3A_703, %gather3A_707 : vector<16xf32>
      %add3A_709 = arith.addf %add3A_699, %mul3A_708 : vector<16xf32>
      %add3A_710 = arith.constant 53 : i32
      %add3A_711 = vector.broadcast %add3A_710 : i32 to vector<16xi32>
      %add3A_712 = arith.addi %mul3A_171, %add3A_711 : vector<16xi32>
      %gather3A_713 = tpu.vector_load_idx %arg14[%add3A_165, %add3A_712] : memref<128x128xf32, #tpu.memory_space<vmem>>[vector<16xi32>, vector<16xi32>], vector<16xf32>,
      %add3A_714 = arith.constant 53 : i32
      %add3A_715 = vector.broadcast %add3A_714 : i32 to vector<16xi32>
      %add3A_716 = arith.addi %mul3A_179, %add3A_715 : vector<16xi32>
      %gather3A_717 = tpu.vector_load_idx %arg16[%add3A_165, %add3A_716] : memref<128x128xf32, #tpu.memory_space<vmem>>[vector<16xi32>, vector<16xi32>], vector<16xf32>,
      %mul3A_718 = arith.mulf %gather3A_713, %gather3A_717 : vector<16xf32>
      %add3A_719 = arith.addf %add3A_709, %mul3A_718 : vector<16xf32>
      %add3A_720 = arith.constant 54 : i32
      %add3A_721 = vector.broadcast %add3A_720 : i32 to vector<16xi32>
      %add3A_722 = arith.addi %mul3A_171, %add3A_721 : vector<16xi32>
      %gather3A_723 = tpu.vector_load_idx %arg14[%add3A_165, %add3A_722] : memref<128x128xf32, #tpu.memory_space<vmem>>[vector<16xi32>, vector<16xi32>], vector<16xf32>,
      %add3A_724 = arith.constant 54 : i32
      %add3A_725 = vector.broadcast %add3A_724 : i32 to vector<16xi32>
      %add3A_726 = arith.addi %mul3A_179, %add3A_725 : vector<16xi32>
      %gather3A_727 = tpu.vector_load_idx %arg16[%add3A_165, %add3A_726] : memref<128x128xf32, #tpu.memory_space<vmem>>[vector<16xi32>, vector<16xi32>], vector<16xf32>,
      %mul3A_728 = arith.mulf %gather3A_723, %gather3A_727 : vector<16xf32>
      %add3A_729 = arith.addf %add3A_719, %mul3A_728 : vector<16xf32>
      %add3A_730 = arith.constant 55 : i32
      %add3A_731 = vector.broadcast %add3A_730 : i32 to vector<16xi32>
      %add3A_732 = arith.addi %mul3A_171, %add3A_731 : vector<16xi32>
      %gather3A_733 = tpu.vector_load_idx %arg14[%add3A_165, %add3A_732] : memref<128x128xf32, #tpu.memory_space<vmem>>[vector<16xi32>, vector<16xi32>], vector<16xf32>,
      %add3A_734 = arith.constant 55 : i32
      %add3A_735 = vector.broadcast %add3A_734 : i32 to vector<16xi32>
      %add3A_736 = arith.addi %mul3A_179, %add3A_735 : vector<16xi32>
      %gather3A_737 = tpu.vector_load_idx %arg16[%add3A_165, %add3A_736] : memref<128x128xf32, #tpu.memory_space<vmem>>[vector<16xi32>, vector<16xi32>], vector<16xf32>,
      %mul3A_738 = arith.mulf %gather3A_733, %gather3A_737 : vector<16xf32>
      %add3A_739 = arith.addf %add3A_729, %mul3A_738 : vector<16xf32>
      %add3A_740 = arith.constant 56 : i32
      %add3A_741 = vector.broadcast %add3A_740 : i32 to vector<16xi32>
      %add3A_742 = arith.addi %mul3A_171, %add3A_741 : vector<16xi32>
      %gather3A_743 = tpu.vector_load_idx %arg14[%add3A_165, %add3A_742] : memref<128x128xf32, #tpu.memory_space<vmem>>[vector<16xi32>, vector<16xi32>], vector<16xf32>,
      %add3A_744 = arith.constant 56 : i32
      %add3A_745 = vector.broadcast %add3A_744 : i32 to vector<16xi32>
      %add3A_746 = arith.addi %mul3A_179, %add3A_745 : vector<16xi32>
      %gather3A_747 = tpu.vector_load_idx %arg16[%add3A_165, %add3A_746] : memref<128x128xf32, #tpu.memory_space<vmem>>[vector<16xi32>, vector<16xi32>], vector<16xf32>,
      %mul3A_748 = arith.mulf %gather3A_743, %gather3A_747 : vector<16xf32>
      %add3A_749 = arith.addf %add3A_739, %mul3A_748 : vector<16xf32>
      %add3A_750 = arith.constant 57 : i32
      %add3A_751 = vector.broadcast %add3A_750 : i32 to vector<16xi32>
      %add3A_752 = arith.addi %mul3A_171, %add3A_751 : vector<16xi32>
      %gather3A_753 = tpu.vector_load_idx %arg14[%add3A_165, %add3A_752] : memref<128x128xf32, #tpu.memory_space<vmem>>[vector<16xi32>, vector<16xi32>], vector<16xf32>,
      %add3A_754 = arith.constant 57 : i32
      %add3A_755 = vector.broadcast %add3A_754 : i32 to vector<16xi32>
      %add3A_756 = arith.addi %mul3A_179, %add3A_755 : vector<16xi32>
      %gather3A_757 = tpu.vector_load_idx %arg16[%add3A_165, %add3A_756] : memref<128x128xf32, #tpu.memory_space<vmem>>[vector<16xi32>, vector<16xi32>], vector<16xf32>,
      %mul3A_758 = arith.mulf %gather3A_753, %gather3A_757 : vector<16xf32>
      %add3A_759 = arith.addf %add3A_749, %mul3A_758 : vector<16xf32>
      %add3A_760 = arith.constant 58 : i32
      %add3A_761 = vector.broadcast %add3A_760 : i32 to vector<16xi32>
      %add3A_762 = arith.addi %mul3A_171, %add3A_761 : vector<16xi32>
      %gather3A_763 = tpu.vector_load_idx %arg14[%add3A_165, %add3A_762] : memref<128x128xf32, #tpu.memory_space<vmem>>[vector<16xi32>, vector<16xi32>], vector<16xf32>,
      %add3A_764 = arith.constant 58 : i32
      %add3A_765 = vector.broadcast %add3A_764 : i32 to vector<16xi32>
      %add3A_766 = arith.addi %mul3A_179, %add3A_765 : vector<16xi32>
      %gather3A_767 = tpu.vector_load_idx %arg16[%add3A_165, %add3A_766] : memref<128x128xf32, #tpu.memory_space<vmem>>[vector<16xi32>, vector<16xi32>], vector<16xf32>,
      %mul3A_768 = arith.mulf %gather3A_763, %gather3A_767 : vector<16xf32>
      %add3A_769 = arith.addf %add3A_759, %mul3A_768 : vector<16xf32>
      %add3A_770 = arith.constant 59 : i32
      %add3A_771 = vector.broadcast %add3A_770 : i32 to vector<16xi32>
      %add3A_772 = arith.addi %mul3A_171, %add3A_771 : vector<16xi32>
      %gather3A_773 = tpu.vector_load_idx %arg14[%add3A_165, %add3A_772] : memref<128x128xf32, #tpu.memory_space<vmem>>[vector<16xi32>, vector<16xi32>], vector<16xf32>,
      %add3A_774 = arith.constant 59 : i32
      %add3A_775 = vector.broadcast %add3A_774 : i32 to vector<16xi32>
      %add3A_776 = arith.addi %mul3A_179, %add3A_775 : vector<16xi32>
      %gather3A_777 = tpu.vector_load_idx %arg16[%add3A_165, %add3A_776] : memref<128x128xf32, #tpu.memory_space<vmem>>[vector<16xi32>, vector<16xi32>], vector<16xf32>,
      %mul3A_778 = arith.mulf %gather3A_773, %gather3A_777 : vector<16xf32>
      %add3A_779 = arith.addf %add3A_769, %mul3A_778 : vector<16xf32>
      %add3A_780 = arith.constant 60 : i32
      %add3A_781 = vector.broadcast %add3A_780 : i32 to vector<16xi32>
      %add3A_782 = arith.addi %mul3A_171, %add3A_781 : vector<16xi32>
      %gather3A_783 = tpu.vector_load_idx %arg14[%add3A_165, %add3A_782] : memref<128x128xf32, #tpu.memory_space<vmem>>[vector<16xi32>, vector<16xi32>], vector<16xf32>,
      %add3A_784 = arith.constant 60 : i32
      %add3A_785 = vector.broadcast %add3A_784 : i32 to vector<16xi32>
      %add3A_786 = arith.addi %mul3A_179, %add3A_785 : vector<16xi32>
      %gather3A_787 = tpu.vector_load_idx %arg16[%add3A_165, %add3A_786] : memref<128x128xf32, #tpu.memory_space<vmem>>[vector<16xi32>, vector<16xi32>], vector<16xf32>,
      %mul3A_788 = arith.mulf %gather3A_783, %gather3A_787 : vector<16xf32>
      %add3A_789 = arith.addf %add3A_779, %mul3A_788 : vector<16xf32>
      %add3A_790 = arith.constant 61 : i32
      %add3A_791 = vector.broadcast %add3A_790 : i32 to vector<16xi32>
      %add3A_792 = arith.addi %mul3A_171, %add3A_791 : vector<16xi32>
      %gather3A_793 = tpu.vector_load_idx %arg14[%add3A_165, %add3A_792] : memref<128x128xf32, #tpu.memory_space<vmem>>[vector<16xi32>, vector<16xi32>], vector<16xf32>,
      %add3A_794 = arith.constant 61 : i32
      %add3A_795 = vector.broadcast %add3A_794 : i32 to vector<16xi32>
      %add3A_796 = arith.addi %mul3A_179, %add3A_795 : vector<16xi32>
      %gather3A_797 = tpu.vector_load_idx %arg16[%add3A_165, %add3A_796] : memref<128x128xf32, #tpu.memory_space<vmem>>[vector<16xi32>, vector<16xi32>], vector<16xf32>,
      %mul3A_798 = arith.mulf %gather3A_793, %gather3A_797 : vector<16xf32>
      %add3A_799 = arith.addf %add3A_789, %mul3A_798 : vector<16xf32>
      %add3A_800 = arith.constant 62 : i32
      %add3A_801 = vector.broadcast %add3A_800 : i32 to vector<16xi32>
      %add3A_802 = arith.addi %mul3A_171, %add3A_801 : vector<16xi32>
      %gather3A_803 = tpu.vector_load_idx %arg14[%add3A_165, %add3A_802] : memref<128x128xf32, #tpu.memory_space<vmem>>[vector<16xi32>, vector<16xi32>], vector<16xf32>,
      %add3A_804 = arith.constant 62 : i32
      %add3A_805 = vector.broadcast %add3A_804 : i32 to vector<16xi32>
      %add3A_806 = arith.addi %mul3A_179, %add3A_805 : vector<16xi32>
      %gather3A_807 = tpu.vector_load_idx %arg16[%add3A_165, %add3A_806] : memref<128x128xf32, #tpu.memory_space<vmem>>[vector<16xi32>, vector<16xi32>], vector<16xf32>,
      %mul3A_808 = arith.mulf %gather3A_803, %gather3A_807 : vector<16xf32>
      %add3A_809 = arith.addf %add3A_799, %mul3A_808 : vector<16xf32>
      %add3A_810 = arith.constant 63 : i32
      %add3A_811 = vector.broadcast %add3A_810 : i32 to vector<16xi32>
      %add3A_812 = arith.addi %mul3A_171, %add3A_811 : vector<16xi32>
      %gather3A_813 = tpu.vector_load_idx %arg14[%add3A_165, %add3A_812] : memref<128x128xf32, #tpu.memory_space<vmem>>[vector<16xi32>, vector<16xi32>], vector<16xf32>,
      %add3A_814 = arith.constant 63 : i32
      %add3A_815 = vector.broadcast %add3A_814 : i32 to vector<16xi32>
      %add3A_816 = arith.addi %mul3A_179, %add3A_815 : vector<16xi32>
      %gather3A_817 = tpu.vector_load_idx %arg16[%add3A_165, %add3A_816] : memref<128x128xf32, #tpu.memory_space<vmem>>[vector<16xi32>, vector<16xi32>], vector<16xf32>,
      %mul3A_818 = arith.mulf %gather3A_813, %gather3A_817 : vector<16xf32>
      %add3A_819 = arith.addf %add3A_809, %mul3A_818 : vector<16xf32>
      %neg3A = arith.constant 0.000000e+00 : f32
      %neg3A_820 = vector.broadcast %neg3A : f32 to vector<16xf32>
      %neg3A_821 = arith.subf %neg3A_820, %add3A_819 : vector<16xf32>
      %exp3A = math.exp %neg3A_821 : vector<16xf32>
      %add3A_822 = arith.constant 1.000000e+00 : f32
      %add3A_823 = vector.broadcast %add3A_822 : f32 to vector<16xf32>
      %add3A_824 = arith.addf %add3A_823, %exp3A : vector<16xf32>
      %div3A = arith.constant 1.000000e+00 : f32
      %div3A_825 = vector.broadcast %div3A : f32 to vector<16xf32>
      %div3A_826 = arith.divf %div3A_825, %add3A_824 : vector<16xf32>
      %swap3A = arith.index_cast %add3A_161 : i32 to index
      %swap3A_827 = tpu.vector_load %arg17[%swap3A] {strides = array<i32>} : memref<512xf32, #tpu.memory_space<vmem>>, vector<16xf32>,
      tpu.vector_store %arg17[%swap3A], %div3A_826 {strides = array<i32>} : memref<512xf32, #tpu.memory_space<vmem>>, vector<16xf32>,
      %scan3A_828 = arith.constant 0 : i32
      scf.yield %scan3A_828 : i32
    }
    %scan3A_155 = arith.constant 8 : i32
    "tpu.region"() ({
      %run_scoped3A = tpu.sem_alloc : memref<!tpu.dma_semaphore, #tpu.memory_space<semaphore_mem>>
      %dma_start3A_156 = tpu.memref_slice %arg8[%mul3A_2] : memref<16384xf32, #tpu.memory_space<hbm>> -> memref<512xf32, #tpu.memory_space<hbm>>
      %dma_start3A_157 = tpu.memref_slice %arg8[%mul3A_2] : memref<16384xf32, #tpu.memory_space<hbm>> -> memref<512xf32, #tpu.memory_space<hbm>>
      tpu.enqueue_dma source(%arg17 : memref<512xf32, #tpu.memory_space<vmem>>) target(%dma_start3A_157 : memref<512xf32, #tpu.memory_space<hbm>>) target_semaphore(%run_scoped3A : memref<!tpu.dma_semaphore, #tpu.memory_space<semaphore_mem>>)
      %dma_wait3A_158 = tpu.memref_slice %arg8[%mul3A_2] : memref<16384xf32, #tpu.memory_space<hbm>> -> memref<512xf32, #tpu.memory_space<hbm>>
      %dma_wait3A_159 = tpu.memref_slice %arg8[%mul3A_2] : memref<16384xf32, #tpu.memory_space<hbm>> -> memref<512xf32, #tpu.memory_space<hbm>>
      tpu.wait_dma2 semaphore(%run_scoped3A : memref<!tpu.dma_semaphore, #tpu.memory_space<semaphore_mem>>) src(%arg17 : memref<512xf32, #tpu.memory_space<vmem>>) dst(%dma_wait3A_159 : memref<512xf32, #tpu.memory_space<hbm>>)
      tpu.yield
    }) : () -> ()
    return
  }
}

</mosaic_0001>

<sc_bundles>
// kernel: _skipgram_sc.3.cloned.1.call-start
scs
__scs_entry_jumppad:
0x0: {  	(pc) =	sbr.rel $0x88, $3  }
0x1: {  	(tag) =	ssettag $0x0;
	lr =	simm.s32 $0x1  }
0x2: {  	[smem:$0x3F9B] =	sst lr;
	_ =	strace $0xD0000000  }
0x3: {  	_ = 	snop  }
0x4: {  	_ = 	snop  }
0x5: {  	_ = 	snop  }
0x6: {  	_ = 	snop  }
0x7: {  	_ = 	snop  }
__scs_overlays_trampoline_lowered:
0x8: {  	[smem:$0x3FAA] =	sst s0  }
0x9: {  	[smem:$0x3FAB] =	sst s1  }
0xa: {  	[smem:$0x3FAC] =	sst s2  }
0xb: {  	[smem:$0x3FAD] =	sst s3  }
0xc: {  	[smem:$0x3FAE] =	sst s4  }
0xd: {  	[smem:$0x3FAF] =	sst s5  }
0xe: {  	[smem:$0x3FB0] =	sst s6  }
0xf: {  	[smem:$0x3FB1] =	sst s7  }
0x10: {  	[smem:$0x3FB2] =	sst s8  }
0x11: {  	[smem:$0x3FB3] =	sst s9;
	s0 =	simm.s32 @!p0 $0x0  }
0x12: {  	s1 =	sld [smem:$0x3F99];
	s0 =	simm.s32 @p0 $0x1  }
0x13: {  	[smem:$0x3FB4] =	sst s0;
	s0 =	simm.s32 @!p1 $0x0  }
0x14: {  	s2 =	sld [smem:$0x3F98];
	s0 =	simm.s32 @p1 $0x1  }
0x15: {  	[smem:$0x3FB5] =	sst s0;
	s0 =	simm.s32 @!p2 $0x0  }
0x16: {  	s3 =	sld [smem:$0x3FDB];
	s0 =	simm.s32 @p2 $0x1  }
0x17: {  	s4 =	simm.s32 $0x1BF5;
	[smem:$0x3FB7] =	sst s0  }
0x18: {  	s0 =	sld [smem:$0x3F9A];
	_ =	swait.ge [sflag:s4], $0x0  }
0x19: {  	s7 =	sld [smem:$0x3F9B]  }
0x1a: {  	s8 =	sadd.s32 $0xFFFFE003, lr  }
0x1b: {  	s9 =	sadd.s32 $0xFFFFFEF7, lr;
	s5 =	simm.s32 $0xFFFFFFFF;
	p2 =	slt.u32 s8, $0xFFFFF086  }
0x1c: {  	p1 =	slt.u32 s9, $0xF7A;
	s5 =	simm.s32 @!p2 $0x0  }
0x1d: {  	s5 =	simm.s32 @p1 $0x1;
	p0 =	seq.s32 s7, s2  }
0x1e: {  	s7 =	smul.u32 @!p0 $0xF7A, s2;
	p2 =	seq.s32 @!p0 s5, $0x0  }
0x1f: {  	s9 =	smul.u32 $0xF7A, s1;
	s8 =	simm.s32 @!p0 $0x1BF5;
	p2 =	por !p2, p0  }
0x20: {  	[sflag:s8] =	ssyncset.s32 @!p0 $0xFFFFF086;
	s6 =	sadd.s32 @!p0 s3, s7;
	s7 =	simm.s32 @!p0 $0x108  }
0x21: {  	s3 =	sadd.s32 s3, s9;
	s6 =	sadd.s32 @!p0 $0x88, s6;
	s7 =	simm.s32 @p2 $0x1082  }
0x22: {  	[simem:s7], [sflag:s8] =	dma.local @!p0 [hbm:s6], $0xF7A  }
0x23: {  	s9 =	sor.u32 $0xD0000000, s2;
	s6 =	simm.s32 $0x108;
	_ =	swait.ge @!p0 [sflag:s8], $0x0  }
0x24: {  	s3 =	sadd.s32 $0x88, s3;
	s6 =	simm.s32 @!p1 $0x1082;
	[sflag:s4] =	ssyncset.s32 $0xFFFFF086  }
0x25: {  	[simem:s6], [sflag:s4] =	dma.local [hbm:s3], $0xF7A  }
0x26: {  	[smem:$0x3F9B] =	sst s1;
	(tag) =	ssettag s2;
	_ =	strace s9  }
0x27: {  	s1 =	sld [smem:$0x3FAB]  }
0x28: {  	s2 =	sld [smem:$0x3FAC]  }
0x29: {  	s4 =	sld [smem:$0x3FAE]  }
0x2a: {  	p0 =	seq.s32 s5, $0x0;
	s5 =	sld [smem:$0x3FAF]  }
0x2b: {  	s6 =	sld [smem:$0x3FB0]  }
0x2c: {  	s7 =	sld [smem:$0x3FB1]  }
0x2d: {  	s3 =	simm.s32 $0x108;
	s8 =	sld [smem:$0x3FB2]  }
0x2e: {  	s3 =	simm.s32 @!p0 $0x1082;
	s9 =	sld [smem:$0x3FB3]  }
0x2f: {  	lr =	sadd.s32 s0, s3;
	s0 =	sld [smem:$0x3FAA]  }
0x30: {  	s3 =	sld [smem:$0x3FAD]  }
0x31: {  	[smem:$0x3FB6] =	sst s10  }
0x32: {  	s10 =	sld [smem:$0x3FB4];
	_ =	sdelay $0x3  }
0x33: {  	p0 =	seq.s32 s10, $0x1;
	s10 =	sld [smem:$0x3FB6];
	_ =	sdelay $0x3  }
0x34: {  	[smem:$0x3FB6] =	sst s10  }
0x35: {  	s10 =	sld [smem:$0x3FB5];
	_ =	sdelay $0x3  }
0x36: {  	p1 =	seq.s32 s10, $0x1;
	s10 =	sld [smem:$0x3FB6];
	_ =	sdelay $0x3  }
0x37: {  	[smem:$0x3FB6] =	sst s10  }
0x38: {  	s10 =	sld [smem:$0x3FB7]  }
0x39: {  	_ = 	snop;
	(pc) =	sbr.ind lr, $3  }
0x3a: {  	_ = 	snop  }
0x3b: {  	_ = 	snop  }
0x3c: {  	p2 =	seq.s32 s10, $0x1;
	s10 =	sld [smem:$0x3FB6]  }
0x3d: {  	_ =	shalt  }
0x3e: {  	_ =	shalt  }
0x3f: {  	_ =	shalt  }
0x40: {  	_ =	shalt  }
0x41: {  	_ =	shalt  }
0x42: {  	_ =	shalt  }
0x43: {  	_ =	shalt  }
0x44: {  	_ =	shalt  }
0x45: {  	_ =	shalt  }
0x46: {  	_ =	shalt  }
0x47: {  	_ =	shalt  }
0x48: {  	_ =	shalt  }
0x49: {  	_ =	shalt  }
0x4a: {  	_ =	shalt  }
0x4b: {  	_ =	shalt  }
0x4c: {  	_ =	shalt  }
0x4d: {  	_ =	shalt  }
0x4e: {  	_ =	shalt  }
0x4f: {  	_ =	shalt  }
0x50: {  	_ =	shalt  }
0x51: {  	_ =	shalt  }
0x52: {  	_ =	shalt  }
0x53: {  	_ =	shalt  }
0x54: {  	_ =	shalt  }
0x55: {  	_ =	shalt  }
0x56: {  	_ =	shalt  }
0x57: {  	_ =	shalt  }
0x58: {  	_ =	shalt  }
0x59: {  	_ =	shalt  }
0x5a: {  	_ =	shalt  }
0x5b: {  	_ =	shalt  }
0x5c: {  	_ =	shalt  }
0x5d: {  	_ =	shalt  }
0x5e: {  	_ =	shalt  }
0x5f: {  	_ =	shalt  }
0x60: {  	_ =	shalt  }
0x61: {  	_ =	shalt  }
0x62: {  	_ =	shalt  }
0x63: {  	_ =	shalt  }
0x64: {  	_ =	shalt  }
0x65: {  	_ =	shalt  }
0x66: {  	_ =	shalt  }
0x67: {  	_ =	shalt  }
0x68: {  	_ =	shalt  }
0x69: {  	_ =	shalt  }
0x6a: {  	_ =	shalt  }
0x6b: {  	_ =	shalt  }
0x6c: {  	_ =	shalt  }
0x6d: {  	_ =	shalt  }
0x6e: {  	_ =	shalt  }
0x6f: {  	_ =	shalt  }
0x70: {  	_ =	shalt  }
0x71: {  	_ =	shalt  }
0x72: {  	_ =	shalt  }
0x73: {  	_ =	shalt  }
0x74: {  	_ =	shalt  }
0x75: {  	_ =	shalt  }
0x76: {  	_ =	shalt  }
0x77: {  	_ =	shalt  }
0x78: {  	_ =	shalt  }
0x79: {  	_ =	shalt  }
0x7a: {  	_ =	shalt  }
0x7b: {  	_ =	shalt  }
0x7c: {  	_ =	shalt  }
0x7d: {  	_ =	shalt  }
0x7e: {  	_ =	shalt  }
0x7f: {  	_ =	shalt  }
0x80: {  	_ =	shalt  }
0x81: {  	_ =	shalt  }
0x82: {  	_ =	shalt  }
0x83: {  	_ =	shalt  }
0x84: {  	_ =	shalt  }
0x85: {  	_ =	shalt  }
0x86: {  	_ =	shalt  }
0x87: {  	_ =	shalt  }
.Lfunc_end0:
.L_simem_size_0:
called_computation_lowered:
.L_overlay_start_0:
0x88: {  	s2 =	sld [smem:$0x3FD9]  }
0x89: {  	s3 =	sld [smem:$0x3FFE];
	_ =	sdelay $0x1  }
0x8a: {  	s1 =	srdreg.scid  }
0x8b: {  	s0 =	sand.u32 $0x1, s1  }
0x8c: {  	s18 =	sshll.u32 s0, $0xA;
	s2 =	sadd.s32 s3, s2  }
0x8d: {  	s2 =	sadd.s32 s2, s18  }
0x8e: {  	[smem:$0x3FC2] =	sst s2  }
0x8f: {  	_ = 	snop  }
0x90: {  	s2 =	sld [smem:$0x3FC9]  }
0x91: {  	s19 =	sld [smem:$0x3FC8]  }
0x92: {  	s4 =	sld [smem:$0x3FC7]  }
0x93: {  	s5 =	sld [smem:$0x3FC6]  }
0x94: {  	s6 =	sld [smem:$0x3FC5]  }
0x95: {  	s7 =	sld [smem:$0x3FC4]  }
0x96: {  	s8 =	sld [smem:$0x3FD0];
	(tm) =	ssettm $0x1  }
0x97: {  	s9 =	sld [smem:$0x3FFB];
	_ =	sdelay $0x3  }
0x98: {  	_ =	strace s9  }
0x99: {  	s9 =	sld [smem:$0x3FFC];
	_ =	sdelay $0x3  }
0x9a: {  	_ =	strace s9  }
0x9b: {  	s9 =	sld [smem:$0x3FFD];
	_ =	sdelay $0x3  }
0x9c: {  	_ =	strace s9  }
0x9d: {  	_ =	strace $0x8FFFFFFF  }
0x9e: {  	s20 =	sld [smem:$0x3FDB];
	_ =	sdelay $0x1  }
0x9f: {  	s10 =	simm.s32 $_scs_section_size  }
0xa0: {  	s11 =	simm.s32 $_size__tile_overlayer_lowered;
	s12 =	simm.s32 $_tile_overlayer_lowered  }
0xa1: {  	s23 =	simm.s32 $0x1BFF;
	s22 =	sshll.u32 s12, $0x1;
	s9 =	sadd.s32 s10, s20  }
0xa2: {  	s13 =	simm.s32 $0x0;
	s21 =	sshll.u32 s11, $0x1;
	s11 =	sadd.s32 s22, s9  }
0xa3: {  	[timem:s13], [sflag:s23] =	dma.local [hbm:s11], s21  }
0xa4: {  	_ =	swait.ge [sflag:s23], s21  }
0xa5: {  	s10 =	ssub.s32 $0x0, s21;
	[sflag:s23] =	ssyncset.done $0x0  }
0xa6: {  	[sflag:s23] =	ssyncadd.s32 s10;
	_ =	sdelay $0x1  }
0xa7: {  	s24 =	simm.s32 $0x1B8B  }
0xa8: {  	_ =	swait.ge [sflag:s24], $0x1  }
0xa9: {  	[sflag:s24] =	ssyncset.done $0x0  }
0xaa: {  	s25 =	simm.s32 $0x1B8E;
	[sflag:s24] =	ssyncadd.s32 $0xFFFFFFFF  }
0xab: {  	s26 =	simm.s32 $execute0_lowered;
	[smem:$0x3FD2] =	sst s25  }
0xac: {  	s10 =	sshll.u32 s26, $0x1;
	_ =	strace $0x80000046;
	[dreg:$0x1] =	wrdreg $0xFFFFFFFF  }
0xad: {  	s28 =	simm.s32 $_size_execute0_lowered;
	s9 =	sadd.s32 s9, s10;
	[dreg:$0x0] =	wrdreg $0x0  }
0xae: {  	s10 =	sshll.u32 s28, $0x1;
	[dreg:$0x2] =	wrdreg s9  }
0xaf: {  	[dreg:$0x3] =	wrdreg s10  }
0xb0: {  	[dreg:$0x4] =	wrdreg $0xC0  }
0xb1: {  	_ =	task [dreg:s13], $0x5FFFF  }
0xb2: {  	[dreg:$0x1] =	wrdreg $0xFFFFFFFF  }
0xb3: {  	[dreg:$0x0] =	wrdreg $0x60  }
0xb4: {  	[dreg:$0x2] =	wrdreg s2  }
0xb5: {  	[dreg:$0x3] =	wrdreg s19  }
0xb6: {  	[dreg:$0x4] =	wrdreg s4  }
0xb7: {  	[dreg:$0x5] =	wrdreg s5  }
0xb8: {  	[dreg:$0x6] =	wrdreg s6  }
0xb9: {  	[dreg:$0x7] =	wrdreg s7  }
0xba: {  	[dreg:$0x8] =	wrdreg s8  }
0xbb: {  	[dreg:$0x9] =	wrdreg $0x9  }
0xbc: {  	_ =	task.clear_ibuf [dreg:s13], $0xAFFFF;
	_ =	strace $0x90000046  }
0xbd: {  	s29 =	simm.s32 $0x9;
	_ =	strace $0x80000048  }
0xbe: {  	_ =	swait.ge [sflag:s29], $0x1  }
0xbf: {  	[sflag:s29] =	ssyncadd.s32 $0xFFFFFFFF  }
0xc0: {  	_ =	strace $0x90000048  }
0xc1: {  	_ =	sfence  }
0xc2: {  	s30 =	sld [smem:$0x0];
	_ =	sdelay $0x2  }
0xc3: {  	s31 =	sshll.u32 s1, $0xD;
	s1 =	sshrl.u32 s1, $0x2  }
0xc4: {  	s3 =	sand.u32 $0x4000, s31;
	s1 =	sadd.s32 s1, s30  }
0xc5: {  	s0 =	sor.u32 s3, s0;
	s1 =	sshll.u32 s1, $0x11  }
0xc6: {  	s0 =	sor.u32 s1, s0  }
0xc7: {  	s0 =	sadd.s32 $0x8F2B, s0  }
0xc8: {  	[sflag:s0] =	ssyncadd.remote.s32 $0x1  }
0xc9: {  	_ =	sfence.sel $0xFFFF  }
0xca: {  	[dreg:$0x0] =	wrdreg $0xFFFFFFFF;
	(pc) =	sbr.abs _section_cstart, $3  }
0xcb: {  	[dreg:$0x1] =	wrdreg $0xFFFFFFFF  }
0xcc: {  	_ =	task.clear_ibuf [dreg:s13], $0x2FFFF;
	_ =	strace $0x9FFFFFFF  }
0xcd: {  	(tm) =	ssettm $0x7FFFFFFF  }
tec
execute0_lowered:
.L_overlay_start_1:
0x0: {  	(tag) =	ssettag $0x1  }
0x1: {  	s0 =	rddreg [dreg:$0x0]  }
0x2: {  	s3 =	rddreg [dreg:$0x1]  }
0x3: {  	s7 =	rddreg [dreg:$0x2]  }
0x4: {  	s8 =	rddreg [dreg:$0x3]  }
0x5: {  	s1 =	rddreg [dreg:$0x4]  }
0x6: {  	s2 =	rddreg [dreg:$0x5]  }
0x7: {  	s9 =	rddreg [dreg:$0x6];
	s4 =	simm.s32 $0x0;
	s5 =	srdreg.scid  }
0x8: {  	s10 =	stileid.u32;
	s12 =	simm.s32 $0x400;
	s13 =	simm.s32 $0x600  }
0x9: {  	s14 =	simm.s32 $0x80;
	s15 =	simm.s32 $0x800;
	s16 =	simm.s32 $0x8800  }
0xa: {  	s18 =	simm.s32 $0x4800;
	s20 =	simm.s32 $0xC800;
	s21 =	simm.s32 $0x1  }
0xb: {  	s22 =	simm.s32 $0x2;
	s24 =	simm.s32 $0x700;
	s25 =	simm.s32 $0x3  }
0xc: {  	s26 =	simm.s32 $0x4;
	s28 =	simm.s32 $0x580;
	s29 =	simm.s32 $0x780  }
0xd: {  	s30 =	simm.s32 $0x10800;
	s31 =	simm.s32 $0x0;
	s5 =	sand.u32 $0x1, s5  }
0xe: {  	s10 =	sshll.u32 s10, $0x7;
	s6 =	ssub.s32 $0x2, s5;
	s5 =	sshll.u32 s5, $0x6  }
0xf: {  	[smem:$0x7FF] =	sst s4;
	s11 =	sshrl.u32 s6, $0x1;
	s10 =	sor.u32 s5, s10  }
0x10: {  	_ =	strace $0x80000047;
	s11 =	ssub.s32 s6, s11;
	s5 =	sadd.s32 s0, s10  }
0x11: {  	v0 =	vlaneseq.u32;
	s6 =	sadd.s32 s3, s10;
	s7 =	sadd.s32 s7, s10;
	s8 =	sadd.s32 s8, s10  }
0x12: {  	v0 =	vmul.u32 $0x80, v0;
	s9 =	sadd.s32 s9, s10;
	s10 =	smax.u32 s11, $0x1;
	s11 =	simm.s32 $0x5  }
.LBB2_1:
0x13: {  	[tilespmem:s4], [sflag:$0x5] =	stream.linear.gather [hbm4b:s5+s4], $0x200, $0x38;
	[tilespmem:$0x10A00] =	vst v63  }
0x14: {  	_ =	swait.ge [sflag:s11], $0x200  }
0x15: {  	[sflag:s11] =	ssyncset.done $0x0  }
0x16: {  	s0 =	simm.s32 $0x200;
	[sflag:s11] =	ssyncadd.s32 $0xFFFFFE00  }
0x17: {  	[tilespmem:s0], [sflag:$0x5] =	stream.linear.gather [hbm4b:s6+s4], $0x200, $0x38;
	[tilespmem:$0x10A00] =	vst v63  }
0x18: {  	_ =	swait.ge [sflag:s11], $0x200  }
0x19: {  	[sflag:s11] =	ssyncset.done $0x0  }
0x1a: {  	[sflag:s11] =	ssyncadd.s32 $0xFFFFFE00  }
0x1b: {  	[tilespmem:s12], [sflag:$0x5] =	stream.linear.gather [hbm4b:s7+s4], $0x200, $0x38;
	[tilespmem:$0x10A00] =	vst v63  }
0x1c: {  	_ =	swait.ge [sflag:s11], $0x200  }
0x1d: {  	[sflag:s11] =	ssyncset.done $0x0  }
0x1e: {  	[sflag:s11] =	ssyncadd.s32 $0xFFFFFE00  }
0x1f: {  	[tilespmem:s13], [sflag:$0x5] =	stream.linear.gather [hbm4b:s8+s4], $0x200, $0x38;
	[tilespmem:$0x10A00] =	vst v63  }
0x20: {  	_ =	swait.ge [sflag:s11], $0x200  }
0x21: {  	[sflag:s11] =	ssyncset.done $0x0  }
0x22: {  	[sflag:s11] =	ssyncadd.s32 $0xFFFFFE00  }
0x23: {  	[tilespmem:s15], [sflag:$0x1] =	stream.indirect.gather [hbm4b:s1+s14], $0x80, s12, s14, $0xb8;
	[tilespmem:$0x10A00] =	vst v63  }
0x24: {  	_ = 	snop  }
0x25: {  	[tilespmem:s16], [sflag:$0x2] =	stream.indirect.gather [hbm4b:s2+s14], $0x80, s13, s14, $0xb8;
	[tilespmem:$0x10A00] =	vst v63  }
0x26: {  	s3 =	simm.s32 $0x480  }
0x27: {  	[tilespmem:s18], [sflag:$0x3] =	stream.indirect.gather [hbm4b:s1+s14], $0x80, s3, s14, $0xb8;
	[tilespmem:$0x10A00] =	vst v63  }
0x28: {  	s23 =	simm.s32 $0x680  }
0x29: {  	[tilespmem:s20], [sflag:$0x4] =	stream.indirect.gather [hbm4b:s2+s14], $0x80, s23, s14, $0xb8;
	[tilespmem:$0x10A00] =	vst v63  }
0x2a: {  	_ =	swait.ge [sflag:s21], $0x4000  }
0x2b: {  	[sflag:s21] =	ssyncset.done $0x0  }
0x2c: {  	[sflag:s21] =	ssyncadd.s32 $0xFFFFC000  }
0x2d: {  	_ =	swait.ge [sflag:s22], $0x4000  }
0x2e: {  	[sflag:s22] =	ssyncset.done $0x0  }
0x2f: {  	[sflag:s22] =	ssyncadd.s32 $0xFFFFC000  }
0x30: {  	v1 =	vld [tilespmem:s4+$0x0]  }
0x31: {  	v2 =	vld [tilespmem:s0+$0x0];
	_ =	sdelay $0x2  }
0x32: {  	v3 =	vmov s4  }
0x33: {  	v3 =	vshll.u32 v3, $0x7;
	v1 =	vshll.u32 v1, $0x6  }
0x34: {  	v3 =	vor.u32 v0, v3;
	v2 =	vshll.u32 v2, $0x6;
	v1 =	vand.u32 $0x40, v1  }
0x35: {  	v4 =	vand.u32 $0x40, v2;
	v2 =	vor.u32 v3, v1  }
0x36: {  	v1 =	vor.u32 v3, v4  }
0x37: {  	v3 =	vor.u32 $0x1, v2  }
0x38: {  	v4 =	vor.u32 $0x1, v1  }
0x39: {  	v5 =	vor.u32 $0x2, v2  }
0x3a: {  	v7 =	vor.u32 $0x2, v1;
	v6 =	vld.idx.msk [tilespmem:v2+s15+$0x0], $0xffff  }
0x3b: {  	v9 =	vor.u32 $0x3, v2;
	v8 =	vld.idx.msk [tilespmem:v1+s16+$0x0], $0xffff  }
0x3c: {  	v10 =	vor.u32 $0x3, v1;
	v3 =	vld.idx.msk [tilespmem:v3+s15+$0x0], $0xffff  }
0x3d: {  	v11 =	vor.u32 $0x4, v2;
	v4 =	vld.idx.msk [tilespmem:v4+s16+$0x0], $0xffff  }
0x3e: {  	v12 =	vor.u32 $0x4, v1;
	v5 =	vld.idx.msk [tilespmem:v5+s15+$0x0], $0xffff  }
0x3f: {  	v13 =	vor.u32 $0x5, v2;
	v7 =	vld.idx.msk [tilespmem:v7+s16+$0x0], $0xffff  }
0x40: {  	v14 =	vor.u32 $0x5, v1;
	v9 =	vld.idx.msk [tilespmem:v9+s15+$0x0], $0xffff;
	v6 =	vmul.f32 v8, v6  }
0x41: {  	v53 =	vor.u32 $0x6, v2;
	v52 =	vld.idx.msk [tilespmem:v10+s16+$0x0], $0xffff  }
0x42: {  	v15 =	vor.u32 $0x6, v1;
	v11 =	vld.idx.msk [tilespmem:v11+s15+$0x0], $0xffff;
	v3 =	vmul.f32 v4, v3;
	v6 =	vadd.f32 $0.0e+00, v6  }
0x43: {  	v55 =	vor.u32 $0x7, v2;
	v54 =	vld.idx.msk [tilespmem:v12+s16+$0x0], $0xffff  }
0x44: {  	v16 =	vor.u32 $0x7, v1;
	v13 =	vld.idx.msk [tilespmem:v13+s15+$0x0], $0xffff;
	v5 =	vmul.f32 v7, v5;
	v3 =	vadd.f32 v3, v6  }
0x45: {  	v58 =	vor.u32 $0x8, v1;
	v56 =	vld.idx.msk [tilespmem:v14+s16+$0x0], $0xffff  }
0x46: {  	v57 =	vor.u32 $0x8, v2;
	v10 =	vld.idx.msk [tilespmem:v53+s15+$0x0], $0xffff;
	v59 =	vmul.f32 v52, v9;
	v3 =	vadd.f32 v5, v3  }
0x47: {  	v62 =	vor.u32 $0x9, v1;
	v60 =	vld.idx.msk [tilespmem:v15+s16+$0x0], $0xffff  }
0x48: {  	v61 =	vor.u32 $0x9, v2;
	v12 =	vld.idx.msk [tilespmem:v55+s15+$0x0], $0xffff;
	v4 =	vmul.f32 v54, v11;
	v3 =	vadd.f32 v59, v3  }
0x49: {  	v21 =	vor.u32 $0xA, v1;
	v63 =	vld.idx.msk [tilespmem:v16+s16+$0x0], $0xffff  }
0x4a: {  	v20 =	vor.u32 $0xA, v2;
	v23 =	vld.idx.msk [tilespmem:v58+s16+$0x0], $0xffff;
	v22 =	vmul.f32 v56, v13;
	v3 =	vadd.f32 v4, v3  }
0x4b: {  	v25 =	vor.u32 $0xB, v1;
	v7 =	vld.idx.msk [tilespmem:v57+s15+$0x0], $0xffff  }
0x4c: {  	v24 =	vor.u32 $0xB, v2;
	v27 =	vld.idx.msk [tilespmem:v62+s16+$0x0], $0xffff;
	v26 =	vmul.f32 v60, v10;
	v3 =	vadd.f32 v22, v3  }
0x4d: {  	v29 =	vor.u32 $0xC, v1;
	v9 =	vld.idx.msk [tilespmem:v61+s15+$0x0], $0xffff  }
0x4e: {  	v28 =	vor.u32 $0xC, v2;
	v31 =	vld.idx.msk [tilespmem:v21+s16+$0x0], $0xffff;
	v30 =	vmul.f32 v63, v12;
	v3 =	vadd.f32 v26, v3  }
0x4f: {  	v33 =	vor.u32 $0xD, v1;
	v11 =	vld.idx.msk [tilespmem:v20+s15+$0x0], $0xffff  }
0x50: {  	v32 =	vor.u32 $0xD, v2;
	v35 =	vld.idx.msk [tilespmem:v25+s16+$0x0], $0xffff;
	v34 =	vmul.f32 v23, v7;
	v3 =	vadd.f32 v30, v3  }
0x51: {  	v37 =	vor.u32 $0xE, v1;
	v13 =	vld.idx.msk [tilespmem:v24+s15+$0x0], $0xffff  }
0x52: {  	v36 =	vor.u32 $0xE, v2;
	v39 =	vld.idx.msk [tilespmem:v29+s16+$0x0], $0xffff;
	v38 =	vmul.f32 v27, v9;
	v3 =	vadd.f32 v34, v3  }
0x53: {  	v41 =	vor.u32 $0xF, v1;
	v10 =	vld.idx.msk [tilespmem:v28+s15+$0x0], $0xffff  }
0x54: {  	v40 =	vor.u32 $0xF, v2;
	v43 =	vld.idx.msk [tilespmem:v33+s16+$0x0], $0xffff;
	v42 =	vmul.f32 v31, v11;
	v3 =	vadd.f32 v38, v3  }
0x55: {  	v45 =	vor.u32 $0x10, v1;
	v12 =	vld.idx.msk [tilespmem:v32+s15+$0x0], $0xffff  }
0x56: {  	v44 =	vor.u32 $0x10, v2;
	v47 =	vld.idx.msk [tilespmem:v37+s16+$0x0], $0xffff;
	v46 =	vmul.f32 v35, v13;
	v3 =	vadd.f32 v42, v3  }
0x57: {  	v48 =	vor.u32 $0x11, v2;
	v7 =	vld.idx.msk [tilespmem:v36+s15+$0x0], $0xffff  }
0x58: {  	v49 =	vor.u32 $0x11, v1;
	v51 =	vld.idx.msk [tilespmem:v41+s16+$0x0], $0xffff;
	v50 =	vmul.f32 v39, v10;
	v3 =	vadd.f32 v46, v3  }
0x59: {  	v53 =	vor.u32 $0x12, v1;
	v9 =	vld.idx.msk [tilespmem:v40+s15+$0x0], $0xffff  }
0x5a: {  	v55 =	vld.idx.msk [tilespmem:v45+s16+$0x0], $0xffff;
	v52 =	vor.u32 $0x12, v2;
	v54 =	vmul.f32 v43, v12;
	v3 =	vadd.f32 v50, v3  }
0x5b: {  	v56 =	vor.u32 $0x13, v2;
	v11 =	vld.idx.msk [tilespmem:v44+s15+$0x0], $0xffff  }
0x5c: {  	v57 =	vor.u32 $0x13, v1;
	v13 =	vld.idx.msk [tilespmem:v48+s15+$0x0], $0xffff;
	v58 =	vmul.f32 v47, v7;
	v3 =	vadd.f32 v54, v3  }
0x5d: {  	v61 =	vor.u32 $0x14, v1;
	v59 =	vld.idx.msk [tilespmem:v49+s16+$0x0], $0xffff  }
0x5e: {  	v60 =	vor.u32 $0x14, v2;
	v63 =	vld.idx.msk [tilespmem:v53+s16+$0x0], $0xffff;
	v62 =	vmul.f32 v51, v9;
	v3 =	vadd.f32 v58, v3  }
0x5f: {  	v21 =	vor.u32 $0x15, v1;
	v10 =	vld.idx.msk [tilespmem:v52+s15+$0x0], $0xffff  }
0x60: {  	v20 =	vor.u32 $0x15, v2;
	v12 =	vld.idx.msk [tilespmem:v56+s15+$0x0], $0xffff;
	v22 =	vmul.f32 v55, v11;
	v3 =	vadd.f32 v62, v3  }
0x61: {  	v25 =	vor.u32 $0x16, v1;
	v23 =	vld.idx.msk [tilespmem:v57+s16+$0x0], $0xffff  }
0x62: {  	v24 =	vor.u32 $0x16, v2;
	v27 =	vld.idx.msk [tilespmem:v61+s16+$0x0], $0xffff;
	v26 =	vmul.f32 v59, v13;
	v3 =	vadd.f32 v22, v3  }
0x63: {  	v29 =	vor.u32 $0x17, v1;
	v7 =	vld.idx.msk [tilespmem:v60+s15+$0x0], $0xffff  }
0x64: {  	v28 =	vor.u32 $0x17, v2;
	v31 =	vld.idx.msk [tilespmem:v21+s16+$0x0], $0xffff;
	v30 =	vmul.f32 v63, v10;
	v3 =	vadd.f32 v26, v3  }
0x65: {  	v33 =	vor.u32 $0x18, v1;
	v9 =	vld.idx.msk [tilespmem:v20+s15+$0x0], $0xffff  }
0x66: {  	v32 =	vor.u32 $0x18, v2;
	v35 =	vld.idx.msk [tilespmem:v25+s16+$0x0], $0xffff;
	v34 =	vmul.f32 v23, v12;
	v3 =	vadd.f32 v30, v3  }
0x67: {  	v37 =	vor.u32 $0x19, v1;
	v11 =	vld.idx.msk [tilespmem:v24+s15+$0x0], $0xffff  }
0x68: {  	v36 =	vor.u32 $0x19, v2;
	v39 =	vld.idx.msk [tilespmem:v29+s16+$0x0], $0xffff;
	v38 =	vmul.f32 v27, v7;
	v3 =	vadd.f32 v34, v3  }
0x69: {  	v41 =	vor.u32 $0x1A, v1;
	v13 =	vld.idx.msk [tilespmem:v28+s15+$0x0], $0xffff  }
0x6a: {  	v40 =	vor.u32 $0x1A, v2;
	v43 =	vld.idx.msk [tilespmem:v33+s16+$0x0], $0xffff;
	v42 =	vmul.f32 v31, v9;
	v3 =	vadd.f32 v38, v3  }
0x6b: {  	v45 =	vor.u32 $0x1B, v1;
	v10 =	vld.idx.msk [tilespmem:v32+s15+$0x0], $0xffff  }
0x6c: {  	v44 =	vor.u32 $0x1B, v2;
	v47 =	vld.idx.msk [tilespmem:v37+s16+$0x0], $0xffff;
	v46 =	vmul.f32 v35, v11;
	v3 =	vadd.f32 v42, v3  }
0x6d: {  	v49 =	vor.u32 $0x1C, v1;
	v12 =	vld.idx.msk [tilespmem:v36+s15+$0x0], $0xffff  }
0x6e: {  	v48 =	vor.u32 $0x1C, v2;
	v51 =	vld.idx.msk [tilespmem:v41+s16+$0x0], $0xffff;
	v50 =	vmul.f32 v39, v13;
	v3 =	vadd.f32 v46, v3  }
0x6f: {  	v53 =	vor.u32 $0x1D, v1;
	v7 =	vld.idx.msk [tilespmem:v40+s15+$0x0], $0xffff  }
0x70: {  	v52 =	vor.u32 $0x1D, v2;
	v55 =	vld.idx.msk [tilespmem:v45+s16+$0x0], $0xffff;
	v54 =	vmul.f32 v43, v10;
	v3 =	vadd.f32 v50, v3  }
0x71: {  	v57 =	vor.u32 $0x1E, v1;
	v9 =	vld.idx.msk [tilespmem:v44+s15+$0x0], $0xffff  }
0x72: {  	v56 =	vor.u32 $0x1E, v2;
	v59 =	vld.idx.msk [tilespmem:v49+s16+$0x0], $0xffff;
	v58 =	vmul.f32 v47, v12;
	v3 =	vadd.f32 v54, v3  }
0x73: {  	v61 =	vor.u32 $0x1F, v1;
	v11 =	vld.idx.msk [tilespmem:v48+s15+$0x0], $0xffff  }
0x74: {  	v60 =	vor.u32 $0x1F, v2;
	v63 =	vld.idx.msk [tilespmem:v53+s16+$0x0], $0xffff;
	v62 =	vmul.f32 v51, v7;
	v3 =	vadd.f32 v58, v3  }
0x75: {  	v21 =	vor.u32 $0x20, v1;
	v13 =	vld.idx.msk [tilespmem:v52+s15+$0x0], $0xffff  }
0x76: {  	v20 =	vor.u32 $0x20, v2;
	v23 =	vld.idx.msk [tilespmem:v57+s16+$0x0], $0xffff;
	v22 =	vmul.f32 v55, v9;
	v3 =	vadd.f32 v62, v3  }
0x77: {  	v25 =	vor.u32 $0x21, v1;
	v10 =	vld.idx.msk [tilespmem:v56+s15+$0x0], $0xffff  }
0x78: {  	v24 =	vor.u32 $0x21, v2;
	v27 =	vld.idx.msk [tilespmem:v61+s16+$0x0], $0xffff;
	v26 =	vmul.f32 v59, v11;
	v3 =	vadd.f32 v22, v3  }
0x79: {  	v29 =	vor.u32 $0x22, v1;
	v12 =	vld.idx.msk [tilespmem:v60+s15+$0x0], $0xffff  }
0x7a: {  	v28 =	vor.u32 $0x22, v2;
	v31 =	vld.idx.msk [tilespmem:v21+s16+$0x0], $0xffff;
	v30 =	vmul.f32 v63, v13;
	v3 =	vadd.f32 v26, v3  }
0x7b: {  	v33 =	vor.u32 $0x23, v1;
	v7 =	vld.idx.msk [tilespmem:v20+s15+$0x0], $0xffff  }
0x7c: {  	v32 =	vor.u32 $0x23, v2;
	v35 =	vld.idx.msk [tilespmem:v25+s16+$0x0], $0xffff;
	v34 =	vmul.f32 v23, v10;
	v3 =	vadd.f32 v30, v3  }
0x7d: {  	v37 =	vor.u32 $0x24, v1;
	v9 =	vld.idx.msk [tilespmem:v24+s15+$0x0], $0xffff  }
0x7e: {  	v36 =	vor.u32 $0x24, v2;
	v39 =	vld.idx.msk [tilespmem:v29+s16+$0x0], $0xffff;
	v38 =	vmul.f32 v27, v12;
	v3 =	vadd.f32 v34, v3  }
0x7f: {  	v41 =	vor.u32 $0x25, v1;
	v11 =	vld.idx.msk [tilespmem:v28+s15+$0x0], $0xffff  }
0x80: {  	v40 =	vor.u32 $0x25, v2;
	v43 =	vld.idx.msk [tilespmem:v33+s16+$0x0], $0xffff;
	v42 =	vmul.f32 v31, v7;
	v3 =	vadd.f32 v38, v3  }
0x81: {  	v45 =	vor.u32 $0x26, v1;
	v13 =	vld.idx.msk [tilespmem:v32+s15+$0x0], $0xffff  }
0x82: {  	v44 =	vor.u32 $0x26, v2;
	v47 =	vld.idx.msk [tilespmem:v37+s16+$0x0], $0xffff;
	v46 =	vmul.f32 v35, v9;
	v3 =	vadd.f32 v42, v3  }
0x83: {  	v49 =	vor.u32 $0x27, v1;
	v10 =	vld.idx.msk [tilespmem:v36+s15+$0x0], $0xffff  }
0x84: {  	v48 =	vor.u32 $0x27, v2;
	v51 =	vld.idx.msk [tilespmem:v41+s16+$0x0], $0xffff;
	v50 =	vmul.f32 v39, v11;
	v3 =	vadd.f32 v46, v3  }
0x85: {  	v53 =	vor.u32 $0x28, v1;
	v12 =	vld.idx.msk [tilespmem:v40+s15+$0x0], $0xffff  }
0x86: {  	v52 =	vor.u32 $0x28, v2;
	v55 =	vld.idx.msk [tilespmem:v45+s16+$0x0], $0xffff;
	v54 =	vmul.f32 v43, v13;
	v3 =	vadd.f32 v50, v3  }
0x87: {  	v57 =	vor.u32 $0x29, v1;
	v7 =	vld.idx.msk [tilespmem:v44+s15+$0x0], $0xffff  }
0x88: {  	v56 =	vor.u32 $0x29, v2;
	v59 =	vld.idx.msk [tilespmem:v49+s16+$0x0], $0xffff;
	v58 =	vmul.f32 v47, v10;
	v3 =	vadd.f32 v54, v3  }
0x89: {  	v61 =	vor.u32 $0x2A, v1;
	v9 =	vld.idx.msk [tilespmem:v48+s15+$0x0], $0xffff  }
0x8a: {  	v60 =	vor.u32 $0x2A, v2;
	v63 =	vld.idx.msk [tilespmem:v53+s16+$0x0], $0xffff;
	v62 =	vmul.f32 v51, v12;
	v3 =	vadd.f32 v58, v3  }
0x8b: {  	v21 =	vor.u32 $0x2B, v1;
	v11 =	vld.idx.msk [tilespmem:v52+s15+$0x0], $0xffff  }
0x8c: {  	v20 =	vor.u32 $0x2B, v2;
	v23 =	vld.idx.msk [tilespmem:v57+s16+$0x0], $0xffff;
	v22 =	vmul.f32 v55, v7;
	v3 =	vadd.f32 v62, v3  }
0x8d: {  	v25 =	vor.u32 $0x2C, v1;
	v13 =	vld.idx.msk [tilespmem:v56+s15+$0x0], $0xffff  }
0x8e: {  	v24 =	vor.u32 $0x2C, v2;
	v27 =	vld.idx.msk [tilespmem:v61+s16+$0x0], $0xffff;
	v26 =	vmul.f32 v59, v9;
	v3 =	vadd.f32 v22, v3  }
0x8f: {  	v29 =	vor.u32 $0x2D, v1;
	v10 =	vld.idx.msk [tilespmem:v60+s15+$0x0], $0xffff  }
0x90: {  	v28 =	vor.u32 $0x2D, v2;
	v31 =	vld.idx.msk [tilespmem:v21+s16+$0x0], $0xffff;
	v30 =	vmul.f32 v63, v11;
	v3 =	vadd.f32 v26, v3  }
0x91: {  	v33 =	vor.u32 $0x2E, v1;
	v12 =	vld.idx.msk [tilespmem:v20+s15+$0x0], $0xffff  }
0x92: {  	v32 =	vor.u32 $0x2E, v2;
	v35 =	vld.idx.msk [tilespmem:v25+s16+$0x0], $0xffff;
	v34 =	vmul.f32 v23, v13;
	v3 =	vadd.f32 v30, v3  }
0x93: {  	v37 =	vor.u32 $0x2F, v1;
	v7 =	vld.idx.msk [tilespmem:v24+s15+$0x0], $0xffff  }
0x94: {  	v36 =	vor.u32 $0x2F, v2;
	v39 =	vld.idx.msk [tilespmem:v29+s16+$0x0], $0xffff;
	v38 =	vmul.f32 v27, v10;
	v3 =	vadd.f32 v34, v3  }
0x95: {  	v41 =	vor.u32 $0x30, v1;
	v9 =	vld.idx.msk [tilespmem:v28+s15+$0x0], $0xffff  }
0x96: {  	v40 =	vor.u32 $0x30, v2;
	v43 =	vld.idx.msk [tilespmem:v33+s16+$0x0], $0xffff;
	v42 =	vmul.f32 v31, v12;
	v3 =	vadd.f32 v38, v3  }
0x97: {  	v45 =	vor.u32 $0x31, v1;
	v11 =	vld.idx.msk [tilespmem:v32+s15+$0x0], $0xffff  }
0x98: {  	v44 =	vor.u32 $0x31, v2;
	v47 =	vld.idx.msk [tilespmem:v37+s16+$0x0], $0xffff;
	v46 =	vmul.f32 v35, v7;
	v3 =	vadd.f32 v42, v3  }
0x99: {  	v49 =	vor.u32 $0x32, v1;
	v13 =	vld.idx.msk [tilespmem:v36+s15+$0x0], $0xffff  }
0x9a: {  	v48 =	vor.u32 $0x32, v2;
	v51 =	vld.idx.msk [tilespmem:v41+s16+$0x0], $0xffff;
	v50 =	vmul.f32 v39, v9;
	v3 =	vadd.f32 v46, v3  }
0x9b: {  	v53 =	vor.u32 $0x33, v1;
	v10 =	vld.idx.msk [tilespmem:v40+s15+$0x0], $0xffff  }
0x9c: {  	v52 =	vor.u32 $0x33, v2;
	v55 =	vld.idx.msk [tilespmem:v45+s16+$0x0], $0xffff;
	v54 =	vmul.f32 v43, v11;
	v3 =	vadd.f32 v50, v3  }
0x9d: {  	v57 =	vor.u32 $0x34, v1;
	v12 =	vld.idx.msk [tilespmem:v44+s15+$0x0], $0xffff  }
0x9e: {  	v56 =	vor.u32 $0x34, v2;
	v59 =	vld.idx.msk [tilespmem:v49+s16+$0x0], $0xffff;
	v58 =	vmul.f32 v47, v13;
	v3 =	vadd.f32 v54, v3  }
0x9f: {  	v61 =	vor.u32 $0x35, v1;
	v7 =	vld.idx.msk [tilespmem:v48+s15+$0x0], $0xffff  }
0xa0: {  	v60 =	vor.u32 $0x35, v2;
	v63 =	vld.idx.msk [tilespmem:v53+s16+$0x0], $0xffff;
	v62 =	vmul.f32 v51, v10;
	v3 =	vadd.f32 v58, v3  }
0xa1: {  	v21 =	vor.u32 $0x36, v1;
	v9 =	vld.idx.msk [tilespmem:v52+s15+$0x0], $0xffff  }
0xa2: {  	v20 =	vor.u32 $0x36, v2;
	v23 =	vld.idx.msk [tilespmem:v57+s16+$0x0], $0xffff;
	v22 =	vmul.f32 v55, v12;
	v3 =	vadd.f32 v62, v3  }
0xa3: {  	v25 =	vor.u32 $0x37, v1;
	v11 =	vld.idx.msk [tilespmem:v56+s15+$0x0], $0xffff  }
0xa4: {  	v24 =	vor.u32 $0x37, v2;
	v27 =	vld.idx.msk [tilespmem:v61+s16+$0x0], $0xffff;
	v26 =	vmul.f32 v59, v7;
	v3 =	vadd.f32 v22, v3  }
0xa5: {  	v29 =	vor.u32 $0x38, v1;
	v13 =	vld.idx.msk [tilespmem:v60+s15+$0x0], $0xffff  }
0xa6: {  	v28 =	vor.u32 $0x38, v2;
	v31 =	vld.idx.msk [tilespmem:v21+s16+$0x0], $0xffff;
	v30 =	vmul.f32 v63, v9;
	v3 =	vadd.f32 v26, v3  }
0xa7: {  	v33 =	vor.u32 $0x39, v1;
	v10 =	vld.idx.msk [tilespmem:v20+s15+$0x0], $0xffff  }
0xa8: {  	v32 =	vor.u32 $0x39, v2;
	v35 =	vld.idx.msk [tilespmem:v25+s16+$0x0], $0xffff;
	v34 =	vmul.f32 v23, v11;
	v3 =	vadd.f32 v30, v3  }
0xa9: {  	v37 =	vor.u32 $0x3A, v1;
	v12 =	vld.idx.msk [tilespmem:v24+s15+$0x0], $0xffff  }
0xaa: {  	v36 =	vor.u32 $0x3A, v2;
	v39 =	vld.idx.msk [tilespmem:v29+s16+$0x0], $0xffff;
	v38 =	vmul.f32 v27, v13;
	v3 =	vadd.f32 v34, v3  }
0xab: {  	v41 =	vor.u32 $0x3B, v1;
	v7 =	vld.idx.msk [tilespmem:v28+s15+$0x0], $0xffff  }
0xac: {  	v40 =	vor.u32 $0x3B, v2;
	v43 =	vld.idx.msk [tilespmem:v33+s16+$0x0], $0xffff;
	v42 =	vmul.f32 v31, v10;
	v3 =	vadd.f32 v38, v3  }
0xad: {  	v45 =	vor.u32 $0x3C, v1;
	v9 =	vld.idx.msk [tilespmem:v32+s15+$0x0], $0xffff  }
0xae: {  	v44 =	vor.u32 $0x3C, v2;
	v47 =	vld.idx.msk [tilespmem:v37+s16+$0x0], $0xffff;
	v46 =	vmul.f32 v35, v12;
	v3 =	vadd.f32 v42, v3  }
0xaf: {  	v48 =	vor.u32 $0x3D, v2;
	v11 =	vld.idx.msk [tilespmem:v36+s15+$0x0], $0xffff  }
0xb0: {  	v49 =	vor.u32 $0x3D, v1;
	v51 =	vld.idx.msk [tilespmem:v41+s16+$0x0], $0xffff;
	v50 =	vmul.f32 v39, v7;
	v3 =	vadd.f32 v46, v3  }
0xb1: {  	v53 =	vor.u32 $0x3E, v1;
	v13 =	vld.idx.msk [tilespmem:v40+s15+$0x0], $0xffff  }
0xb2: {  	v52 =	vor.u32 $0x3E, v2;
	v55 =	vld.idx.msk [tilespmem:v45+s16+$0x0], $0xffff;
	v54 =	vmul.f32 v43, v9;
	v3 =	vadd.f32 v50, v3  }
0xb3: {  	v1 =	vor.u32 $0x3F, v1;
	v10 =	vld.idx.msk [tilespmem:v44+s15+$0x0], $0xffff  }
0xb4: {  	v2 =	vor.u32 $0x3F, v2;
	v56 =	vld.idx.msk [tilespmem:v48+s15+$0x0], $0xffff;
	v57 =	vmul.f32 v47, v11;
	v3 =	vadd.f32 v54, v3  }
0xb5: {  	v58 =	vld.idx.msk [tilespmem:v49+s16+$0x0], $0xffff  }
0xb6: {  	v60 =	vld.idx.msk [tilespmem:v53+s16+$0x0], $0xffff;
	v59 =	vmul.f32 v51, v13;
	v3 =	vadd.f32 v57, v3  }
0xb7: {  	v7 =	vld.idx.msk [tilespmem:v52+s15+$0x0], $0xffff  }
0xb8: {  	v1 =	vld.idx.msk [tilespmem:v1+s16+$0x0], $0xffff;
	v61 =	vmul.f32 v55, v10;
	v3 =	vadd.f32 v59, v3  }
0xb9: {  	v2 =	vld.idx.msk [tilespmem:v2+s15+$0x0], $0xffff  }
0xba: {  	v62 =	vmul.f32 v58, v56;
	v3 =	vadd.f32 v61, v3;
	_ =	sdelay $0x1  }
0xbb: {  	v63 =	vmul.f32 v60, v7;
	v3 =	vadd.f32 v62, v3;
	_ =	sdelay $0x1  }
0xbc: {  	v1 =	vmul.f32 v1, v2;
	v3 =	vadd.f32 v63, v3;
	_ =	sdelay $0x1  }
0xbd: {  	v1 =	vadd.f32 v1, v3;
	_ =	sdelay $0x1  }
0xbe: {  	v1 =	vsub.f32 $0.0e+00, v1;
	_ =	sdelay $0x1  }
0xbf: {  	v1 =	vmul.f32 $1.442695020e+00, v1;
	_ =	sdelay $0x1  }
0xc0: {  	(erf) = vpow2.f32 v1;
	_ =	sdelay $0x8  }
0xc1: {  	v1 =	vpop (erf)  }
0xc2: {  	v1 =	vadd.f32 $1.000000000e+00, v1;
	_ =	sdelay $0x1  }
0xc3: {  	(erf) = vrcp.f32 v1;
	_ =	sdelay $0x8  }
0xc4: {  	v1 =	vpop (erf)  }
0xc5: {  	s3 =	simm.s32 $0x10;
	[tilespmem:s30+$0x0] =	vst v1  }
0xc6: {  	s17 =	simm.s32 $0x210;
	v1 =	vld [tilespmem:s3+$0x0]  }
0xc7: {  	s19 =	simm.s32 $0x20;
	s23 =	simm.s32 $0x10;
	s0 =	simm.s32 $0x10800;
	v2 =	vld [tilespmem:s17+$0x0]  }
.LBB2_2:
0xc8: {  	p0 =	sne.s32 s19, $0x70;
	_ =	sdelay $0x1  }
0xc9: {  	v3 =	vmov s3;
	s3 =	smov.u32 s19  }
0xca: {  	v3 =	vshll.u32 v3, $0x7;
	v1 =	vshll.u32 v1, $0x6  }
0xcb: {  	v3 =	vor.u32 v0, v3;
	v1 =	vand.u32 $0x40, v1;
	v2 =	vshll.u32 v2, $0x6  }
0xcc: {  	v4 =	vand.u32 $0x40, v2;
	v2 =	vor.u32 v3, v1  }
0xcd: {  	v1 =	vor.u32 v3, v4  }
0xce: {  	v3 =	vor.u32 $0x1, v2  }
0xcf: {  	v4 =	vor.u32 $0x1, v1  }
0xd0: {  	v5 =	vor.u32 $0x2, v2  }
0xd1: {  	v7 =	vor.u32 $0x2, v1;
	v6 =	vld.idx.msk [tilespmem:v2+s15+$0x0], $0xffff  }
0xd2: {  	v9 =	vor.u32 $0x3, v2;
	v8 =	vld.idx.msk [tilespmem:v1+s16+$0x0], $0xffff  }
0xd3: {  	v10 =	vor.u32 $0x3, v1;
	v3 =	vld.idx.msk [tilespmem:v3+s15+$0x0], $0xffff  }
0xd4: {  	v11 =	vor.u32 $0x4, v2;
	v4 =	vld.idx.msk [tilespmem:v4+s16+$0x0], $0xffff  }
0xd5: {  	v12 =	vor.u32 $0x4, v1;
	v5 =	vld.idx.msk [tilespmem:v5+s15+$0x0], $0xffff  }
0xd6: {  	v13 =	vor.u32 $0x5, v2;
	v7 =	vld.idx.msk [tilespmem:v7+s16+$0x0], $0xffff  }
0xd7: {  	v14 =	vor.u32 $0x5, v1;
	v9 =	vld.idx.msk [tilespmem:v9+s15+$0x0], $0xffff  }
0xd8: {  	v6 =	vmul.f32 v8, v6;
	v8 =	vld.idx.msk [tilespmem:v10+s16+$0x0], $0xffff;
	v10 =	vor.u32 $0x6, v2  }
0xd9: {  	v15 =	vor.u32 $0x6, v1;
	v11 =	vld.idx.msk [tilespmem:v11+s15+$0x0], $0xffff  }
0xda: {  	v6 =	vadd.f32 $0.0e+00, v6;
	v3 =	vmul.f32 v4, v3;
	v4 =	vld.idx.msk [tilespmem:v12+s16+$0x0], $0xffff;
	v12 =	vor.u32 $0x7, v2  }
0xdb: {  	v16 =	vor.u32 $0x7, v1;
	v13 =	vld.idx.msk [tilespmem:v13+s15+$0x0], $0xffff  }
0xdc: {  	v3 =	vadd.f32 v3, v6;
	v5 =	vmul.f32 v7, v5;
	v7 =	vor.u32 $0x8, v2;
	v6 =	vld.idx.msk [tilespmem:v14+s16+$0x0], $0xffff  }
0xdd: {  	v14 =	vor.u32 $0x8, v1;
	v10 =	vld.idx.msk [tilespmem:v10+s15+$0x0], $0xffff  }
0xde: {  	v3 =	vadd.f32 v5, v3;
	v5 =	vmul.f32 v8, v9;
	v9 =	vor.u32 $0x9, v2;
	v8 =	vld.idx.msk [tilespmem:v15+s16+$0x0], $0xffff  }
0xdf: {  	v15 =	vor.u32 $0x9, v1;
	v12 =	vld.idx.msk [tilespmem:v12+s15+$0x0], $0xffff  }
0xe0: {  	v3 =	vadd.f32 v5, v3;
	v4 =	vmul.f32 v4, v11;
	v11 =	vor.u32 $0xA, v2;
	v5 =	vld.idx.msk [tilespmem:v16+s16+$0x0], $0xffff  }
0xe1: {  	v16 =	vor.u32 $0xA, v1;
	v7 =	vld.idx.msk [tilespmem:v7+s15+$0x0], $0xffff  }
0xe2: {  	v3 =	vadd.f32 v4, v3;
	v4 =	vmul.f32 v6, v13;
	v13 =	vor.u32 $0xB, v2;
	v6 =	vld.idx.msk [tilespmem:v14+s16+$0x0], $0xffff  }
0xe3: {  	v14 =	vor.u32 $0xB, v1;
	v9 =	vld.idx.msk [tilespmem:v9+s15+$0x0], $0xffff  }
0xe4: {  	v3 =	vadd.f32 v4, v3;
	v4 =	vmul.f32 v8, v10;
	v10 =	vor.u32 $0xC, v2;
	v8 =	vld.idx.msk [tilespmem:v15+s16+$0x0], $0xffff  }
0xe5: {  	v15 =	vor.u32 $0xC, v1;
	v11 =	vld.idx.msk [tilespmem:v11+s15+$0x0], $0xffff  }
0xe6: {  	v3 =	vadd.f32 v4, v3;
	v4 =	vmul.f32 v5, v12;
	v12 =	vor.u32 $0xD, v2;
	v5 =	vld.idx.msk [tilespmem:v16+s16+$0x0], $0xffff  }
0xe7: {  	v16 =	vor.u32 $0xD, v1;
	v13 =	vld.idx.msk [tilespmem:v13+s15+$0x0], $0xffff  }
0xe8: {  	v3 =	vadd.f32 v4, v3;
	v4 =	vmul.f32 v6, v7;
	v7 =	vor.u32 $0xE, v2;
	v6 =	vld.idx.msk [tilespmem:v14+s16+$0x0], $0xffff  }
0xe9: {  	v14 =	vor.u32 $0xE, v1;
	v10 =	vld.idx.msk [tilespmem:v10+s15+$0x0], $0xffff  }
0xea: {  	v3 =	vadd.f32 v4, v3;
	v4 =	vmul.f32 v8, v9;
	v9 =	vor.u32 $0xF, v2;
	v8 =	vld.idx.msk [tilespmem:v15+s16+$0x0], $0xffff  }
0xeb: {  	v15 =	vor.u32 $0xF, v1;
	v12 =	vld.idx.msk [tilespmem:v12+s15+$0x0], $0xffff  }
0xec: {  	v3 =	vadd.f32 v4, v3;
	v4 =	vmul.f32 v5, v11;
	v11 =	vor.u32 $0x10, v2;
	v5 =	vld.idx.msk [tilespmem:v16+s16+$0x0], $0xffff  }
0xed: {  	v16 =	vor.u32 $0x10, v1;
	v7 =	vld.idx.msk [tilespmem:v7+s15+$0x0], $0xffff  }
0xee: {  	v3 =	vadd.f32 v4, v3;
	v4 =	vmul.f32 v6, v13;
	v13 =	vor.u32 $0x11, v2;
	v6 =	vld.idx.msk [tilespmem:v14+s16+$0x0], $0xffff  }
0xef: {  	v14 =	vor.u32 $0x11, v1;
	v9 =	vld.idx.msk [tilespmem:v9+s15+$0x0], $0xffff  }
0xf0: {  	v3 =	vadd.f32 v4, v3;
	v4 =	vmul.f32 v8, v10;
	v10 =	vor.u32 $0x12, v2;
	v8 =	vld.idx.msk [tilespmem:v15+s16+$0x0], $0xffff  }
0xf1: {  	v15 =	vor.u32 $0x12, v1;
	v11 =	vld.idx.msk [tilespmem:v11+s15+$0x0], $0xffff  }
0xf2: {  	v3 =	vadd.f32 v4, v3;
	v4 =	vmul.f32 v5, v12;
	v12 =	vor.u32 $0x13, v2;
	v5 =	vld.idx.msk [tilespmem:v16+s16+$0x0], $0xffff  }
0xf3: {  	v16 =	vor.u32 $0x13, v1;
	v13 =	vld.idx.msk [tilespmem:v13+s15+$0x0], $0xffff  }
0xf4: {  	v3 =	vadd.f32 v4, v3;
	v4 =	vmul.f32 v6, v7;
	v7 =	vor.u32 $0x14, v2;
	v6 =	vld.idx.msk [tilespmem:v14+s16+$0x0], $0xffff  }
0xf5: {  	v14 =	vor.u32 $0x14, v1;
	v10 =	vld.idx.msk [tilespmem:v10+s15+$0x0], $0xffff  }
0xf6: {  	v3 =	vadd.f32 v4, v3;
	v4 =	vmul.f32 v8, v9;
	v9 =	vor.u32 $0x15, v2;
	v8 =	vld.idx.msk [tilespmem:v15+s16+$0x0], $0xffff  }
0xf7: {  	v15 =	vor.u32 $0x15, v1;
	v12 =	vld.idx.msk [tilespmem:v12+s15+$0x0], $0xffff  }
0xf8: {  	v3 =	vadd.f32 v4, v3;
	v4 =	vmul.f32 v5, v11;
	v11 =	vor.u32 $0x16, v2;
	v5 =	vld.idx.msk [tilespmem:v16+s16+$0x0], $0xffff  }
0xf9: {  	v16 =	vor.u32 $0x16, v1;
	v7 =	vld.idx.msk [tilespmem:v7+s15+$0x0], $0xffff  }
0xfa: {  	v3 =	vadd.f32 v4, v3;
	v4 =	vmul.f32 v6, v13;
	v13 =	vor.u32 $0x17, v2;
	v6 =	vld.idx.msk [tilespmem:v14+s16+$0x0], $0xffff  }
0xfb: {  	v14 =	vor.u32 $0x17, v1;
	v9 =	vld.idx.msk [tilespmem:v9+s15+$0x0], $0xffff  }
0xfc: {  	v3 =	vadd.f32 v4, v3;
	v4 =	vmul.f32 v8, v10;
	v10 =	vor.u32 $0x18, v2;
	v8 =	vld.idx.msk [tilespmem:v15+s16+$0x0], $0xffff  }
0xfd: {  	v15 =	vor.u32 $0x18, v1;
	v11 =	vld.idx.msk [tilespmem:v11+s15+$0x0], $0xffff  }
0xfe: {  	v3 =	vadd.f32 v4, v3;
	v4 =	vmul.f32 v5, v12;
	v12 =	vor.u32 $0x19, v2;
	v5 =	vld.idx.msk [tilespmem:v16+s16+$0x0], $0xffff  }
0xff: {  	v16 =	vor.u32 $0x19, v1;
	v13 =	vld.idx.msk [tilespmem:v13+s15+$0x0], $0xffff  }
0x100: {  	v3 =	vadd.f32 v4, v3;
	v4 =	vmul.f32 v6, v7;
	v7 =	vor.u32 $0x1A, v2;
	v6 =	vld.idx.msk [tilespmem:v14+s16+$0x0], $0xffff  }
0x101: {  	v14 =	vor.u32 $0x1A, v1;
	v10 =	vld.idx.msk [tilespmem:v10+s15+$0x0], $0xffff  }
0x102: {  	v3 =	vadd.f32 v4, v3;
	v4 =	vmul.f32 v8, v9;
	v9 =	vor.u32 $0x1B, v2;
	v8 =	vld.idx.msk [tilespmem:v15+s16+$0x0], $0xffff  }
0x103: {  	v15 =	vor.u32 $0x1B, v1;
	v12 =	vld.idx.msk [tilespmem:v12+s15+$0x0], $0xffff  }
0x104: {  	v3 =	vadd.f32 v4, v3;
	v4 =	vmul.f32 v5, v11;
	v11 =	vor.u32 $0x1C, v2;
	v5 =	vld.idx.msk [tilespmem:v16+s16+$0x0], $0xffff  }
0x105: {  	v16 =	vor.u32 $0x1C, v1;
	v7 =	vld.idx.msk [tilespmem:v7+s15+$0x0], $0xffff  }
0x106: {  	v3 =	vadd.f32 v4, v3;
	v4 =	vmul.f32 v6, v13;
	v13 =	vor.u32 $0x1D, v2;
	v6 =	vld.idx.msk [tilespmem:v14+s16+$0x0], $0xffff  }
0x107: {  	v14 =	vor.u32 $0x1D, v1;
	v9 =	vld.idx.msk [tilespmem:v9+s15+$0x0], $0xffff  }
0x108: {  	v3 =	vadd.f32 v4, v3;
	v4 =	vmul.f32 v8, v10;
	v10 =	vor.u32 $0x1E, v2;
	v8 =	vld.idx.msk [tilespmem:v15+s16+$0x0], $0xffff  }
0x109: {  	v15 =	vor.u32 $0x1E, v1;
	v11 =	vld.idx.msk [tilespmem:v11+s15+$0x0], $0xffff  }
0x10a: {  	v3 =	vadd.f32 v4, v3;
	v4 =	vmul.f32 v5, v12;
	v12 =	vor.u32 $0x1F, v2;
	v5 =	vld.idx.msk [tilespmem:v16+s16+$0x0], $0xffff  }
0x10b: {  	v16 =	vor.u32 $0x1F, v1;
	v13 =	vld.idx.msk [tilespmem:v13+s15+$0x0], $0xffff  }
0x10c: {  	v3 =	vadd.f32 v4, v3;
	v4 =	vmul.f32 v6, v7;
	v7 =	vor.u32 $0x20, v2;
	v6 =	vld.idx.msk [tilespmem:v14+s16+$0x0], $0xffff  }
0x10d: {  	v14 =	vor.u32 $0x20, v1;
	v10 =	vld.idx.msk [tilespmem:v10+s15+$0x0], $0xffff  }
0x10e: {  	v3 =	vadd.f32 v4, v3;
	v4 =	vmul.f32 v8, v9;
	v9 =	vor.u32 $0x21, v2;
	v8 =	vld.idx.msk [tilespmem:v15+s16+$0x0], $0xffff  }
0x10f: {  	v15 =	vor.u32 $0x21, v1;
	v12 =	vld.idx.msk [tilespmem:v12+s15+$0x0], $0xffff  }
0x110: {  	v3 =	vadd.f32 v4, v3;
	v4 =	vmul.f32 v5, v11;
	v11 =	vor.u32 $0x22, v2;
	v5 =	vld.idx.msk [tilespmem:v16+s16+$0x0], $0xffff  }
0x111: {  	v16 =	vor.u32 $0x22, v1;
	v7 =	vld.idx.msk [tilespmem:v7+s15+$0x0], $0xffff  }
0x112: {  	v3 =	vadd.f32 v4, v3;
	v4 =	vmul.f32 v6, v13;
	v13 =	vor.u32 $0x23, v2;
	v6 =	vld.idx.msk [tilespmem:v14+s16+$0x0], $0xffff  }
0x113: {  	v14 =	vor.u32 $0x23, v1;
	v9 =	vld.idx.msk [tilespmem:v9+s15+$0x0], $0xffff  }
0x114: {  	v3 =	vadd.f32 v4, v3;
	v4 =	vmul.f32 v8, v10;
	v10 =	vor.u32 $0x24, v2;
	v8 =	vld.idx.msk [tilespmem:v15+s16+$0x0], $0xffff  }
0x115: {  	v15 =	vor.u32 $0x24, v1;
	v11 =	vld.idx.msk [tilespmem:v11+s15+$0x0], $0xffff  }
0x116: {  	v3 =	vadd.f32 v4, v3;
	v4 =	vmul.f32 v5, v12;
	v12 =	vor.u32 $0x25, v2;
	v5 =	vld.idx.msk [tilespmem:v16+s16+$0x0], $0xffff  }
0x117: {  	v16 =	vor.u32 $0x25, v1;
	v13 =	vld.idx.msk [tilespmem:v13+s15+$0x0], $0xffff  }
0x118: {  	v3 =	vadd.f32 v4, v3;
	v4 =	vmul.f32 v6, v7;
	v7 =	vor.u32 $0x26, v2;
	v6 =	vld.idx.msk [tilespmem:v14+s16+$0x0], $0xffff  }
0x119: {  	v14 =	vor.u32 $0x26, v1;
	v10 =	vld.idx.msk [tilespmem:v10+s15+$0x0], $0xffff  }
0x11a: {  	v3 =	vadd.f32 v4, v3;
	v4 =	vmul.f32 v8, v9;
	v9 =	vor.u32 $0x27, v2;
	v8 =	vld.idx.msk [tilespmem:v15+s16+$0x0], $0xffff  }
0x11b: {  	v15 =	vor.u32 $0x27, v1;
	v12 =	vld.idx.msk [tilespmem:v12+s15+$0x0], $0xffff  }
0x11c: {  	v3 =	vadd.f32 v4, v3;
	v4 =	vmul.f32 v5, v11;
	v11 =	vor.u32 $0x28, v2;
	v5 =	vld.idx.msk [tilespmem:v16+s16+$0x0], $0xffff  }
0x11d: {  	v16 =	vor.u32 $0x28, v1;
	v7 =	vld.idx.msk [tilespmem:v7+s15+$0x0], $0xffff  }
0x11e: {  	v3 =	vadd.f32 v4, v3;
	v4 =	vmul.f32 v6, v13;
	v13 =	vor.u32 $0x29, v2;
	v6 =	vld.idx.msk [tilespmem:v14+s16+$0x0], $0xffff  }
0x11f: {  	v14 =	vor.u32 $0x29, v1;
	v9 =	vld.idx.msk [tilespmem:v9+s15+$0x0], $0xffff  }
0x120: {  	v3 =	vadd.f32 v4, v3;
	v4 =	vmul.f32 v8, v10;
	v10 =	vor.u32 $0x2A, v2;
	v8 =	vld.idx.msk [tilespmem:v15+s16+$0x0], $0xffff  }
0x121: {  	v15 =	vor.u32 $0x2A, v1;
	v11 =	vld.idx.msk [tilespmem:v11+s15+$0x0], $0xffff  }
0x122: {  	v3 =	vadd.f32 v4, v3;
	v4 =	vmul.f32 v5, v12;
	v12 =	vor.u32 $0x2B, v2;
	v5 =	vld.idx.msk [tilespmem:v16+s16+$0x0], $0xffff  }
0x123: {  	v16 =	vor.u32 $0x2B, v1;
	v13 =	vld.idx.msk [tilespmem:v13+s15+$0x0], $0xffff  }
0x124: {  	v3 =	vadd.f32 v4, v3;
	v4 =	vmul.f32 v6, v7;
	v7 =	vor.u32 $0x2C, v2;
	v6 =	vld.idx.msk [tilespmem:v14+s16+$0x0], $0xffff  }
0x125: {  	v14 =	vor.u32 $0x2C, v1;
	v10 =	vld.idx.msk [tilespmem:v10+s15+$0x0], $0xffff  }
0x126: {  	v3 =	vadd.f32 v4, v3;
	v4 =	vmul.f32 v8, v9;
	v9 =	vor.u32 $0x2D, v2;
	v8 =	vld.idx.msk [tilespmem:v15+s16+$0x0], $0xffff  }
0x127: {  	v15 =	vor.u32 $0x2D, v1;
	v12 =	vld.idx.msk [tilespmem:v12+s15+$0x0], $0xffff  }
0x128: {  	v3 =	vadd.f32 v4, v3;
	v4 =	vmul.f32 v5, v11;
	v11 =	vor.u32 $0x2E, v2;
	v5 =	vld.idx.msk [tilespmem:v16+s16+$0x0], $0xffff  }
0x129: {  	v16 =	vor.u32 $0x2E, v1;
	v7 =	vld.idx.msk [tilespmem:v7+s15+$0x0], $0xffff  }
0x12a: {  	v3 =	vadd.f32 v4, v3;
	v4 =	vmul.f32 v6, v13;
	v13 =	vor.u32 $0x2F, v2;
	v6 =	vld.idx.msk [tilespmem:v14+s16+$0x0], $0xffff  }
0x12b: {  	v14 =	vor.u32 $0x2F, v1;
	v9 =	vld.idx.msk [tilespmem:v9+s15+$0x0], $0xffff  }
0x12c: {  	v3 =	vadd.f32 v4, v3;
	v4 =	vmul.f32 v8, v10;
	v10 =	vor.u32 $0x30, v2;
	v8 =	vld.idx.msk [tilespmem:v15+s16+$0x0], $0xffff  }
0x12d: {  	v15 =	vor.u32 $0x30, v1;
	v11 =	vld.idx.msk [tilespmem:v11+s15+$0x0], $0xffff  }
0x12e: {  	v3 =	vadd.f32 v4, v3;
	v4 =	vmul.f32 v5, v12;
	v12 =	vor.u32 $0x31, v2;
	v5 =	vld.idx.msk [tilespmem:v16+s16+$0x0], $0xffff  }
0x12f: {  	v16 =	vor.u32 $0x31, v1;
	v13 =	vld.idx.msk [tilespmem:v13+s15+$0x0], $0xffff  }
0x130: {  	v3 =	vadd.f32 v4, v3;
	v4 =	vmul.f32 v6, v7;
	v7 =	vor.u32 $0x32, v2;
	v6 =	vld.idx.msk [tilespmem:v14+s16+$0x0], $0xffff  }
0x131: {  	v14 =	vor.u32 $0x32, v1;
	v10 =	vld.idx.msk [tilespmem:v10+s15+$0x0], $0xffff  }
0x132: {  	v3 =	vadd.f32 v4, v3;
	v4 =	vmul.f32 v8, v9;
	v9 =	vor.u32 $0x33, v2;
	v8 =	vld.idx.msk [tilespmem:v15+s16+$0x0], $0xffff  }
0x133: {  	v15 =	vor.u32 $0x33, v1;
	v12 =	vld.idx.msk [tilespmem:v12+s15+$0x0], $0xffff  }
0x134: {  	v3 =	vadd.f32 v4, v3;
	v4 =	vmul.f32 v5, v11;
	v11 =	vor.u32 $0x34, v2;
	v5 =	vld.idx.msk [tilespmem:v16+s16+$0x0], $0xffff  }
0x135: {  	v16 =	vor.u32 $0x34, v1;
	v7 =	vld.idx.msk [tilespmem:v7+s15+$0x0], $0xffff  }
0x136: {  	v3 =	vadd.f32 v4, v3;
	v4 =	vmul.f32 v6, v13;
	v13 =	vor.u32 $0x35, v2;
	v6 =	vld.idx.msk [tilespmem:v14+s16+$0x0], $0xffff  }
0x137: {  	v14 =	vor.u32 $0x35, v1;
	v9 =	vld.idx.msk [tilespmem:v9+s15+$0x0], $0xffff  }
0x138: {  	v3 =	vadd.f32 v4, v3;
	v4 =	vmul.f32 v8, v10;
	v10 =	vor.u32 $0x36, v2;
	v8 =	vld.idx.msk [tilespmem:v15+s16+$0x0], $0xffff  }
0x139: {  	v15 =	vor.u32 $0x36, v1;
	v11 =	vld.idx.msk [tilespmem:v11+s15+$0x0], $0xffff  }
0x13a: {  	v3 =	vadd.f32 v4, v3;
	v4 =	vmul.f32 v5, v12;
	v12 =	vor.u32 $0x37, v2;
	v5 =	vld.idx.msk [tilespmem:v16+s16+$0x0], $0xffff  }
0x13b: {  	v16 =	vor.u32 $0x37, v1;
	v13 =	vld.idx.msk [tilespmem:v13+s15+$0x0], $0xffff  }
0x13c: {  	v3 =	vadd.f32 v4, v3;
	v4 =	vmul.f32 v6, v7;
	v7 =	vor.u32 $0x38, v2;
	v6 =	vld.idx.msk [tilespmem:v14+s16+$0x0], $0xffff  }
0x13d: {  	v14 =	vor.u32 $0x38, v1;
	v10 =	vld.idx.msk [tilespmem:v10+s15+$0x0], $0xffff  }
0x13e: {  	v3 =	vadd.f32 v4, v3;
	v4 =	vmul.f32 v8, v9;
	v9 =	vor.u32 $0x39, v2;
	v8 =	vld.idx.msk [tilespmem:v15+s16+$0x0], $0xffff  }
0x13f: {  	v15 =	vor.u32 $0x39, v1;
	v12 =	vld.idx.msk [tilespmem:v12+s15+$0x0], $0xffff  }
0x140: {  	v3 =	vadd.f32 v4, v3;
	v4 =	vmul.f32 v5, v11;
	v11 =	vor.u32 $0x3A, v2;
	v5 =	vld.idx.msk [tilespmem:v16+s16+$0x0], $0xffff  }
0x141: {  	v16 =	vor.u32 $0x3A, v1;
	v7 =	vld.idx.msk [tilespmem:v7+s15+$0x0], $0xffff  }
0x142: {  	v3 =	vadd.f32 v4, v3;
	v4 =	vmul.f32 v6, v13;
	v13 =	vor.u32 $0x3B, v2;
	v6 =	vld.idx.msk [tilespmem:v14+s16+$0x0], $0xffff  }
0x143: {  	v14 =	vor.u32 $0x3B, v1;
	v9 =	vld.idx.msk [tilespmem:v9+s15+$0x0], $0xffff  }
0x144: {  	v3 =	vadd.f32 v4, v3;
	v4 =	vmul.f32 v8, v10;
	v10 =	vor.u32 $0x3C, v2;
	v8 =	vld.idx.msk [tilespmem:v15+s16+$0x0], $0xffff  }
0x145: {  	v15 =	vor.u32 $0x3C, v1;
	v11 =	vld.idx.msk [tilespmem:v11+s15+$0x0], $0xffff  }
0x146: {  	v3 =	vadd.f32 v4, v3;
	v4 =	vmul.f32 v5, v12;
	v12 =	vor.u32 $0x3D, v2;
	v5 =	vld.idx.msk [tilespmem:v16+s16+$0x0], $0xffff  }
0x147: {  	v16 =	vor.u32 $0x3D, v1;
	v13 =	vld.idx.msk [tilespmem:v13+s15+$0x0], $0xffff  }
0x148: {  	v3 =	vadd.f32 v4, v3;
	v4 =	vmul.f32 v6, v7;
	v7 =	vor.u32 $0x3E, v2;
	v6 =	vld.idx.msk [tilespmem:v14+s16+$0x0], $0xffff  }
0x149: {  	v14 =	vor.u32 $0x3E, v1;
	v10 =	vld.idx.msk [tilespmem:v10+s15+$0x0], $0xffff  }
0x14a: {  	v2 =	vor.u32 $0x3F, v2;
	v3 =	vadd.f32 v4, v3;
	v4 =	vmul.f32 v8, v9;
	v8 =	vld.idx.msk [tilespmem:v15+s16+$0x0], $0xffff  }
0x14b: {  	v1 =	vor.u32 $0x3F, v1;
	v9 =	vld.idx.msk [tilespmem:v12+s15+$0x0], $0xffff  }
0x14c: {  	v3 =	vadd.f32 v4, v3;
	v4 =	vmul.f32 v5, v11;
	v5 =	vld.idx.msk [tilespmem:v16+s16+$0x0], $0xffff  }
0x14d: {  	v7 =	vld.idx.msk [tilespmem:v7+s15+$0x0], $0xffff  }
0x14e: {  	v3 =	vadd.f32 v4, v3;
	v4 =	vmul.f32 v6, v13;
	v6 =	vld.idx.msk [tilespmem:v14+s16+$0x0], $0xffff  }
0x14f: {  	v2 =	vld.idx.msk [tilespmem:v2+s15+$0x0], $0xffff  }
0x150: {  	v3 =	vadd.f32 v4, v3;
	v4 =	vmul.f32 v8, v10;
	v1 =	vld.idx.msk [tilespmem:v1+s16+$0x0], $0xffff;
	_ =	sdelay $0x1  }
0x151: {  	v3 =	vadd.f32 v4, v3;
	v4 =	vmul.f32 v5, v9;
	_ =	sdelay $0x1  }
0x152: {  	v3 =	vadd.f32 v4, v3;
	v4 =	vmul.f32 v6, v7;
	_ =	sdelay $0x1  }
0x153: {  	v3 =	vadd.f32 v4, v3;
	v1 =	vmul.f32 v1, v2;
	_ =	sdelay $0x1  }
0x154: {  	v1 =	vadd.f32 v1, v3;
	_ =	sdelay $0x1  }
0x155: {  	v1 =	vsub.f32 $0.0e+00, v1;
	_ =	sdelay $0x1  }
0x156: {  	v1 =	vmul.f32 $1.442695020e+00, v1;
	_ =	sdelay $0x1  }
0x157: {  	(erf) = vpow2.f32 v1;
	_ =	sdelay $0x8  }
0x158: {  	v1 =	vpop (erf)  }
0x159: {  	v1 =	vadd.f32 $1.000000000e+00, v1;
	_ =	sdelay $0x1  }
0x15a: {  	(erf) = vrcp.f32 v1;
	_ =	sdelay $0x7  }
.Ltmp0:
0x15b: {  	(pc) =	sbr.rel @p0 .LBB2_2-.Ltmp0, $4  }
0x15c: {  	s0 =	sadd.s32 $0x10, s0;
	v1 =	vpop (erf)  }
0x15d: {  	s23 =	sadd.s32 $0x10, s23;
	[tilespmem:s0+$0x0] =	vst v1  }
0x15e: {  	s17 =	sadd.s32 $0x10, s17;
	v1 =	vld [tilespmem:s23+$0x0]  }
0x15f: {  	s19 =	sadd.s32 $0x10, s19;
	v2 =	vld [tilespmem:s17+$0x0]  }
0x160: {  	_ =	sdelay $0x1  }
0x161: {  	v3 =	vmov s3  }
0x162: {  	v3 =	vshll.u32 v3, $0x7;
	v1 =	vshll.u32 v1, $0x6  }
0x163: {  	v3 =	vor.u32 v0, v3;
	v1 =	vand.u32 $0x40, v1;
	v2 =	vshll.u32 v2, $0x6  }
0x164: {  	v4 =	vand.u32 $0x40, v2;
	v2 =	vor.u32 v3, v1  }
0x165: {  	v1 =	vor.u32 v3, v4  }
0x166: {  	v3 =	vor.u32 $0x1, v2  }
0x167: {  	v4 =	vor.u32 $0x1, v1  }
0x168: {  	v5 =	vor.u32 $0x2, v2  }
0x169: {  	v7 =	vor.u32 $0x2, v1;
	v6 =	vld.idx.msk [tilespmem:v2+s15+$0x0], $0xffff  }
0x16a: {  	v9 =	vor.u32 $0x3, v2;
	v8 =	vld.idx.msk [tilespmem:v1+s16+$0x0], $0xffff  }
0x16b: {  	v10 =	vor.u32 $0x3, v1;
	v3 =	vld.idx.msk [tilespmem:v3+s15+$0x0], $0xffff  }
0x16c: {  	v11 =	vor.u32 $0x4, v2;
	v4 =	vld.idx.msk [tilespmem:v4+s16+$0x0], $0xffff  }
0x16d: {  	v12 =	vor.u32 $0x4, v1;
	v5 =	vld.idx.msk [tilespmem:v5+s15+$0x0], $0xffff  }
0x16e: {  	v13 =	vor.u32 $0x5, v2;
	v7 =	vld.idx.msk [tilespmem:v7+s16+$0x0], $0xffff  }
0x16f: {  	v14 =	vor.u32 $0x5, v1;
	v9 =	vld.idx.msk [tilespmem:v9+s15+$0x0], $0xffff;
	v6 =	vmul.f32 v8, v6  }
0x170: {  	v29 =	vor.u32 $0x6, v2;
	v28 =	vld.idx.msk [tilespmem:v10+s16+$0x0], $0xffff  }
0x171: {  	v15 =	vor.u32 $0x6, v1;
	v11 =	vld.idx.msk [tilespmem:v11+s15+$0x0], $0xffff;
	v3 =	vmul.f32 v4, v3;
	v6 =	vadd.f32 $0.0e+00, v6  }
0x172: {  	v31 =	vor.u32 $0x7, v2;
	v30 =	vld.idx.msk [tilespmem:v12+s16+$0x0], $0xffff  }
0x173: {  	v16 =	vor.u32 $0x7, v1;
	v13 =	vld.idx.msk [tilespmem:v13+s15+$0x0], $0xffff;
	v5 =	vmul.f32 v7, v5;
	v3 =	vadd.f32 v3, v6  }
0x174: {  	v34 =	vor.u32 $0x8, v1;
	v32 =	vld.idx.msk [tilespmem:v14+s16+$0x0], $0xffff  }
0x175: {  	v33 =	vor.u32 $0x8, v2;
	v10 =	vld.idx.msk [tilespmem:v29+s15+$0x0], $0xffff;
	v35 =	vmul.f32 v28, v9;
	v3 =	vadd.f32 v5, v3  }
0x176: {  	v38 =	vor.u32 $0x9, v1;
	v36 =	vld.idx.msk [tilespmem:v15+s16+$0x0], $0xffff  }
0x177: {  	v37 =	vor.u32 $0x9, v2;
	v12 =	vld.idx.msk [tilespmem:v31+s15+$0x0], $0xffff;
	v4 =	vmul.f32 v30, v11;
	v3 =	vadd.f32 v35, v3  }
0x178: {  	v41 =	vor.u32 $0xA, v1;
	v39 =	vld.idx.msk [tilespmem:v16+s16+$0x0], $0xffff  }
0x179: {  	v40 =	vor.u32 $0xA, v2;
	v43 =	vld.idx.msk [tilespmem:v34+s16+$0x0], $0xffff;
	v42 =	vmul.f32 v32, v13;
	v3 =	vadd.f32 v4, v3  }
0x17a: {  	v45 =	vor.u32 $0xB, v1;
	v7 =	vld.idx.msk [tilespmem:v33+s15+$0x0], $0xffff  }
0x17b: {  	v44 =	vor.u32 $0xB, v2;
	v47 =	vld.idx.msk [tilespmem:v38+s16+$0x0], $0xffff;
	v46 =	vmul.f32 v36, v10;
	v3 =	vadd.f32 v42, v3  }
0x17c: {  	v49 =	vor.u32 $0xC, v1;
	v9 =	vld.idx.msk [tilespmem:v37+s15+$0x0], $0xffff  }
0x17d: {  	v48 =	vor.u32 $0xC, v2;
	v51 =	vld.idx.msk [tilespmem:v41+s16+$0x0], $0xffff;
	v50 =	vmul.f32 v39, v12;
	v3 =	vadd.f32 v46, v3  }
0x17e: {  	v53 =	vor.u32 $0xD, v1;
	v11 =	vld.idx.msk [tilespmem:v40+s15+$0x0], $0xffff  }
0x17f: {  	v52 =	vor.u32 $0xD, v2;
	v55 =	vld.idx.msk [tilespmem:v45+s16+$0x0], $0xffff;
	v54 =	vmul.f32 v43, v7;
	v3 =	vadd.f32 v50, v3  }
0x180: {  	v57 =	vor.u32 $0xE, v1;
	v13 =	vld.idx.msk [tilespmem:v44+s15+$0x0], $0xffff  }
0x181: {  	v56 =	vor.u32 $0xE, v2;
	v59 =	vld.idx.msk [tilespmem:v49+s16+$0x0], $0xffff;
	v58 =	vmul.f32 v47, v9;
	v3 =	vadd.f32 v54, v3  }
0x182: {  	v61 =	vor.u32 $0xF, v1;
	v10 =	vld.idx.msk [tilespmem:v48+s15+$0x0], $0xffff  }
0x183: {  	v60 =	vor.u32 $0xF, v2;
	v63 =	vld.idx.msk [tilespmem:v53+s16+$0x0], $0xffff;
	v62 =	vmul.f32 v51, v11;
	v3 =	vadd.f32 v58, v3  }
0x184: {  	v21 =	vor.u32 $0x10, v1;
	v12 =	vld.idx.msk [tilespmem:v52+s15+$0x0], $0xffff  }
0x185: {  	v20 =	vor.u32 $0x10, v2;
	v23 =	vld.idx.msk [tilespmem:v57+s16+$0x0], $0xffff;
	v22 =	vmul.f32 v55, v13;
	v3 =	vadd.f32 v62, v3  }
0x186: {  	v24 =	vor.u32 $0x11, v2;
	v7 =	vld.idx.msk [tilespmem:v56+s15+$0x0], $0xffff  }
0x187: {  	v25 =	vor.u32 $0x11, v1;
	v27 =	vld.idx.msk [tilespmem:v61+s16+$0x0], $0xffff;
	v26 =	vmul.f32 v59, v10;
	v3 =	vadd.f32 v22, v3  }
0x188: {  	v29 =	vor.u32 $0x12, v1;
	v9 =	vld.idx.msk [tilespmem:v60+s15+$0x0], $0xffff  }
0x189: {  	v31 =	vld.idx.msk [tilespmem:v21+s16+$0x0], $0xffff;
	v28 =	vor.u32 $0x12, v2;
	v30 =	vmul.f32 v63, v12;
	v3 =	vadd.f32 v26, v3  }
0x18a: {  	v32 =	vor.u32 $0x13, v2;
	v11 =	vld.idx.msk [tilespmem:v20+s15+$0x0], $0xffff  }
0x18b: {  	v33 =	vor.u32 $0x13, v1;
	v13 =	vld.idx.msk [tilespmem:v24+s15+$0x0], $0xffff;
	v34 =	vmul.f32 v23, v7;
	v3 =	vadd.f32 v30, v3  }
0x18c: {  	v37 =	vor.u32 $0x14, v1;
	v35 =	vld.idx.msk [tilespmem:v25+s16+$0x0], $0xffff  }
0x18d: {  	v36 =	vor.u32 $0x14, v2;
	v39 =	vld.idx.msk [tilespmem:v29+s16+$0x0], $0xffff;
	v38 =	vmul.f32 v27, v9;
	v3 =	vadd.f32 v34, v3  }
0x18e: {  	v41 =	vor.u32 $0x15, v1;
	v10 =	vld.idx.msk [tilespmem:v28+s15+$0x0], $0xffff  }
0x18f: {  	v40 =	vor.u32 $0x15, v2;
	v12 =	vld.idx.msk [tilespmem:v32+s15+$0x0], $0xffff;
	v42 =	vmul.f32 v31, v11;
	v3 =	vadd.f32 v38, v3  }
0x190: {  	v45 =	vor.u32 $0x16, v1;
	v43 =	vld.idx.msk [tilespmem:v33+s16+$0x0], $0xffff  }
0x191: {  	v44 =	vor.u32 $0x16, v2;
	v47 =	vld.idx.msk [tilespmem:v37+s16+$0x0], $0xffff;
	v46 =	vmul.f32 v35, v13;
	v3 =	vadd.f32 v42, v3  }
0x192: {  	v49 =	vor.u32 $0x17, v1;
	v7 =	vld.idx.msk [tilespmem:v36+s15+$0x0], $0xffff  }
0x193: {  	v48 =	vor.u32 $0x17, v2;
	v51 =	vld.idx.msk [tilespmem:v41+s16+$0x0], $0xffff;
	v50 =	vmul.f32 v39, v10;
	v3 =	vadd.f32 v46, v3  }
0x194: {  	v53 =	vor.u32 $0x18, v1;
	v9 =	vld.idx.msk [tilespmem:v40+s15+$0x0], $0xffff  }
0x195: {  	v52 =	vor.u32 $0x18, v2;
	v55 =	vld.idx.msk [tilespmem:v45+s16+$0x0], $0xffff;
	v54 =	vmul.f32 v43, v12;
	v3 =	vadd.f32 v50, v3  }
0x196: {  	v57 =	vor.u32 $0x19, v1;
	v11 =	vld.idx.msk [tilespmem:v44+s15+$0x0], $0xffff  }
0x197: {  	v56 =	vor.u32 $0x19, v2;
	v59 =	vld.idx.msk [tilespmem:v49+s16+$0x0], $0xffff;
	v58 =	vmul.f32 v47, v7;
	v3 =	vadd.f32 v54, v3  }
0x198: {  	v61 =	vor.u32 $0x1A, v1;
	v13 =	vld.idx.msk [tilespmem:v48+s15+$0x0], $0xffff  }
0x199: {  	v60 =	vor.u32 $0x1A, v2;
	v63 =	vld.idx.msk [tilespmem:v53+s16+$0x0], $0xffff;
	v62 =	vmul.f32 v51, v9;
	v3 =	vadd.f32 v58, v3  }
0x19a: {  	v21 =	vor.u32 $0x1B, v1;
	v10 =	vld.idx.msk [tilespmem:v52+s15+$0x0], $0xffff  }
0x19b: {  	v20 =	vor.u32 $0x1B, v2;
	v23 =	vld.idx.msk [tilespmem:v57+s16+$0x0], $0xffff;
	v22 =	vmul.f32 v55, v11;
	v3 =	vadd.f32 v62, v3  }
0x19c: {  	v25 =	vor.u32 $0x1C, v1;
	v12 =	vld.idx.msk [tilespmem:v56+s15+$0x0], $0xffff  }
0x19d: {  	v24 =	vor.u32 $0x1C, v2;
	v27 =	vld.idx.msk [tilespmem:v61+s16+$0x0], $0xffff;
	v26 =	vmul.f32 v59, v13;
	v3 =	vadd.f32 v22, v3  }
0x19e: {  	v29 =	vor.u32 $0x1D, v1;
	v7 =	vld.idx.msk [tilespmem:v60+s15+$0x0], $0xffff  }
0x19f: {  	v28 =	vor.u32 $0x1D, v2;
	v31 =	vld.idx.msk [tilespmem:v21+s16+$0x0], $0xffff;
	v30 =	vmul.f32 v63, v10;
	v3 =	vadd.f32 v26, v3  }
0x1a0: {  	v33 =	vor.u32 $0x1E, v1;
	v9 =	vld.idx.msk [tilespmem:v20+s15+$0x0], $0xffff  }
0x1a1: {  	v32 =	vor.u32 $0x1E, v2;
	v35 =	vld.idx.msk [tilespmem:v25+s16+$0x0], $0xffff;
	v34 =	vmul.f32 v23, v12;
	v3 =	vadd.f32 v30, v3  }
0x1a2: {  	v37 =	vor.u32 $0x1F, v1;
	v11 =	vld.idx.msk [tilespmem:v24+s15+$0x0], $0xffff  }
0x1a3: {  	v36 =	vor.u32 $0x1F, v2;
	v39 =	vld.idx.msk [tilespmem:v29+s16+$0x0], $0xffff;
	v38 =	vmul.f32 v27, v7;
	v3 =	vadd.f32 v34, v3  }
0x1a4: {  	v41 =	vor.u32 $0x20, v1;
	v13 =	vld.idx.msk [tilespmem:v28+s15+$0x0], $0xffff  }
0x1a5: {  	v40 =	vor.u32 $0x20, v2;
	v43 =	vld.idx.msk [tilespmem:v33+s16+$0x0], $0xffff;
	v42 =	vmul.f32 v31, v9;
	v3 =	vadd.f32 v38, v3  }
0x1a6: {  	v45 =	vor.u32 $0x21, v1;
	v10 =	vld.idx.msk [tilespmem:v32+s15+$0x0], $0xffff  }
0x1a7: {  	v44 =	vor.u32 $0x21, v2;
	v47 =	vld.idx.msk [tilespmem:v37+s16+$0x0], $0xffff;
	v46 =	vmul.f32 v35, v11;
	v3 =	vadd.f32 v42, v3  }
0x1a8: {  	v49 =	vor.u32 $0x22, v1;
	v12 =	vld.idx.msk [tilespmem:v36+s15+$0x0], $0xffff  }
0x1a9: {  	v48 =	vor.u32 $0x22, v2;
	v51 =	vld.idx.msk [tilespmem:v41+s16+$0x0], $0xffff;
	v50 =	vmul.f32 v39, v13;
	v3 =	vadd.f32 v46, v3  }
0x1aa: {  	v53 =	vor.u32 $0x23, v1;
	v7 =	vld.idx.msk [tilespmem:v40+s15+$0x0], $0xffff  }
0x1ab: {  	v52 =	vor.u32 $0x23, v2;
	v55 =	vld.idx.msk [tilespmem:v45+s16+$0x0], $0xffff;
	v54 =	vmul.f32 v43, v10;
	v3 =	vadd.f32 v50, v3  }
0x1ac: {  	v56 =	vor.u32 $0x24, v2;
	v9 =	vld.idx.msk [tilespmem:v44+s15+$0x0], $0xffff  }
0x1ad: {  	v57 =	vor.u32 $0x24, v1;
	v59 =	vld.idx.msk [tilespmem:v49+s16+$0x0], $0xffff;
	v58 =	vmul.f32 v47, v12;
	v3 =	vadd.f32 v54, v3  }
0x1ae: {  	v60 =	vor.u32 $0x25, v2;
	v11 =	vld.idx.msk [tilespmem:v48+s15+$0x0], $0xffff  }
0x1af: {  	v61 =	vor.u32 $0x25, v1;
	v63 =	vld.idx.msk [tilespmem:v53+s16+$0x0], $0xffff;
	v62 =	vmul.f32 v51, v7;
	v3 =	vadd.f32 v58, v3  }
0x1b0: {  	v19 =	vor.u32 $0x26, v2;
	v13 =	vld.idx.msk [tilespmem:v52+s15+$0x0], $0xffff  }
0x1b1: {  	v20 =	vor.u32 $0x26, v1;
	v21 =	vmul.f32 v55, v9;
	v10 =	vld.idx.msk [tilespmem:v56+s15+$0x0], $0xffff;
	v3 =	vadd.f32 v62, v3  }
0x1b2: {  	v23 =	vor.u32 $0x27, v2;
	v22 =	vld.idx.msk [tilespmem:v57+s16+$0x0], $0xffff  }
0x1b3: {  	v24 =	vor.u32 $0x27, v1;
	v25 =	vmul.f32 v59, v11;
	v12 =	vld.idx.msk [tilespmem:v60+s15+$0x0], $0xffff;
	v3 =	vadd.f32 v21, v3  }
0x1b4: {  	v27 =	vor.u32 $0x28, v2;
	v26 =	vld.idx.msk [tilespmem:v61+s16+$0x0], $0xffff  }
0x1b5: {  	v28 =	vor.u32 $0x28, v1;
	v29 =	vmul.f32 v63, v13;
	v7 =	vld.idx.msk [tilespmem:v19+s15+$0x0], $0xffff;
	v3 =	vadd.f32 v25, v3  }
0x1b6: {  	v31 =	vor.u32 $0x29, v2;
	v30 =	vld.idx.msk [tilespmem:v20+s16+$0x0], $0xffff  }
0x1b7: {  	v32 =	vor.u32 $0x29, v1;
	v9 =	vld.idx.msk [tilespmem:v23+s15+$0x0], $0xffff;
	v33 =	vmul.f32 v22, v10;
	v3 =	vadd.f32 v29, v3  }
0x1b8: {  	v35 =	vor.u32 $0x2A, v2;
	v34 =	vld.idx.msk [tilespmem:v24+s16+$0x0], $0xffff  }
0x1b9: {  	v36 =	vor.u32 $0x2A, v1;
	v11 =	vld.idx.msk [tilespmem:v27+s15+$0x0], $0xffff;
	v37 =	vmul.f32 v26, v12;
	v3 =	vadd.f32 v33, v3  }
0x1ba: {  	v39 =	vor.u32 $0x2B, v2;
	v38 =	vld.idx.msk [tilespmem:v28+s16+$0x0], $0xffff  }
0x1bb: {  	v40 =	vor.u32 $0x2B, v1;
	v13 =	vld.idx.msk [tilespmem:v31+s15+$0x0], $0xffff;
	v41 =	vmul.f32 v30, v7;
	v3 =	vadd.f32 v37, v3  }
0x1bc: {  	v43 =	vor.u32 $0x2C, v2;
	v42 =	vld.idx.msk [tilespmem:v32+s16+$0x0], $0xffff  }
0x1bd: {  	v44 =	vor.u32 $0x2C, v1;
	v10 =	vld.idx.msk [tilespmem:v35+s15+$0x0], $0xffff;
	v45 =	vmul.f32 v34, v9;
	v3 =	vadd.f32 v41, v3  }
0x1be: {  	v47 =	vor.u32 $0x2D, v2;
	v46 =	vld.idx.msk [tilespmem:v36+s16+$0x0], $0xffff  }
0x1bf: {  	v48 =	vor.u32 $0x2D, v1;
	v12 =	vld.idx.msk [tilespmem:v39+s15+$0x0], $0xffff;
	v49 =	vmul.f32 v38, v11;
	v3 =	vadd.f32 v45, v3  }
0x1c0: {  	v51 =	vor.u32 $0x2E, v2;
	v50 =	vld.idx.msk [tilespmem:v40+s16+$0x0], $0xffff  }
0x1c1: {  	v52 =	vor.u32 $0x2E, v1;
	v7 =	vld.idx.msk [tilespmem:v43+s15+$0x0], $0xffff;
	v53 =	vmul.f32 v42, v13;
	v3 =	vadd.f32 v49, v3  }
0x1c2: {  	v56 =	vor.u32 $0x2F, v1;
	v54 =	vld.idx.msk [tilespmem:v44+s16+$0x0], $0xffff  }
0x1c3: {  	v55 =	vor.u32 $0x2F, v2;
	v9 =	vld.idx.msk [tilespmem:v47+s15+$0x0], $0xffff;
	v57 =	vmul.f32 v46, v10;
	v3 =	vadd.f32 v53, v3  }
0x1c4: {  	v60 =	vor.u32 $0x30, v1;
	v58 =	vld.idx.msk [tilespmem:v48+s16+$0x0], $0xffff  }
0x1c5: {  	v59 =	vor.u32 $0x30, v2;
	v11 =	vld.idx.msk [tilespmem:v51+s15+$0x0], $0xffff;
	v61 =	vmul.f32 v50, v12;
	v3 =	vadd.f32 v57, v3  }
0x1c6: {  	v20 =	vor.u32 $0x31, v1;
	v62 =	vld.idx.msk [tilespmem:v52+s16+$0x0], $0xffff  }
0x1c7: {  	v63 =	vor.u32 $0x31, v2;
	v22 =	vld.idx.msk [tilespmem:v56+s16+$0x0], $0xffff;
	v21 =	vmul.f32 v54, v7;
	v3 =	vadd.f32 v61, v3  }
0x1c8: {  	v24 =	vor.u32 $0x32, v1;
	v13 =	vld.idx.msk [tilespmem:v55+s15+$0x0], $0xffff  }
0x1c9: {  	v23 =	vor.u32 $0x32, v2;
	v26 =	vld.idx.msk [tilespmem:v60+s16+$0x0], $0xffff;
	v25 =	vmul.f32 v58, v9;
	v3 =	vadd.f32 v21, v3  }
0x1ca: {  	v28 =	vor.u32 $0x33, v1;
	v10 =	vld.idx.msk [tilespmem:v59+s15+$0x0], $0xffff  }
0x1cb: {  	v27 =	vor.u32 $0x33, v2;
	v30 =	vld.idx.msk [tilespmem:v20+s16+$0x0], $0xffff;
	v29 =	vmul.f32 v62, v11;
	v3 =	vadd.f32 v25, v3  }
0x1cc: {  	v32 =	vor.u32 $0x34, v1;
	v12 =	vld.idx.msk [tilespmem:v63+s15+$0x0], $0xffff  }
0x1cd: {  	v31 =	vor.u32 $0x34, v2;
	v34 =	vld.idx.msk [tilespmem:v24+s16+$0x0], $0xffff;
	v33 =	vmul.f32 v22, v13;
	v3 =	vadd.f32 v29, v3  }
0x1ce: {  	v36 =	vor.u32 $0x35, v1;
	v7 =	vld.idx.msk [tilespmem:v23+s15+$0x0], $0xffff  }
0x1cf: {  	v35 =	vor.u32 $0x35, v2;
	v38 =	vld.idx.msk [tilespmem:v28+s16+$0x0], $0xffff;
	v37 =	vmul.f32 v26, v10;
	v3 =	vadd.f32 v33, v3  }
0x1d0: {  	v40 =	vor.u32 $0x36, v1;
	v9 =	vld.idx.msk [tilespmem:v27+s15+$0x0], $0xffff  }
0x1d1: {  	v39 =	vor.u32 $0x36, v2;
	v42 =	vld.idx.msk [tilespmem:v32+s16+$0x0], $0xffff;
	v41 =	vmul.f32 v30, v12;
	v3 =	vadd.f32 v37, v3  }
0x1d2: {  	v44 =	vor.u32 $0x37, v1;
	v11 =	vld.idx.msk [tilespmem:v31+s15+$0x0], $0xffff  }
0x1d3: {  	v43 =	vor.u32 $0x37, v2;
	v46 =	vld.idx.msk [tilespmem:v36+s16+$0x0], $0xffff;
	v45 =	vmul.f32 v34, v7;
	v3 =	vadd.f32 v41, v3  }
0x1d4: {  	v48 =	vor.u32 $0x38, v1;
	v13 =	vld.idx.msk [tilespmem:v35+s15+$0x0], $0xffff  }
0x1d5: {  	v47 =	vor.u32 $0x38, v2;
	v50 =	vld.idx.msk [tilespmem:v40+s16+$0x0], $0xffff;
	v49 =	vmul.f32 v38, v9;
	v3 =	vadd.f32 v45, v3  }
0x1d6: {  	v52 =	vor.u32 $0x39, v1;
	v10 =	vld.idx.msk [tilespmem:v39+s15+$0x0], $0xffff  }
0x1d7: {  	v51 =	vor.u32 $0x39, v2;
	v54 =	vld.idx.msk [tilespmem:v44+s16+$0x0], $0xffff;
	v53 =	vmul.f32 v42, v11;
	v3 =	vadd.f32 v49, v3  }
0x1d8: {  	v56 =	vor.u32 $0x3A, v1;
	v12 =	vld.idx.msk [tilespmem:v43+s15+$0x0], $0xffff  }
0x1d9: {  	v55 =	vor.u32 $0x3A, v2;
	v58 =	vld.idx.msk [tilespmem:v48+s16+$0x0], $0xffff;
	v57 =	vmul.f32 v46, v13;
	v3 =	vadd.f32 v53, v3  }
0x1da: {  	v60 =	vor.u32 $0x3B, v1;
	v7 =	vld.idx.msk [tilespmem:v47+s15+$0x0], $0xffff  }
0x1db: {  	v59 =	vor.u32 $0x3B, v2;
	v62 =	vld.idx.msk [tilespmem:v52+s16+$0x0], $0xffff;
	v61 =	vmul.f32 v50, v10;
	v3 =	vadd.f32 v57, v3  }
0x1dc: {  	v20 =	vor.u32 $0x3C, v1;
	v9 =	vld.idx.msk [tilespmem:v51+s15+$0x0], $0xffff  }
0x1dd: {  	v63 =	vor.u32 $0x3C, v2;
	v22 =	vld.idx.msk [tilespmem:v56+s16+$0x0], $0xffff;
	v21 =	vmul.f32 v54, v12;
	v3 =	vadd.f32 v61, v3  }
0x1de: {  	v23 =	vor.u32 $0x3D, v2;
	v11 =	vld.idx.msk [tilespmem:v55+s15+$0x0], $0xffff  }
0x1df: {  	v24 =	vor.u32 $0x3D, v1;
	v26 =	vld.idx.msk [tilespmem:v60+s16+$0x0], $0xffff;
	v25 =	vmul.f32 v58, v7;
	v3 =	vadd.f32 v21, v3  }
0x1e0: {  	v28 =	vor.u32 $0x3E, v1;
	v13 =	vld.idx.msk [tilespmem:v59+s15+$0x0], $0xffff  }
0x1e1: {  	v27 =	vor.u32 $0x3E, v2;
	v30 =	vld.idx.msk [tilespmem:v20+s16+$0x0], $0xffff;
	v29 =	vmul.f32 v62, v9;
	v3 =	vadd.f32 v25, v3  }
0x1e2: {  	v1 =	vor.u32 $0x3F, v1;
	v10 =	vld.idx.msk [tilespmem:v63+s15+$0x0], $0xffff  }
0x1e3: {  	v2 =	vor.u32 $0x3F, v2;
	v31 =	vld.idx.msk [tilespmem:v23+s15+$0x0], $0xffff;
	v32 =	vmul.f32 v22, v11;
	v3 =	vadd.f32 v29, v3  }
0x1e4: {  	v33 =	vld.idx.msk [tilespmem:v24+s16+$0x0], $0xffff  }
0x1e5: {  	v35 =	vld.idx.msk [tilespmem:v28+s16+$0x0], $0xffff;
	v34 =	vmul.f32 v26, v13;
	v3 =	vadd.f32 v32, v3  }
0x1e6: {  	v7 =	vld.idx.msk [tilespmem:v27+s15+$0x0], $0xffff  }
0x1e7: {  	v1 =	vld.idx.msk [tilespmem:v1+s16+$0x0], $0xffff;
	v36 =	vmul.f32 v30, v10;
	v3 =	vadd.f32 v34, v3  }
0x1e8: {  	v2 =	vld.idx.msk [tilespmem:v2+s15+$0x0], $0xffff  }
0x1e9: {  	v37 =	vmul.f32 v33, v31;
	v3 =	vadd.f32 v36, v3;
	_ =	sdelay $0x1  }
0x1ea: {  	v38 =	vmul.f32 v35, v7;
	v3 =	vadd.f32 v37, v3;
	_ =	sdelay $0x1  }
0x1eb: {  	v1 =	vmul.f32 v1, v2;
	v3 =	vadd.f32 v38, v3;
	_ =	sdelay $0x1  }
0x1ec: {  	v1 =	vadd.f32 v1, v3;
	_ =	sdelay $0x1  }
0x1ed: {  	v1 =	vsub.f32 $0.0e+00, v1;
	_ =	sdelay $0x1  }
0x1ee: {  	v1 =	vmul.f32 $1.442695020e+00, v1;
	_ =	sdelay $0x1  }
0x1ef: {  	(erf) = vpow2.f32 v1;
	_ =	sdelay $0x8  }
0x1f0: {  	v1 =	vpop (erf)  }
0x1f1: {  	v1 =	vadd.f32 $1.000000000e+00, v1;
	_ =	sdelay $0x1  }
0x1f2: {  	(erf) = vrcp.f32 v1;
	_ =	sdelay $0x8  }
0x1f3: {  	s0 =	sadd.s32 $0x10, s0;
	v1 =	vpop (erf)  }
0x1f4: {  	s23 =	simm.s32 $0x80;
	s17 =	simm.s32 $0x500;
	[tilespmem:s0+$0x0] =	vst v1  }
0x1f5: {  	[tilespmem:s15], [sflag:$0x1] =	stream.indirect.gather [hbm4b:s1+s23], $0x80, s17, s23, $0xb8;
	[tilespmem:$0x10A00] =	vst v63  }
0x1f6: {  	_ = 	snop  }
0x1f7: {  	[tilespmem:s16], [sflag:$0x2] =	stream.indirect.gather [hbm4b:s2+s23], $0x80, s24, s23, $0xb8;
	[tilespmem:$0x10A00] =	vst v63  }
0x1f8: {  	_ =	swait.ge [sflag:s25], $0x4000  }
0x1f9: {  	[sflag:s25] =	ssyncset.done $0x0  }
0x1fa: {  	[sflag:s25] =	ssyncadd.s32 $0xFFFFC000  }
0x1fb: {  	_ =	swait.ge [sflag:s26], $0x4000  }
0x1fc: {  	[sflag:s26] =	ssyncset.done $0x0  }
0x1fd: {  	[sflag:s26] =	ssyncadd.s32 $0xFFFFC000  }
0x1fe: {  	s19 =	simm.s32 $0x280;
	v1 =	vld [tilespmem:s23+$0x0]  }
0x1ff: {  	v2 =	vld [tilespmem:s19+$0x0];
	_ =	sdelay $0x1  }
0x200: {  	s23 =	simm.s32 $0x0  }
0x201: {  	v3 =	vmov s23  }
0x202: {  	v3 =	vshll.u32 v3, $0x7;
	v1 =	vshll.u32 v1, $0x6  }
0x203: {  	v3 =	vor.u32 v0, v3;
	v2 =	vshll.u32 v2, $0x6;
	v1 =	vand.u32 $0x40, v1  }
0x204: {  	v39 =	vand.u32 $0x40, v2;
	v2 =	vor.u32 v3, v1  }
0x205: {  	v1 =	vor.u32 v3, v39  }
0x206: {  	v3 =	vor.u32 $0x1, v2  }
0x207: {  	v4 =	vor.u32 $0x1, v1  }
0x208: {  	v40 =	vor.u32 $0x2, v2  }
0x209: {  	v42 =	vor.u32 $0x2, v1;
	v41 =	vld.idx.msk [tilespmem:v2+s18+$0x0], $0xffff  }
0x20a: {  	v44 =	vor.u32 $0x3, v2;
	v43 =	vld.idx.msk [tilespmem:v1+s20+$0x0], $0xffff  }
0x20b: {  	v45 =	vor.u32 $0x3, v1;
	v3 =	vld.idx.msk [tilespmem:v3+s18+$0x0], $0xffff  }
0x20c: {  	v46 =	vor.u32 $0x4, v2;
	v4 =	vld.idx.msk [tilespmem:v4+s20+$0x0], $0xffff  }
0x20d: {  	v47 =	vor.u32 $0x4, v1;
	v5 =	vld.idx.msk [tilespmem:v40+s18+$0x0], $0xffff  }
0x20e: {  	v48 =	vor.u32 $0x5, v2;
	v7 =	vld.idx.msk [tilespmem:v42+s20+$0x0], $0xffff  }
0x20f: {  	v49 =	vor.u32 $0x5, v1;
	v9 =	vld.idx.msk [tilespmem:v44+s18+$0x0], $0xffff;
	v6 =	vmul.f32 v43, v41  }
0x210: {  	v51 =	vor.u32 $0x6, v2;
	v50 =	vld.idx.msk [tilespmem:v45+s20+$0x0], $0xffff  }
0x211: {  	v52 =	vor.u32 $0x6, v1;
	v11 =	vld.idx.msk [tilespmem:v46+s18+$0x0], $0xffff;
	v3 =	vmul.f32 v4, v3;
	v6 =	vadd.f32 $0.0e+00, v6  }
0x212: {  	v54 =	vor.u32 $0x7, v2;
	v53 =	vld.idx.msk [tilespmem:v47+s20+$0x0], $0xffff  }
0x213: {  	v55 =	vor.u32 $0x7, v1;
	v13 =	vld.idx.msk [tilespmem:v48+s18+$0x0], $0xffff;
	v5 =	vmul.f32 v7, v5;
	v3 =	vadd.f32 v3, v6  }
0x214: {  	v58 =	vor.u32 $0x8, v1;
	v56 =	vld.idx.msk [tilespmem:v49+s20+$0x0], $0xffff  }
0x215: {  	v57 =	vor.u32 $0x8, v2;
	v10 =	vld.idx.msk [tilespmem:v51+s18+$0x0], $0xffff;
	v59 =	vmul.f32 v50, v9;
	v3 =	vadd.f32 v5, v3  }
0x216: {  	v62 =	vor.u32 $0x9, v1;
	v60 =	vld.idx.msk [tilespmem:v52+s20+$0x0], $0xffff  }
0x217: {  	v61 =	vor.u32 $0x9, v2;
	v12 =	vld.idx.msk [tilespmem:v54+s18+$0x0], $0xffff;
	v4 =	vmul.f32 v53, v11;
	v3 =	vadd.f32 v59, v3  }
0x218: {  	v21 =	vor.u32 $0xA, v1;
	v63 =	vld.idx.msk [tilespmem:v55+s20+$0x0], $0xffff  }
0x219: {  	v20 =	vor.u32 $0xA, v2;
	v23 =	vld.idx.msk [tilespmem:v58+s20+$0x0], $0xffff;
	v22 =	vmul.f32 v56, v13;
	v3 =	vadd.f32 v4, v3  }
0x21a: {  	v25 =	vor.u32 $0xB, v1;
	v7 =	vld.idx.msk [tilespmem:v57+s18+$0x0], $0xffff  }
0x21b: {  	v24 =	vor.u32 $0xB, v2;
	v27 =	vld.idx.msk [tilespmem:v62+s20+$0x0], $0xffff;
	v26 =	vmul.f32 v60, v10;
	v3 =	vadd.f32 v22, v3  }
0x21c: {  	v29 =	vor.u32 $0xC, v1;
	v9 =	vld.idx.msk [tilespmem:v61+s18+$0x0], $0xffff  }
0x21d: {  	v28 =	vor.u32 $0xC, v2;
	v31 =	vld.idx.msk [tilespmem:v21+s20+$0x0], $0xffff;
	v30 =	vmul.f32 v63, v12;
	v3 =	vadd.f32 v26, v3  }
0x21e: {  	v33 =	vor.u32 $0xD, v1;
	v11 =	vld.idx.msk [tilespmem:v20+s18+$0x0], $0xffff  }
0x21f: {  	v32 =	vor.u32 $0xD, v2;
	v35 =	vld.idx.msk [tilespmem:v25+s20+$0x0], $0xffff;
	v34 =	vmul.f32 v23, v7;
	v3 =	vadd.f32 v30, v3  }
0x220: {  	v37 =	vor.u32 $0xE, v1;
	v13 =	vld.idx.msk [tilespmem:v24+s18+$0x0], $0xffff  }
0x221: {  	v36 =	vor.u32 $0xE, v2;
	v39 =	vld.idx.msk [tilespmem:v29+s20+$0x0], $0xffff;
	v38 =	vmul.f32 v27, v9;
	v3 =	vadd.f32 v34, v3  }
0x222: {  	v41 =	vor.u32 $0xF, v1;
	v10 =	vld.idx.msk [tilespmem:v28+s18+$0x0], $0xffff  }
0x223: {  	v40 =	vor.u32 $0xF, v2;
	v43 =	vld.idx.msk [tilespmem:v33+s20+$0x0], $0xffff;
	v42 =	vmul.f32 v31, v11;
	v3 =	vadd.f32 v38, v3  }
0x224: {  	v45 =	vor.u32 $0x10, v1;
	v12 =	vld.idx.msk [tilespmem:v32+s18+$0x0], $0xffff  }
0x225: {  	v44 =	vor.u32 $0x10, v2;
	v47 =	vld.idx.msk [tilespmem:v37+s20+$0x0], $0xffff;
	v46 =	vmul.f32 v35, v13;
	v3 =	vadd.f32 v42, v3  }
0x226: {  	v48 =	vor.u32 $0x11, v2;
	v7 =	vld.idx.msk [tilespmem:v36+s18+$0x0], $0xffff  }
0x227: {  	v49 =	vor.u32 $0x11, v1;
	v51 =	vld.idx.msk [tilespmem:v41+s20+$0x0], $0xffff;
	v50 =	vmul.f32 v39, v10;
	v3 =	vadd.f32 v46, v3  }
0x228: {  	v52 =	vor.u32 $0x12, v2;
	v9 =	vld.idx.msk [tilespmem:v40+s18+$0x0], $0xffff  }
0x229: {  	v53 =	vor.u32 $0x12, v1;
	v55 =	vld.idx.msk [tilespmem:v45+s20+$0x0], $0xffff;
	v54 =	vmul.f32 v43, v12;
	v3 =	vadd.f32 v50, v3  }
0x22a: {  	v56 =	vor.u32 $0x13, v2;
	v11 =	vld.idx.msk [tilespmem:v44+s18+$0x0], $0xffff  }
0x22b: {  	v57 =	vor.u32 $0x13, v1;
	v13 =	vld.idx.msk [tilespmem:v48+s18+$0x0], $0xffff;
	v58 =	vmul.f32 v47, v7;
	v3 =	vadd.f32 v54, v3  }
0x22c: {  	v61 =	vor.u32 $0x14, v1;
	v59 =	vld.idx.msk [tilespmem:v49+s20+$0x0], $0xffff  }
0x22d: {  	v60 =	vor.u32 $0x14, v2;
	v10 =	vld.idx.msk [tilespmem:v52+s18+$0x0], $0xffff;
	v62 =	vmul.f32 v51, v9;
	v3 =	vadd.f32 v58, v3  }
0x22e: {  	v21 =	vor.u32 $0x15, v1;
	v63 =	vld.idx.msk [tilespmem:v53+s20+$0x0], $0xffff  }
0x22f: {  	v20 =	vor.u32 $0x15, v2;
	v12 =	vld.idx.msk [tilespmem:v56+s18+$0x0], $0xffff;
	v22 =	vmul.f32 v55, v11;
	v3 =	vadd.f32 v62, v3  }
0x230: {  	v25 =	vor.u32 $0x16, v1;
	v23 =	vld.idx.msk [tilespmem:v57+s20+$0x0], $0xffff  }
0x231: {  	v24 =	vor.u32 $0x16, v2;
	v27 =	vld.idx.msk [tilespmem:v61+s20+$0x0], $0xffff;
	v26 =	vmul.f32 v59, v13;
	v3 =	vadd.f32 v22, v3  }
0x232: {  	v29 =	vor.u32 $0x17, v1;
	v7 =	vld.idx.msk [tilespmem:v60+s18+$0x0], $0xffff  }
0x233: {  	v28 =	vor.u32 $0x17, v2;
	v31 =	vld.idx.msk [tilespmem:v21+s20+$0x0], $0xffff;
	v30 =	vmul.f32 v63, v10;
	v3 =	vadd.f32 v26, v3  }
0x234: {  	v33 =	vor.u32 $0x18, v1;
	v9 =	vld.idx.msk [tilespmem:v20+s18+$0x0], $0xffff  }
0x235: {  	v32 =	vor.u32 $0x18, v2;
	v35 =	vld.idx.msk [tilespmem:v25+s20+$0x0], $0xffff;
	v34 =	vmul.f32 v23, v12;
	v3 =	vadd.f32 v30, v3  }
0x236: {  	v37 =	vor.u32 $0x19, v1;
	v11 =	vld.idx.msk [tilespmem:v24+s18+$0x0], $0xffff  }
0x237: {  	v36 =	vor.u32 $0x19, v2;
	v39 =	vld.idx.msk [tilespmem:v29+s20+$0x0], $0xffff;
	v38 =	vmul.f32 v27, v7;
	v3 =	vadd.f32 v34, v3  }
0x238: {  	v41 =	vor.u32 $0x1A, v1;
	v13 =	vld.idx.msk [tilespmem:v28+s18+$0x0], $0xffff  }
0x239: {  	v40 =	vor.u32 $0x1A, v2;
	v43 =	vld.idx.msk [tilespmem:v33+s20+$0x0], $0xffff;
	v42 =	vmul.f32 v31, v9;
	v3 =	vadd.f32 v38, v3  }
0x23a: {  	v45 =	vor.u32 $0x1B, v1;
	v10 =	vld.idx.msk [tilespmem:v32+s18+$0x0], $0xffff  }
0x23b: {  	v44 =	vor.u32 $0x1B, v2;
	v47 =	vld.idx.msk [tilespmem:v37+s20+$0x0], $0xffff;
	v46 =	vmul.f32 v35, v11;
	v3 =	vadd.f32 v42, v3  }
0x23c: {  	v49 =	vor.u32 $0x1C, v1;
	v12 =	vld.idx.msk [tilespmem:v36+s18+$0x0], $0xffff  }
0x23d: {  	v48 =	vor.u32 $0x1C, v2;
	v51 =	vld.idx.msk [tilespmem:v41+s20+$0x0], $0xffff;
	v50 =	vmul.f32 v39, v13;
	v3 =	vadd.f32 v46, v3  }
0x23e: {  	v53 =	vor.u32 $0x1D, v1;
	v7 =	vld.idx.msk [tilespmem:v40+s18+$0x0], $0xffff  }
0x23f: {  	v52 =	vor.u32 $0x1D, v2;
	v55 =	vld.idx.msk [tilespmem:v45+s20+$0x0], $0xffff;
	v54 =	vmul.f32 v43, v10;
	v3 =	vadd.f32 v50, v3  }
0x240: {  	v57 =	vor.u32 $0x1E, v1;
	v9 =	vld.idx.msk [tilespmem:v44+s18+$0x0], $0xffff  }
0x241: {  	v56 =	vor.u32 $0x1E, v2;
	v59 =	vld.idx.msk [tilespmem:v49+s20+$0x0], $0xffff;
	v58 =	vmul.f32 v47, v12;
	v3 =	vadd.f32 v54, v3  }
0x242: {  	v61 =	vor.u32 $0x1F, v1;
	v11 =	vld.idx.msk [tilespmem:v48+s18+$0x0], $0xffff  }
0x243: {  	v60 =	vor.u32 $0x1F, v2;
	v63 =	vld.idx.msk [tilespmem:v53+s20+$0x0], $0xffff;
	v62 =	vmul.f32 v51, v7;
	v3 =	vadd.f32 v58, v3  }
0x244: {  	v21 =	vor.u32 $0x20, v1;
	v13 =	vld.idx.msk [tilespmem:v52+s18+$0x0], $0xffff  }
0x245: {  	v20 =	vor.u32 $0x20, v2;
	v23 =	vld.idx.msk [tilespmem:v57+s20+$0x0], $0xffff;
	v22 =	vmul.f32 v55, v9;
	v3 =	vadd.f32 v62, v3  }
0x246: {  	v25 =	vor.u32 $0x21, v1;
	v10 =	vld.idx.msk [tilespmem:v56+s18+$0x0], $0xffff  }
0x247: {  	v24 =	vor.u32 $0x21, v2;
	v27 =	vld.idx.msk [tilespmem:v61+s20+$0x0], $0xffff;
	v26 =	vmul.f32 v59, v11;
	v3 =	vadd.f32 v22, v3  }
0x248: {  	v29 =	vor.u32 $0x22, v1;
	v12 =	vld.idx.msk [tilespmem:v60+s18+$0x0], $0xffff  }
0x249: {  	v28 =	vor.u32 $0x22, v2;
	v31 =	vld.idx.msk [tilespmem:v21+s20+$0x0], $0xffff;
	v30 =	vmul.f32 v63, v13;
	v3 =	vadd.f32 v26, v3  }
0x24a: {  	v33 =	vor.u32 $0x23, v1;
	v7 =	vld.idx.msk [tilespmem:v20+s18+$0x0], $0xffff  }
0x24b: {  	v32 =	vor.u32 $0x23, v2;
	v35 =	vld.idx.msk [tilespmem:v25+s20+$0x0], $0xffff;
	v34 =	vmul.f32 v23, v10;
	v3 =	vadd.f32 v30, v3  }
0x24c: {  	v37 =	vor.u32 $0x24, v1;
	v9 =	vld.idx.msk [tilespmem:v24+s18+$0x0], $0xffff  }
0x24d: {  	v36 =	vor.u32 $0x24, v2;
	v39 =	vld.idx.msk [tilespmem:v29+s20+$0x0], $0xffff;
	v38 =	vmul.f32 v27, v12;
	v3 =	vadd.f32 v34, v3  }
0x24e: {  	v41 =	vor.u32 $0x25, v1;
	v11 =	vld.idx.msk [tilespmem:v28+s18+$0x0], $0xffff  }
0x24f: {  	v40 =	vor.u32 $0x25, v2;
	v43 =	vld.idx.msk [tilespmem:v33+s20+$0x0], $0xffff;
	v42 =	vmul.f32 v31, v7;
	v3 =	vadd.f32 v38, v3  }
0x250: {  	v45 =	vor.u32 $0x26, v1;
	v13 =	vld.idx.msk [tilespmem:v32+s18+$0x0], $0xffff  }
0x251: {  	v44 =	vor.u32 $0x26, v2;
	v47 =	vld.idx.msk [tilespmem:v37+s20+$0x0], $0xffff;
	v46 =	vmul.f32 v35, v9;
	v3 =	vadd.f32 v42, v3  }
0x252: {  	v49 =	vor.u32 $0x27, v1;
	v10 =	vld.idx.msk [tilespmem:v36+s18+$0x0], $0xffff  }
0x253: {  	v48 =	vor.u32 $0x27, v2;
	v51 =	vld.idx.msk [tilespmem:v41+s20+$0x0], $0xffff;
	v50 =	vmul.f32 v39, v11;
	v3 =	vadd.f32 v46, v3  }
0x254: {  	v53 =	vor.u32 $0x28, v1;
	v12 =	vld.idx.msk [tilespmem:v40+s18+$0x0], $0xffff  }
0x255: {  	v52 =	vor.u32 $0x28, v2;
	v55 =	vld.idx.msk [tilespmem:v45+s20+$0x0], $0xffff;
	v54 =	vmul.f32 v43, v13;
	v3 =	vadd.f32 v50, v3  }
0x256: {  	v57 =	vor.u32 $0x29, v1;
	v7 =	vld.idx.msk [tilespmem:v44+s18+$0x0], $0xffff  }
0x257: {  	v56 =	vor.u32 $0x29, v2;
	v59 =	vld.idx.msk [tilespmem:v49+s20+$0x0], $0xffff;
	v58 =	vmul.f32 v47, v10;
	v3 =	vadd.f32 v54, v3  }
0x258: {  	v61 =	vor.u32 $0x2A, v1;
	v9 =	vld.idx.msk [tilespmem:v48+s18+$0x0], $0xffff  }
0x259: {  	v60 =	vor.u32 $0x2A, v2;
	v63 =	vld.idx.msk [tilespmem:v53+s20+$0x0], $0xffff;
	v62 =	vmul.f32 v51, v12;
	v3 =	vadd.f32 v58, v3  }
0x25a: {  	v21 =	vor.u32 $0x2B, v1;
	v11 =	vld.idx.msk [tilespmem:v52+s18+$0x0], $0xffff  }
0x25b: {  	v20 =	vor.u32 $0x2B, v2;
	v23 =	vld.idx.msk [tilespmem:v57+s20+$0x0], $0xffff;
	v22 =	vmul.f32 v55, v7;
	v3 =	vadd.f32 v62, v3  }
0x25c: {  	v25 =	vor.u32 $0x2C, v1;
	v13 =	vld.idx.msk [tilespmem:v56+s18+$0x0], $0xffff  }
0x25d: {  	v24 =	vor.u32 $0x2C, v2;
	v27 =	vld.idx.msk [tilespmem:v61+s20+$0x0], $0xffff;
	v26 =	vmul.f32 v59, v9;
	v3 =	vadd.f32 v22, v3  }
0x25e: {  	v29 =	vor.u32 $0x2D, v1;
	v10 =	vld.idx.msk [tilespmem:v60+s18+$0x0], $0xffff  }
0x25f: {  	v28 =	vor.u32 $0x2D, v2;
	v31 =	vld.idx.msk [tilespmem:v21+s20+$0x0], $0xffff;
	v30 =	vmul.f32 v63, v11;
	v3 =	vadd.f32 v26, v3  }
0x260: {  	v33 =	vor.u32 $0x2E, v1;
	v12 =	vld.idx.msk [tilespmem:v20+s18+$0x0], $0xffff  }
0x261: {  	v32 =	vor.u32 $0x2E, v2;
	v35 =	vld.idx.msk [tilespmem:v25+s20+$0x0], $0xffff;
	v34 =	vmul.f32 v23, v13;
	v3 =	vadd.f32 v30, v3  }
0x262: {  	v37 =	vor.u32 $0x2F, v1;
	v7 =	vld.idx.msk [tilespmem:v24+s18+$0x0], $0xffff  }
0x263: {  	v36 =	vor.u32 $0x2F, v2;
	v39 =	vld.idx.msk [tilespmem:v29+s20+$0x0], $0xffff;
	v38 =	vmul.f32 v27, v10;
	v3 =	vadd.f32 v34, v3  }
0x264: {  	v41 =	vor.u32 $0x30, v1;
	v9 =	vld.idx.msk [tilespmem:v28+s18+$0x0], $0xffff  }
0x265: {  	v40 =	vor.u32 $0x30, v2;
	v43 =	vld.idx.msk [tilespmem:v33+s20+$0x0], $0xffff;
	v42 =	vmul.f32 v31, v12;
	v3 =	vadd.f32 v38, v3  }
0x266: {  	v45 =	vor.u32 $0x31, v1;
	v11 =	vld.idx.msk [tilespmem:v32+s18+$0x0], $0xffff  }
0x267: {  	v44 =	vor.u32 $0x31, v2;
	v47 =	vld.idx.msk [tilespmem:v37+s20+$0x0], $0xffff;
	v46 =	vmul.f32 v35, v7;
	v3 =	vadd.f32 v42, v3  }
0x268: {  	v49 =	vor.u32 $0x32, v1;
	v13 =	vld.idx.msk [tilespmem:v36+s18+$0x0], $0xffff  }
0x269: {  	v48 =	vor.u32 $0x32, v2;
	v51 =	vld.idx.msk [tilespmem:v41+s20+$0x0], $0xffff;
	v50 =	vmul.f32 v39, v9;
	v3 =	vadd.f32 v46, v3  }
0x26a: {  	v53 =	vor.u32 $0x33, v1;
	v10 =	vld.idx.msk [tilespmem:v40+s18+$0x0], $0xffff  }
0x26b: {  	v52 =	vor.u32 $0x33, v2;
	v55 =	vld.idx.msk [tilespmem:v45+s20+$0x0], $0xffff;
	v54 =	vmul.f32 v43, v11;
	v3 =	vadd.f32 v50, v3  }
0x26c: {  	v57 =	vor.u32 $0x34, v1;
	v12 =	vld.idx.msk [tilespmem:v44+s18+$0x0], $0xffff  }
0x26d: {  	v56 =	vor.u32 $0x34, v2;
	v59 =	vld.idx.msk [tilespmem:v49+s20+$0x0], $0xffff;
	v58 =	vmul.f32 v47, v13;
	v3 =	vadd.f32 v54, v3  }
0x26e: {  	v61 =	vor.u32 $0x35, v1;
	v7 =	vld.idx.msk [tilespmem:v48+s18+$0x0], $0xffff  }
0x26f: {  	v60 =	vor.u32 $0x35, v2;
	v63 =	vld.idx.msk [tilespmem:v53+s20+$0x0], $0xffff;
	v62 =	vmul.f32 v51, v10;
	v3 =	vadd.f32 v58, v3  }
0x270: {  	v21 =	vor.u32 $0x36, v1;
	v9 =	vld.idx.msk [tilespmem:v52+s18+$0x0], $0xffff  }
0x271: {  	v20 =	vor.u32 $0x36, v2;
	v23 =	vld.idx.msk [tilespmem:v57+s20+$0x0], $0xffff;
	v22 =	vmul.f32 v55, v12;
	v3 =	vadd.f32 v62, v3  }
0x272: {  	v25 =	vor.u32 $0x37, v1;
	v11 =	vld.idx.msk [tilespmem:v56+s18+$0x0], $0xffff  }
0x273: {  	v24 =	vor.u32 $0x37, v2;
	v27 =	vld.idx.msk [tilespmem:v61+s20+$0x0], $0xffff;
	v26 =	vmul.f32 v59, v7;
	v3 =	vadd.f32 v22, v3  }
0x274: {  	v29 =	vor.u32 $0x38, v1;
	v13 =	vld.idx.msk [tilespmem:v60+s18+$0x0], $0xffff  }
0x275: {  	v28 =	vor.u32 $0x38, v2;
	v31 =	vld.idx.msk [tilespmem:v21+s20+$0x0], $0xffff;
	v30 =	vmul.f32 v63, v9;
	v3 =	vadd.f32 v26, v3  }
0x276: {  	v33 =	vor.u32 $0x39, v1;
	v10 =	vld.idx.msk [tilespmem:v20+s18+$0x0], $0xffff  }
0x277: {  	v32 =	vor.u32 $0x39, v2;
	v35 =	vld.idx.msk [tilespmem:v25+s20+$0x0], $0xffff;
	v34 =	vmul.f32 v23, v11;
	v3 =	vadd.f32 v30, v3  }
0x278: {  	v37 =	vor.u32 $0x3A, v1;
	v12 =	vld.idx.msk [tilespmem:v24+s18+$0x0], $0xffff  }
0x279: {  	v36 =	vor.u32 $0x3A, v2;
	v39 =	vld.idx.msk [tilespmem:v29+s20+$0x0], $0xffff;
	v38 =	vmul.f32 v27, v13;
	v3 =	vadd.f32 v34, v3  }
0x27a: {  	v41 =	vor.u32 $0x3B, v1;
	v7 =	vld.idx.msk [tilespmem:v28+s18+$0x0], $0xffff  }
0x27b: {  	v40 =	vor.u32 $0x3B, v2;
	v43 =	vld.idx.msk [tilespmem:v33+s20+$0x0], $0xffff;
	v42 =	vmul.f32 v31, v10;
	v3 =	vadd.f32 v38, v3  }
0x27c: {  	v45 =	vor.u32 $0x3C, v1;
	v9 =	vld.idx.msk [tilespmem:v32+s18+$0x0], $0xffff  }
0x27d: {  	v44 =	vor.u32 $0x3C, v2;
	v47 =	vld.idx.msk [tilespmem:v37+s20+$0x0], $0xffff;
	v46 =	vmul.f32 v35, v12;
	v3 =	vadd.f32 v42, v3  }
0x27e: {  	v48 =	vor.u32 $0x3D, v2;
	v11 =	vld.idx.msk [tilespmem:v36+s18+$0x0], $0xffff  }
0x27f: {  	v49 =	vor.u32 $0x3D, v1;
	v51 =	vld.idx.msk [tilespmem:v41+s20+$0x0], $0xffff;
	v50 =	vmul.f32 v39, v7;
	v3 =	vadd.f32 v46, v3  }
0x280: {  	v53 =	vor.u32 $0x3E, v1;
	v13 =	vld.idx.msk [tilespmem:v40+s18+$0x0], $0xffff  }
0x281: {  	v52 =	vor.u32 $0x3E, v2;
	v55 =	vld.idx.msk [tilespmem:v45+s20+$0x0], $0xffff;
	v54 =	vmul.f32 v43, v9;
	v3 =	vadd.f32 v50, v3  }
0x282: {  	v1 =	vor.u32 $0x3F, v1;
	v10 =	vld.idx.msk [tilespmem:v44+s18+$0x0], $0xffff  }
0x283: {  	v2 =	vor.u32 $0x3F, v2;
	v56 =	vld.idx.msk [tilespmem:v48+s18+$0x0], $0xffff;
	v57 =	vmul.f32 v47, v11;
	v3 =	vadd.f32 v54, v3  }
0x284: {  	v58 =	vld.idx.msk [tilespmem:v49+s20+$0x0], $0xffff  }
0x285: {  	v60 =	vld.idx.msk [tilespmem:v53+s20+$0x0], $0xffff;
	v59 =	vmul.f32 v51, v13;
	v3 =	vadd.f32 v57, v3  }
0x286: {  	v7 =	vld.idx.msk [tilespmem:v52+s18+$0x0], $0xffff  }
0x287: {  	v1 =	vld.idx.msk [tilespmem:v1+s20+$0x0], $0xffff;
	v61 =	vmul.f32 v55, v10;
	v3 =	vadd.f32 v59, v3  }
0x288: {  	v2 =	vld.idx.msk [tilespmem:v2+s18+$0x0], $0xffff  }
0x289: {  	v62 =	vmul.f32 v58, v56;
	v3 =	vadd.f32 v61, v3;
	_ =	sdelay $0x1  }
0x28a: {  	v63 =	vmul.f32 v60, v7;
	v3 =	vadd.f32 v62, v3;
	_ =	sdelay $0x1  }
0x28b: {  	v1 =	vmul.f32 v1, v2;
	v3 =	vadd.f32 v63, v3;
	_ =	sdelay $0x1  }
0x28c: {  	v1 =	vadd.f32 v1, v3;
	_ =	sdelay $0x1  }
0x28d: {  	v1 =	vsub.f32 $0.0e+00, v1;
	_ =	sdelay $0x1  }
0x28e: {  	v1 =	vmul.f32 $1.442695020e+00, v1;
	_ =	sdelay $0x1  }
0x28f: {  	(erf) = vpow2.f32 v1;
	_ =	sdelay $0x8  }
0x290: {  	v1 =	vpop (erf)  }
0x291: {  	v1 =	vadd.f32 $1.000000000e+00, v1;
	_ =	sdelay $0x1  }
0x292: {  	(erf) = vrcp.f32 v1;
	_ =	sdelay $0x8  }
0x293: {  	s0 =	simm.s32 $0x10880;
	v1 =	vpop (erf)  }
0x294: {  	s3 =	simm.s32 $0x90;
	[tilespmem:s0+$0x0] =	vst v1  }
0x295: {  	s17 =	simm.s32 $0x290;
	v1 =	vld [tilespmem:s3+$0x0]  }
0x296: {  	s19 =	simm.s32 $0x10;
	s23 =	simm.s32 $0x20;
	v2 =	vld [tilespmem:s17+$0x0]  }
.LBB2_4:
0x297: {  	p0 =	sne.s32 s23, $0x70;
	_ =	sdelay $0x1  }
0x298: {  	v3 =	vmov s19;
	s19 =	smov.u32 s23  }
0x299: {  	v3 =	vshll.u32 v3, $0x7;
	v1 =	vshll.u32 v1, $0x6  }
0x29a: {  	v3 =	vor.u32 v0, v3;
	v1 =	vand.u32 $0x40, v1;
	v2 =	vshll.u32 v2, $0x6  }
0x29b: {  	v4 =	vand.u32 $0x40, v2;
	v2 =	vor.u32 v3, v1  }
0x29c: {  	v1 =	vor.u32 v3, v4  }
0x29d: {  	v3 =	vor.u32 $0x1, v2  }
0x29e: {  	v4 =	vor.u32 $0x1, v1  }
0x29f: {  	v5 =	vor.u32 $0x2, v2  }
0x2a0: {  	v7 =	vor.u32 $0x2, v1;
	v6 =	vld.idx.msk [tilespmem:v2+s18+$0x0], $0xffff  }
0x2a1: {  	v9 =	vor.u32 $0x3, v2;
	v8 =	vld.idx.msk [tilespmem:v1+s20+$0x0], $0xffff  }
0x2a2: {  	v10 =	vor.u32 $0x3, v1;
	v3 =	vld.idx.msk [tilespmem:v3+s18+$0x0], $0xffff  }
0x2a3: {  	v11 =	vor.u32 $0x4, v2;
	v4 =	vld.idx.msk [tilespmem:v4+s20+$0x0], $0xffff  }
0x2a4: {  	v12 =	vor.u32 $0x4, v1;
	v5 =	vld.idx.msk [tilespmem:v5+s18+$0x0], $0xffff  }
0x2a5: {  	v13 =	vor.u32 $0x5, v2;
	v7 =	vld.idx.msk [tilespmem:v7+s20+$0x0], $0xffff  }
0x2a6: {  	v14 =	vor.u32 $0x5, v1;
	v9 =	vld.idx.msk [tilespmem:v9+s18+$0x0], $0xffff  }
0x2a7: {  	v6 =	vmul.f32 v8, v6;
	v8 =	vld.idx.msk [tilespmem:v10+s20+$0x0], $0xffff;
	v10 =	vor.u32 $0x6, v2  }
0x2a8: {  	v15 =	vor.u32 $0x6, v1;
	v11 =	vld.idx.msk [tilespmem:v11+s18+$0x0], $0xffff  }
0x2a9: {  	v6 =	vadd.f32 $0.0e+00, v6;
	v3 =	vmul.f32 v4, v3;
	v4 =	vld.idx.msk [tilespmem:v12+s20+$0x0], $0xffff;
	v12 =	vor.u32 $0x7, v2  }
0x2aa: {  	v16 =	vor.u32 $0x7, v1;
	v13 =	vld.idx.msk [tilespmem:v13+s18+$0x0], $0xffff  }
0x2ab: {  	v3 =	vadd.f32 v3, v6;
	v5 =	vmul.f32 v7, v5;
	v7 =	vor.u32 $0x8, v2;
	v6 =	vld.idx.msk [tilespmem:v14+s20+$0x0], $0xffff  }
0x2ac: {  	v14 =	vor.u32 $0x8, v1;
	v10 =	vld.idx.msk [tilespmem:v10+s18+$0x0], $0xffff  }
0x2ad: {  	v3 =	vadd.f32 v5, v3;
	v5 =	vmul.f32 v8, v9;
	v9 =	vor.u32 $0x9, v2;
	v8 =	vld.idx.msk [tilespmem:v15+s20+$0x0], $0xffff  }
0x2ae: {  	v15 =	vor.u32 $0x9, v1;
	v12 =	vld.idx.msk [tilespmem:v12+s18+$0x0], $0xffff  }
0x2af: {  	v3 =	vadd.f32 v5, v3;
	v4 =	vmul.f32 v4, v11;
	v11 =	vor.u32 $0xA, v2;
	v5 =	vld.idx.msk [tilespmem:v16+s20+$0x0], $0xffff  }
0x2b0: {  	v16 =	vor.u32 $0xA, v1;
	v7 =	vld.idx.msk [tilespmem:v7+s18+$0x0], $0xffff  }
0x2b1: {  	v3 =	vadd.f32 v4, v3;
	v4 =	vmul.f32 v6, v13;
	v13 =	vor.u32 $0xB, v2;
	v6 =	vld.idx.msk [tilespmem:v14+s20+$0x0], $0xffff  }
0x2b2: {  	v14 =	vor.u32 $0xB, v1;
	v9 =	vld.idx.msk [tilespmem:v9+s18+$0x0], $0xffff  }
0x2b3: {  	v3 =	vadd.f32 v4, v3;
	v4 =	vmul.f32 v8, v10;
	v10 =	vor.u32 $0xC, v2;
	v8 =	vld.idx.msk [tilespmem:v15+s20+$0x0], $0xffff  }
0x2b4: {  	v15 =	vor.u32 $0xC, v1;
	v11 =	vld.idx.msk [tilespmem:v11+s18+$0x0], $0xffff  }
0x2b5: {  	v3 =	vadd.f32 v4, v3;
	v4 =	vmul.f32 v5, v12;
	v12 =	vor.u32 $0xD, v2;
	v5 =	vld.idx.msk [tilespmem:v16+s20+$0x0], $0xffff  }
0x2b6: {  	v16 =	vor.u32 $0xD, v1;
	v13 =	vld.idx.msk [tilespmem:v13+s18+$0x0], $0xffff  }
0x2b7: {  	v3 =	vadd.f32 v4, v3;
	v4 =	vmul.f32 v6, v7;
	v7 =	vor.u32 $0xE, v2;
	v6 =	vld.idx.msk [tilespmem:v14+s20+$0x0], $0xffff  }
0x2b8: {  	v14 =	vor.u32 $0xE, v1;
	v10 =	vld.idx.msk [tilespmem:v10+s18+$0x0], $0xffff  }
0x2b9: {  	v3 =	vadd.f32 v4, v3;
	v4 =	vmul.f32 v8, v9;
	v9 =	vor.u32 $0xF, v2;
	v8 =	vld.idx.msk [tilespmem:v15+s20+$0x0], $0xffff  }
0x2ba: {  	v15 =	vor.u32 $0xF, v1;
	v12 =	vld.idx.msk [tilespmem:v12+s18+$0x0], $0xffff  }
0x2bb: {  	v3 =	vadd.f32 v4, v3;
	v4 =	vmul.f32 v5, v11;
	v11 =	vor.u32 $0x10, v2;
	v5 =	vld.idx.msk [tilespmem:v16+s20+$0x0], $0xffff  }
0x2bc: {  	v16 =	vor.u32 $0x10, v1;
	v7 =	vld.idx.msk [tilespmem:v7+s18+$0x0], $0xffff  }
0x2bd: {  	v3 =	vadd.f32 v4, v3;
	v4 =	vmul.f32 v6, v13;
	v13 =	vor.u32 $0x11, v2;
	v6 =	vld.idx.msk [tilespmem:v14+s20+$0x0], $0xffff  }
0x2be: {  	v14 =	vor.u32 $0x11, v1;
	v9 =	vld.idx.msk [tilespmem:v9+s18+$0x0], $0xffff  }
0x2bf: {  	v3 =	vadd.f32 v4, v3;
	v4 =	vmul.f32 v8, v10;
	v10 =	vor.u32 $0x12, v2;
	v8 =	vld.idx.msk [tilespmem:v15+s20+$0x0], $0xffff  }
0x2c0: {  	v15 =	vor.u32 $0x12, v1;
	v11 =	vld.idx.msk [tilespmem:v11+s18+$0x0], $0xffff  }
0x2c1: {  	v3 =	vadd.f32 v4, v3;
	v4 =	vmul.f32 v5, v12;
	v12 =	vor.u32 $0x13, v2;
	v5 =	vld.idx.msk [tilespmem:v16+s20+$0x0], $0xffff  }
0x2c2: {  	v16 =	vor.u32 $0x13, v1;
	v13 =	vld.idx.msk [tilespmem:v13+s18+$0x0], $0xffff  }
0x2c3: {  	v3 =	vadd.f32 v4, v3;
	v4 =	vmul.f32 v6, v7;
	v7 =	vor.u32 $0x14, v2;
	v6 =	vld.idx.msk [tilespmem:v14+s20+$0x0], $0xffff  }
0x2c4: {  	v14 =	vor.u32 $0x14, v1;
	v10 =	vld.idx.msk [tilespmem:v10+s18+$0x0], $0xffff  }
0x2c5: {  	v3 =	vadd.f32 v4, v3;
	v4 =	vmul.f32 v8, v9;
	v9 =	vor.u32 $0x15, v2;
	v8 =	vld.idx.msk [tilespmem:v15+s20+$0x0], $0xffff  }
0x2c6: {  	v15 =	vor.u32 $0x15, v1;
	v12 =	vld.idx.msk [tilespmem:v12+s18+$0x0], $0xffff  }
0x2c7: {  	v3 =	vadd.f32 v4, v3;
	v4 =	vmul.f32 v5, v11;
	v11 =	vor.u32 $0x16, v2;
	v5 =	vld.idx.msk [tilespmem:v16+s20+$0x0], $0xffff  }
0x2c8: {  	v16 =	vor.u32 $0x16, v1;
	v7 =	vld.idx.msk [tilespmem:v7+s18+$0x0], $0xffff  }
0x2c9: {  	v3 =	vadd.f32 v4, v3;
	v4 =	vmul.f32 v6, v13;
	v13 =	vor.u32 $0x17, v2;
	v6 =	vld.idx.msk [tilespmem:v14+s20+$0x0], $0xffff  }
0x2ca: {  	v14 =	vor.u32 $0x17, v1;
	v9 =	vld.idx.msk [tilespmem:v9+s18+$0x0], $0xffff  }
0x2cb: {  	v3 =	vadd.f32 v4, v3;
	v4 =	vmul.f32 v8, v10;
	v10 =	vor.u32 $0x18, v2;
	v8 =	vld.idx.msk [tilespmem:v15+s20+$0x0], $0xffff  }
0x2cc: {  	v15 =	vor.u32 $0x18, v1;
	v11 =	vld.idx.msk [tilespmem:v11+s18+$0x0], $0xffff  }
0x2cd: {  	v3 =	vadd.f32 v4, v3;
	v4 =	vmul.f32 v5, v12;
	v12 =	vor.u32 $0x19, v2;
	v5 =	vld.idx.msk [tilespmem:v16+s20+$0x0], $0xffff  }
0x2ce: {  	v16 =	vor.u32 $0x19, v1;
	v13 =	vld.idx.msk [tilespmem:v13+s18+$0x0], $0xffff  }
0x2cf: {  	v3 =	vadd.f32 v4, v3;
	v4 =	vmul.f32 v6, v7;
	v7 =	vor.u32 $0x1A, v2;
	v6 =	vld.idx.msk [tilespmem:v14+s20+$0x0], $0xffff  }
0x2d0: {  	v14 =	vor.u32 $0x1A, v1;
	v10 =	vld.idx.msk [tilespmem:v10+s18+$0x0], $0xffff  }
0x2d1: {  	v3 =	vadd.f32 v4, v3;
	v4 =	vmul.f32 v8, v9;
	v9 =	vor.u32 $0x1B, v2;
	v8 =	vld.idx.msk [tilespmem:v15+s20+$0x0], $0xffff  }
0x2d2: {  	v15 =	vor.u32 $0x1B, v1;
	v12 =	vld.idx.msk [tilespmem:v12+s18+$0x0], $0xffff  }
0x2d3: {  	v3 =	vadd.f32 v4, v3;
	v4 =	vmul.f32 v5, v11;
	v11 =	vor.u32 $0x1C, v2;
	v5 =	vld.idx.msk [tilespmem:v16+s20+$0x0], $0xffff  }
0x2d4: {  	v16 =	vor.u32 $0x1C, v1;
	v7 =	vld.idx.msk [tilespmem:v7+s18+$0x0], $0xffff  }
0x2d5: {  	v3 =	vadd.f32 v4, v3;
	v4 =	vmul.f32 v6, v13;
	v13 =	vor.u32 $0x1D, v2;
	v6 =	vld.idx.msk [tilespmem:v14+s20+$0x0], $0xffff  }
0x2d6: {  	v14 =	vor.u32 $0x1D, v1;
	v9 =	vld.idx.msk [tilespmem:v9+s18+$0x0], $0xffff  }
0x2d7: {  	v3 =	vadd.f32 v4, v3;
	v4 =	vmul.f32 v8, v10;
	v10 =	vor.u32 $0x1E, v2;
	v8 =	vld.idx.msk [tilespmem:v15+s20+$0x0], $0xffff  }
0x2d8: {  	v15 =	vor.u32 $0x1E, v1;
	v11 =	vld.idx.msk [tilespmem:v11+s18+$0x0], $0xffff  }
0x2d9: {  	v3 =	vadd.f32 v4, v3;
	v4 =	vmul.f32 v5, v12;
	v12 =	vor.u32 $0x1F, v2;
	v5 =	vld.idx.msk [tilespmem:v16+s20+$0x0], $0xffff  }
0x2da: {  	v16 =	vor.u32 $0x1F, v1;
	v13 =	vld.idx.msk [tilespmem:v13+s18+$0x0], $0xffff  }
0x2db: {  	v3 =	vadd.f32 v4, v3;
	v4 =	vmul.f32 v6, v7;
	v7 =	vor.u32 $0x20, v2;
	v6 =	vld.idx.msk [tilespmem:v14+s20+$0x0], $0xffff  }
0x2dc: {  	v14 =	vor.u32 $0x20, v1;
	v10 =	vld.idx.msk [tilespmem:v10+s18+$0x0], $0xffff  }
0x2dd: {  	v3 =	vadd.f32 v4, v3;
	v4 =	vmul.f32 v8, v9;
	v9 =	vor.u32 $0x21, v2;
	v8 =	vld.idx.msk [tilespmem:v15+s20+$0x0], $0xffff  }
0x2de: {  	v15 =	vor.u32 $0x21, v1;
	v12 =	vld.idx.msk [tilespmem:v12+s18+$0x0], $0xffff  }
0x2df: {  	v3 =	vadd.f32 v4, v3;
	v4 =	vmul.f32 v5, v11;
	v11 =	vor.u32 $0x22, v2;
	v5 =	vld.idx.msk [tilespmem:v16+s20+$0x0], $0xffff  }
0x2e0: {  	v16 =	vor.u32 $0x22, v1;
	v7 =	vld.idx.msk [tilespmem:v7+s18+$0x0], $0xffff  }
0x2e1: {  	v3 =	vadd.f32 v4, v3;
	v4 =	vmul.f32 v6, v13;
	v13 =	vor.u32 $0x23, v2;
	v6 =	vld.idx.msk [tilespmem:v14+s20+$0x0], $0xffff  }
0x2e2: {  	v14 =	vor.u32 $0x23, v1;
	v9 =	vld.idx.msk [tilespmem:v9+s18+$0x0], $0xffff  }
0x2e3: {  	v3 =	vadd.f32 v4, v3;
	v4 =	vmul.f32 v8, v10;
	v10 =	vor.u32 $0x24, v2;
	v8 =	vld.idx.msk [tilespmem:v15+s20+$0x0], $0xffff  }
0x2e4: {  	v15 =	vor.u32 $0x24, v1;
	v11 =	vld.idx.msk [tilespmem:v11+s18+$0x0], $0xffff  }
0x2e5: {  	v3 =	vadd.f32 v4, v3;
	v4 =	vmul.f32 v5, v12;
	v12 =	vor.u32 $0x25, v2;
	v5 =	vld.idx.msk [tilespmem:v16+s20+$0x0], $0xffff  }
0x2e6: {  	v16 =	vor.u32 $0x25, v1;
	v13 =	vld.idx.msk [tilespmem:v13+s18+$0x0], $0xffff  }
0x2e7: {  	v3 =	vadd.f32 v4, v3;
	v4 =	vmul.f32 v6, v7;
	v7 =	vor.u32 $0x26, v2;
	v6 =	vld.idx.msk [tilespmem:v14+s20+$0x0], $0xffff  }
0x2e8: {  	v14 =	vor.u32 $0x26, v1;
	v10 =	vld.idx.msk [tilespmem:v10+s18+$0x0], $0xffff  }
0x2e9: {  	v3 =	vadd.f32 v4, v3;
	v4 =	vmul.f32 v8, v9;
	v9 =	vor.u32 $0x27, v2;
	v8 =	vld.idx.msk [tilespmem:v15+s20+$0x0], $0xffff  }
0x2ea: {  	v15 =	vor.u32 $0x27, v1;
	v12 =	vld.idx.msk [tilespmem:v12+s18+$0x0], $0xffff  }
0x2eb: {  	v3 =	vadd.f32 v4, v3;
	v4 =	vmul.f32 v5, v11;
	v11 =	vor.u32 $0x28, v2;
	v5 =	vld.idx.msk [tilespmem:v16+s20+$0x0], $0xffff  }
0x2ec: {  	v16 =	vor.u32 $0x28, v1;
	v7 =	vld.idx.msk [tilespmem:v7+s18+$0x0], $0xffff  }
0x2ed: {  	v3 =	vadd.f32 v4, v3;
	v4 =	vmul.f32 v6, v13;
	v13 =	vor.u32 $0x29, v2;
	v6 =	vld.idx.msk [tilespmem:v14+s20+$0x0], $0xffff  }
0x2ee: {  	v14 =	vor.u32 $0x29, v1;
	v9 =	vld.idx.msk [tilespmem:v9+s18+$0x0], $0xffff  }
0x2ef: {  	v3 =	vadd.f32 v4, v3;
	v4 =	vmul.f32 v8, v10;
	v10 =	vor.u32 $0x2A, v2;
	v8 =	vld.idx.msk [tilespmem:v15+s20+$0x0], $0xffff  }
0x2f0: {  	v15 =	vor.u32 $0x2A, v1;
	v11 =	vld.idx.msk [tilespmem:v11+s18+$0x0], $0xffff  }
0x2f1: {  	v3 =	vadd.f32 v4, v3;
	v4 =	vmul.f32 v5, v12;
	v12 =	vor.u32 $0x2B, v2;
	v5 =	vld.idx.msk [tilespmem:v16+s20+$0x0], $0xffff  }
0x2f2: {  	v16 =	vor.u32 $0x2B, v1;
	v13 =	vld.idx.msk [tilespmem:v13+s18+$0x0], $0xffff  }
0x2f3: {  	v3 =	vadd.f32 v4, v3;
	v4 =	vmul.f32 v6, v7;
	v7 =	vor.u32 $0x2C, v2;
	v6 =	vld.idx.msk [tilespmem:v14+s20+$0x0], $0xffff  }
0x2f4: {  	v14 =	vor.u32 $0x2C, v1;
	v10 =	vld.idx.msk [tilespmem:v10+s18+$0x0], $0xffff  }
0x2f5: {  	v3 =	vadd.f32 v4, v3;
	v4 =	vmul.f32 v8, v9;
	v9 =	vor.u32 $0x2D, v2;
	v8 =	vld.idx.msk [tilespmem:v15+s20+$0x0], $0xffff  }
0x2f6: {  	v15 =	vor.u32 $0x2D, v1;
	v12 =	vld.idx.msk [tilespmem:v12+s18+$0x0], $0xffff  }
0x2f7: {  	v3 =	vadd.f32 v4, v3;
	v4 =	vmul.f32 v5, v11;
	v11 =	vor.u32 $0x2E, v2;
	v5 =	vld.idx.msk [tilespmem:v16+s20+$0x0], $0xffff  }
0x2f8: {  	v16 =	vor.u32 $0x2E, v1;
	v7 =	vld.idx.msk [tilespmem:v7+s18+$0x0], $0xffff  }
0x2f9: {  	v3 =	vadd.f32 v4, v3;
	v4 =	vmul.f32 v6, v13;
	v13 =	vor.u32 $0x2F, v2;
	v6 =	vld.idx.msk [tilespmem:v14+s20+$0x0], $0xffff  }
0x2fa: {  	v14 =	vor.u32 $0x2F, v1;
	v9 =	vld.idx.msk [tilespmem:v9+s18+$0x0], $0xffff  }
0x2fb: {  	v3 =	vadd.f32 v4, v3;
	v4 =	vmul.f32 v8, v10;
	v10 =	vor.u32 $0x30, v2;
	v8 =	vld.idx.msk [tilespmem:v15+s20+$0x0], $0xffff  }
0x2fc: {  	v15 =	vor.u32 $0x30, v1;
	v11 =	vld.idx.msk [tilespmem:v11+s18+$0x0], $0xffff  }
0x2fd: {  	v3 =	vadd.f32 v4, v3;
	v4 =	vmul.f32 v5, v12;
	v12 =	vor.u32 $0x31, v2;
	v5 =	vld.idx.msk [tilespmem:v16+s20+$0x0], $0xffff  }
0x2fe: {  	v16 =	vor.u32 $0x31, v1;
	v13 =	vld.idx.msk [tilespmem:v13+s18+$0x0], $0xffff  }
0x2ff: {  	v3 =	vadd.f32 v4, v3;
	v4 =	vmul.f32 v6, v7;
	v7 =	vor.u32 $0x32, v2;
	v6 =	vld.idx.msk [tilespmem:v14+s20+$0x0], $0xffff  }
0x300: {  	v14 =	vor.u32 $0x32, v1;
	v10 =	vld.idx.msk [tilespmem:v10+s18+$0x0], $0xffff  }
0x301: {  	v3 =	vadd.f32 v4, v3;
	v4 =	vmul.f32 v8, v9;
	v9 =	vor.u32 $0x33, v2;
	v8 =	vld.idx.msk [tilespmem:v15+s20+$0x0], $0xffff  }
0x302: {  	v15 =	vor.u32 $0x33, v1;
	v12 =	vld.idx.msk [tilespmem:v12+s18+$0x0], $0xffff  }
0x303: {  	v3 =	vadd.f32 v4, v3;
	v4 =	vmul.f32 v5, v11;
	v11 =	vor.u32 $0x34, v2;
	v5 =	vld.idx.msk [tilespmem:v16+s20+$0x0], $0xffff  }
0x304: {  	v16 =	vor.u32 $0x34, v1;
	v7 =	vld.idx.msk [tilespmem:v7+s18+$0x0], $0xffff  }
0x305: {  	v3 =	vadd.f32 v4, v3;
	v4 =	vmul.f32 v6, v13;
	v13 =	vor.u32 $0x35, v2;
	v6 =	vld.idx.msk [tilespmem:v14+s20+$0x0], $0xffff  }
0x306: {  	v14 =	vor.u32 $0x35, v1;
	v9 =	vld.idx.msk [tilespmem:v9+s18+$0x0], $0xffff  }
0x307: {  	v3 =	vadd.f32 v4, v3;
	v4 =	vmul.f32 v8, v10;
	v10 =	vor.u32 $0x36, v2;
	v8 =	vld.idx.msk [tilespmem:v15+s20+$0x0], $0xffff  }
0x308: {  	v15 =	vor.u32 $0x36, v1;
	v11 =	vld.idx.msk [tilespmem:v11+s18+$0x0], $0xffff  }
0x309: {  	v3 =	vadd.f32 v4, v3;
	v4 =	vmul.f32 v5, v12;
	v12 =	vor.u32 $0x37, v2;
	v5 =	vld.idx.msk [tilespmem:v16+s20+$0x0], $0xffff  }
0x30a: {  	v16 =	vor.u32 $0x37, v1;
	v13 =	vld.idx.msk [tilespmem:v13+s18+$0x0], $0xffff  }
0x30b: {  	v3 =	vadd.f32 v4, v3;
	v4 =	vmul.f32 v6, v7;
	v7 =	vor.u32 $0x38, v2;
	v6 =	vld.idx.msk [tilespmem:v14+s20+$0x0], $0xffff  }
0x30c: {  	v14 =	vor.u32 $0x38, v1;
	v10 =	vld.idx.msk [tilespmem:v10+s18+$0x0], $0xffff  }
0x30d: {  	v3 =	vadd.f32 v4, v3;
	v4 =	vmul.f32 v8, v9;
	v9 =	vor.u32 $0x39, v2;
	v8 =	vld.idx.msk [tilespmem:v15+s20+$0x0], $0xffff  }
0x30e: {  	v15 =	vor.u32 $0x39, v1;
	v12 =	vld.idx.msk [tilespmem:v12+s18+$0x0], $0xffff  }
0x30f: {  	v3 =	vadd.f32 v4, v3;
	v4 =	vmul.f32 v5, v11;
	v11 =	vor.u32 $0x3A, v2;
	v5 =	vld.idx.msk [tilespmem:v16+s20+$0x0], $0xffff  }
0x310: {  	v16 =	vor.u32 $0x3A, v1;
	v7 =	vld.idx.msk [tilespmem:v7+s18+$0x0], $0xffff  }
0x311: {  	v3 =	vadd.f32 v4, v3;
	v4 =	vmul.f32 v6, v13;
	v13 =	vor.u32 $0x3B, v2;
	v6 =	vld.idx.msk [tilespmem:v14+s20+$0x0], $0xffff  }
0x312: {  	v14 =	vor.u32 $0x3B, v1;
	v9 =	vld.idx.msk [tilespmem:v9+s18+$0x0], $0xffff  }
0x313: {  	v3 =	vadd.f32 v4, v3;
	v4 =	vmul.f32 v8, v10;
	v10 =	vor.u32 $0x3C, v2;
	v8 =	vld.idx.msk [tilespmem:v15+s20+$0x0], $0xffff  }
0x314: {  	v15 =	vor.u32 $0x3C, v1;
	v11 =	vld.idx.msk [tilespmem:v11+s18+$0x0], $0xffff  }
0x315: {  	v3 =	vadd.f32 v4, v3;
	v4 =	vmul.f32 v5, v12;
	v12 =	vor.u32 $0x3D, v2;
	v5 =	vld.idx.msk [tilespmem:v16+s20+$0x0], $0xffff  }
0x316: {  	v16 =	vor.u32 $0x3D, v1;
	v13 =	vld.idx.msk [tilespmem:v13+s18+$0x0], $0xffff  }
0x317: {  	v3 =	vadd.f32 v4, v3;
	v4 =	vmul.f32 v6, v7;
	v7 =	vor.u32 $0x3E, v2;
	v6 =	vld.idx.msk [tilespmem:v14+s20+$0x0], $0xffff  }
0x318: {  	v14 =	vor.u32 $0x3E, v1;
	v10 =	vld.idx.msk [tilespmem:v10+s18+$0x0], $0xffff  }
0x319: {  	v2 =	vor.u32 $0x3F, v2;
	v3 =	vadd.f32 v4, v3;
	v4 =	vmul.f32 v8, v9;
	v8 =	vld.idx.msk [tilespmem:v15+s20+$0x0], $0xffff  }
0x31a: {  	v1 =	vor.u32 $0x3F, v1;
	v9 =	vld.idx.msk [tilespmem:v12+s18+$0x0], $0xffff  }
0x31b: {  	v3 =	vadd.f32 v4, v3;
	v4 =	vmul.f32 v5, v11;
	v5 =	vld.idx.msk [tilespmem:v16+s20+$0x0], $0xffff  }
0x31c: {  	v7 =	vld.idx.msk [tilespmem:v7+s18+$0x0], $0xffff  }
0x31d: {  	v3 =	vadd.f32 v4, v3;
	v4 =	vmul.f32 v6, v13;
	v6 =	vld.idx.msk [tilespmem:v14+s20+$0x0], $0xffff  }
0x31e: {  	v2 =	vld.idx.msk [tilespmem:v2+s18+$0x0], $0xffff  }
0x31f: {  	v3 =	vadd.f32 v4, v3;
	v4 =	vmul.f32 v8, v10;
	v1 =	vld.idx.msk [tilespmem:v1+s20+$0x0], $0xffff;
	_ =	sdelay $0x1  }
0x320: {  	v3 =	vadd.f32 v4, v3;
	v4 =	vmul.f32 v5, v9;
	_ =	sdelay $0x1  }
0x321: {  	v3 =	vadd.f32 v4, v3;
	v4 =	vmul.f32 v6, v7;
	_ =	sdelay $0x1  }
0x322: {  	v3 =	vadd.f32 v4, v3;
	v1 =	vmul.f32 v1, v2;
	_ =	sdelay $0x1  }
0x323: {  	v1 =	vadd.f32 v1, v3;
	_ =	sdelay $0x1  }
0x324: {  	v1 =	vsub.f32 $0.0e+00, v1;
	_ =	sdelay $0x1  }
0x325: {  	v1 =	vmul.f32 $1.442695020e+00, v1;
	_ =	sdelay $0x1  }
0x326: {  	(erf) = vpow2.f32 v1;
	_ =	sdelay $0x8  }
0x327: {  	v1 =	vpop (erf)  }
0x328: {  	v1 =	vadd.f32 $1.000000000e+00, v1;
	_ =	sdelay $0x1  }
0x329: {  	(erf) = vrcp.f32 v1;
	_ =	sdelay $0x7  }
.Ltmp1:
0x32a: {  	(pc) =	sbr.rel @p0 .LBB2_4-.Ltmp1, $4  }
0x32b: {  	s0 =	sadd.s32 $0x10, s0;
	v1 =	vpop (erf)  }
0x32c: {  	s3 =	sadd.s32 $0x10, s3;
	[tilespmem:s0+$0x0] =	vst v1  }
0x32d: {  	s17 =	sadd.s32 $0x10, s17;
	v1 =	vld [tilespmem:s3+$0x0]  }
0x32e: {  	s23 =	sadd.s32 $0x10, s23;
	v2 =	vld [tilespmem:s17+$0x0]  }
0x32f: {  	_ =	sdelay $0x1  }
0x330: {  	v3 =	vmov s19  }
0x331: {  	v3 =	vshll.u32 v3, $0x7;
	v1 =	vshll.u32 v1, $0x6  }
0x332: {  	v3 =	vor.u32 v0, v3;
	v1 =	vand.u32 $0x40, v1;
	v2 =	vshll.u32 v2, $0x6  }
0x333: {  	v4 =	vand.u32 $0x40, v2;
	v2 =	vor.u32 v3, v1  }
0x334: {  	v1 =	vor.u32 v3, v4  }
0x335: {  	v3 =	vor.u32 $0x1, v2  }
0x336: {  	v4 =	vor.u32 $0x1, v1  }
0x337: {  	v5 =	vor.u32 $0x2, v2  }
0x338: {  	v7 =	vor.u32 $0x2, v1;
	v6 =	vld.idx.msk [tilespmem:v2+s18+$0x0], $0xffff  }
0x339: {  	v9 =	vor.u32 $0x3, v2;
	v8 =	vld.idx.msk [tilespmem:v1+s20+$0x0], $0xffff  }
0x33a: {  	v10 =	vor.u32 $0x3, v1;
	v3 =	vld.idx.msk [tilespmem:v3+s18+$0x0], $0xffff  }
0x33b: {  	v11 =	vor.u32 $0x4, v2;
	v4 =	vld.idx.msk [tilespmem:v4+s20+$0x0], $0xffff  }
0x33c: {  	v12 =	vor.u32 $0x4, v1;
	v5 =	vld.idx.msk [tilespmem:v5+s18+$0x0], $0xffff  }
0x33d: {  	v13 =	vor.u32 $0x5, v2;
	v7 =	vld.idx.msk [tilespmem:v7+s20+$0x0], $0xffff  }
0x33e: {  	v14 =	vor.u32 $0x5, v1;
	v9 =	vld.idx.msk [tilespmem:v9+s18+$0x0], $0xffff;
	v6 =	vmul.f32 v8, v6  }
0x33f: {  	v29 =	vor.u32 $0x6, v2;
	v28 =	vld.idx.msk [tilespmem:v10+s20+$0x0], $0xffff  }
0x340: {  	v15 =	vor.u32 $0x6, v1;
	v11 =	vld.idx.msk [tilespmem:v11+s18+$0x0], $0xffff;
	v3 =	vmul.f32 v4, v3;
	v6 =	vadd.f32 $0.0e+00, v6  }
0x341: {  	v31 =	vor.u32 $0x7, v2;
	v30 =	vld.idx.msk [tilespmem:v12+s20+$0x0], $0xffff  }
0x342: {  	v16 =	vor.u32 $0x7, v1;
	v13 =	vld.idx.msk [tilespmem:v13+s18+$0x0], $0xffff;
	v5 =	vmul.f32 v7, v5;
	v3 =	vadd.f32 v3, v6  }
0x343: {  	v34 =	vor.u32 $0x8, v1;
	v32 =	vld.idx.msk [tilespmem:v14+s20+$0x0], $0xffff  }
0x344: {  	v33 =	vor.u32 $0x8, v2;
	v10 =	vld.idx.msk [tilespmem:v29+s18+$0x0], $0xffff;
	v35 =	vmul.f32 v28, v9;
	v3 =	vadd.f32 v5, v3  }
0x345: {  	v38 =	vor.u32 $0x9, v1;
	v36 =	vld.idx.msk [tilespmem:v15+s20+$0x0], $0xffff  }
0x346: {  	v37 =	vor.u32 $0x9, v2;
	v12 =	vld.idx.msk [tilespmem:v31+s18+$0x0], $0xffff;
	v4 =	vmul.f32 v30, v11;
	v3 =	vadd.f32 v35, v3  }
0x347: {  	v41 =	vor.u32 $0xA, v1;
	v39 =	vld.idx.msk [tilespmem:v16+s20+$0x0], $0xffff  }
0x348: {  	v40 =	vor.u32 $0xA, v2;
	v43 =	vld.idx.msk [tilespmem:v34+s20+$0x0], $0xffff;
	v42 =	vmul.f32 v32, v13;
	v3 =	vadd.f32 v4, v3  }
0x349: {  	v45 =	vor.u32 $0xB, v1;
	v7 =	vld.idx.msk [tilespmem:v33+s18+$0x0], $0xffff  }
0x34a: {  	v44 =	vor.u32 $0xB, v2;
	v47 =	vld.idx.msk [tilespmem:v38+s20+$0x0], $0xffff;
	v46 =	vmul.f32 v36, v10;
	v3 =	vadd.f32 v42, v3  }
0x34b: {  	v49 =	vor.u32 $0xC, v1;
	v9 =	vld.idx.msk [tilespmem:v37+s18+$0x0], $0xffff  }
0x34c: {  	v48 =	vor.u32 $0xC, v2;
	v51 =	vld.idx.msk [tilespmem:v41+s20+$0x0], $0xffff;
	v50 =	vmul.f32 v39, v12;
	v3 =	vadd.f32 v46, v3  }
0x34d: {  	v53 =	vor.u32 $0xD, v1;
	v11 =	vld.idx.msk [tilespmem:v40+s18+$0x0], $0xffff  }
0x34e: {  	v52 =	vor.u32 $0xD, v2;
	v55 =	vld.idx.msk [tilespmem:v45+s20+$0x0], $0xffff;
	v54 =	vmul.f32 v43, v7;
	v3 =	vadd.f32 v50, v3  }
0x34f: {  	v57 =	vor.u32 $0xE, v1;
	v13 =	vld.idx.msk [tilespmem:v44+s18+$0x0], $0xffff  }
0x350: {  	v56 =	vor.u32 $0xE, v2;
	v59 =	vld.idx.msk [tilespmem:v49+s20+$0x0], $0xffff;
	v58 =	vmul.f32 v47, v9;
	v3 =	vadd.f32 v54, v3  }
0x351: {  	v61 =	vor.u32 $0xF, v1;
	v10 =	vld.idx.msk [tilespmem:v48+s18+$0x0], $0xffff  }
0x352: {  	v60 =	vor.u32 $0xF, v2;
	v63 =	vld.idx.msk [tilespmem:v53+s20+$0x0], $0xffff;
	v62 =	vmul.f32 v51, v11;
	v3 =	vadd.f32 v58, v3  }
0x353: {  	v21 =	vor.u32 $0x10, v1;
	v12 =	vld.idx.msk [tilespmem:v52+s18+$0x0], $0xffff  }
0x354: {  	v20 =	vor.u32 $0x10, v2;
	v23 =	vld.idx.msk [tilespmem:v57+s20+$0x0], $0xffff;
	v22 =	vmul.f32 v55, v13;
	v3 =	vadd.f32 v62, v3  }
0x355: {  	v24 =	vor.u32 $0x11, v2;
	v7 =	vld.idx.msk [tilespmem:v56+s18+$0x0], $0xffff  }
0x356: {  	v25 =	vor.u32 $0x11, v1;
	v27 =	vld.idx.msk [tilespmem:v61+s20+$0x0], $0xffff;
	v26 =	vmul.f32 v59, v10;
	v3 =	vadd.f32 v22, v3  }
0x357: {  	v29 =	vor.u32 $0x12, v1;
	v9 =	vld.idx.msk [tilespmem:v60+s18+$0x0], $0xffff  }
0x358: {  	v31 =	vld.idx.msk [tilespmem:v21+s20+$0x0], $0xffff;
	v28 =	vor.u32 $0x12, v2;
	v30 =	vmul.f32 v63, v12;
	v3 =	vadd.f32 v26, v3  }
0x359: {  	v32 =	vor.u32 $0x13, v2;
	v11 =	vld.idx.msk [tilespmem:v20+s18+$0x0], $0xffff  }
0x35a: {  	v33 =	vor.u32 $0x13, v1;
	v13 =	vld.idx.msk [tilespmem:v24+s18+$0x0], $0xffff;
	v34 =	vmul.f32 v23, v7;
	v3 =	vadd.f32 v30, v3  }
0x35b: {  	v37 =	vor.u32 $0x14, v1;
	v35 =	vld.idx.msk [tilespmem:v25+s20+$0x0], $0xffff  }
0x35c: {  	v36 =	vor.u32 $0x14, v2;
	v39 =	vld.idx.msk [tilespmem:v29+s20+$0x0], $0xffff;
	v38 =	vmul.f32 v27, v9;
	v3 =	vadd.f32 v34, v3  }
0x35d: {  	v41 =	vor.u32 $0x15, v1;
	v10 =	vld.idx.msk [tilespmem:v28+s18+$0x0], $0xffff  }
0x35e: {  	v40 =	vor.u32 $0x15, v2;
	v12 =	vld.idx.msk [tilespmem:v32+s18+$0x0], $0xffff;
	v42 =	vmul.f32 v31, v11;
	v3 =	vadd.f32 v38, v3  }
0x35f: {  	v45 =	vor.u32 $0x16, v1;
	v43 =	vld.idx.msk [tilespmem:v33+s20+$0x0], $0xffff  }
0x360: {  	v44 =	vor.u32 $0x16, v2;
	v47 =	vld.idx.msk [tilespmem:v37+s20+$0x0], $0xffff;
	v46 =	vmul.f32 v35, v13;
	v3 =	vadd.f32 v42, v3  }
0x361: {  	v49 =	vor.u32 $0x17, v1;
	v7 =	vld.idx.msk [tilespmem:v36+s18+$0x0], $0xffff  }
0x362: {  	v48 =	vor.u32 $0x17, v2;
	v51 =	vld.idx.msk [tilespmem:v41+s20+$0x0], $0xffff;
	v50 =	vmul.f32 v39, v10;
	v3 =	vadd.f32 v46, v3  }
0x363: {  	v53 =	vor.u32 $0x18, v1;
	v9 =	vld.idx.msk [tilespmem:v40+s18+$0x0], $0xffff  }
0x364: {  	v52 =	vor.u32 $0x18, v2;
	v55 =	vld.idx.msk [tilespmem:v45+s20+$0x0], $0xffff;
	v54 =	vmul.f32 v43, v12;
	v3 =	vadd.f32 v50, v3  }
0x365: {  	v57 =	vor.u32 $0x19, v1;
	v11 =	vld.idx.msk [tilespmem:v44+s18+$0x0], $0xffff  }
0x366: {  	v56 =	vor.u32 $0x19, v2;
	v59 =	vld.idx.msk [tilespmem:v49+s20+$0x0], $0xffff;
	v58 =	vmul.f32 v47, v7;
	v3 =	vadd.f32 v54, v3  }
0x367: {  	v61 =	vor.u32 $0x1A, v1;
	v13 =	vld.idx.msk [tilespmem:v48+s18+$0x0], $0xffff  }
0x368: {  	v60 =	vor.u32 $0x1A, v2;
	v63 =	vld.idx.msk [tilespmem:v53+s20+$0x0], $0xffff;
	v62 =	vmul.f32 v51, v9;
	v3 =	vadd.f32 v58, v3  }
0x369: {  	v21 =	vor.u32 $0x1B, v1;
	v10 =	vld.idx.msk [tilespmem:v52+s18+$0x0], $0xffff  }
0x36a: {  	v20 =	vor.u32 $0x1B, v2;
	v23 =	vld.idx.msk [tilespmem:v57+s20+$0x0], $0xffff;
	v22 =	vmul.f32 v55, v11;
	v3 =	vadd.f32 v62, v3  }
0x36b: {  	v25 =	vor.u32 $0x1C, v1;
	v12 =	vld.idx.msk [tilespmem:v56+s18+$0x0], $0xffff  }
0x36c: {  	v24 =	vor.u32 $0x1C, v2;
	v27 =	vld.idx.msk [tilespmem:v61+s20+$0x0], $0xffff;
	v26 =	vmul.f32 v59, v13;
	v3 =	vadd.f32 v22, v3  }
0x36d: {  	v29 =	vor.u32 $0x1D, v1;
	v7 =	vld.idx.msk [tilespmem:v60+s18+$0x0], $0xffff  }
0x36e: {  	v28 =	vor.u32 $0x1D, v2;
	v31 =	vld.idx.msk [tilespmem:v21+s20+$0x0], $0xffff;
	v30 =	vmul.f32 v63, v10;
	v3 =	vadd.f32 v26, v3  }
0x36f: {  	v33 =	vor.u32 $0x1E, v1;
	v9 =	vld.idx.msk [tilespmem:v20+s18+$0x0], $0xffff  }
0x370: {  	v32 =	vor.u32 $0x1E, v2;
	v35 =	vld.idx.msk [tilespmem:v25+s20+$0x0], $0xffff;
	v34 =	vmul.f32 v23, v12;
	v3 =	vadd.f32 v30, v3  }
0x371: {  	v37 =	vor.u32 $0x1F, v1;
	v11 =	vld.idx.msk [tilespmem:v24+s18+$0x0], $0xffff  }
0x372: {  	v36 =	vor.u32 $0x1F, v2;
	v39 =	vld.idx.msk [tilespmem:v29+s20+$0x0], $0xffff;
	v38 =	vmul.f32 v27, v7;
	v3 =	vadd.f32 v34, v3  }
0x373: {  	v41 =	vor.u32 $0x20, v1;
	v13 =	vld.idx.msk [tilespmem:v28+s18+$0x0], $0xffff  }
0x374: {  	v40 =	vor.u32 $0x20, v2;
	v43 =	vld.idx.msk [tilespmem:v33+s20+$0x0], $0xffff;
	v42 =	vmul.f32 v31, v9;
	v3 =	vadd.f32 v38, v3  }
0x375: {  	v45 =	vor.u32 $0x21, v1;
	v10 =	vld.idx.msk [tilespmem:v32+s18+$0x0], $0xffff  }
0x376: {  	v44 =	vor.u32 $0x21, v2;
	v47 =	vld.idx.msk [tilespmem:v37+s20+$0x0], $0xffff;
	v46 =	vmul.f32 v35, v11;
	v3 =	vadd.f32 v42, v3  }
0x377: {  	v49 =	vor.u32 $0x22, v1;
	v12 =	vld.idx.msk [tilespmem:v36+s18+$0x0], $0xffff  }
0x378: {  	v48 =	vor.u32 $0x22, v2;
	v51 =	vld.idx.msk [tilespmem:v41+s20+$0x0], $0xffff;
	v50 =	vmul.f32 v39, v13;
	v3 =	vadd.f32 v46, v3  }
0x379: {  	v53 =	vor.u32 $0x23, v1;
	v7 =	vld.idx.msk [tilespmem:v40+s18+$0x0], $0xffff  }
0x37a: {  	v52 =	vor.u32 $0x23, v2;
	v55 =	vld.idx.msk [tilespmem:v45+s20+$0x0], $0xffff;
	v54 =	vmul.f32 v43, v10;
	v3 =	vadd.f32 v50, v3  }
0x37b: {  	v56 =	vor.u32 $0x24, v2;
	v9 =	vld.idx.msk [tilespmem:v44+s18+$0x0], $0xffff  }
0x37c: {  	v57 =	vor.u32 $0x24, v1;
	v59 =	vld.idx.msk [tilespmem:v49+s20+$0x0], $0xffff;
	v58 =	vmul.f32 v47, v12;
	v3 =	vadd.f32 v54, v3  }
0x37d: {  	v60 =	vor.u32 $0x25, v2;
	v11 =	vld.idx.msk [tilespmem:v48+s18+$0x0], $0xffff  }
0x37e: {  	v61 =	vor.u32 $0x25, v1;
	v63 =	vld.idx.msk [tilespmem:v53+s20+$0x0], $0xffff;
	v62 =	vmul.f32 v51, v7;
	v3 =	vadd.f32 v58, v3  }
0x37f: {  	v19 =	vor.u32 $0x26, v2;
	v13 =	vld.idx.msk [tilespmem:v52+s18+$0x0], $0xffff  }
0x380: {  	v20 =	vor.u32 $0x26, v1;
	v21 =	vmul.f32 v55, v9;
	v10 =	vld.idx.msk [tilespmem:v56+s18+$0x0], $0xffff;
	v3 =	vadd.f32 v62, v3  }
0x381: {  	v23 =	vor.u32 $0x27, v2;
	v22 =	vld.idx.msk [tilespmem:v57+s20+$0x0], $0xffff  }
0x382: {  	v24 =	vor.u32 $0x27, v1;
	v25 =	vmul.f32 v59, v11;
	v12 =	vld.idx.msk [tilespmem:v60+s18+$0x0], $0xffff;
	v3 =	vadd.f32 v21, v3  }
0x383: {  	v27 =	vor.u32 $0x28, v2;
	v26 =	vld.idx.msk [tilespmem:v61+s20+$0x0], $0xffff  }
0x384: {  	v28 =	vor.u32 $0x28, v1;
	v29 =	vmul.f32 v63, v13;
	v7 =	vld.idx.msk [tilespmem:v19+s18+$0x0], $0xffff;
	v3 =	vadd.f32 v25, v3  }
0x385: {  	v31 =	vor.u32 $0x29, v2;
	v30 =	vld.idx.msk [tilespmem:v20+s20+$0x0], $0xffff  }
0x386: {  	v32 =	vor.u32 $0x29, v1;
	v9 =	vld.idx.msk [tilespmem:v23+s18+$0x0], $0xffff;
	v33 =	vmul.f32 v22, v10;
	v3 =	vadd.f32 v29, v3  }
0x387: {  	v35 =	vor.u32 $0x2A, v2;
	v34 =	vld.idx.msk [tilespmem:v24+s20+$0x0], $0xffff  }
0x388: {  	v36 =	vor.u32 $0x2A, v1;
	v11 =	vld.idx.msk [tilespmem:v27+s18+$0x0], $0xffff;
	v37 =	vmul.f32 v26, v12;
	v3 =	vadd.f32 v33, v3  }
0x389: {  	v39 =	vor.u32 $0x2B, v2;
	v38 =	vld.idx.msk [tilespmem:v28+s20+$0x0], $0xffff  }
0x38a: {  	v40 =	vor.u32 $0x2B, v1;
	v13 =	vld.idx.msk [tilespmem:v31+s18+$0x0], $0xffff;
	v41 =	vmul.f32 v30, v7;
	v3 =	vadd.f32 v37, v3  }
0x38b: {  	v43 =	vor.u32 $0x2C, v2;
	v42 =	vld.idx.msk [tilespmem:v32+s20+$0x0], $0xffff  }
0x38c: {  	v44 =	vor.u32 $0x2C, v1;
	v10 =	vld.idx.msk [tilespmem:v35+s18+$0x0], $0xffff;
	v45 =	vmul.f32 v34, v9;
	v3 =	vadd.f32 v41, v3  }
0x38d: {  	v47 =	vor.u32 $0x2D, v2;
	v46 =	vld.idx.msk [tilespmem:v36+s20+$0x0], $0xffff  }
0x38e: {  	v48 =	vor.u32 $0x2D, v1;
	v12 =	vld.idx.msk [tilespmem:v39+s18+$0x0], $0xffff;
	v49 =	vmul.f32 v38, v11;
	v3 =	vadd.f32 v45, v3  }
0x38f: {  	v51 =	vor.u32 $0x2E, v2;
	v50 =	vld.idx.msk [tilespmem:v40+s20+$0x0], $0xffff  }
0x390: {  	v52 =	vor.u32 $0x2E, v1;
	v7 =	vld.idx.msk [tilespmem:v43+s18+$0x0], $0xffff;
	v53 =	vmul.f32 v42, v13;
	v3 =	vadd.f32 v49, v3  }
0x391: {  	v56 =	vor.u32 $0x2F, v1;
	v54 =	vld.idx.msk [tilespmem:v44+s20+$0x0], $0xffff  }
0x392: {  	v55 =	vor.u32 $0x2F, v2;
	v9 =	vld.idx.msk [tilespmem:v47+s18+$0x0], $0xffff;
	v57 =	vmul.f32 v46, v10;
	v3 =	vadd.f32 v53, v3  }
0x393: {  	v60 =	vor.u32 $0x30, v1;
	v58 =	vld.idx.msk [tilespmem:v48+s20+$0x0], $0xffff  }
0x394: {  	v59 =	vor.u32 $0x30, v2;
	v11 =	vld.idx.msk [tilespmem:v51+s18+$0x0], $0xffff;
	v61 =	vmul.f32 v50, v12;
	v3 =	vadd.f32 v57, v3  }
0x395: {  	v20 =	vor.u32 $0x31, v1;
	v62 =	vld.idx.msk [tilespmem:v52+s20+$0x0], $0xffff  }
0x396: {  	v63 =	vor.u32 $0x31, v2;
	v22 =	vld.idx.msk [tilespmem:v56+s20+$0x0], $0xffff;
	v21 =	vmul.f32 v54, v7;
	v3 =	vadd.f32 v61, v3  }
0x397: {  	v24 =	vor.u32 $0x32, v1;
	v13 =	vld.idx.msk [tilespmem:v55+s18+$0x0], $0xffff  }
0x398: {  	v23 =	vor.u32 $0x32, v2;
	v26 =	vld.idx.msk [tilespmem:v60+s20+$0x0], $0xffff;
	v25 =	vmul.f32 v58, v9;
	v3 =	vadd.f32 v21, v3  }
0x399: {  	v28 =	vor.u32 $0x33, v1;
	v10 =	vld.idx.msk [tilespmem:v59+s18+$0x0], $0xffff  }
0x39a: {  	v27 =	vor.u32 $0x33, v2;
	v30 =	vld.idx.msk [tilespmem:v20+s20+$0x0], $0xffff;
	v29 =	vmul.f32 v62, v11;
	v3 =	vadd.f32 v25, v3  }
0x39b: {  	v32 =	vor.u32 $0x34, v1;
	v12 =	vld.idx.msk [tilespmem:v63+s18+$0x0], $0xffff  }
0x39c: {  	v31 =	vor.u32 $0x34, v2;
	v34 =	vld.idx.msk [tilespmem:v24+s20+$0x0], $0xffff;
	v33 =	vmul.f32 v22, v13;
	v3 =	vadd.f32 v29, v3  }
0x39d: {  	v36 =	vor.u32 $0x35, v1;
	v7 =	vld.idx.msk [tilespmem:v23+s18+$0x0], $0xffff  }
0x39e: {  	v35 =	vor.u32 $0x35, v2;
	v38 =	vld.idx.msk [tilespmem:v28+s20+$0x0], $0xffff;
	v37 =	vmul.f32 v26, v10;
	v3 =	vadd.f32 v33, v3  }
0x39f: {  	v40 =	vor.u32 $0x36, v1;
	v9 =	vld.idx.msk [tilespmem:v27+s18+$0x0], $0xffff  }
0x3a0: {  	v39 =	vor.u32 $0x36, v2;
	v42 =	vld.idx.msk [tilespmem:v32+s20+$0x0], $0xffff;
	v41 =	vmul.f32 v30, v12;
	v3 =	vadd.f32 v37, v3  }
0x3a1: {  	v44 =	vor.u32 $0x37, v1;
	v11 =	vld.idx.msk [tilespmem:v31+s18+$0x0], $0xffff  }
0x3a2: {  	v43 =	vor.u32 $0x37, v2;
	v46 =	vld.idx.msk [tilespmem:v36+s20+$0x0], $0xffff;
	v45 =	vmul.f32 v34, v7;
	v3 =	vadd.f32 v41, v3  }
0x3a3: {  	v48 =	vor.u32 $0x38, v1;
	v13 =	vld.idx.msk [tilespmem:v35+s18+$0x0], $0xffff  }
0x3a4: {  	v47 =	vor.u32 $0x38, v2;
	v50 =	vld.idx.msk [tilespmem:v40+s20+$0x0], $0xffff;
	v49 =	vmul.f32 v38, v9;
	v3 =	vadd.f32 v45, v3  }
0x3a5: {  	v52 =	vor.u32 $0x39, v1;
	v10 =	vld.idx.msk [tilespmem:v39+s18+$0x0], $0xffff  }
0x3a6: {  	v51 =	vor.u32 $0x39, v2;
	v54 =	vld.idx.msk [tilespmem:v44+s20+$0x0], $0xffff;
	v53 =	vmul.f32 v42, v11;
	v3 =	vadd.f32 v49, v3  }
0x3a7: {  	v56 =	vor.u32 $0x3A, v1;
	v12 =	vld.idx.msk [tilespmem:v43+s18+$0x0], $0xffff  }
0x3a8: {  	v55 =	vor.u32 $0x3A, v2;
	v58 =	vld.idx.msk [tilespmem:v48+s20+$0x0], $0xffff;
	v57 =	vmul.f32 v46, v13;
	v3 =	vadd.f32 v53, v3  }
0x3a9: {  	v60 =	vor.u32 $0x3B, v1;
	v7 =	vld.idx.msk [tilespmem:v47+s18+$0x0], $0xffff  }
0x3aa: {  	v59 =	vor.u32 $0x3B, v2;
	v62 =	vld.idx.msk [tilespmem:v52+s20+$0x0], $0xffff;
	v61 =	vmul.f32 v50, v10;
	v3 =	vadd.f32 v57, v3  }
0x3ab: {  	v20 =	vor.u32 $0x3C, v1;
	v9 =	vld.idx.msk [tilespmem:v51+s18+$0x0], $0xffff  }
0x3ac: {  	v63 =	vor.u32 $0x3C, v2;
	v22 =	vld.idx.msk [tilespmem:v56+s20+$0x0], $0xffff;
	v21 =	vmul.f32 v54, v12;
	v3 =	vadd.f32 v61, v3  }
0x3ad: {  	v23 =	vor.u32 $0x3D, v2;
	v11 =	vld.idx.msk [tilespmem:v55+s18+$0x0], $0xffff  }
0x3ae: {  	v24 =	vor.u32 $0x3D, v1;
	v26 =	vld.idx.msk [tilespmem:v60+s20+$0x0], $0xffff;
	v25 =	vmul.f32 v58, v7;
	v3 =	vadd.f32 v21, v3  }
0x3af: {  	v28 =	vor.u32 $0x3E, v1;
	v13 =	vld.idx.msk [tilespmem:v59+s18+$0x0], $0xffff  }
0x3b0: {  	v27 =	vor.u32 $0x3E, v2;
	v30 =	vld.idx.msk [tilespmem:v20+s20+$0x0], $0xffff;
	v29 =	vmul.f32 v62, v9;
	v3 =	vadd.f32 v25, v3  }
0x3b1: {  	v1 =	vor.u32 $0x3F, v1;
	v10 =	vld.idx.msk [tilespmem:v63+s18+$0x0], $0xffff  }
0x3b2: {  	v2 =	vor.u32 $0x3F, v2;
	v31 =	vld.idx.msk [tilespmem:v23+s18+$0x0], $0xffff;
	v32 =	vmul.f32 v22, v11;
	v3 =	vadd.f32 v29, v3  }
0x3b3: {  	v33 =	vld.idx.msk [tilespmem:v24+s20+$0x0], $0xffff  }
0x3b4: {  	v35 =	vld.idx.msk [tilespmem:v28+s20+$0x0], $0xffff;
	v34 =	vmul.f32 v26, v13;
	v3 =	vadd.f32 v32, v3  }
0x3b5: {  	v7 =	vld.idx.msk [tilespmem:v27+s18+$0x0], $0xffff  }
0x3b6: {  	v1 =	vld.idx.msk [tilespmem:v1+s20+$0x0], $0xffff;
	v36 =	vmul.f32 v30, v10;
	v3 =	vadd.f32 v34, v3  }
0x3b7: {  	v2 =	vld.idx.msk [tilespmem:v2+s18+$0x0], $0xffff  }
0x3b8: {  	v37 =	vmul.f32 v33, v31;
	v3 =	vadd.f32 v36, v3;
	_ =	sdelay $0x1  }
0x3b9: {  	v38 =	vmul.f32 v35, v7;
	v3 =	vadd.f32 v37, v3;
	_ =	sdelay $0x1  }
0x3ba: {  	v1 =	vmul.f32 v1, v2;
	v3 =	vadd.f32 v38, v3;
	_ =	sdelay $0x1  }
0x3bb: {  	v1 =	vadd.f32 v1, v3;
	_ =	sdelay $0x1  }
0x3bc: {  	v1 =	vsub.f32 $0.0e+00, v1;
	_ =	sdelay $0x1  }
0x3bd: {  	v1 =	vmul.f32 $1.442695020e+00, v1;
	_ =	sdelay $0x1  }
0x3be: {  	(erf) = vpow2.f32 v1;
	_ =	sdelay $0x8  }
0x3bf: {  	v1 =	vpop (erf)  }
0x3c0: {  	v1 =	vadd.f32 $1.000000000e+00, v1;
	_ =	sdelay $0x1  }
0x3c1: {  	(erf) = vrcp.f32 v1;
	_ =	sdelay $0x8  }
0x3c2: {  	s0 =	sadd.s32 $0x10, s0;
	v1 =	vpop (erf)  }
0x3c3: {  	[tilespmem:s0+$0x0] =	vst v1  }
0x3c4: {  	[tilespmem:s18], [sflag:$0x3] =	stream.indirect.gather [hbm4b:s1+s14], $0x80, s28, s14, $0xb8;
	[tilespmem:$0x10A00] =	vst v63  }
0x3c5: {  	_ = 	snop  }
0x3c6: {  	[tilespmem:s20], [sflag:$0x4] =	stream.indirect.gather [hbm4b:s2+s14], $0x80, s29, s14, $0xb8;
	[tilespmem:$0x10A00] =	vst v63  }
0x3c7: {  	_ =	swait.ge [sflag:s21], $0x4000  }
0x3c8: {  	[sflag:s21] =	ssyncset.done $0x0  }
0x3c9: {  	[sflag:s21] =	ssyncadd.s32 $0xFFFFC000  }
0x3ca: {  	_ =	swait.ge [sflag:s22], $0x4000  }
0x3cb: {  	[sflag:s22] =	ssyncset.done $0x0  }
0x3cc: {  	s19 =	simm.s32 $0x100;
	[sflag:s22] =	ssyncadd.s32 $0xFFFFC000  }
0x3cd: {  	s3 =	simm.s32 $0x300;
	v1 =	vld [tilespmem:s19+$0x0]  }
0x3ce: {  	v2 =	vld [tilespmem:s3+$0x0];
	_ =	sdelay $0x1  }
0x3cf: {  	s23 =	simm.s32 $0x0  }
0x3d0: {  	v3 =	vmov s23  }
0x3d1: {  	v3 =	vshll.u32 v3, $0x7;
	v1 =	vshll.u32 v1, $0x6  }
0x3d2: {  	v3 =	vor.u32 v0, v3;
	v2 =	vshll.u32 v2, $0x6;
	v1 =	vand.u32 $0x40, v1  }
0x3d3: {  	v39 =	vand.u32 $0x40, v2;
	v2 =	vor.u32 v3, v1  }
0x3d4: {  	v1 =	vor.u32 v3, v39  }
0x3d5: {  	v3 =	vor.u32 $0x1, v2  }
0x3d6: {  	v4 =	vor.u32 $0x1, v1  }
0x3d7: {  	v40 =	vor.u32 $0x2, v2  }
0x3d8: {  	v42 =	vor.u32 $0x2, v1;
	v41 =	vld.idx.msk [tilespmem:v2+s15+$0x0], $0xffff  }
0x3d9: {  	v44 =	vor.u32 $0x3, v2;
	v43 =	vld.idx.msk [tilespmem:v1+s16+$0x0], $0xffff  }
0x3da: {  	v45 =	vor.u32 $0x3, v1;
	v3 =	vld.idx.msk [tilespmem:v3+s15+$0x0], $0xffff  }
0x3db: {  	v46 =	vor.u32 $0x4, v2;
	v4 =	vld.idx.msk [tilespmem:v4+s16+$0x0], $0xffff  }
0x3dc: {  	v47 =	vor.u32 $0x4, v1;
	v5 =	vld.idx.msk [tilespmem:v40+s15+$0x0], $0xffff  }
0x3dd: {  	v48 =	vor.u32 $0x5, v2;
	v7 =	vld.idx.msk [tilespmem:v42+s16+$0x0], $0xffff  }
0x3de: {  	v49 =	vor.u32 $0x5, v1;
	v9 =	vld.idx.msk [tilespmem:v44+s15+$0x0], $0xffff;
	v6 =	vmul.f32 v43, v41  }
0x3df: {  	v51 =	vor.u32 $0x6, v2;
	v50 =	vld.idx.msk [tilespmem:v45+s16+$0x0], $0xffff  }
0x3e0: {  	v52 =	vor.u32 $0x6, v1;
	v11 =	vld.idx.msk [tilespmem:v46+s15+$0x0], $0xffff;
	v3 =	vmul.f32 v4, v3;
	v6 =	vadd.f32 $0.0e+00, v6  }
0x3e1: {  	v54 =	vor.u32 $0x7, v2;
	v53 =	vld.idx.msk [tilespmem:v47+s16+$0x0], $0xffff  }
0x3e2: {  	v55 =	vor.u32 $0x7, v1;
	v13 =	vld.idx.msk [tilespmem:v48+s15+$0x0], $0xffff;
	v5 =	vmul.f32 v7, v5;
	v3 =	vadd.f32 v3, v6  }
0x3e3: {  	v58 =	vor.u32 $0x8, v1;
	v56 =	vld.idx.msk [tilespmem:v49+s16+$0x0], $0xffff  }
0x3e4: {  	v57 =	vor.u32 $0x8, v2;
	v10 =	vld.idx.msk [tilespmem:v51+s15+$0x0], $0xffff;
	v59 =	vmul.f32 v50, v9;
	v3 =	vadd.f32 v5, v3  }
0x3e5: {  	v62 =	vor.u32 $0x9, v1;
	v60 =	vld.idx.msk [tilespmem:v52+s16+$0x0], $0xffff  }
0x3e6: {  	v61 =	vor.u32 $0x9, v2;
	v12 =	vld.idx.msk [tilespmem:v54+s15+$0x0], $0xffff;
	v4 =	vmul.f32 v53, v11;
	v3 =	vadd.f32 v59, v3  }
0x3e7: {  	v21 =	vor.u32 $0xA, v1;
	v63 =	vld.idx.msk [tilespmem:v55+s16+$0x0], $0xffff  }
0x3e8: {  	v20 =	vor.u32 $0xA, v2;
	v23 =	vld.idx.msk [tilespmem:v58+s16+$0x0], $0xffff;
	v22 =	vmul.f32 v56, v13;
	v3 =	vadd.f32 v4, v3  }
0x3e9: {  	v25 =	vor.u32 $0xB, v1;
	v7 =	vld.idx.msk [tilespmem:v57+s15+$0x0], $0xffff  }
0x3ea: {  	v24 =	vor.u32 $0xB, v2;
	v27 =	vld.idx.msk [tilespmem:v62+s16+$0x0], $0xffff;
	v26 =	vmul.f32 v60, v10;
	v3 =	vadd.f32 v22, v3  }
0x3eb: {  	v29 =	vor.u32 $0xC, v1;
	v9 =	vld.idx.msk [tilespmem:v61+s15+$0x0], $0xffff  }
0x3ec: {  	v28 =	vor.u32 $0xC, v2;
	v31 =	vld.idx.msk [tilespmem:v21+s16+$0x0], $0xffff;
	v30 =	vmul.f32 v63, v12;
	v3 =	vadd.f32 v26, v3  }
0x3ed: {  	v33 =	vor.u32 $0xD, v1;
	v11 =	vld.idx.msk [tilespmem:v20+s15+$0x0], $0xffff  }
0x3ee: {  	v32 =	vor.u32 $0xD, v2;
	v35 =	vld.idx.msk [tilespmem:v25+s16+$0x0], $0xffff;
	v34 =	vmul.f32 v23, v7;
	v3 =	vadd.f32 v30, v3  }
0x3ef: {  	v37 =	vor.u32 $0xE, v1;
	v13 =	vld.idx.msk [tilespmem:v24+s15+$0x0], $0xffff  }
0x3f0: {  	v36 =	vor.u32 $0xE, v2;
	v39 =	vld.idx.msk [tilespmem:v29+s16+$0x0], $0xffff;
	v38 =	vmul.f32 v27, v9;
	v3 =	vadd.f32 v34, v3  }
0x3f1: {  	v41 =	vor.u32 $0xF, v1;
	v10 =	vld.idx.msk [tilespmem:v28+s15+$0x0], $0xffff  }
0x3f2: {  	v40 =	vor.u32 $0xF, v2;
	v43 =	vld.idx.msk [tilespmem:v33+s16+$0x0], $0xffff;
	v42 =	vmul.f32 v31, v11;
	v3 =	vadd.f32 v38, v3  }
0x3f3: {  	v45 =	vor.u32 $0x10, v1;
	v12 =	vld.idx.msk [tilespmem:v32+s15+$0x0], $0xffff  }
0x3f4: {  	v44 =	vor.u32 $0x10, v2;
	v47 =	vld.idx.msk [tilespmem:v37+s16+$0x0], $0xffff;
	v46 =	vmul.f32 v35, v13;
	v3 =	vadd.f32 v42, v3  }
0x3f5: {  	v48 =	vor.u32 $0x11, v2;
	v7 =	vld.idx.msk [tilespmem:v36+s15+$0x0], $0xffff  }
0x3f6: {  	v49 =	vor.u32 $0x11, v1;
	v51 =	vld.idx.msk [tilespmem:v41+s16+$0x0], $0xffff;
	v50 =	vmul.f32 v39, v10;
	v3 =	vadd.f32 v46, v3  }
0x3f7: {  	v52 =	vor.u32 $0x12, v2;
	v9 =	vld.idx.msk [tilespmem:v40+s15+$0x0], $0xffff  }
0x3f8: {  	v53 =	vor.u32 $0x12, v1;
	v55 =	vld.idx.msk [tilespmem:v45+s16+$0x0], $0xffff;
	v54 =	vmul.f32 v43, v12;
	v3 =	vadd.f32 v50, v3  }
0x3f9: {  	v56 =	vor.u32 $0x13, v2;
	v11 =	vld.idx.msk [tilespmem:v44+s15+$0x0], $0xffff  }
0x3fa: {  	v57 =	vor.u32 $0x13, v1;
	v13 =	vld.idx.msk [tilespmem:v48+s15+$0x0], $0xffff;
	v58 =	vmul.f32 v47, v7;
	v3 =	vadd.f32 v54, v3  }
0x3fb: {  	v61 =	vor.u32 $0x14, v1;
	v59 =	vld.idx.msk [tilespmem:v49+s16+$0x0], $0xffff  }
0x3fc: {  	v60 =	vor.u32 $0x14, v2;
	v10 =	vld.idx.msk [tilespmem:v52+s15+$0x0], $0xffff;
	v62 =	vmul.f32 v51, v9;
	v3 =	vadd.f32 v58, v3  }
0x3fd: {  	v21 =	vor.u32 $0x15, v1;
	v63 =	vld.idx.msk [tilespmem:v53+s16+$0x0], $0xffff  }
0x3fe: {  	v20 =	vor.u32 $0x15, v2;
	v12 =	vld.idx.msk [tilespmem:v56+s15+$0x0], $0xffff;
	v22 =	vmul.f32 v55, v11;
	v3 =	vadd.f32 v62, v3  }
0x3ff: {  	v25 =	vor.u32 $0x16, v1;
	v23 =	vld.idx.msk [tilespmem:v57+s16+$0x0], $0xffff  }
0x400: {  	v24 =	vor.u32 $0x16, v2;
	v27 =	vld.idx.msk [tilespmem:v61+s16+$0x0], $0xffff;
	v26 =	vmul.f32 v59, v13;
	v3 =	vadd.f32 v22, v3  }
0x401: {  	v29 =	vor.u32 $0x17, v1;
	v7 =	vld.idx.msk [tilespmem:v60+s15+$0x0], $0xffff  }
0x402: {  	v28 =	vor.u32 $0x17, v2;
	v31 =	vld.idx.msk [tilespmem:v21+s16+$0x0], $0xffff;
	v30 =	vmul.f32 v63, v10;
	v3 =	vadd.f32 v26, v3  }
0x403: {  	v33 =	vor.u32 $0x18, v1;
	v9 =	vld.idx.msk [tilespmem:v20+s15+$0x0], $0xffff  }
0x404: {  	v32 =	vor.u32 $0x18, v2;
	v35 =	vld.idx.msk [tilespmem:v25+s16+$0x0], $0xffff;
	v34 =	vmul.f32 v23, v12;
	v3 =	vadd.f32 v30, v3  }
0x405: {  	v37 =	vor.u32 $0x19, v1;
	v11 =	vld.idx.msk [tilespmem:v24+s15+$0x0], $0xffff  }
0x406: {  	v36 =	vor.u32 $0x19, v2;
	v39 =	vld.idx.msk [tilespmem:v29+s16+$0x0], $0xffff;
	v38 =	vmul.f32 v27, v7;
	v3 =	vadd.f32 v34, v3  }
0x407: {  	v41 =	vor.u32 $0x1A, v1;
	v13 =	vld.idx.msk [tilespmem:v28+s15+$0x0], $0xffff  }
0x408: {  	v40 =	vor.u32 $0x1A, v2;
	v43 =	vld.idx.msk [tilespmem:v33+s16+$0x0], $0xffff;
	v42 =	vmul.f32 v31, v9;
	v3 =	vadd.f32 v38, v3  }
0x409: {  	v45 =	vor.u32 $0x1B, v1;
	v10 =	vld.idx.msk [tilespmem:v32+s15+$0x0], $0xffff  }
0x40a: {  	v44 =	vor.u32 $0x1B, v2;
	v47 =	vld.idx.msk [tilespmem:v37+s16+$0x0], $0xffff;
	v46 =	vmul.f32 v35, v11;
	v3 =	vadd.f32 v42, v3  }
0x40b: {  	v49 =	vor.u32 $0x1C, v1;
	v12 =	vld.idx.msk [tilespmem:v36+s15+$0x0], $0xffff  }
0x40c: {  	v48 =	vor.u32 $0x1C, v2;
	v51 =	vld.idx.msk [tilespmem:v41+s16+$0x0], $0xffff;
	v50 =	vmul.f32 v39, v13;
	v3 =	vadd.f32 v46, v3  }
0x40d: {  	v53 =	vor.u32 $0x1D, v1;
	v7 =	vld.idx.msk [tilespmem:v40+s15+$0x0], $0xffff  }
0x40e: {  	v52 =	vor.u32 $0x1D, v2;
	v55 =	vld.idx.msk [tilespmem:v45+s16+$0x0], $0xffff;
	v54 =	vmul.f32 v43, v10;
	v3 =	vadd.f32 v50, v3  }
0x40f: {  	v57 =	vor.u32 $0x1E, v1;
	v9 =	vld.idx.msk [tilespmem:v44+s15+$0x0], $0xffff  }
0x410: {  	v56 =	vor.u32 $0x1E, v2;
	v59 =	vld.idx.msk [tilespmem:v49+s16+$0x0], $0xffff;
	v58 =	vmul.f32 v47, v12;
	v3 =	vadd.f32 v54, v3  }
0x411: {  	v61 =	vor.u32 $0x1F, v1;
	v11 =	vld.idx.msk [tilespmem:v48+s15+$0x0], $0xffff  }
0x412: {  	v60 =	vor.u32 $0x1F, v2;
	v63 =	vld.idx.msk [tilespmem:v53+s16+$0x0], $0xffff;
	v62 =	vmul.f32 v51, v7;
	v3 =	vadd.f32 v58, v3  }
0x413: {  	v21 =	vor.u32 $0x20, v1;
	v13 =	vld.idx.msk [tilespmem:v52+s15+$0x0], $0xffff  }
0x414: {  	v20 =	vor.u32 $0x20, v2;
	v23 =	vld.idx.msk [tilespmem:v57+s16+$0x0], $0xffff;
	v22 =	vmul.f32 v55, v9;
	v3 =	vadd.f32 v62, v3  }
0x415: {  	v25 =	vor.u32 $0x21, v1;
	v10 =	vld.idx.msk [tilespmem:v56+s15+$0x0], $0xffff  }
0x416: {  	v24 =	vor.u32 $0x21, v2;
	v27 =	vld.idx.msk [tilespmem:v61+s16+$0x0], $0xffff;
	v26 =	vmul.f32 v59, v11;
	v3 =	vadd.f32 v22, v3  }
0x417: {  	v29 =	vor.u32 $0x22, v1;
	v12 =	vld.idx.msk [tilespmem:v60+s15+$0x0], $0xffff  }
0x418: {  	v28 =	vor.u32 $0x22, v2;
	v31 =	vld.idx.msk [tilespmem:v21+s16+$0x0], $0xffff;
	v30 =	vmul.f32 v63, v13;
	v3 =	vadd.f32 v26, v3  }
0x419: {  	v33 =	vor.u32 $0x23, v1;
	v7 =	vld.idx.msk [tilespmem:v20+s15+$0x0], $0xffff  }
0x41a: {  	v32 =	vor.u32 $0x23, v2;
	v35 =	vld.idx.msk [tilespmem:v25+s16+$0x0], $0xffff;
	v34 =	vmul.f32 v23, v10;
	v3 =	vadd.f32 v30, v3  }
0x41b: {  	v37 =	vor.u32 $0x24, v1;
	v9 =	vld.idx.msk [tilespmem:v24+s15+$0x0], $0xffff  }
0x41c: {  	v36 =	vor.u32 $0x24, v2;
	v39 =	vld.idx.msk [tilespmem:v29+s16+$0x0], $0xffff;
	v38 =	vmul.f32 v27, v12;
	v3 =	vadd.f32 v34, v3  }
0x41d: {  	v41 =	vor.u32 $0x25, v1;
	v11 =	vld.idx.msk [tilespmem:v28+s15+$0x0], $0xffff  }
0x41e: {  	v40 =	vor.u32 $0x25, v2;
	v43 =	vld.idx.msk [tilespmem:v33+s16+$0x0], $0xffff;
	v42 =	vmul.f32 v31, v7;
	v3 =	vadd.f32 v38, v3  }
0x41f: {  	v45 =	vor.u32 $0x26, v1;
	v13 =	vld.idx.msk [tilespmem:v32+s15+$0x0], $0xffff  }
0x420: {  	v44 =	vor.u32 $0x26, v2;
	v47 =	vld.idx.msk [tilespmem:v37+s16+$0x0], $0xffff;
	v46 =	vmul.f32 v35, v9;
	v3 =	vadd.f32 v42, v3  }
0x421: {  	v49 =	vor.u32 $0x27, v1;
	v10 =	vld.idx.msk [tilespmem:v36+s15+$0x0], $0xffff  }
0x422: {  	v48 =	vor.u32 $0x27, v2;
	v51 =	vld.idx.msk [tilespmem:v41+s16+$0x0], $0xffff;
	v50 =	vmul.f32 v39, v11;
	v3 =	vadd.f32 v46, v3  }
0x423: {  	v53 =	vor.u32 $0x28, v1;
	v12 =	vld.idx.msk [tilespmem:v40+s15+$0x0], $0xffff  }
0x424: {  	v52 =	vor.u32 $0x28, v2;
	v55 =	vld.idx.msk [tilespmem:v45+s16+$0x0], $0xffff;
	v54 =	vmul.f32 v43, v13;
	v3 =	vadd.f32 v50, v3  }
0x425: {  	v57 =	vor.u32 $0x29, v1;
	v7 =	vld.idx.msk [tilespmem:v44+s15+$0x0], $0xffff  }
0x426: {  	v56 =	vor.u32 $0x29, v2;
	v59 =	vld.idx.msk [tilespmem:v49+s16+$0x0], $0xffff;
	v58 =	vmul.f32 v47, v10;
	v3 =	vadd.f32 v54, v3  }
0x427: {  	v61 =	vor.u32 $0x2A, v1;
	v9 =	vld.idx.msk [tilespmem:v48+s15+$0x0], $0xffff  }
0x428: {  	v60 =	vor.u32 $0x2A, v2;
	v63 =	vld.idx.msk [tilespmem:v53+s16+$0x0], $0xffff;
	v62 =	vmul.f32 v51, v12;
	v3 =	vadd.f32 v58, v3  }
0x429: {  	v21 =	vor.u32 $0x2B, v1;
	v11 =	vld.idx.msk [tilespmem:v52+s15+$0x0], $0xffff  }
0x42a: {  	v20 =	vor.u32 $0x2B, v2;
	v23 =	vld.idx.msk [tilespmem:v57+s16+$0x0], $0xffff;
	v22 =	vmul.f32 v55, v7;
	v3 =	vadd.f32 v62, v3  }
0x42b: {  	v25 =	vor.u32 $0x2C, v1;
	v13 =	vld.idx.msk [tilespmem:v56+s15+$0x0], $0xffff  }
0x42c: {  	v24 =	vor.u32 $0x2C, v2;
	v27 =	vld.idx.msk [tilespmem:v61+s16+$0x0], $0xffff;
	v26 =	vmul.f32 v59, v9;
	v3 =	vadd.f32 v22, v3  }
0x42d: {  	v29 =	vor.u32 $0x2D, v1;
	v10 =	vld.idx.msk [tilespmem:v60+s15+$0x0], $0xffff  }
0x42e: {  	v28 =	vor.u32 $0x2D, v2;
	v31 =	vld.idx.msk [tilespmem:v21+s16+$0x0], $0xffff;
	v30 =	vmul.f32 v63, v11;
	v3 =	vadd.f32 v26, v3  }
0x42f: {  	v33 =	vor.u32 $0x2E, v1;
	v12 =	vld.idx.msk [tilespmem:v20+s15+$0x0], $0xffff  }
0x430: {  	v32 =	vor.u32 $0x2E, v2;
	v35 =	vld.idx.msk [tilespmem:v25+s16+$0x0], $0xffff;
	v34 =	vmul.f32 v23, v13;
	v3 =	vadd.f32 v30, v3  }
0x431: {  	v37 =	vor.u32 $0x2F, v1;
	v7 =	vld.idx.msk [tilespmem:v24+s15+$0x0], $0xffff  }
0x432: {  	v36 =	vor.u32 $0x2F, v2;
	v39 =	vld.idx.msk [tilespmem:v29+s16+$0x0], $0xffff;
	v38 =	vmul.f32 v27, v10;
	v3 =	vadd.f32 v34, v3  }
0x433: {  	v41 =	vor.u32 $0x30, v1;
	v9 =	vld.idx.msk [tilespmem:v28+s15+$0x0], $0xffff  }
0x434: {  	v40 =	vor.u32 $0x30, v2;
	v43 =	vld.idx.msk [tilespmem:v33+s16+$0x0], $0xffff;
	v42 =	vmul.f32 v31, v12;
	v3 =	vadd.f32 v38, v3  }
0x435: {  	v45 =	vor.u32 $0x31, v1;
	v11 =	vld.idx.msk [tilespmem:v32+s15+$0x0], $0xffff  }
0x436: {  	v44 =	vor.u32 $0x31, v2;
	v47 =	vld.idx.msk [tilespmem:v37+s16+$0x0], $0xffff;
	v46 =	vmul.f32 v35, v7;
	v3 =	vadd.f32 v42, v3  }
0x437: {  	v49 =	vor.u32 $0x32, v1;
	v13 =	vld.idx.msk [tilespmem:v36+s15+$0x0], $0xffff  }
0x438: {  	v48 =	vor.u32 $0x32, v2;
	v51 =	vld.idx.msk [tilespmem:v41+s16+$0x0], $0xffff;
	v50 =	vmul.f32 v39, v9;
	v3 =	vadd.f32 v46, v3  }
0x439: {  	v53 =	vor.u32 $0x33, v1;
	v10 =	vld.idx.msk [tilespmem:v40+s15+$0x0], $0xffff  }
0x43a: {  	v52 =	vor.u32 $0x33, v2;
	v55 =	vld.idx.msk [tilespmem:v45+s16+$0x0], $0xffff;
	v54 =	vmul.f32 v43, v11;
	v3 =	vadd.f32 v50, v3  }
0x43b: {  	v57 =	vor.u32 $0x34, v1;
	v12 =	vld.idx.msk [tilespmem:v44+s15+$0x0], $0xffff  }
0x43c: {  	v56 =	vor.u32 $0x34, v2;
	v59 =	vld.idx.msk [tilespmem:v49+s16+$0x0], $0xffff;
	v58 =	vmul.f32 v47, v13;
	v3 =	vadd.f32 v54, v3  }
0x43d: {  	v61 =	vor.u32 $0x35, v1;
	v7 =	vld.idx.msk [tilespmem:v48+s15+$0x0], $0xffff  }
0x43e: {  	v60 =	vor.u32 $0x35, v2;
	v63 =	vld.idx.msk [tilespmem:v53+s16+$0x0], $0xffff;
	v62 =	vmul.f32 v51, v10;
	v3 =	vadd.f32 v58, v3  }
0x43f: {  	v21 =	vor.u32 $0x36, v1;
	v9 =	vld.idx.msk [tilespmem:v52+s15+$0x0], $0xffff  }
0x440: {  	v20 =	vor.u32 $0x36, v2;
	v23 =	vld.idx.msk [tilespmem:v57+s16+$0x0], $0xffff;
	v22 =	vmul.f32 v55, v12;
	v3 =	vadd.f32 v62, v3  }
0x441: {  	v25 =	vor.u32 $0x37, v1;
	v11 =	vld.idx.msk [tilespmem:v56+s15+$0x0], $0xffff  }
0x442: {  	v24 =	vor.u32 $0x37, v2;
	v27 =	vld.idx.msk [tilespmem:v61+s16+$0x0], $0xffff;
	v26 =	vmul.f32 v59, v7;
	v3 =	vadd.f32 v22, v3  }
0x443: {  	v29 =	vor.u32 $0x38, v1;
	v13 =	vld.idx.msk [tilespmem:v60+s15+$0x0], $0xffff  }
0x444: {  	v28 =	vor.u32 $0x38, v2;
	v31 =	vld.idx.msk [tilespmem:v21+s16+$0x0], $0xffff;
	v30 =	vmul.f32 v63, v9;
	v3 =	vadd.f32 v26, v3  }
0x445: {  	v33 =	vor.u32 $0x39, v1;
	v10 =	vld.idx.msk [tilespmem:v20+s15+$0x0], $0xffff  }
0x446: {  	v32 =	vor.u32 $0x39, v2;
	v35 =	vld.idx.msk [tilespmem:v25+s16+$0x0], $0xffff;
	v34 =	vmul.f32 v23, v11;
	v3 =	vadd.f32 v30, v3  }
0x447: {  	v37 =	vor.u32 $0x3A, v1;
	v12 =	vld.idx.msk [tilespmem:v24+s15+$0x0], $0xffff  }
0x448: {  	v36 =	vor.u32 $0x3A, v2;
	v39 =	vld.idx.msk [tilespmem:v29+s16+$0x0], $0xffff;
	v38 =	vmul.f32 v27, v13;
	v3 =	vadd.f32 v34, v3  }
0x449: {  	v41 =	vor.u32 $0x3B, v1;
	v7 =	vld.idx.msk [tilespmem:v28+s15+$0x0], $0xffff  }
0x44a: {  	v40 =	vor.u32 $0x3B, v2;
	v43 =	vld.idx.msk [tilespmem:v33+s16+$0x0], $0xffff;
	v42 =	vmul.f32 v31, v10;
	v3 =	vadd.f32 v38, v3  }
0x44b: {  	v45 =	vor.u32 $0x3C, v1;
	v9 =	vld.idx.msk [tilespmem:v32+s15+$0x0], $0xffff  }
0x44c: {  	v44 =	vor.u32 $0x3C, v2;
	v47 =	vld.idx.msk [tilespmem:v37+s16+$0x0], $0xffff;
	v46 =	vmul.f32 v35, v12;
	v3 =	vadd.f32 v42, v3  }
0x44d: {  	v48 =	vor.u32 $0x3D, v2;
	v11 =	vld.idx.msk [tilespmem:v36+s15+$0x0], $0xffff  }
0x44e: {  	v49 =	vor.u32 $0x3D, v1;
	v51 =	vld.idx.msk [tilespmem:v41+s16+$0x0], $0xffff;
	v50 =	vmul.f32 v39, v7;
	v3 =	vadd.f32 v46, v3  }
0x44f: {  	v53 =	vor.u32 $0x3E, v1;
	v13 =	vld.idx.msk [tilespmem:v40+s15+$0x0], $0xffff  }
0x450: {  	v52 =	vor.u32 $0x3E, v2;
	v55 =	vld.idx.msk [tilespmem:v45+s16+$0x0], $0xffff;
	v54 =	vmul.f32 v43, v9;
	v3 =	vadd.f32 v50, v3  }
0x451: {  	v1 =	vor.u32 $0x3F, v1;
	v10 =	vld.idx.msk [tilespmem:v44+s15+$0x0], $0xffff  }
0x452: {  	v2 =	vor.u32 $0x3F, v2;
	v56 =	vld.idx.msk [tilespmem:v48+s15+$0x0], $0xffff;
	v57 =	vmul.f32 v47, v11;
	v3 =	vadd.f32 v54, v3  }
0x453: {  	v58 =	vld.idx.msk [tilespmem:v49+s16+$0x0], $0xffff  }
0x454: {  	v60 =	vld.idx.msk [tilespmem:v53+s16+$0x0], $0xffff;
	v59 =	vmul.f32 v51, v13;
	v3 =	vadd.f32 v57, v3  }
0x455: {  	v7 =	vld.idx.msk [tilespmem:v52+s15+$0x0], $0xffff  }
0x456: {  	v1 =	vld.idx.msk [tilespmem:v1+s16+$0x0], $0xffff;
	v61 =	vmul.f32 v55, v10;
	v3 =	vadd.f32 v59, v3  }
0x457: {  	v2 =	vld.idx.msk [tilespmem:v2+s15+$0x0], $0xffff  }
0x458: {  	v62 =	vmul.f32 v58, v56;
	v3 =	vadd.f32 v61, v3;
	_ =	sdelay $0x1  }
0x459: {  	v63 =	vmul.f32 v60, v7;
	v3 =	vadd.f32 v62, v3;
	_ =	sdelay $0x1  }
0x45a: {  	v1 =	vmul.f32 v1, v2;
	v3 =	vadd.f32 v63, v3;
	_ =	sdelay $0x1  }
0x45b: {  	v1 =	vadd.f32 v1, v3;
	_ =	sdelay $0x1  }
0x45c: {  	v1 =	vsub.f32 $0.0e+00, v1;
	_ =	sdelay $0x1  }
0x45d: {  	v1 =	vmul.f32 $1.442695020e+00, v1;
	_ =	sdelay $0x1  }
0x45e: {  	(erf) = vpow2.f32 v1;
	_ =	sdelay $0x8  }
0x45f: {  	v1 =	vpop (erf)  }
0x460: {  	v1 =	vadd.f32 $1.000000000e+00, v1;
	_ =	sdelay $0x1  }
0x461: {  	(erf) = vrcp.f32 v1;
	_ =	sdelay $0x8  }
0x462: {  	s0 =	simm.s32 $0x10900;
	v1 =	vpop (erf)  }
0x463: {  	s3 =	simm.s32 $0x110;
	[tilespmem:s0+$0x0] =	vst v1  }
0x464: {  	s17 =	simm.s32 $0x310;
	v1 =	vld [tilespmem:s3+$0x0]  }
0x465: {  	s23 =	simm.s32 $0x20;
	s19 =	simm.s32 $0x10;
	v2 =	vld [tilespmem:s17+$0x0]  }
.LBB2_6:
0x466: {  	p0 =	sne.s32 s23, $0x70;
	_ =	sdelay $0x1  }
0x467: {  	v3 =	vmov s19;
	s19 =	smov.u32 s23  }
0x468: {  	v3 =	vshll.u32 v3, $0x7;
	v1 =	vshll.u32 v1, $0x6  }
0x469: {  	v3 =	vor.u32 v0, v3;
	v1 =	vand.u32 $0x40, v1;
	v2 =	vshll.u32 v2, $0x6  }
0x46a: {  	v4 =	vand.u32 $0x40, v2;
	v2 =	vor.u32 v3, v1  }
0x46b: {  	v1 =	vor.u32 v3, v4  }
0x46c: {  	v3 =	vor.u32 $0x1, v2  }
0x46d: {  	v4 =	vor.u32 $0x1, v1  }
0x46e: {  	v5 =	vor.u32 $0x2, v2  }
0x46f: {  	v7 =	vor.u32 $0x2, v1;
	v6 =	vld.idx.msk [tilespmem:v2+s15+$0x0], $0xffff  }
0x470: {  	v9 =	vor.u32 $0x3, v2;
	v8 =	vld.idx.msk [tilespmem:v1+s16+$0x0], $0xffff  }
0x471: {  	v10 =	vor.u32 $0x3, v1;
	v3 =	vld.idx.msk [tilespmem:v3+s15+$0x0], $0xffff  }
0x472: {  	v11 =	vor.u32 $0x4, v2;
	v4 =	vld.idx.msk [tilespmem:v4+s16+$0x0], $0xffff  }
0x473: {  	v12 =	vor.u32 $0x4, v1;
	v5 =	vld.idx.msk [tilespmem:v5+s15+$0x0], $0xffff  }
0x474: {  	v13 =	vor.u32 $0x5, v2;
	v7 =	vld.idx.msk [tilespmem:v7+s16+$0x0], $0xffff  }
0x475: {  	v14 =	vor.u32 $0x5, v1;
	v9 =	vld.idx.msk [tilespmem:v9+s15+$0x0], $0xffff  }
0x476: {  	v6 =	vmul.f32 v8, v6;
	v8 =	vld.idx.msk [tilespmem:v10+s16+$0x0], $0xffff;
	v10 =	vor.u32 $0x6, v2  }
0x477: {  	v15 =	vor.u32 $0x6, v1;
	v11 =	vld.idx.msk [tilespmem:v11+s15+$0x0], $0xffff  }
0x478: {  	v6 =	vadd.f32 $0.0e+00, v6;
	v3 =	vmul.f32 v4, v3;
	v4 =	vld.idx.msk [tilespmem:v12+s16+$0x0], $0xffff;
	v12 =	vor.u32 $0x7, v2  }
0x479: {  	v16 =	vor.u32 $0x7, v1;
	v13 =	vld.idx.msk [tilespmem:v13+s15+$0x0], $0xffff  }
0x47a: {  	v3 =	vadd.f32 v3, v6;
	v5 =	vmul.f32 v7, v5;
	v7 =	vor.u32 $0x8, v2;
	v6 =	vld.idx.msk [tilespmem:v14+s16+$0x0], $0xffff  }
0x47b: {  	v14 =	vor.u32 $0x8, v1;
	v10 =	vld.idx.msk [tilespmem:v10+s15+$0x0], $0xffff  }
0x47c: {  	v3 =	vadd.f32 v5, v3;
	v5 =	vmul.f32 v8, v9;
	v9 =	vor.u32 $0x9, v2;
	v8 =	vld.idx.msk [tilespmem:v15+s16+$0x0], $0xffff  }
0x47d: {  	v15 =	vor.u32 $0x9, v1;
	v12 =	vld.idx.msk [tilespmem:v12+s15+$0x0], $0xffff  }
0x47e: {  	v3 =	vadd.f32 v5, v3;
	v4 =	vmul.f32 v4, v11;
	v11 =	vor.u32 $0xA, v2;
	v5 =	vld.idx.msk [tilespmem:v16+s16+$0x0], $0xffff  }
0x47f: {  	v16 =	vor.u32 $0xA, v1;
	v7 =	vld.idx.msk [tilespmem:v7+s15+$0x0], $0xffff  }
0x480: {  	v3 =	vadd.f32 v4, v3;
	v4 =	vmul.f32 v6, v13;
	v13 =	vor.u32 $0xB, v2;
	v6 =	vld.idx.msk [tilespmem:v14+s16+$0x0], $0xffff  }
0x481: {  	v14 =	vor.u32 $0xB, v1;
	v9 =	vld.idx.msk [tilespmem:v9+s15+$0x0], $0xffff  }
0x482: {  	v3 =	vadd.f32 v4, v3;
	v4 =	vmul.f32 v8, v10;
	v10 =	vor.u32 $0xC, v2;
	v8 =	vld.idx.msk [tilespmem:v15+s16+$0x0], $0xffff  }
0x483: {  	v15 =	vor.u32 $0xC, v1;
	v11 =	vld.idx.msk [tilespmem:v11+s15+$0x0], $0xffff  }
0x484: {  	v3 =	vadd.f32 v4, v3;
	v4 =	vmul.f32 v5, v12;
	v12 =	vor.u32 $0xD, v2;
	v5 =	vld.idx.msk [tilespmem:v16+s16+$0x0], $0xffff  }
0x485: {  	v16 =	vor.u32 $0xD, v1;
	v13 =	vld.idx.msk [tilespmem:v13+s15+$0x0], $0xffff  }
0x486: {  	v3 =	vadd.f32 v4, v3;
	v4 =	vmul.f32 v6, v7;
	v7 =	vor.u32 $0xE, v2;
	v6 =	vld.idx.msk [tilespmem:v14+s16+$0x0], $0xffff  }
0x487: {  	v14 =	vor.u32 $0xE, v1;
	v10 =	vld.idx.msk [tilespmem:v10+s15+$0x0], $0xffff  }
0x488: {  	v3 =	vadd.f32 v4, v3;
	v4 =	vmul.f32 v8, v9;
	v9 =	vor.u32 $0xF, v2;
	v8 =	vld.idx.msk [tilespmem:v15+s16+$0x0], $0xffff  }
0x489: {  	v15 =	vor.u32 $0xF, v1;
	v12 =	vld.idx.msk [tilespmem:v12+s15+$0x0], $0xffff  }
0x48a: {  	v3 =	vadd.f32 v4, v3;
	v4 =	vmul.f32 v5, v11;
	v11 =	vor.u32 $0x10, v2;
	v5 =	vld.idx.msk [tilespmem:v16+s16+$0x0], $0xffff  }
0x48b: {  	v16 =	vor.u32 $0x10, v1;
	v7 =	vld.idx.msk [tilespmem:v7+s15+$0x0], $0xffff  }
0x48c: {  	v3 =	vadd.f32 v4, v3;
	v4 =	vmul.f32 v6, v13;
	v13 =	vor.u32 $0x11, v2;
	v6 =	vld.idx.msk [tilespmem:v14+s16+$0x0], $0xffff  }
0x48d: {  	v14 =	vor.u32 $0x11, v1;
	v9 =	vld.idx.msk [tilespmem:v9+s15+$0x0], $0xffff  }
0x48e: {  	v3 =	vadd.f32 v4, v3;
	v4 =	vmul.f32 v8, v10;
	v10 =	vor.u32 $0x12, v2;
	v8 =	vld.idx.msk [tilespmem:v15+s16+$0x0], $0xffff  }
0x48f: {  	v15 =	vor.u32 $0x12, v1;
	v11 =	vld.idx.msk [tilespmem:v11+s15+$0x0], $0xffff  }
0x490: {  	v3 =	vadd.f32 v4, v3;
	v4 =	vmul.f32 v5, v12;
	v12 =	vor.u32 $0x13, v2;
	v5 =	vld.idx.msk [tilespmem:v16+s16+$0x0], $0xffff  }
0x491: {  	v16 =	vor.u32 $0x13, v1;
	v13 =	vld.idx.msk [tilespmem:v13+s15+$0x0], $0xffff  }
0x492: {  	v3 =	vadd.f32 v4, v3;
	v4 =	vmul.f32 v6, v7;
	v7 =	vor.u32 $0x14, v2;
	v6 =	vld.idx.msk [tilespmem:v14+s16+$0x0], $0xffff  }
0x493: {  	v14 =	vor.u32 $0x14, v1;
	v10 =	vld.idx.msk [tilespmem:v10+s15+$0x0], $0xffff  }
0x494: {  	v3 =	vadd.f32 v4, v3;
	v4 =	vmul.f32 v8, v9;
	v9 =	vor.u32 $0x15, v2;
	v8 =	vld.idx.msk [tilespmem:v15+s16+$0x0], $0xffff  }
0x495: {  	v15 =	vor.u32 $0x15, v1;
	v12 =	vld.idx.msk [tilespmem:v12+s15+$0x0], $0xffff  }
0x496: {  	v3 =	vadd.f32 v4, v3;
	v4 =	vmul.f32 v5, v11;
	v11 =	vor.u32 $0x16, v2;
	v5 =	vld.idx.msk [tilespmem:v16+s16+$0x0], $0xffff  }
0x497: {  	v16 =	vor.u32 $0x16, v1;
	v7 =	vld.idx.msk [tilespmem:v7+s15+$0x0], $0xffff  }
0x498: {  	v3 =	vadd.f32 v4, v3;
	v4 =	vmul.f32 v6, v13;
	v13 =	vor.u32 $0x17, v2;
	v6 =	vld.idx.msk [tilespmem:v14+s16+$0x0], $0xffff  }
0x499: {  	v14 =	vor.u32 $0x17, v1;
	v9 =	vld.idx.msk [tilespmem:v9+s15+$0x0], $0xffff  }
0x49a: {  	v3 =	vadd.f32 v4, v3;
	v4 =	vmul.f32 v8, v10;
	v10 =	vor.u32 $0x18, v2;
	v8 =	vld.idx.msk [tilespmem:v15+s16+$0x0], $0xffff  }
0x49b: {  	v15 =	vor.u32 $0x18, v1;
	v11 =	vld.idx.msk [tilespmem:v11+s15+$0x0], $0xffff  }
0x49c: {  	v3 =	vadd.f32 v4, v3;
	v4 =	vmul.f32 v5, v12;
	v12 =	vor.u32 $0x19, v2;
	v5 =	vld.idx.msk [tilespmem:v16+s16+$0x0], $0xffff  }
0x49d: {  	v16 =	vor.u32 $0x19, v1;
	v13 =	vld.idx.msk [tilespmem:v13+s15+$0x0], $0xffff  }
0x49e: {  	v3 =	vadd.f32 v4, v3;
	v4 =	vmul.f32 v6, v7;
	v7 =	vor.u32 $0x1A, v2;
	v6 =	vld.idx.msk [tilespmem:v14+s16+$0x0], $0xffff  }
0x49f: {  	v14 =	vor.u32 $0x1A, v1;
	v10 =	vld.idx.msk [tilespmem:v10+s15+$0x0], $0xffff  }
0x4a0: {  	v3 =	vadd.f32 v4, v3;
	v4 =	vmul.f32 v8, v9;
	v9 =	vor.u32 $0x1B, v2;
	v8 =	vld.idx.msk [tilespmem:v15+s16+$0x0], $0xffff  }
0x4a1: {  	v15 =	vor.u32 $0x1B, v1;
	v12 =	vld.idx.msk [tilespmem:v12+s15+$0x0], $0xffff  }
0x4a2: {  	v3 =	vadd.f32 v4, v3;
	v4 =	vmul.f32 v5, v11;
	v11 =	vor.u32 $0x1C, v2;
	v5 =	vld.idx.msk [tilespmem:v16+s16+$0x0], $0xffff  }
0x4a3: {  	v16 =	vor.u32 $0x1C, v1;
	v7 =	vld.idx.msk [tilespmem:v7+s15+$0x0], $0xffff  }
0x4a4: {  	v3 =	vadd.f32 v4, v3;
	v4 =	vmul.f32 v6, v13;
	v13 =	vor.u32 $0x1D, v2;
	v6 =	vld.idx.msk [tilespmem:v14+s16+$0x0], $0xffff  }
0x4a5: {  	v14 =	vor.u32 $0x1D, v1;
	v9 =	vld.idx.msk [tilespmem:v9+s15+$0x0], $0xffff  }
0x4a6: {  	v3 =	vadd.f32 v4, v3;
	v4 =	vmul.f32 v8, v10;
	v10 =	vor.u32 $0x1E, v2;
	v8 =	vld.idx.msk [tilespmem:v15+s16+$0x0], $0xffff  }
0x4a7: {  	v15 =	vor.u32 $0x1E, v1;
	v11 =	vld.idx.msk [tilespmem:v11+s15+$0x0], $0xffff  }
0x4a8: {  	v3 =	vadd.f32 v4, v3;
	v4 =	vmul.f32 v5, v12;
	v12 =	vor.u32 $0x1F, v2;
	v5 =	vld.idx.msk [tilespmem:v16+s16+$0x0], $0xffff  }
0x4a9: {  	v16 =	vor.u32 $0x1F, v1;
	v13 =	vld.idx.msk [tilespmem:v13+s15+$0x0], $0xffff  }
0x4aa: {  	v3 =	vadd.f32 v4, v3;
	v4 =	vmul.f32 v6, v7;
	v7 =	vor.u32 $0x20, v2;
	v6 =	vld.idx.msk [tilespmem:v14+s16+$0x0], $0xffff  }
0x4ab: {  	v14 =	vor.u32 $0x20, v1;
	v10 =	vld.idx.msk [tilespmem:v10+s15+$0x0], $0xffff  }
0x4ac: {  	v3 =	vadd.f32 v4, v3;
	v4 =	vmul.f32 v8, v9;
	v9 =	vor.u32 $0x21, v2;
	v8 =	vld.idx.msk [tilespmem:v15+s16+$0x0], $0xffff  }
0x4ad: {  	v15 =	vor.u32 $0x21, v1;
	v12 =	vld.idx.msk [tilespmem:v12+s15+$0x0], $0xffff  }
0x4ae: {  	v3 =	vadd.f32 v4, v3;
	v4 =	vmul.f32 v5, v11;
	v11 =	vor.u32 $0x22, v2;
	v5 =	vld.idx.msk [tilespmem:v16+s16+$0x0], $0xffff  }
0x4af: {  	v16 =	vor.u32 $0x22, v1;
	v7 =	vld.idx.msk [tilespmem:v7+s15+$0x0], $0xffff  }
0x4b0: {  	v3 =	vadd.f32 v4, v3;
	v4 =	vmul.f32 v6, v13;
	v13 =	vor.u32 $0x23, v2;
	v6 =	vld.idx.msk [tilespmem:v14+s16+$0x0], $0xffff  }
0x4b1: {  	v14 =	vor.u32 $0x23, v1;
	v9 =	vld.idx.msk [tilespmem:v9+s15+$0x0], $0xffff  }
0x4b2: {  	v3 =	vadd.f32 v4, v3;
	v4 =	vmul.f32 v8, v10;
	v10 =	vor.u32 $0x24, v2;
	v8 =	vld.idx.msk [tilespmem:v15+s16+$0x0], $0xffff  }
0x4b3: {  	v15 =	vor.u32 $0x24, v1;
	v11 =	vld.idx.msk [tilespmem:v11+s15+$0x0], $0xffff  }
0x4b4: {  	v3 =	vadd.f32 v4, v3;
	v4 =	vmul.f32 v5, v12;
	v12 =	vor.u32 $0x25, v2;
	v5 =	vld.idx.msk [tilespmem:v16+s16+$0x0], $0xffff  }
0x4b5: {  	v16 =	vor.u32 $0x25, v1;
	v13 =	vld.idx.msk [tilespmem:v13+s15+$0x0], $0xffff  }
0x4b6: {  	v3 =	vadd.f32 v4, v3;
	v4 =	vmul.f32 v6, v7;
	v7 =	vor.u32 $0x26, v2;
	v6 =	vld.idx.msk [tilespmem:v14+s16+$0x0], $0xffff  }
0x4b7: {  	v14 =	vor.u32 $0x26, v1;
	v10 =	vld.idx.msk [tilespmem:v10+s15+$0x0], $0xffff  }
0x4b8: {  	v3 =	vadd.f32 v4, v3;
	v4 =	vmul.f32 v8, v9;
	v9 =	vor.u32 $0x27, v2;
	v8 =	vld.idx.msk [tilespmem:v15+s16+$0x0], $0xffff  }
0x4b9: {  	v15 =	vor.u32 $0x27, v1;
	v12 =	vld.idx.msk [tilespmem:v12+s15+$0x0], $0xffff  }
0x4ba: {  	v3 =	vadd.f32 v4, v3;
	v4 =	vmul.f32 v5, v11;
	v11 =	vor.u32 $0x28, v2;
	v5 =	vld.idx.msk [tilespmem:v16+s16+$0x0], $0xffff  }
0x4bb: {  	v16 =	vor.u32 $0x28, v1;
	v7 =	vld.idx.msk [tilespmem:v7+s15+$0x0], $0xffff  }
0x4bc: {  	v3 =	vadd.f32 v4, v3;
	v4 =	vmul.f32 v6, v13;
	v13 =	vor.u32 $0x29, v2;
	v6 =	vld.idx.msk [tilespmem:v14+s16+$0x0], $0xffff  }
0x4bd: {  	v14 =	vor.u32 $0x29, v1;
	v9 =	vld.idx.msk [tilespmem:v9+s15+$0x0], $0xffff  }
0x4be: {  	v3 =	vadd.f32 v4, v3;
	v4 =	vmul.f32 v8, v10;
	v10 =	vor.u32 $0x2A, v2;
	v8 =	vld.idx.msk [tilespmem:v15+s16+$0x0], $0xffff  }
0x4bf: {  	v15 =	vor.u32 $0x2A, v1;
	v11 =	vld.idx.msk [tilespmem:v11+s15+$0x0], $0xffff  }
0x4c0: {  	v3 =	vadd.f32 v4, v3;
	v4 =	vmul.f32 v5, v12;
	v12 =	vor.u32 $0x2B, v2;
	v5 =	vld.idx.msk [tilespmem:v16+s16+$0x0], $0xffff  }
0x4c1: {  	v16 =	vor.u32 $0x2B, v1;
	v13 =	vld.idx.msk [tilespmem:v13+s15+$0x0], $0xffff  }
0x4c2: {  	v3 =	vadd.f32 v4, v3;
	v4 =	vmul.f32 v6, v7;
	v7 =	vor.u32 $0x2C, v2;
	v6 =	vld.idx.msk [tilespmem:v14+s16+$0x0], $0xffff  }
0x4c3: {  	v14 =	vor.u32 $0x2C, v1;
	v10 =	vld.idx.msk [tilespmem:v10+s15+$0x0], $0xffff  }
0x4c4: {  	v3 =	vadd.f32 v4, v3;
	v4 =	vmul.f32 v8, v9;
	v9 =	vor.u32 $0x2D, v2;
	v8 =	vld.idx.msk [tilespmem:v15+s16+$0x0], $0xffff  }
0x4c5: {  	v15 =	vor.u32 $0x2D, v1;
	v12 =	vld.idx.msk [tilespmem:v12+s15+$0x0], $0xffff  }
0x4c6: {  	v3 =	vadd.f32 v4, v3;
	v4 =	vmul.f32 v5, v11;
	v11 =	vor.u32 $0x2E, v2;
	v5 =	vld.idx.msk [tilespmem:v16+s16+$0x0], $0xffff  }
0x4c7: {  	v16 =	vor.u32 $0x2E, v1;
	v7 =	vld.idx.msk [tilespmem:v7+s15+$0x0], $0xffff  }
0x4c8: {  	v3 =	vadd.f32 v4, v3;
	v4 =	vmul.f32 v6, v13;
	v13 =	vor.u32 $0x2F, v2;
	v6 =	vld.idx.msk [tilespmem:v14+s16+$0x0], $0xffff  }
0x4c9: {  	v14 =	vor.u32 $0x2F, v1;
	v9 =	vld.idx.msk [tilespmem:v9+s15+$0x0], $0xffff  }
0x4ca: {  	v3 =	vadd.f32 v4, v3;
	v4 =	vmul.f32 v8, v10;
	v10 =	vor.u32 $0x30, v2;
	v8 =	vld.idx.msk [tilespmem:v15+s16+$0x0], $0xffff  }
0x4cb: {  	v15 =	vor.u32 $0x30, v1;
	v11 =	vld.idx.msk [tilespmem:v11+s15+$0x0], $0xffff  }
0x4cc: {  	v3 =	vadd.f32 v4, v3;
	v4 =	vmul.f32 v5, v12;
	v12 =	vor.u32 $0x31, v2;
	v5 =	vld.idx.msk [tilespmem:v16+s16+$0x0], $0xffff  }
0x4cd: {  	v16 =	vor.u32 $0x31, v1;
	v13 =	vld.idx.msk [tilespmem:v13+s15+$0x0], $0xffff  }
0x4ce: {  	v3 =	vadd.f32 v4, v3;
	v4 =	vmul.f32 v6, v7;
	v7 =	vor.u32 $0x32, v2;
	v6 =	vld.idx.msk [tilespmem:v14+s16+$0x0], $0xffff  }
0x4cf: {  	v14 =	vor.u32 $0x32, v1;
	v10 =	vld.idx.msk [tilespmem:v10+s15+$0x0], $0xffff  }
0x4d0: {  	v3 =	vadd.f32 v4, v3;
	v4 =	vmul.f32 v8, v9;
	v9 =	vor.u32 $0x33, v2;
	v8 =	vld.idx.msk [tilespmem:v15+s16+$0x0], $0xffff  }
0x4d1: {  	v15 =	vor.u32 $0x33, v1;
	v12 =	vld.idx.msk [tilespmem:v12+s15+$0x0], $0xffff  }
0x4d2: {  	v3 =	vadd.f32 v4, v3;
	v4 =	vmul.f32 v5, v11;
	v11 =	vor.u32 $0x34, v2;
	v5 =	vld.idx.msk [tilespmem:v16+s16+$0x0], $0xffff  }
0x4d3: {  	v16 =	vor.u32 $0x34, v1;
	v7 =	vld.idx.msk [tilespmem:v7+s15+$0x0], $0xffff  }
0x4d4: {  	v3 =	vadd.f32 v4, v3;
	v4 =	vmul.f32 v6, v13;
	v13 =	vor.u32 $0x35, v2;
	v6 =	vld.idx.msk [tilespmem:v14+s16+$0x0], $0xffff  }
0x4d5: {  	v14 =	vor.u32 $0x35, v1;
	v9 =	vld.idx.msk [tilespmem:v9+s15+$0x0], $0xffff  }
0x4d6: {  	v3 =	vadd.f32 v4, v3;
	v4 =	vmul.f32 v8, v10;
	v10 =	vor.u32 $0x36, v2;
	v8 =	vld.idx.msk [tilespmem:v15+s16+$0x0], $0xffff  }
0x4d7: {  	v15 =	vor.u32 $0x36, v1;
	v11 =	vld.idx.msk [tilespmem:v11+s15+$0x0], $0xffff  }
0x4d8: {  	v3 =	vadd.f32 v4, v3;
	v4 =	vmul.f32 v5, v12;
	v12 =	vor.u32 $0x37, v2;
	v5 =	vld.idx.msk [tilespmem:v16+s16+$0x0], $0xffff  }
0x4d9: {  	v16 =	vor.u32 $0x37, v1;
	v13 =	vld.idx.msk [tilespmem:v13+s15+$0x0], $0xffff  }
0x4da: {  	v3 =	vadd.f32 v4, v3;
	v4 =	vmul.f32 v6, v7;
	v7 =	vor.u32 $0x38, v2;
	v6 =	vld.idx.msk [tilespmem:v14+s16+$0x0], $0xffff  }
0x4db: {  	v14 =	vor.u32 $0x38, v1;
	v10 =	vld.idx.msk [tilespmem:v10+s15+$0x0], $0xffff  }
0x4dc: {  	v3 =	vadd.f32 v4, v3;
	v4 =	vmul.f32 v8, v9;
	v9 =	vor.u32 $0x39, v2;
	v8 =	vld.idx.msk [tilespmem:v15+s16+$0x0], $0xffff  }
0x4dd: {  	v15 =	vor.u32 $0x39, v1;
	v12 =	vld.idx.msk [tilespmem:v12+s15+$0x0], $0xffff  }
0x4de: {  	v3 =	vadd.f32 v4, v3;
	v4 =	vmul.f32 v5, v11;
	v11 =	vor.u32 $0x3A, v2;
	v5 =	vld.idx.msk [tilespmem:v16+s16+$0x0], $0xffff  }
0x4df: {  	v16 =	vor.u32 $0x3A, v1;
	v7 =	vld.idx.msk [tilespmem:v7+s15+$0x0], $0xffff  }
0x4e0: {  	v3 =	vadd.f32 v4, v3;
	v4 =	vmul.f32 v6, v13;
	v13 =	vor.u32 $0x3B, v2;
	v6 =	vld.idx.msk [tilespmem:v14+s16+$0x0], $0xffff  }
0x4e1: {  	v14 =	vor.u32 $0x3B, v1;
	v9 =	vld.idx.msk [tilespmem:v9+s15+$0x0], $0xffff  }
0x4e2: {  	v3 =	vadd.f32 v4, v3;
	v4 =	vmul.f32 v8, v10;
	v10 =	vor.u32 $0x3C, v2;
	v8 =	vld.idx.msk [tilespmem:v15+s16+$0x0], $0xffff  }
0x4e3: {  	v15 =	vor.u32 $0x3C, v1;
	v11 =	vld.idx.msk [tilespmem:v11+s15+$0x0], $0xffff  }
0x4e4: {  	v3 =	vadd.f32 v4, v3;
	v4 =	vmul.f32 v5, v12;
	v12 =	vor.u32 $0x3D, v2;
	v5 =	vld.idx.msk [tilespmem:v16+s16+$0x0], $0xffff  }
0x4e5: {  	v16 =	vor.u32 $0x3D, v1;
	v13 =	vld.idx.msk [tilespmem:v13+s15+$0x0], $0xffff  }
0x4e6: {  	v3 =	vadd.f32 v4, v3;
	v4 =	vmul.f32 v6, v7;
	v7 =	vor.u32 $0x3E, v2;
	v6 =	vld.idx.msk [tilespmem:v14+s16+$0x0], $0xffff  }
0x4e7: {  	v14 =	vor.u32 $0x3E, v1;
	v10 =	vld.idx.msk [tilespmem:v10+s15+$0x0], $0xffff  }
0x4e8: {  	v2 =	vor.u32 $0x3F, v2;
	v3 =	vadd.f32 v4, v3;
	v4 =	vmul.f32 v8, v9;
	v8 =	vld.idx.msk [tilespmem:v15+s16+$0x0], $0xffff  }
0x4e9: {  	v1 =	vor.u32 $0x3F, v1;
	v9 =	vld.idx.msk [tilespmem:v12+s15+$0x0], $0xffff  }
0x4ea: {  	v3 =	vadd.f32 v4, v3;
	v4 =	vmul.f32 v5, v11;
	v5 =	vld.idx.msk [tilespmem:v16+s16+$0x0], $0xffff  }
0x4eb: {  	v7 =	vld.idx.msk [tilespmem:v7+s15+$0x0], $0xffff  }
0x4ec: {  	v3 =	vadd.f32 v4, v3;
	v4 =	vmul.f32 v6, v13;
	v6 =	vld.idx.msk [tilespmem:v14+s16+$0x0], $0xffff  }
0x4ed: {  	v2 =	vld.idx.msk [tilespmem:v2+s15+$0x0], $0xffff  }
0x4ee: {  	v3 =	vadd.f32 v4, v3;
	v4 =	vmul.f32 v8, v10;
	v1 =	vld.idx.msk [tilespmem:v1+s16+$0x0], $0xffff;
	_ =	sdelay $0x1  }
0x4ef: {  	v3 =	vadd.f32 v4, v3;
	v4 =	vmul.f32 v5, v9;
	_ =	sdelay $0x1  }
0x4f0: {  	v3 =	vadd.f32 v4, v3;
	v4 =	vmul.f32 v6, v7;
	_ =	sdelay $0x1  }
0x4f1: {  	v3 =	vadd.f32 v4, v3;
	v1 =	vmul.f32 v1, v2;
	_ =	sdelay $0x1  }
0x4f2: {  	v1 =	vadd.f32 v1, v3;
	_ =	sdelay $0x1  }
0x4f3: {  	v1 =	vsub.f32 $0.0e+00, v1;
	_ =	sdelay $0x1  }
0x4f4: {  	v1 =	vmul.f32 $1.442695020e+00, v1;
	_ =	sdelay $0x1  }
0x4f5: {  	(erf) = vpow2.f32 v1;
	_ =	sdelay $0x8  }
0x4f6: {  	v1 =	vpop (erf)  }
0x4f7: {  	v1 =	vadd.f32 $1.000000000e+00, v1;
	_ =	sdelay $0x1  }
0x4f8: {  	(erf) = vrcp.f32 v1;
	_ =	sdelay $0x7  }
.Ltmp2:
0x4f9: {  	(pc) =	sbr.rel @p0 .LBB2_6-.Ltmp2, $4  }
0x4fa: {  	s0 =	sadd.s32 $0x10, s0;
	v1 =	vpop (erf)  }
0x4fb: {  	s3 =	sadd.s32 $0x10, s3;
	[tilespmem:s0+$0x0] =	vst v1  }
0x4fc: {  	s17 =	sadd.s32 $0x10, s17;
	v1 =	vld [tilespmem:s3+$0x0]  }
0x4fd: {  	s23 =	sadd.s32 $0x10, s23;
	v2 =	vld [tilespmem:s17+$0x0]  }
0x4fe: {  	_ =	sdelay $0x1  }
0x4ff: {  	v3 =	vmov s19  }
0x500: {  	v3 =	vshll.u32 v3, $0x7;
	v1 =	vshll.u32 v1, $0x6  }
0x501: {  	v3 =	vor.u32 v0, v3;
	v1 =	vand.u32 $0x40, v1;
	v2 =	vshll.u32 v2, $0x6  }
0x502: {  	v4 =	vand.u32 $0x40, v2;
	v2 =	vor.u32 v3, v1  }
0x503: {  	v1 =	vor.u32 v3, v4  }
0x504: {  	v3 =	vor.u32 $0x1, v2  }
0x505: {  	v4 =	vor.u32 $0x1, v1  }
0x506: {  	v5 =	vor.u32 $0x2, v2  }
0x507: {  	v7 =	vor.u32 $0x2, v1;
	v6 =	vld.idx.msk [tilespmem:v2+s15+$0x0], $0xffff  }
0x508: {  	v9 =	vor.u32 $0x3, v2;
	v8 =	vld.idx.msk [tilespmem:v1+s16+$0x0], $0xffff  }
0x509: {  	v10 =	vor.u32 $0x3, v1;
	v3 =	vld.idx.msk [tilespmem:v3+s15+$0x0], $0xffff  }
0x50a: {  	v11 =	vor.u32 $0x4, v2;
	v4 =	vld.idx.msk [tilespmem:v4+s16+$0x0], $0xffff  }
0x50b: {  	v12 =	vor.u32 $0x4, v1;
	v5 =	vld.idx.msk [tilespmem:v5+s15+$0x0], $0xffff  }
0x50c: {  	v13 =	vor.u32 $0x5, v2;
	v7 =	vld.idx.msk [tilespmem:v7+s16+$0x0], $0xffff  }
0x50d: {  	v14 =	vor.u32 $0x5, v1;
	v9 =	vld.idx.msk [tilespmem:v9+s15+$0x0], $0xffff;
	v6 =	vmul.f32 v8, v6  }
0x50e: {  	v29 =	vor.u32 $0x6, v2;
	v28 =	vld.idx.msk [tilespmem:v10+s16+$0x0], $0xffff  }
0x50f: {  	v15 =	vor.u32 $0x6, v1;
	v11 =	vld.idx.msk [tilespmem:v11+s15+$0x0], $0xffff;
	v3 =	vmul.f32 v4, v3;
	v6 =	vadd.f32 $0.0e+00, v6  }
0x510: {  	v31 =	vor.u32 $0x7, v2;
	v30 =	vld.idx.msk [tilespmem:v12+s16+$0x0], $0xffff  }
0x511: {  	v16 =	vor.u32 $0x7, v1;
	v13 =	vld.idx.msk [tilespmem:v13+s15+$0x0], $0xffff;
	v5 =	vmul.f32 v7, v5;
	v3 =	vadd.f32 v3, v6  }
0x512: {  	v34 =	vor.u32 $0x8, v1;
	v32 =	vld.idx.msk [tilespmem:v14+s16+$0x0], $0xffff  }
0x513: {  	v33 =	vor.u32 $0x8, v2;
	v10 =	vld.idx.msk [tilespmem:v29+s15+$0x0], $0xffff;
	v35 =	vmul.f32 v28, v9;
	v3 =	vadd.f32 v5, v3  }
0x514: {  	v38 =	vor.u32 $0x9, v1;
	v36 =	vld.idx.msk [tilespmem:v15+s16+$0x0], $0xffff  }
0x515: {  	v37 =	vor.u32 $0x9, v2;
	v12 =	vld.idx.msk [tilespmem:v31+s15+$0x0], $0xffff;
	v4 =	vmul.f32 v30, v11;
	v3 =	vadd.f32 v35, v3  }
0x516: {  	v41 =	vor.u32 $0xA, v1;
	v39 =	vld.idx.msk [tilespmem:v16+s16+$0x0], $0xffff  }
0x517: {  	v40 =	vor.u32 $0xA, v2;
	v43 =	vld.idx.msk [tilespmem:v34+s16+$0x0], $0xffff;
	v42 =	vmul.f32 v32, v13;
	v3 =	vadd.f32 v4, v3  }
0x518: {  	v45 =	vor.u32 $0xB, v1;
	v7 =	vld.idx.msk [tilespmem:v33+s15+$0x0], $0xffff  }
0x519: {  	v44 =	vor.u32 $0xB, v2;
	v47 =	vld.idx.msk [tilespmem:v38+s16+$0x0], $0xffff;
	v46 =	vmul.f32 v36, v10;
	v3 =	vadd.f32 v42, v3  }
0x51a: {  	v49 =	vor.u32 $0xC, v1;
	v9 =	vld.idx.msk [tilespmem:v37+s15+$0x0], $0xffff  }
0x51b: {  	v48 =	vor.u32 $0xC, v2;
	v51 =	vld.idx.msk [tilespmem:v41+s16+$0x0], $0xffff;
	v50 =	vmul.f32 v39, v12;
	v3 =	vadd.f32 v46, v3  }
0x51c: {  	v53 =	vor.u32 $0xD, v1;
	v11 =	vld.idx.msk [tilespmem:v40+s15+$0x0], $0xffff  }
0x51d: {  	v52 =	vor.u32 $0xD, v2;
	v55 =	vld.idx.msk [tilespmem:v45+s16+$0x0], $0xffff;
	v54 =	vmul.f32 v43, v7;
	v3 =	vadd.f32 v50, v3  }
0x51e: {  	v57 =	vor.u32 $0xE, v1;
	v13 =	vld.idx.msk [tilespmem:v44+s15+$0x0], $0xffff  }
0x51f: {  	v56 =	vor.u32 $0xE, v2;
	v59 =	vld.idx.msk [tilespmem:v49+s16+$0x0], $0xffff;
	v58 =	vmul.f32 v47, v9;
	v3 =	vadd.f32 v54, v3  }
0x520: {  	v61 =	vor.u32 $0xF, v1;
	v10 =	vld.idx.msk [tilespmem:v48+s15+$0x0], $0xffff  }
0x521: {  	v60 =	vor.u32 $0xF, v2;
	v63 =	vld.idx.msk [tilespmem:v53+s16+$0x0], $0xffff;
	v62 =	vmul.f32 v51, v11;
	v3 =	vadd.f32 v58, v3  }
0x522: {  	v21 =	vor.u32 $0x10, v1;
	v12 =	vld.idx.msk [tilespmem:v52+s15+$0x0], $0xffff  }
0x523: {  	v20 =	vor.u32 $0x10, v2;
	v23 =	vld.idx.msk [tilespmem:v57+s16+$0x0], $0xffff;
	v22 =	vmul.f32 v55, v13;
	v3 =	vadd.f32 v62, v3  }
0x524: {  	v24 =	vor.u32 $0x11, v2;
	v7 =	vld.idx.msk [tilespmem:v56+s15+$0x0], $0xffff  }
0x525: {  	v25 =	vor.u32 $0x11, v1;
	v27 =	vld.idx.msk [tilespmem:v61+s16+$0x0], $0xffff;
	v26 =	vmul.f32 v59, v10;
	v3 =	vadd.f32 v22, v3  }
0x526: {  	v29 =	vor.u32 $0x12, v1;
	v9 =	vld.idx.msk [tilespmem:v60+s15+$0x0], $0xffff  }
0x527: {  	v31 =	vld.idx.msk [tilespmem:v21+s16+$0x0], $0xffff;
	v28 =	vor.u32 $0x12, v2;
	v30 =	vmul.f32 v63, v12;
	v3 =	vadd.f32 v26, v3  }
0x528: {  	v32 =	vor.u32 $0x13, v2;
	v11 =	vld.idx.msk [tilespmem:v20+s15+$0x0], $0xffff  }
0x529: {  	v33 =	vor.u32 $0x13, v1;
	v13 =	vld.idx.msk [tilespmem:v24+s15+$0x0], $0xffff;
	v34 =	vmul.f32 v23, v7;
	v3 =	vadd.f32 v30, v3  }
0x52a: {  	v37 =	vor.u32 $0x14, v1;
	v35 =	vld.idx.msk [tilespmem:v25+s16+$0x0], $0xffff  }
0x52b: {  	v36 =	vor.u32 $0x14, v2;
	v39 =	vld.idx.msk [tilespmem:v29+s16+$0x0], $0xffff;
	v38 =	vmul.f32 v27, v9;
	v3 =	vadd.f32 v34, v3  }
0x52c: {  	v41 =	vor.u32 $0x15, v1;
	v10 =	vld.idx.msk [tilespmem:v28+s15+$0x0], $0xffff  }
0x52d: {  	v40 =	vor.u32 $0x15, v2;
	v12 =	vld.idx.msk [tilespmem:v32+s15+$0x0], $0xffff;
	v42 =	vmul.f32 v31, v11;
	v3 =	vadd.f32 v38, v3  }
0x52e: {  	v45 =	vor.u32 $0x16, v1;
	v43 =	vld.idx.msk [tilespmem:v33+s16+$0x0], $0xffff  }
0x52f: {  	v44 =	vor.u32 $0x16, v2;
	v47 =	vld.idx.msk [tilespmem:v37+s16+$0x0], $0xffff;
	v46 =	vmul.f32 v35, v13;
	v3 =	vadd.f32 v42, v3  }
0x530: {  	v49 =	vor.u32 $0x17, v1;
	v7 =	vld.idx.msk [tilespmem:v36+s15+$0x0], $0xffff  }
0x531: {  	v48 =	vor.u32 $0x17, v2;
	v51 =	vld.idx.msk [tilespmem:v41+s16+$0x0], $0xffff;
	v50 =	vmul.f32 v39, v10;
	v3 =	vadd.f32 v46, v3  }
0x532: {  	v53 =	vor.u32 $0x18, v1;
	v9 =	vld.idx.msk [tilespmem:v40+s15+$0x0], $0xffff  }
0x533: {  	v52 =	vor.u32 $0x18, v2;
	v55 =	vld.idx.msk [tilespmem:v45+s16+$0x0], $0xffff;
	v54 =	vmul.f32 v43, v12;
	v3 =	vadd.f32 v50, v3  }
0x534: {  	v57 =	vor.u32 $0x19, v1;
	v11 =	vld.idx.msk [tilespmem:v44+s15+$0x0], $0xffff  }
0x535: {  	v56 =	vor.u32 $0x19, v2;
	v59 =	vld.idx.msk [tilespmem:v49+s16+$0x0], $0xffff;
	v58 =	vmul.f32 v47, v7;
	v3 =	vadd.f32 v54, v3  }
0x536: {  	v61 =	vor.u32 $0x1A, v1;
	v13 =	vld.idx.msk [tilespmem:v48+s15+$0x0], $0xffff  }
0x537: {  	v60 =	vor.u32 $0x1A, v2;
	v63 =	vld.idx.msk [tilespmem:v53+s16+$0x0], $0xffff;
	v62 =	vmul.f32 v51, v9;
	v3 =	vadd.f32 v58, v3  }
0x538: {  	v21 =	vor.u32 $0x1B, v1;
	v10 =	vld.idx.msk [tilespmem:v52+s15+$0x0], $0xffff  }
0x539: {  	v20 =	vor.u32 $0x1B, v2;
	v23 =	vld.idx.msk [tilespmem:v57+s16+$0x0], $0xffff;
	v22 =	vmul.f32 v55, v11;
	v3 =	vadd.f32 v62, v3  }
0x53a: {  	v25 =	vor.u32 $0x1C, v1;
	v12 =	vld.idx.msk [tilespmem:v56+s15+$0x0], $0xffff  }
0x53b: {  	v24 =	vor.u32 $0x1C, v2;
	v27 =	vld.idx.msk [tilespmem:v61+s16+$0x0], $0xffff;
	v26 =	vmul.f32 v59, v13;
	v3 =	vadd.f32 v22, v3  }
0x53c: {  	v29 =	vor.u32 $0x1D, v1;
	v7 =	vld.idx.msk [tilespmem:v60+s15+$0x0], $0xffff  }
0x53d: {  	v28 =	vor.u32 $0x1D, v2;
	v31 =	vld.idx.msk [tilespmem:v21+s16+$0x0], $0xffff;
	v30 =	vmul.f32 v63, v10;
	v3 =	vadd.f32 v26, v3  }
0x53e: {  	v33 =	vor.u32 $0x1E, v1;
	v9 =	vld.idx.msk [tilespmem:v20+s15+$0x0], $0xffff  }
0x53f: {  	v32 =	vor.u32 $0x1E, v2;
	v35 =	vld.idx.msk [tilespmem:v25+s16+$0x0], $0xffff;
	v34 =	vmul.f32 v23, v12;
	v3 =	vadd.f32 v30, v3  }
0x540: {  	v37 =	vor.u32 $0x1F, v1;
	v11 =	vld.idx.msk [tilespmem:v24+s15+$0x0], $0xffff  }
0x541: {  	v36 =	vor.u32 $0x1F, v2;
	v39 =	vld.idx.msk [tilespmem:v29+s16+$0x0], $0xffff;
	v38 =	vmul.f32 v27, v7;
	v3 =	vadd.f32 v34, v3  }
0x542: {  	v41 =	vor.u32 $0x20, v1;
	v13 =	vld.idx.msk [tilespmem:v28+s15+$0x0], $0xffff  }
0x543: {  	v40 =	vor.u32 $0x20, v2;
	v43 =	vld.idx.msk [tilespmem:v33+s16+$0x0], $0xffff;
	v42 =	vmul.f32 v31, v9;
	v3 =	vadd.f32 v38, v3  }
0x544: {  	v45 =	vor.u32 $0x21, v1;
	v10 =	vld.idx.msk [tilespmem:v32+s15+$0x0], $0xffff  }
0x545: {  	v44 =	vor.u32 $0x21, v2;
	v47 =	vld.idx.msk [tilespmem:v37+s16+$0x0], $0xffff;
	v46 =	vmul.f32 v35, v11;
	v3 =	vadd.f32 v42, v3  }
0x546: {  	v49 =	vor.u32 $0x22, v1;
	v12 =	vld.idx.msk [tilespmem:v36+s15+$0x0], $0xffff  }
0x547: {  	v48 =	vor.u32 $0x22, v2;
	v51 =	vld.idx.msk [tilespmem:v41+s16+$0x0], $0xffff;
	v50 =	vmul.f32 v39, v13;
	v3 =	vadd.f32 v46, v3  }
0x548: {  	v53 =	vor.u32 $0x23, v1;
	v7 =	vld.idx.msk [tilespmem:v40+s15+$0x0], $0xffff  }
0x549: {  	v52 =	vor.u32 $0x23, v2;
	v55 =	vld.idx.msk [tilespmem:v45+s16+$0x0], $0xffff;
	v54 =	vmul.f32 v43, v10;
	v3 =	vadd.f32 v50, v3  }
0x54a: {  	v56 =	vor.u32 $0x24, v2;
	v9 =	vld.idx.msk [tilespmem:v44+s15+$0x0], $0xffff  }
0x54b: {  	v57 =	vor.u32 $0x24, v1;
	v59 =	vld.idx.msk [tilespmem:v49+s16+$0x0], $0xffff;
	v58 =	vmul.f32 v47, v12;
	v3 =	vadd.f32 v54, v3  }
0x54c: {  	v60 =	vor.u32 $0x25, v2;
	v11 =	vld.idx.msk [tilespmem:v48+s15+$0x0], $0xffff  }
0x54d: {  	v61 =	vor.u32 $0x25, v1;
	v63 =	vld.idx.msk [tilespmem:v53+s16+$0x0], $0xffff;
	v62 =	vmul.f32 v51, v7;
	v3 =	vadd.f32 v58, v3  }
0x54e: {  	v19 =	vor.u32 $0x26, v2;
	v13 =	vld.idx.msk [tilespmem:v52+s15+$0x0], $0xffff  }
0x54f: {  	v20 =	vor.u32 $0x26, v1;
	v21 =	vmul.f32 v55, v9;
	v10 =	vld.idx.msk [tilespmem:v56+s15+$0x0], $0xffff;
	v3 =	vadd.f32 v62, v3  }
0x550: {  	v23 =	vor.u32 $0x27, v2;
	v22 =	vld.idx.msk [tilespmem:v57+s16+$0x0], $0xffff  }
0x551: {  	v24 =	vor.u32 $0x27, v1;
	v25 =	vmul.f32 v59, v11;
	v12 =	vld.idx.msk [tilespmem:v60+s15+$0x0], $0xffff;
	v3 =	vadd.f32 v21, v3  }
0x552: {  	v27 =	vor.u32 $0x28, v2;
	v26 =	vld.idx.msk [tilespmem:v61+s16+$0x0], $0xffff  }
0x553: {  	v28 =	vor.u32 $0x28, v1;
	v29 =	vmul.f32 v63, v13;
	v7 =	vld.idx.msk [tilespmem:v19+s15+$0x0], $0xffff;
	v3 =	vadd.f32 v25, v3  }
0x554: {  	v31 =	vor.u32 $0x29, v2;
	v30 =	vld.idx.msk [tilespmem:v20+s16+$0x0], $0xffff  }
0x555: {  	v32 =	vor.u32 $0x29, v1;
	v9 =	vld.idx.msk [tilespmem:v23+s15+$0x0], $0xffff;
	v33 =	vmul.f32 v22, v10;
	v3 =	vadd.f32 v29, v3  }
0x556: {  	v35 =	vor.u32 $0x2A, v2;
	v34 =	vld.idx.msk [tilespmem:v24+s16+$0x0], $0xffff  }
0x557: {  	v36 =	vor.u32 $0x2A, v1;
	v11 =	vld.idx.msk [tilespmem:v27+s15+$0x0], $0xffff;
	v37 =	vmul.f32 v26, v12;
	v3 =	vadd.f32 v33, v3  }
0x558: {  	v39 =	vor.u32 $0x2B, v2;
	v38 =	vld.idx.msk [tilespmem:v28+s16+$0x0], $0xffff  }
0x559: {  	v40 =	vor.u32 $0x2B, v1;
	v13 =	vld.idx.msk [tilespmem:v31+s15+$0x0], $0xffff;
	v41 =	vmul.f32 v30, v7;
	v3 =	vadd.f32 v37, v3  }
0x55a: {  	v43 =	vor.u32 $0x2C, v2;
	v42 =	vld.idx.msk [tilespmem:v32+s16+$0x0], $0xffff  }
0x55b: {  	v44 =	vor.u32 $0x2C, v1;
	v10 =	vld.idx.msk [tilespmem:v35+s15+$0x0], $0xffff;
	v45 =	vmul.f32 v34, v9;
	v3 =	vadd.f32 v41, v3  }
0x55c: {  	v47 =	vor.u32 $0x2D, v2;
	v46 =	vld.idx.msk [tilespmem:v36+s16+$0x0], $0xffff  }
0x55d: {  	v48 =	vor.u32 $0x2D, v1;
	v12 =	vld.idx.msk [tilespmem:v39+s15+$0x0], $0xffff;
	v49 =	vmul.f32 v38, v11;
	v3 =	vadd.f32 v45, v3  }
0x55e: {  	v51 =	vor.u32 $0x2E, v2;
	v50 =	vld.idx.msk [tilespmem:v40+s16+$0x0], $0xffff  }
0x55f: {  	v52 =	vor.u32 $0x2E, v1;
	v7 =	vld.idx.msk [tilespmem:v43+s15+$0x0], $0xffff;
	v53 =	vmul.f32 v42, v13;
	v3 =	vadd.f32 v49, v3  }
0x560: {  	v56 =	vor.u32 $0x2F, v1;
	v54 =	vld.idx.msk [tilespmem:v44+s16+$0x0], $0xffff  }
0x561: {  	v55 =	vor.u32 $0x2F, v2;
	v9 =	vld.idx.msk [tilespmem:v47+s15+$0x0], $0xffff;
	v57 =	vmul.f32 v46, v10;
	v3 =	vadd.f32 v53, v3  }
0x562: {  	v60 =	vor.u32 $0x30, v1;
	v58 =	vld.idx.msk [tilespmem:v48+s16+$0x0], $0xffff  }
0x563: {  	v59 =	vor.u32 $0x30, v2;
	v11 =	vld.idx.msk [tilespmem:v51+s15+$0x0], $0xffff;
	v61 =	vmul.f32 v50, v12;
	v3 =	vadd.f32 v57, v3  }
0x564: {  	v20 =	vor.u32 $0x31, v1;
	v62 =	vld.idx.msk [tilespmem:v52+s16+$0x0], $0xffff  }
0x565: {  	v63 =	vor.u32 $0x31, v2;
	v22 =	vld.idx.msk [tilespmem:v56+s16+$0x0], $0xffff;
	v21 =	vmul.f32 v54, v7;
	v3 =	vadd.f32 v61, v3  }
0x566: {  	v24 =	vor.u32 $0x32, v1;
	v13 =	vld.idx.msk [tilespmem:v55+s15+$0x0], $0xffff  }
0x567: {  	v23 =	vor.u32 $0x32, v2;
	v26 =	vld.idx.msk [tilespmem:v60+s16+$0x0], $0xffff;
	v25 =	vmul.f32 v58, v9;
	v3 =	vadd.f32 v21, v3  }
0x568: {  	v28 =	vor.u32 $0x33, v1;
	v10 =	vld.idx.msk [tilespmem:v59+s15+$0x0], $0xffff  }
0x569: {  	v27 =	vor.u32 $0x33, v2;
	v30 =	vld.idx.msk [tilespmem:v20+s16+$0x0], $0xffff;
	v29 =	vmul.f32 v62, v11;
	v3 =	vadd.f32 v25, v3  }
0x56a: {  	v32 =	vor.u32 $0x34, v1;
	v12 =	vld.idx.msk [tilespmem:v63+s15+$0x0], $0xffff  }
0x56b: {  	v31 =	vor.u32 $0x34, v2;
	v34 =	vld.idx.msk [tilespmem:v24+s16+$0x0], $0xffff;
	v33 =	vmul.f32 v22, v13;
	v3 =	vadd.f32 v29, v3  }
0x56c: {  	v36 =	vor.u32 $0x35, v1;
	v7 =	vld.idx.msk [tilespmem:v23+s15+$0x0], $0xffff  }
0x56d: {  	v35 =	vor.u32 $0x35, v2;
	v38 =	vld.idx.msk [tilespmem:v28+s16+$0x0], $0xffff;
	v37 =	vmul.f32 v26, v10;
	v3 =	vadd.f32 v33, v3  }
0x56e: {  	v40 =	vor.u32 $0x36, v1;
	v9 =	vld.idx.msk [tilespmem:v27+s15+$0x0], $0xffff  }
0x56f: {  	v39 =	vor.u32 $0x36, v2;
	v42 =	vld.idx.msk [tilespmem:v32+s16+$0x0], $0xffff;
	v41 =	vmul.f32 v30, v12;
	v3 =	vadd.f32 v37, v3  }
0x570: {  	v44 =	vor.u32 $0x37, v1;
	v11 =	vld.idx.msk [tilespmem:v31+s15+$0x0], $0xffff  }
0x571: {  	v43 =	vor.u32 $0x37, v2;
	v46 =	vld.idx.msk [tilespmem:v36+s16+$0x0], $0xffff;
	v45 =	vmul.f32 v34, v7;
	v3 =	vadd.f32 v41, v3  }
0x572: {  	v48 =	vor.u32 $0x38, v1;
	v13 =	vld.idx.msk [tilespmem:v35+s15+$0x0], $0xffff  }
0x573: {  	v47 =	vor.u32 $0x38, v2;
	v50 =	vld.idx.msk [tilespmem:v40+s16+$0x0], $0xffff;
	v49 =	vmul.f32 v38, v9;
	v3 =	vadd.f32 v45, v3  }
0x574: {  	v52 =	vor.u32 $0x39, v1;
	v10 =	vld.idx.msk [tilespmem:v39+s15+$0x0], $0xffff  }
0x575: {  	v51 =	vor.u32 $0x39, v2;
	v54 =	vld.idx.msk [tilespmem:v44+s16+$0x0], $0xffff;
	v53 =	vmul.f32 v42, v11;
	v3 =	vadd.f32 v49, v3  }
0x576: {  	v56 =	vor.u32 $0x3A, v1;
	v12 =	vld.idx.msk [tilespmem:v43+s15+$0x0], $0xffff  }
0x577: {  	v55 =	vor.u32 $0x3A, v2;
	v58 =	vld.idx.msk [tilespmem:v48+s16+$0x0], $0xffff;
	v57 =	vmul.f32 v46, v13;
	v3 =	vadd.f32 v53, v3  }
0x578: {  	v60 =	vor.u32 $0x3B, v1;
	v7 =	vld.idx.msk [tilespmem:v47+s15+$0x0], $0xffff  }
0x579: {  	v59 =	vor.u32 $0x3B, v2;
	v62 =	vld.idx.msk [tilespmem:v52+s16+$0x0], $0xffff;
	v61 =	vmul.f32 v50, v10;
	v3 =	vadd.f32 v57, v3  }
0x57a: {  	v20 =	vor.u32 $0x3C, v1;
	v9 =	vld.idx.msk [tilespmem:v51+s15+$0x0], $0xffff  }
0x57b: {  	v63 =	vor.u32 $0x3C, v2;
	v22 =	vld.idx.msk [tilespmem:v56+s16+$0x0], $0xffff;
	v21 =	vmul.f32 v54, v12;
	v3 =	vadd.f32 v61, v3  }
0x57c: {  	v23 =	vor.u32 $0x3D, v2;
	v11 =	vld.idx.msk [tilespmem:v55+s15+$0x0], $0xffff  }
0x57d: {  	v24 =	vor.u32 $0x3D, v1;
	v26 =	vld.idx.msk [tilespmem:v60+s16+$0x0], $0xffff;
	v25 =	vmul.f32 v58, v7;
	v3 =	vadd.f32 v21, v3  }
0x57e: {  	v28 =	vor.u32 $0x3E, v1;
	v13 =	vld.idx.msk [tilespmem:v59+s15+$0x0], $0xffff  }
0x57f: {  	v27 =	vor.u32 $0x3E, v2;
	v30 =	vld.idx.msk [tilespmem:v20+s16+$0x0], $0xffff;
	v29 =	vmul.f32 v62, v9;
	v3 =	vadd.f32 v25, v3  }
0x580: {  	v1 =	vor.u32 $0x3F, v1;
	v10 =	vld.idx.msk [tilespmem:v63+s15+$0x0], $0xffff  }
0x581: {  	v2 =	vor.u32 $0x3F, v2;
	v31 =	vld.idx.msk [tilespmem:v23+s15+$0x0], $0xffff;
	v32 =	vmul.f32 v22, v11;
	v3 =	vadd.f32 v29, v3  }
0x582: {  	v33 =	vld.idx.msk [tilespmem:v24+s16+$0x0], $0xffff  }
0x583: {  	v35 =	vld.idx.msk [tilespmem:v28+s16+$0x0], $0xffff;
	v34 =	vmul.f32 v26, v13;
	v3 =	vadd.f32 v32, v3  }
0x584: {  	v7 =	vld.idx.msk [tilespmem:v27+s15+$0x0], $0xffff  }
0x585: {  	v1 =	vld.idx.msk [tilespmem:v1+s16+$0x0], $0xffff;
	v36 =	vmul.f32 v30, v10;
	v3 =	vadd.f32 v34, v3  }
0x586: {  	v2 =	vld.idx.msk [tilespmem:v2+s15+$0x0], $0xffff  }
0x587: {  	v37 =	vmul.f32 v33, v31;
	v3 =	vadd.f32 v36, v3;
	_ =	sdelay $0x1  }
0x588: {  	v38 =	vmul.f32 v35, v7;
	v3 =	vadd.f32 v37, v3;
	_ =	sdelay $0x1  }
0x589: {  	v1 =	vmul.f32 v1, v2;
	v3 =	vadd.f32 v38, v3;
	_ =	sdelay $0x1  }
0x58a: {  	v1 =	vadd.f32 v1, v3;
	_ =	sdelay $0x1  }
0x58b: {  	v1 =	vsub.f32 $0.0e+00, v1;
	_ =	sdelay $0x1  }
0x58c: {  	v1 =	vmul.f32 $1.442695020e+00, v1;
	_ =	sdelay $0x1  }
0x58d: {  	(erf) = vpow2.f32 v1;
	_ =	sdelay $0x8  }
0x58e: {  	v1 =	vpop (erf)  }
0x58f: {  	v1 =	vadd.f32 $1.000000000e+00, v1;
	_ =	sdelay $0x1  }
0x590: {  	(erf) = vrcp.f32 v1;
	_ =	sdelay $0x8  }
0x591: {  	s0 =	sadd.s32 $0x10, s0;
	v1 =	vpop (erf)  }
0x592: {  	[tilespmem:s0+$0x0] =	vst v1  }
0x593: {  	_ =	swait.ge [sflag:s25], $0x4000  }
0x594: {  	[sflag:s25] =	ssyncset.done $0x0  }
0x595: {  	[sflag:s25] =	ssyncadd.s32 $0xFFFFC000  }
0x596: {  	_ =	swait.ge [sflag:s26], $0x4000  }
0x597: {  	[sflag:s26] =	ssyncset.done $0x0  }
0x598: {  	s19 =	simm.s32 $0x180;
	[sflag:s26] =	ssyncadd.s32 $0xFFFFC000  }
0x599: {  	s3 =	simm.s32 $0x380;
	v1 =	vld [tilespmem:s19+$0x0]  }
0x59a: {  	v2 =	vld [tilespmem:s3+$0x0];
	_ =	sdelay $0x1  }
0x59b: {  	s23 =	simm.s32 $0x0  }
0x59c: {  	v3 =	vmov s23  }
0x59d: {  	v3 =	vshll.u32 v3, $0x7;
	v1 =	vshll.u32 v1, $0x6  }
0x59e: {  	v3 =	vor.u32 v0, v3;
	v2 =	vshll.u32 v2, $0x6;
	v1 =	vand.u32 $0x40, v1  }
0x59f: {  	v39 =	vand.u32 $0x40, v2;
	v2 =	vor.u32 v3, v1  }
0x5a0: {  	v1 =	vor.u32 v3, v39  }
0x5a1: {  	v3 =	vor.u32 $0x1, v2  }
0x5a2: {  	v4 =	vor.u32 $0x1, v1  }
0x5a3: {  	v40 =	vor.u32 $0x2, v2  }
0x5a4: {  	v42 =	vor.u32 $0x2, v1;
	v41 =	vld.idx.msk [tilespmem:v2+s18+$0x0], $0xffff  }
0x5a5: {  	v44 =	vor.u32 $0x3, v2;
	v43 =	vld.idx.msk [tilespmem:v1+s20+$0x0], $0xffff  }
0x5a6: {  	v45 =	vor.u32 $0x3, v1;
	v3 =	vld.idx.msk [tilespmem:v3+s18+$0x0], $0xffff  }
0x5a7: {  	v46 =	vor.u32 $0x4, v2;
	v4 =	vld.idx.msk [tilespmem:v4+s20+$0x0], $0xffff  }
0x5a8: {  	v47 =	vor.u32 $0x4, v1;
	v5 =	vld.idx.msk [tilespmem:v40+s18+$0x0], $0xffff  }
0x5a9: {  	v48 =	vor.u32 $0x5, v2;
	v7 =	vld.idx.msk [tilespmem:v42+s20+$0x0], $0xffff  }
0x5aa: {  	v49 =	vor.u32 $0x5, v1;
	v9 =	vld.idx.msk [tilespmem:v44+s18+$0x0], $0xffff;
	v6 =	vmul.f32 v43, v41  }
0x5ab: {  	v51 =	vor.u32 $0x6, v2;
	v50 =	vld.idx.msk [tilespmem:v45+s20+$0x0], $0xffff  }
0x5ac: {  	v52 =	vor.u32 $0x6, v1;
	v11 =	vld.idx.msk [tilespmem:v46+s18+$0x0], $0xffff;
	v3 =	vmul.f32 v4, v3;
	v6 =	vadd.f32 $0.0e+00, v6  }
0x5ad: {  	v54 =	vor.u32 $0x7, v2;
	v53 =	vld.idx.msk [tilespmem:v47+s20+$0x0], $0xffff  }
0x5ae: {  	v55 =	vor.u32 $0x7, v1;
	v13 =	vld.idx.msk [tilespmem:v48+s18+$0x0], $0xffff;
	v5 =	vmul.f32 v7, v5;
	v3 =	vadd.f32 v3, v6  }
0x5af: {  	v58 =	vor.u32 $0x8, v1;
	v56 =	vld.idx.msk [tilespmem:v49+s20+$0x0], $0xffff  }
0x5b0: {  	v57 =	vor.u32 $0x8, v2;
	v10 =	vld.idx.msk [tilespmem:v51+s18+$0x0], $0xffff;
	v59 =	vmul.f32 v50, v9;
	v3 =	vadd.f32 v5, v3  }
0x5b1: {  	v62 =	vor.u32 $0x9, v1;
	v60 =	vld.idx.msk [tilespmem:v52+s20+$0x0], $0xffff  }
0x5b2: {  	v61 =	vor.u32 $0x9, v2;
	v12 =	vld.idx.msk [tilespmem:v54+s18+$0x0], $0xffff;
	v4 =	vmul.f32 v53, v11;
	v3 =	vadd.f32 v59, v3  }
0x5b3: {  	v21 =	vor.u32 $0xA, v1;
	v63 =	vld.idx.msk [tilespmem:v55+s20+$0x0], $0xffff  }
0x5b4: {  	v20 =	vor.u32 $0xA, v2;
	v23 =	vld.idx.msk [tilespmem:v58+s20+$0x0], $0xffff;
	v22 =	vmul.f32 v56, v13;
	v3 =	vadd.f32 v4, v3  }
0x5b5: {  	v25 =	vor.u32 $0xB, v1;
	v7 =	vld.idx.msk [tilespmem:v57+s18+$0x0], $0xffff  }
0x5b6: {  	v24 =	vor.u32 $0xB, v2;
	v27 =	vld.idx.msk [tilespmem:v62+s20+$0x0], $0xffff;
	v26 =	vmul.f32 v60, v10;
	v3 =	vadd.f32 v22, v3  }
0x5b7: {  	v29 =	vor.u32 $0xC, v1;
	v9 =	vld.idx.msk [tilespmem:v61+s18+$0x0], $0xffff  }
0x5b8: {  	v28 =	vor.u32 $0xC, v2;
	v31 =	vld.idx.msk [tilespmem:v21+s20+$0x0], $0xffff;
	v30 =	vmul.f32 v63, v12;
	v3 =	vadd.f32 v26, v3  }
0x5b9: {  	v33 =	vor.u32 $0xD, v1;
	v11 =	vld.idx.msk [tilespmem:v20+s18+$0x0], $0xffff  }
0x5ba: {  	v32 =	vor.u32 $0xD, v2;
	v35 =	vld.idx.msk [tilespmem:v25+s20+$0x0], $0xffff;
	v34 =	vmul.f32 v23, v7;
	v3 =	vadd.f32 v30, v3  }
0x5bb: {  	v37 =	vor.u32 $0xE, v1;
	v13 =	vld.idx.msk [tilespmem:v24+s18+$0x0], $0xffff  }
0x5bc: {  	v36 =	vor.u32 $0xE, v2;
	v39 =	vld.idx.msk [tilespmem:v29+s20+$0x0], $0xffff;
	v38 =	vmul.f32 v27, v9;
	v3 =	vadd.f32 v34, v3  }
0x5bd: {  	v41 =	vor.u32 $0xF, v1;
	v10 =	vld.idx.msk [tilespmem:v28+s18+$0x0], $0xffff  }
0x5be: {  	v40 =	vor.u32 $0xF, v2;
	v43 =	vld.idx.msk [tilespmem:v33+s20+$0x0], $0xffff;
	v42 =	vmul.f32 v31, v11;
	v3 =	vadd.f32 v38, v3  }
0x5bf: {  	v45 =	vor.u32 $0x10, v1;
	v12 =	vld.idx.msk [tilespmem:v32+s18+$0x0], $0xffff  }
0x5c0: {  	v44 =	vor.u32 $0x10, v2;
	v47 =	vld.idx.msk [tilespmem:v37+s20+$0x0], $0xffff;
	v46 =	vmul.f32 v35, v13;
	v3 =	vadd.f32 v42, v3  }
0x5c1: {  	v48 =	vor.u32 $0x11, v2;
	v7 =	vld.idx.msk [tilespmem:v36+s18+$0x0], $0xffff  }
0x5c2: {  	v49 =	vor.u32 $0x11, v1;
	v51 =	vld.idx.msk [tilespmem:v41+s20+$0x0], $0xffff;
	v50 =	vmul.f32 v39, v10;
	v3 =	vadd.f32 v46, v3  }
0x5c3: {  	v52 =	vor.u32 $0x12, v2;
	v9 =	vld.idx.msk [tilespmem:v40+s18+$0x0], $0xffff  }
0x5c4: {  	v53 =	vor.u32 $0x12, v1;
	v55 =	vld.idx.msk [tilespmem:v45+s20+$0x0], $0xffff;
	v54 =	vmul.f32 v43, v12;
	v3 =	vadd.f32 v50, v3  }
0x5c5: {  	v56 =	vor.u32 $0x13, v2;
	v11 =	vld.idx.msk [tilespmem:v44+s18+$0x0], $0xffff  }
0x5c6: {  	v57 =	vor.u32 $0x13, v1;
	v13 =	vld.idx.msk [tilespmem:v48+s18+$0x0], $0xffff;
	v58 =	vmul.f32 v47, v7;
	v3 =	vadd.f32 v54, v3  }
0x5c7: {  	v61 =	vor.u32 $0x14, v1;
	v59 =	vld.idx.msk [tilespmem:v49+s20+$0x0], $0xffff  }
0x5c8: {  	v60 =	vor.u32 $0x14, v2;
	v10 =	vld.idx.msk [tilespmem:v52+s18+$0x0], $0xffff;
	v62 =	vmul.f32 v51, v9;
	v3 =	vadd.f32 v58, v3  }
0x5c9: {  	v21 =	vor.u32 $0x15, v1;
	v63 =	vld.idx.msk [tilespmem:v53+s20+$0x0], $0xffff  }
0x5ca: {  	v20 =	vor.u32 $0x15, v2;
	v12 =	vld.idx.msk [tilespmem:v56+s18+$0x0], $0xffff;
	v22 =	vmul.f32 v55, v11;
	v3 =	vadd.f32 v62, v3  }
0x5cb: {  	v25 =	vor.u32 $0x16, v1;
	v23 =	vld.idx.msk [tilespmem:v57+s20+$0x0], $0xffff  }
0x5cc: {  	v24 =	vor.u32 $0x16, v2;
	v27 =	vld.idx.msk [tilespmem:v61+s20+$0x0], $0xffff;
	v26 =	vmul.f32 v59, v13;
	v3 =	vadd.f32 v22, v3  }
0x5cd: {  	v29 =	vor.u32 $0x17, v1;
	v7 =	vld.idx.msk [tilespmem:v60+s18+$0x0], $0xffff  }
0x5ce: {  	v28 =	vor.u32 $0x17, v2;
	v31 =	vld.idx.msk [tilespmem:v21+s20+$0x0], $0xffff;
	v30 =	vmul.f32 v63, v10;
	v3 =	vadd.f32 v26, v3  }
0x5cf: {  	v33 =	vor.u32 $0x18, v1;
	v9 =	vld.idx.msk [tilespmem:v20+s18+$0x0], $0xffff  }
0x5d0: {  	v32 =	vor.u32 $0x18, v2;
	v35 =	vld.idx.msk [tilespmem:v25+s20+$0x0], $0xffff;
	v34 =	vmul.f32 v23, v12;
	v3 =	vadd.f32 v30, v3  }
0x5d1: {  	v37 =	vor.u32 $0x19, v1;
	v11 =	vld.idx.msk [tilespmem:v24+s18+$0x0], $0xffff  }
0x5d2: {  	v36 =	vor.u32 $0x19, v2;
	v39 =	vld.idx.msk [tilespmem:v29+s20+$0x0], $0xffff;
	v38 =	vmul.f32 v27, v7;
	v3 =	vadd.f32 v34, v3  }
0x5d3: {  	v41 =	vor.u32 $0x1A, v1;
	v13 =	vld.idx.msk [tilespmem:v28+s18+$0x0], $0xffff  }
0x5d4: {  	v40 =	vor.u32 $0x1A, v2;
	v43 =	vld.idx.msk [tilespmem:v33+s20+$0x0], $0xffff;
	v42 =	vmul.f32 v31, v9;
	v3 =	vadd.f32 v38, v3  }
0x5d5: {  	v45 =	vor.u32 $0x1B, v1;
	v10 =	vld.idx.msk [tilespmem:v32+s18+$0x0], $0xffff  }
0x5d6: {  	v44 =	vor.u32 $0x1B, v2;
	v47 =	vld.idx.msk [tilespmem:v37+s20+$0x0], $0xffff;
	v46 =	vmul.f32 v35, v11;
	v3 =	vadd.f32 v42, v3  }
0x5d7: {  	v49 =	vor.u32 $0x1C, v1;
	v12 =	vld.idx.msk [tilespmem:v36+s18+$0x0], $0xffff  }
0x5d8: {  	v48 =	vor.u32 $0x1C, v2;
	v51 =	vld.idx.msk [tilespmem:v41+s20+$0x0], $0xffff;
	v50 =	vmul.f32 v39, v13;
	v3 =	vadd.f32 v46, v3  }
0x5d9: {  	v53 =	vor.u32 $0x1D, v1;
	v7 =	vld.idx.msk [tilespmem:v40+s18+$0x0], $0xffff  }
0x5da: {  	v52 =	vor.u32 $0x1D, v2;
	v55 =	vld.idx.msk [tilespmem:v45+s20+$0x0], $0xffff;
	v54 =	vmul.f32 v43, v10;
	v3 =	vadd.f32 v50, v3  }
0x5db: {  	v57 =	vor.u32 $0x1E, v1;
	v9 =	vld.idx.msk [tilespmem:v44+s18+$0x0], $0xffff  }
0x5dc: {  	v56 =	vor.u32 $0x1E, v2;
	v59 =	vld.idx.msk [tilespmem:v49+s20+$0x0], $0xffff;
	v58 =	vmul.f32 v47, v12;
	v3 =	vadd.f32 v54, v3  }
0x5dd: {  	v61 =	vor.u32 $0x1F, v1;
	v11 =	vld.idx.msk [tilespmem:v48+s18+$0x0], $0xffff  }
0x5de: {  	v60 =	vor.u32 $0x1F, v2;
	v63 =	vld.idx.msk [tilespmem:v53+s20+$0x0], $0xffff;
	v62 =	vmul.f32 v51, v7;
	v3 =	vadd.f32 v58, v3  }
0x5df: {  	v21 =	vor.u32 $0x20, v1;
	v13 =	vld.idx.msk [tilespmem:v52+s18+$0x0], $0xffff  }
0x5e0: {  	v20 =	vor.u32 $0x20, v2;
	v23 =	vld.idx.msk [tilespmem:v57+s20+$0x0], $0xffff;
	v22 =	vmul.f32 v55, v9;
	v3 =	vadd.f32 v62, v3  }
0x5e1: {  	v25 =	vor.u32 $0x21, v1;
	v10 =	vld.idx.msk [tilespmem:v56+s18+$0x0], $0xffff  }
0x5e2: {  	v24 =	vor.u32 $0x21, v2;
	v27 =	vld.idx.msk [tilespmem:v61+s20+$0x0], $0xffff;
	v26 =	vmul.f32 v59, v11;
	v3 =	vadd.f32 v22, v3  }
0x5e3: {  	v29 =	vor.u32 $0x22, v1;
	v12 =	vld.idx.msk [tilespmem:v60+s18+$0x0], $0xffff  }
0x5e4: {  	v28 =	vor.u32 $0x22, v2;
	v31 =	vld.idx.msk [tilespmem:v21+s20+$0x0], $0xffff;
	v30 =	vmul.f32 v63, v13;
	v3 =	vadd.f32 v26, v3  }
0x5e5: {  	v33 =	vor.u32 $0x23, v1;
	v7 =	vld.idx.msk [tilespmem:v20+s18+$0x0], $0xffff  }
0x5e6: {  	v32 =	vor.u32 $0x23, v2;
	v35 =	vld.idx.msk [tilespmem:v25+s20+$0x0], $0xffff;
	v34 =	vmul.f32 v23, v10;
	v3 =	vadd.f32 v30, v3  }
0x5e7: {  	v37 =	vor.u32 $0x24, v1;
	v9 =	vld.idx.msk [tilespmem:v24+s18+$0x0], $0xffff  }
0x5e8: {  	v36 =	vor.u32 $0x24, v2;
	v39 =	vld.idx.msk [tilespmem:v29+s20+$0x0], $0xffff;
	v38 =	vmul.f32 v27, v12;
	v3 =	vadd.f32 v34, v3  }
0x5e9: {  	v41 =	vor.u32 $0x25, v1;
	v11 =	vld.idx.msk [tilespmem:v28+s18+$0x0], $0xffff  }
0x5ea: {  	v40 =	vor.u32 $0x25, v2;
	v43 =	vld.idx.msk [tilespmem:v33+s20+$0x0], $0xffff;
	v42 =	vmul.f32 v31, v7;
	v3 =	vadd.f32 v38, v3  }
0x5eb: {  	v45 =	vor.u32 $0x26, v1;
	v13 =	vld.idx.msk [tilespmem:v32+s18+$0x0], $0xffff  }
0x5ec: {  	v44 =	vor.u32 $0x26, v2;
	v47 =	vld.idx.msk [tilespmem:v37+s20+$0x0], $0xffff;
	v46 =	vmul.f32 v35, v9;
	v3 =	vadd.f32 v42, v3  }
0x5ed: {  	v49 =	vor.u32 $0x27, v1;
	v10 =	vld.idx.msk [tilespmem:v36+s18+$0x0], $0xffff  }
0x5ee: {  	v48 =	vor.u32 $0x27, v2;
	v51 =	vld.idx.msk [tilespmem:v41+s20+$0x0], $0xffff;
	v50 =	vmul.f32 v39, v11;
	v3 =	vadd.f32 v46, v3  }
0x5ef: {  	v53 =	vor.u32 $0x28, v1;
	v12 =	vld.idx.msk [tilespmem:v40+s18+$0x0], $0xffff  }
0x5f0: {  	v52 =	vor.u32 $0x28, v2;
	v55 =	vld.idx.msk [tilespmem:v45+s20+$0x0], $0xffff;
	v54 =	vmul.f32 v43, v13;
	v3 =	vadd.f32 v50, v3  }
0x5f1: {  	v57 =	vor.u32 $0x29, v1;
	v7 =	vld.idx.msk [tilespmem:v44+s18+$0x0], $0xffff  }
0x5f2: {  	v56 =	vor.u32 $0x29, v2;
	v59 =	vld.idx.msk [tilespmem:v49+s20+$0x0], $0xffff;
	v58 =	vmul.f32 v47, v10;
	v3 =	vadd.f32 v54, v3  }
0x5f3: {  	v61 =	vor.u32 $0x2A, v1;
	v9 =	vld.idx.msk [tilespmem:v48+s18+$0x0], $0xffff  }
0x5f4: {  	v60 =	vor.u32 $0x2A, v2;
	v63 =	vld.idx.msk [tilespmem:v53+s20+$0x0], $0xffff;
	v62 =	vmul.f32 v51, v12;
	v3 =	vadd.f32 v58, v3  }
0x5f5: {  	v21 =	vor.u32 $0x2B, v1;
	v11 =	vld.idx.msk [tilespmem:v52+s18+$0x0], $0xffff  }
0x5f6: {  	v20 =	vor.u32 $0x2B, v2;
	v23 =	vld.idx.msk [tilespmem:v57+s20+$0x0], $0xffff;
	v22 =	vmul.f32 v55, v7;
	v3 =	vadd.f32 v62, v3  }
0x5f7: {  	v25 =	vor.u32 $0x2C, v1;
	v13 =	vld.idx.msk [tilespmem:v56+s18+$0x0], $0xffff  }
0x5f8: {  	v24 =	vor.u32 $0x2C, v2;
	v27 =	vld.idx.msk [tilespmem:v61+s20+$0x0], $0xffff;
	v26 =	vmul.f32 v59, v9;
	v3 =	vadd.f32 v22, v3  }
0x5f9: {  	v29 =	vor.u32 $0x2D, v1;
	v10 =	vld.idx.msk [tilespmem:v60+s18+$0x0], $0xffff  }
0x5fa: {  	v28 =	vor.u32 $0x2D, v2;
	v31 =	vld.idx.msk [tilespmem:v21+s20+$0x0], $0xffff;
	v30 =	vmul.f32 v63, v11;
	v3 =	vadd.f32 v26, v3  }
0x5fb: {  	v33 =	vor.u32 $0x2E, v1;
	v12 =	vld.idx.msk [tilespmem:v20+s18+$0x0], $0xffff  }
0x5fc: {  	v32 =	vor.u32 $0x2E, v2;
	v35 =	vld.idx.msk [tilespmem:v25+s20+$0x0], $0xffff;
	v34 =	vmul.f32 v23, v13;
	v3 =	vadd.f32 v30, v3  }
0x5fd: {  	v37 =	vor.u32 $0x2F, v1;
	v7 =	vld.idx.msk [tilespmem:v24+s18+$0x0], $0xffff  }
0x5fe: {  	v36 =	vor.u32 $0x2F, v2;
	v39 =	vld.idx.msk [tilespmem:v29+s20+$0x0], $0xffff;
	v38 =	vmul.f32 v27, v10;
	v3 =	vadd.f32 v34, v3  }
0x5ff: {  	v41 =	vor.u32 $0x30, v1;
	v9 =	vld.idx.msk [tilespmem:v28+s18+$0x0], $0xffff  }
0x600: {  	v40 =	vor.u32 $0x30, v2;
	v43 =	vld.idx.msk [tilespmem:v33+s20+$0x0], $0xffff;
	v42 =	vmul.f32 v31, v12;
	v3 =	vadd.f32 v38, v3  }
0x601: {  	v45 =	vor.u32 $0x31, v1;
	v11 =	vld.idx.msk [tilespmem:v32+s18+$0x0], $0xffff  }
0x602: {  	v44 =	vor.u32 $0x31, v2;
	v47 =	vld.idx.msk [tilespmem:v37+s20+$0x0], $0xffff;
	v46 =	vmul.f32 v35, v7;
	v3 =	vadd.f32 v42, v3  }
0x603: {  	v49 =	vor.u32 $0x32, v1;
	v13 =	vld.idx.msk [tilespmem:v36+s18+$0x0], $0xffff  }
0x604: {  	v48 =	vor.u32 $0x32, v2;
	v51 =	vld.idx.msk [tilespmem:v41+s20+$0x0], $0xffff;
	v50 =	vmul.f32 v39, v9;
	v3 =	vadd.f32 v46, v3  }
0x605: {  	v53 =	vor.u32 $0x33, v1;
	v10 =	vld.idx.msk [tilespmem:v40+s18+$0x0], $0xffff  }
0x606: {  	v52 =	vor.u32 $0x33, v2;
	v55 =	vld.idx.msk [tilespmem:v45+s20+$0x0], $0xffff;
	v54 =	vmul.f32 v43, v11;
	v3 =	vadd.f32 v50, v3  }
0x607: {  	v57 =	vor.u32 $0x34, v1;
	v12 =	vld.idx.msk [tilespmem:v44+s18+$0x0], $0xffff  }
0x608: {  	v56 =	vor.u32 $0x34, v2;
	v59 =	vld.idx.msk [tilespmem:v49+s20+$0x0], $0xffff;
	v58 =	vmul.f32 v47, v13;
	v3 =	vadd.f32 v54, v3  }
0x609: {  	v61 =	vor.u32 $0x35, v1;
	v7 =	vld.idx.msk [tilespmem:v48+s18+$0x0], $0xffff  }
0x60a: {  	v60 =	vor.u32 $0x35, v2;
	v63 =	vld.idx.msk [tilespmem:v53+s20+$0x0], $0xffff;
	v62 =	vmul.f32 v51, v10;
	v3 =	vadd.f32 v58, v3  }
0x60b: {  	v21 =	vor.u32 $0x36, v1;
	v9 =	vld.idx.msk [tilespmem:v52+s18+$0x0], $0xffff  }
0x60c: {  	v20 =	vor.u32 $0x36, v2;
	v23 =	vld.idx.msk [tilespmem:v57+s20+$0x0], $0xffff;
	v22 =	vmul.f32 v55, v12;
	v3 =	vadd.f32 v62, v3  }
0x60d: {  	v25 =	vor.u32 $0x37, v1;
	v11 =	vld.idx.msk [tilespmem:v56+s18+$0x0], $0xffff  }
0x60e: {  	v24 =	vor.u32 $0x37, v2;
	v27 =	vld.idx.msk [tilespmem:v61+s20+$0x0], $0xffff;
	v26 =	vmul.f32 v59, v7;
	v3 =	vadd.f32 v22, v3  }
0x60f: {  	v29 =	vor.u32 $0x38, v1;
	v13 =	vld.idx.msk [tilespmem:v60+s18+$0x0], $0xffff  }
0x610: {  	v28 =	vor.u32 $0x38, v2;
	v31 =	vld.idx.msk [tilespmem:v21+s20+$0x0], $0xffff;
	v30 =	vmul.f32 v63, v9;
	v3 =	vadd.f32 v26, v3  }
0x611: {  	v33 =	vor.u32 $0x39, v1;
	v10 =	vld.idx.msk [tilespmem:v20+s18+$0x0], $0xffff  }
0x612: {  	v32 =	vor.u32 $0x39, v2;
	v35 =	vld.idx.msk [tilespmem:v25+s20+$0x0], $0xffff;
	v34 =	vmul.f32 v23, v11;
	v3 =	vadd.f32 v30, v3  }
0x613: {  	v37 =	vor.u32 $0x3A, v1;
	v12 =	vld.idx.msk [tilespmem:v24+s18+$0x0], $0xffff  }
0x614: {  	v36 =	vor.u32 $0x3A, v2;
	v39 =	vld.idx.msk [tilespmem:v29+s20+$0x0], $0xffff;
	v38 =	vmul.f32 v27, v13;
	v3 =	vadd.f32 v34, v3  }
0x615: {  	v41 =	vor.u32 $0x3B, v1;
	v7 =	vld.idx.msk [tilespmem:v28+s18+$0x0], $0xffff  }
0x616: {  	v40 =	vor.u32 $0x3B, v2;
	v43 =	vld.idx.msk [tilespmem:v33+s20+$0x0], $0xffff;
	v42 =	vmul.f32 v31, v10;
	v3 =	vadd.f32 v38, v3  }
0x617: {  	v45 =	vor.u32 $0x3C, v1;
	v9 =	vld.idx.msk [tilespmem:v32+s18+$0x0], $0xffff  }
0x618: {  	v44 =	vor.u32 $0x3C, v2;
	v47 =	vld.idx.msk [tilespmem:v37+s20+$0x0], $0xffff;
	v46 =	vmul.f32 v35, v12;
	v3 =	vadd.f32 v42, v3  }
0x619: {  	v48 =	vor.u32 $0x3D, v2;
	v11 =	vld.idx.msk [tilespmem:v36+s18+$0x0], $0xffff  }
0x61a: {  	v49 =	vor.u32 $0x3D, v1;
	v51 =	vld.idx.msk [tilespmem:v41+s20+$0x0], $0xffff;
	v50 =	vmul.f32 v39, v7;
	v3 =	vadd.f32 v46, v3  }
0x61b: {  	v53 =	vor.u32 $0x3E, v1;
	v13 =	vld.idx.msk [tilespmem:v40+s18+$0x0], $0xffff  }
0x61c: {  	v52 =	vor.u32 $0x3E, v2;
	v55 =	vld.idx.msk [tilespmem:v45+s20+$0x0], $0xffff;
	v54 =	vmul.f32 v43, v9;
	v3 =	vadd.f32 v50, v3  }
0x61d: {  	v1 =	vor.u32 $0x3F, v1;
	v10 =	vld.idx.msk [tilespmem:v44+s18+$0x0], $0xffff  }
0x61e: {  	v2 =	vor.u32 $0x3F, v2;
	v56 =	vld.idx.msk [tilespmem:v48+s18+$0x0], $0xffff;
	v57 =	vmul.f32 v47, v11;
	v3 =	vadd.f32 v54, v3  }
0x61f: {  	v58 =	vld.idx.msk [tilespmem:v49+s20+$0x0], $0xffff  }
0x620: {  	v60 =	vld.idx.msk [tilespmem:v53+s20+$0x0], $0xffff;
	v59 =	vmul.f32 v51, v13;
	v3 =	vadd.f32 v57, v3  }
0x621: {  	v7 =	vld.idx.msk [tilespmem:v52+s18+$0x0], $0xffff  }
0x622: {  	v1 =	vld.idx.msk [tilespmem:v1+s20+$0x0], $0xffff;
	v61 =	vmul.f32 v55, v10;
	v3 =	vadd.f32 v59, v3  }
0x623: {  	v2 =	vld.idx.msk [tilespmem:v2+s18+$0x0], $0xffff  }
0x624: {  	v62 =	vmul.f32 v58, v56;
	v3 =	vadd.f32 v61, v3;
	_ =	sdelay $0x1  }
0x625: {  	v63 =	vmul.f32 v60, v7;
	v3 =	vadd.f32 v62, v3;
	_ =	sdelay $0x1  }
0x626: {  	v1 =	vmul.f32 v1, v2;
	v3 =	vadd.f32 v63, v3;
	_ =	sdelay $0x1  }
0x627: {  	v1 =	vadd.f32 v1, v3;
	_ =	sdelay $0x1  }
0x628: {  	v1 =	vsub.f32 $0.0e+00, v1;
	_ =	sdelay $0x1  }
0x629: {  	v1 =	vmul.f32 $1.442695020e+00, v1;
	_ =	sdelay $0x1  }
0x62a: {  	(erf) = vpow2.f32 v1;
	_ =	sdelay $0x8  }
0x62b: {  	v1 =	vpop (erf)  }
0x62c: {  	v1 =	vadd.f32 $1.000000000e+00, v1;
	_ =	sdelay $0x1  }
0x62d: {  	(erf) = vrcp.f32 v1;
	_ =	sdelay $0x8  }
0x62e: {  	s0 =	simm.s32 $0x10980;
	v1 =	vpop (erf)  }
0x62f: {  	s3 =	simm.s32 $0x190;
	[tilespmem:s0+$0x0] =	vst v1  }
0x630: {  	s17 =	simm.s32 $0x390;
	v1 =	vld [tilespmem:s3+$0x0]  }
0x631: {  	s23 =	simm.s32 $0x20;
	s19 =	simm.s32 $0x10;
	v2 =	vld [tilespmem:s17+$0x0]  }
.LBB2_8:
0x632: {  	p0 =	sne.s32 s23, $0x70;
	_ =	sdelay $0x1  }
0x633: {  	v3 =	vmov s19;
	s19 =	smov.u32 s23  }
0x634: {  	v3 =	vshll.u32 v3, $0x7;
	v1 =	vshll.u32 v1, $0x6  }
0x635: {  	v3 =	vor.u32 v0, v3;
	v1 =	vand.u32 $0x40, v1;
	v2 =	vshll.u32 v2, $0x6  }
0x636: {  	v4 =	vand.u32 $0x40, v2;
	v2 =	vor.u32 v3, v1  }
0x637: {  	v1 =	vor.u32 v3, v4  }
0x638: {  	v3 =	vor.u32 $0x1, v2  }
0x639: {  	v4 =	vor.u32 $0x1, v1  }
0x63a: {  	v5 =	vor.u32 $0x2, v2  }
0x63b: {  	v7 =	vor.u32 $0x2, v1;
	v6 =	vld.idx.msk [tilespmem:v2+s18+$0x0], $0xffff  }
0x63c: {  	v9 =	vor.u32 $0x3, v2;
	v8 =	vld.idx.msk [tilespmem:v1+s20+$0x0], $0xffff  }
0x63d: {  	v10 =	vor.u32 $0x3, v1;
	v3 =	vld.idx.msk [tilespmem:v3+s18+$0x0], $0xffff  }
0x63e: {  	v11 =	vor.u32 $0x4, v2;
	v4 =	vld.idx.msk [tilespmem:v4+s20+$0x0], $0xffff  }
0x63f: {  	v12 =	vor.u32 $0x4, v1;
	v5 =	vld.idx.msk [tilespmem:v5+s18+$0x0], $0xffff  }
0x640: {  	v13 =	vor.u32 $0x5, v2;
	v7 =	vld.idx.msk [tilespmem:v7+s20+$0x0], $0xffff  }
0x641: {  	v14 =	vor.u32 $0x5, v1;
	v9 =	vld.idx.msk [tilespmem:v9+s18+$0x0], $0xffff  }
0x642: {  	v6 =	vmul.f32 v8, v6;
	v8 =	vld.idx.msk [tilespmem:v10+s20+$0x0], $0xffff;
	v10 =	vor.u32 $0x6, v2  }
0x643: {  	v15 =	vor.u32 $0x6, v1;
	v11 =	vld.idx.msk [tilespmem:v11+s18+$0x0], $0xffff  }
0x644: {  	v6 =	vadd.f32 $0.0e+00, v6;
	v3 =	vmul.f32 v4, v3;
	v4 =	vld.idx.msk [tilespmem:v12+s20+$0x0], $0xffff;
	v12 =	vor.u32 $0x7, v2  }
0x645: {  	v16 =	vor.u32 $0x7, v1;
	v13 =	vld.idx.msk [tilespmem:v13+s18+$0x0], $0xffff  }
0x646: {  	v3 =	vadd.f32 v3, v6;
	v5 =	vmul.f32 v7, v5;
	v7 =	vor.u32 $0x8, v2;
	v6 =	vld.idx.msk [tilespmem:v14+s20+$0x0], $0xffff  }
0x647: {  	v14 =	vor.u32 $0x8, v1;
	v10 =	vld.idx.msk [tilespmem:v10+s18+$0x0], $0xffff  }
0x648: {  	v3 =	vadd.f32 v5, v3;
	v5 =	vmul.f32 v8, v9;
	v9 =	vor.u32 $0x9, v2;
	v8 =	vld.idx.msk [tilespmem:v15+s20+$0x0], $0xffff  }
0x649: {  	v15 =	vor.u32 $0x9, v1;
	v12 =	vld.idx.msk [tilespmem:v12+s18+$0x0], $0xffff  }
0x64a: {  	v3 =	vadd.f32 v5, v3;
	v4 =	vmul.f32 v4, v11;
	v11 =	vor.u32 $0xA, v2;
	v5 =	vld.idx.msk [tilespmem:v16+s20+$0x0], $0xffff  }
0x64b: {  	v16 =	vor.u32 $0xA, v1;
	v7 =	vld.idx.msk [tilespmem:v7+s18+$0x0], $0xffff  }
0x64c: {  	v3 =	vadd.f32 v4, v3;
	v4 =	vmul.f32 v6, v13;
	v13 =	vor.u32 $0xB, v2;
	v6 =	vld.idx.msk [tilespmem:v14+s20+$0x0], $0xffff  }
0x64d: {  	v14 =	vor.u32 $0xB, v1;
	v9 =	vld.idx.msk [tilespmem:v9+s18+$0x0], $0xffff  }
0x64e: {  	v3 =	vadd.f32 v4, v3;
	v4 =	vmul.f32 v8, v10;
	v10 =	vor.u32 $0xC, v2;
	v8 =	vld.idx.msk [tilespmem:v15+s20+$0x0], $0xffff  }
0x64f: {  	v15 =	vor.u32 $0xC, v1;
	v11 =	vld.idx.msk [tilespmem:v11+s18+$0x0], $0xffff  }
0x650: {  	v3 =	vadd.f32 v4, v3;
	v4 =	vmul.f32 v5, v12;
	v12 =	vor.u32 $0xD, v2;
	v5 =	vld.idx.msk [tilespmem:v16+s20+$0x0], $0xffff  }
0x651: {  	v16 =	vor.u32 $0xD, v1;
	v13 =	vld.idx.msk [tilespmem:v13+s18+$0x0], $0xffff  }
0x652: {  	v3 =	vadd.f32 v4, v3;
	v4 =	vmul.f32 v6, v7;
	v7 =	vor.u32 $0xE, v2;
	v6 =	vld.idx.msk [tilespmem:v14+s20+$0x0], $0xffff  }
0x653: {  	v14 =	vor.u32 $0xE, v1;
	v10 =	vld.idx.msk [tilespmem:v10+s18+$0x0], $0xffff  }
0x654: {  	v3 =	vadd.f32 v4, v3;
	v4 =	vmul.f32 v8, v9;
	v9 =	vor.u32 $0xF, v2;
	v8 =	vld.idx.msk [tilespmem:v15+s20+$0x0], $0xffff  }
0x655: {  	v15 =	vor.u32 $0xF, v1;
	v12 =	vld.idx.msk [tilespmem:v12+s18+$0x0], $0xffff  }
0x656: {  	v3 =	vadd.f32 v4, v3;
	v4 =	vmul.f32 v5, v11;
	v11 =	vor.u32 $0x10, v2;
	v5 =	vld.idx.msk [tilespmem:v16+s20+$0x0], $0xffff  }
0x657: {  	v16 =	vor.u32 $0x10, v1;
	v7 =	vld.idx.msk [tilespmem:v7+s18+$0x0], $0xffff  }
0x658: {  	v3 =	vadd.f32 v4, v3;
	v4 =	vmul.f32 v6, v13;
	v13 =	vor.u32 $0x11, v2;
	v6 =	vld.idx.msk [tilespmem:v14+s20+$0x0], $0xffff  }
0x659: {  	v14 =	vor.u32 $0x11, v1;
	v9 =	vld.idx.msk [tilespmem:v9+s18+$0x0], $0xffff  }
0x65a: {  	v3 =	vadd.f32 v4, v3;
	v4 =	vmul.f32 v8, v10;
	v10 =	vor.u32 $0x12, v2;
	v8 =	vld.idx.msk [tilespmem:v15+s20+$0x0], $0xffff  }
0x65b: {  	v15 =	vor.u32 $0x12, v1;
	v11 =	vld.idx.msk [tilespmem:v11+s18+$0x0], $0xffff  }
0x65c: {  	v3 =	vadd.f32 v4, v3;
	v4 =	vmul.f32 v5, v12;
	v12 =	vor.u32 $0x13, v2;
	v5 =	vld.idx.msk [tilespmem:v16+s20+$0x0], $0xffff  }
0x65d: {  	v16 =	vor.u32 $0x13, v1;
	v13 =	vld.idx.msk [tilespmem:v13+s18+$0x0], $0xffff  }
0x65e: {  	v3 =	vadd.f32 v4, v3;
	v4 =	vmul.f32 v6, v7;
	v7 =	vor.u32 $0x14, v2;
	v6 =	vld.idx.msk [tilespmem:v14+s20+$0x0], $0xffff  }
0x65f: {  	v14 =	vor.u32 $0x14, v1;
	v10 =	vld.idx.msk [tilespmem:v10+s18+$0x0], $0xffff  }
0x660: {  	v3 =	vadd.f32 v4, v3;
	v4 =	vmul.f32 v8, v9;
	v9 =	vor.u32 $0x15, v2;
	v8 =	vld.idx.msk [tilespmem:v15+s20+$0x0], $0xffff  }
0x661: {  	v15 =	vor.u32 $0x15, v1;
	v12 =	vld.idx.msk [tilespmem:v12+s18+$0x0], $0xffff  }
0x662: {  	v3 =	vadd.f32 v4, v3;
	v4 =	vmul.f32 v5, v11;
	v11 =	vor.u32 $0x16, v2;
	v5 =	vld.idx.msk [tilespmem:v16+s20+$0x0], $0xffff  }
0x663: {  	v16 =	vor.u32 $0x16, v1;
	v7 =	vld.idx.msk [tilespmem:v7+s18+$0x0], $0xffff  }
0x664: {  	v3 =	vadd.f32 v4, v3;
	v4 =	vmul.f32 v6, v13;
	v13 =	vor.u32 $0x17, v2;
	v6 =	vld.idx.msk [tilespmem:v14+s20+$0x0], $0xffff  }
0x665: {  	v14 =	vor.u32 $0x17, v1;
	v9 =	vld.idx.msk [tilespmem:v9+s18+$0x0], $0xffff  }
0x666: {  	v3 =	vadd.f32 v4, v3;
	v4 =	vmul.f32 v8, v10;
	v10 =	vor.u32 $0x18, v2;
	v8 =	vld.idx.msk [tilespmem:v15+s20+$0x0], $0xffff  }
0x667: {  	v15 =	vor.u32 $0x18, v1;
	v11 =	vld.idx.msk [tilespmem:v11+s18+$0x0], $0xffff  }
0x668: {  	v3 =	vadd.f32 v4, v3;
	v4 =	vmul.f32 v5, v12;
	v12 =	vor.u32 $0x19, v2;
	v5 =	vld.idx.msk [tilespmem:v16+s20+$0x0], $0xffff  }
0x669: {  	v16 =	vor.u32 $0x19, v1;
	v13 =	vld.idx.msk [tilespmem:v13+s18+$0x0], $0xffff  }
0x66a: {  	v3 =	vadd.f32 v4, v3;
	v4 =	vmul.f32 v6, v7;
	v7 =	vor.u32 $0x1A, v2;
	v6 =	vld.idx.msk [tilespmem:v14+s20+$0x0], $0xffff  }
0x66b: {  	v14 =	vor.u32 $0x1A, v1;
	v10 =	vld.idx.msk [tilespmem:v10+s18+$0x0], $0xffff  }
0x66c: {  	v3 =	vadd.f32 v4, v3;
	v4 =	vmul.f32 v8, v9;
	v9 =	vor.u32 $0x1B, v2;
	v8 =	vld.idx.msk [tilespmem:v15+s20+$0x0], $0xffff  }
0x66d: {  	v15 =	vor.u32 $0x1B, v1;
	v12 =	vld.idx.msk [tilespmem:v12+s18+$0x0], $0xffff  }
0x66e: {  	v3 =	vadd.f32 v4, v3;
	v4 =	vmul.f32 v5, v11;
	v11 =	vor.u32 $0x1C, v2;
	v5 =	vld.idx.msk [tilespmem:v16+s20+$0x0], $0xffff  }
0x66f: {  	v16 =	vor.u32 $0x1C, v1;
	v7 =	vld.idx.msk [tilespmem:v7+s18+$0x0], $0xffff  }
0x670: {  	v3 =	vadd.f32 v4, v3;
	v4 =	vmul.f32 v6, v13;
	v13 =	vor.u32 $0x1D, v2;
	v6 =	vld.idx.msk [tilespmem:v14+s20+$0x0], $0xffff  }
0x671: {  	v14 =	vor.u32 $0x1D, v1;
	v9 =	vld.idx.msk [tilespmem:v9+s18+$0x0], $0xffff  }
0x672: {  	v3 =	vadd.f32 v4, v3;
	v4 =	vmul.f32 v8, v10;
	v10 =	vor.u32 $0x1E, v2;
	v8 =	vld.idx.msk [tilespmem:v15+s20+$0x0], $0xffff  }
0x673: {  	v15 =	vor.u32 $0x1E, v1;
	v11 =	vld.idx.msk [tilespmem:v11+s18+$0x0], $0xffff  }
0x674: {  	v3 =	vadd.f32 v4, v3;
	v4 =	vmul.f32 v5, v12;
	v12 =	vor.u32 $0x1F, v2;
	v5 =	vld.idx.msk [tilespmem:v16+s20+$0x0], $0xffff  }
0x675: {  	v16 =	vor.u32 $0x1F, v1;
	v13 =	vld.idx.msk [tilespmem:v13+s18+$0x0], $0xffff  }
0x676: {  	v3 =	vadd.f32 v4, v3;
	v4 =	vmul.f32 v6, v7;
	v7 =	vor.u32 $0x20, v2;
	v6 =	vld.idx.msk [tilespmem:v14+s20+$0x0], $0xffff  }
0x677: {  	v14 =	vor.u32 $0x20, v1;
	v10 =	vld.idx.msk [tilespmem:v10+s18+$0x0], $0xffff  }
0x678: {  	v3 =	vadd.f32 v4, v3;
	v4 =	vmul.f32 v8, v9;
	v9 =	vor.u32 $0x21, v2;
	v8 =	vld.idx.msk [tilespmem:v15+s20+$0x0], $0xffff  }
0x679: {  	v15 =	vor.u32 $0x21, v1;
	v12 =	vld.idx.msk [tilespmem:v12+s18+$0x0], $0xffff  }
0x67a: {  	v3 =	vadd.f32 v4, v3;
	v4 =	vmul.f32 v5, v11;
	v11 =	vor.u32 $0x22, v2;
	v5 =	vld.idx.msk [tilespmem:v16+s20+$0x0], $0xffff  }
0x67b: {  	v16 =	vor.u32 $0x22, v1;
	v7 =	vld.idx.msk [tilespmem:v7+s18+$0x0], $0xffff  }
0x67c: {  	v3 =	vadd.f32 v4, v3;
	v4 =	vmul.f32 v6, v13;
	v13 =	vor.u32 $0x23, v2;
	v6 =	vld.idx.msk [tilespmem:v14+s20+$0x0], $0xffff  }
0x67d: {  	v14 =	vor.u32 $0x23, v1;
	v9 =	vld.idx.msk [tilespmem:v9+s18+$0x0], $0xffff  }
0x67e: {  	v3 =	vadd.f32 v4, v3;
	v4 =	vmul.f32 v8, v10;
	v10 =	vor.u32 $0x24, v2;
	v8 =	vld.idx.msk [tilespmem:v15+s20+$0x0], $0xffff  }
0x67f: {  	v15 =	vor.u32 $0x24, v1;
	v11 =	vld.idx.msk [tilespmem:v11+s18+$0x0], $0xffff  }
0x680: {  	v3 =	vadd.f32 v4, v3;
	v4 =	vmul.f32 v5, v12;
	v12 =	vor.u32 $0x25, v2;
	v5 =	vld.idx.msk [tilespmem:v16+s20+$0x0], $0xffff  }
0x681: {  	v16 =	vor.u32 $0x25, v1;
	v13 =	vld.idx.msk [tilespmem:v13+s18+$0x0], $0xffff  }
0x682: {  	v3 =	vadd.f32 v4, v3;
	v4 =	vmul.f32 v6, v7;
	v7 =	vor.u32 $0x26, v2;
	v6 =	vld.idx.msk [tilespmem:v14+s20+$0x0], $0xffff  }
0x683: {  	v14 =	vor.u32 $0x26, v1;
	v10 =	vld.idx.msk [tilespmem:v10+s18+$0x0], $0xffff  }
0x684: {  	v3 =	vadd.f32 v4, v3;
	v4 =	vmul.f32 v8, v9;
	v9 =	vor.u32 $0x27, v2;
	v8 =	vld.idx.msk [tilespmem:v15+s20+$0x0], $0xffff  }
0x685: {  	v15 =	vor.u32 $0x27, v1;
	v12 =	vld.idx.msk [tilespmem:v12+s18+$0x0], $0xffff  }
0x686: {  	v3 =	vadd.f32 v4, v3;
	v4 =	vmul.f32 v5, v11;
	v11 =	vor.u32 $0x28, v2;
	v5 =	vld.idx.msk [tilespmem:v16+s20+$0x0], $0xffff  }
0x687: {  	v16 =	vor.u32 $0x28, v1;
	v7 =	vld.idx.msk [tilespmem:v7+s18+$0x0], $0xffff  }
0x688: {  	v3 =	vadd.f32 v4, v3;
	v4 =	vmul.f32 v6, v13;
	v13 =	vor.u32 $0x29, v2;
	v6 =	vld.idx.msk [tilespmem:v14+s20+$0x0], $0xffff  }
0x689: {  	v14 =	vor.u32 $0x29, v1;
	v9 =	vld.idx.msk [tilespmem:v9+s18+$0x0], $0xffff  }
0x68a: {  	v3 =	vadd.f32 v4, v3;
	v4 =	vmul.f32 v8, v10;
	v10 =	vor.u32 $0x2A, v2;
	v8 =	vld.idx.msk [tilespmem:v15+s20+$0x0], $0xffff  }
0x68b: {  	v15 =	vor.u32 $0x2A, v1;
	v11 =	vld.idx.msk [tilespmem:v11+s18+$0x0], $0xffff  }
0x68c: {  	v3 =	vadd.f32 v4, v3;
	v4 =	vmul.f32 v5, v12;
	v12 =	vor.u32 $0x2B, v2;
	v5 =	vld.idx.msk [tilespmem:v16+s20+$0x0], $0xffff  }
0x68d: {  	v16 =	vor.u32 $0x2B, v1;
	v13 =	vld.idx.msk [tilespmem:v13+s18+$0x0], $0xffff  }
0x68e: {  	v3 =	vadd.f32 v4, v3;
	v4 =	vmul.f32 v6, v7;
	v7 =	vor.u32 $0x2C, v2;
	v6 =	vld.idx.msk [tilespmem:v14+s20+$0x0], $0xffff  }
0x68f: {  	v14 =	vor.u32 $0x2C, v1;
	v10 =	vld.idx.msk [tilespmem:v10+s18+$0x0], $0xffff  }
0x690: {  	v3 =	vadd.f32 v4, v3;
	v4 =	vmul.f32 v8, v9;
	v9 =	vor.u32 $0x2D, v2;
	v8 =	vld.idx.msk [tilespmem:v15+s20+$0x0], $0xffff  }
0x691: {  	v15 =	vor.u32 $0x2D, v1;
	v12 =	vld.idx.msk [tilespmem:v12+s18+$0x0], $0xffff  }
0x692: {  	v3 =	vadd.f32 v4, v3;
	v4 =	vmul.f32 v5, v11;
	v11 =	vor.u32 $0x2E, v2;
	v5 =	vld.idx.msk [tilespmem:v16+s20+$0x0], $0xffff  }
0x693: {  	v16 =	vor.u32 $0x2E, v1;
	v7 =	vld.idx.msk [tilespmem:v7+s18+$0x0], $0xffff  }
0x694: {  	v3 =	vadd.f32 v4, v3;
	v4 =	vmul.f32 v6, v13;
	v13 =	vor.u32 $0x2F, v2;
	v6 =	vld.idx.msk [tilespmem:v14+s20+$0x0], $0xffff  }
0x695: {  	v14 =	vor.u32 $0x2F, v1;
	v9 =	vld.idx.msk [tilespmem:v9+s18+$0x0], $0xffff  }
0x696: {  	v3 =	vadd.f32 v4, v3;
	v4 =	vmul.f32 v8, v10;
	v10 =	vor.u32 $0x30, v2;
	v8 =	vld.idx.msk [tilespmem:v15+s20+$0x0], $0xffff  }
0x697: {  	v15 =	vor.u32 $0x30, v1;
	v11 =	vld.idx.msk [tilespmem:v11+s18+$0x0], $0xffff  }
0x698: {  	v3 =	vadd.f32 v4, v3;
	v4 =	vmul.f32 v5, v12;
	v12 =	vor.u32 $0x31, v2;
	v5 =	vld.idx.msk [tilespmem:v16+s20+$0x0], $0xffff  }
0x699: {  	v16 =	vor.u32 $0x31, v1;
	v13 =	vld.idx.msk [tilespmem:v13+s18+$0x0], $0xffff  }
0x69a: {  	v3 =	vadd.f32 v4, v3;
	v4 =	vmul.f32 v6, v7;
	v7 =	vor.u32 $0x32, v2;
	v6 =	vld.idx.msk [tilespmem:v14+s20+$0x0], $0xffff  }
0x69b: {  	v14 =	vor.u32 $0x32, v1;
	v10 =	vld.idx.msk [tilespmem:v10+s18+$0x0], $0xffff  }
0x69c: {  	v3 =	vadd.f32 v4, v3;
	v4 =	vmul.f32 v8, v9;
	v9 =	vor.u32 $0x33, v2;
	v8 =	vld.idx.msk [tilespmem:v15+s20+$0x0], $0xffff  }
0x69d: {  	v15 =	vor.u32 $0x33, v1;
	v12 =	vld.idx.msk [tilespmem:v12+s18+$0x0], $0xffff  }
0x69e: {  	v3 =	vadd.f32 v4, v3;
	v4 =	vmul.f32 v5, v11;
	v11 =	vor.u32 $0x34, v2;
	v5 =	vld.idx.msk [tilespmem:v16+s20+$0x0], $0xffff  }
0x69f: {  	v16 =	vor.u32 $0x34, v1;
	v7 =	vld.idx.msk [tilespmem:v7+s18+$0x0], $0xffff  }
0x6a0: {  	v3 =	vadd.f32 v4, v3;
	v4 =	vmul.f32 v6, v13;
	v13 =	vor.u32 $0x35, v2;
	v6 =	vld.idx.msk [tilespmem:v14+s20+$0x0], $0xffff  }
0x6a1: {  	v14 =	vor.u32 $0x35, v1;
	v9 =	vld.idx.msk [tilespmem:v9+s18+$0x0], $0xffff  }
0x6a2: {  	v3 =	vadd.f32 v4, v3;
	v4 =	vmul.f32 v8, v10;
	v10 =	vor.u32 $0x36, v2;
	v8 =	vld.idx.msk [tilespmem:v15+s20+$0x0], $0xffff  }
0x6a3: {  	v15 =	vor.u32 $0x36, v1;
	v11 =	vld.idx.msk [tilespmem:v11+s18+$0x0], $0xffff  }
0x6a4: {  	v3 =	vadd.f32 v4, v3;
	v4 =	vmul.f32 v5, v12;
	v12 =	vor.u32 $0x37, v2;
	v5 =	vld.idx.msk [tilespmem:v16+s20+$0x0], $0xffff  }
0x6a5: {  	v16 =	vor.u32 $0x37, v1;
	v13 =	vld.idx.msk [tilespmem:v13+s18+$0x0], $0xffff  }
0x6a6: {  	v3 =	vadd.f32 v4, v3;
	v4 =	vmul.f32 v6, v7;
	v7 =	vor.u32 $0x38, v2;
	v6 =	vld.idx.msk [tilespmem:v14+s20+$0x0], $0xffff  }
0x6a7: {  	v14 =	vor.u32 $0x38, v1;
	v10 =	vld.idx.msk [tilespmem:v10+s18+$0x0], $0xffff  }
0x6a8: {  	v3 =	vadd.f32 v4, v3;
	v4 =	vmul.f32 v8, v9;
	v9 =	vor.u32 $0x39, v2;
	v8 =	vld.idx.msk [tilespmem:v15+s20+$0x0], $0xffff  }
0x6a9: {  	v15 =	vor.u32 $0x39, v1;
	v12 =	vld.idx.msk [tilespmem:v12+s18+$0x0], $0xffff  }
0x6aa: {  	v3 =	vadd.f32 v4, v3;
	v4 =	vmul.f32 v5, v11;
	v11 =	vor.u32 $0x3A, v2;
	v5 =	vld.idx.msk [tilespmem:v16+s20+$0x0], $0xffff  }
0x6ab: {  	v16 =	vor.u32 $0x3A, v1;
	v7 =	vld.idx.msk [tilespmem:v7+s18+$0x0], $0xffff  }
0x6ac: {  	v3 =	vadd.f32 v4, v3;
	v4 =	vmul.f32 v6, v13;
	v13 =	vor.u32 $0x3B, v2;
	v6 =	vld.idx.msk [tilespmem:v14+s20+$0x0], $0xffff  }
0x6ad: {  	v14 =	vor.u32 $0x3B, v1;
	v9 =	vld.idx.msk [tilespmem:v9+s18+$0x0], $0xffff  }
0x6ae: {  	v3 =	vadd.f32 v4, v3;
	v4 =	vmul.f32 v8, v10;
	v10 =	vor.u32 $0x3C, v2;
	v8 =	vld.idx.msk [tilespmem:v15+s20+$0x0], $0xffff  }
0x6af: {  	v15 =	vor.u32 $0x3C, v1;
	v11 =	vld.idx.msk [tilespmem:v11+s18+$0x0], $0xffff  }
0x6b0: {  	v3 =	vadd.f32 v4, v3;
	v4 =	vmul.f32 v5, v12;
	v12 =	vor.u32 $0x3D, v2;
	v5 =	vld.idx.msk [tilespmem:v16+s20+$0x0], $0xffff  }
0x6b1: {  	v16 =	vor.u32 $0x3D, v1;
	v13 =	vld.idx.msk [tilespmem:v13+s18+$0x0], $0xffff  }
0x6b2: {  	v3 =	vadd.f32 v4, v3;
	v4 =	vmul.f32 v6, v7;
	v7 =	vor.u32 $0x3E, v2;
	v6 =	vld.idx.msk [tilespmem:v14+s20+$0x0], $0xffff  }
0x6b3: {  	v14 =	vor.u32 $0x3E, v1;
	v10 =	vld.idx.msk [tilespmem:v10+s18+$0x0], $0xffff  }
0x6b4: {  	v2 =	vor.u32 $0x3F, v2;
	v3 =	vadd.f32 v4, v3;
	v4 =	vmul.f32 v8, v9;
	v8 =	vld.idx.msk [tilespmem:v15+s20+$0x0], $0xffff  }
0x6b5: {  	v1 =	vor.u32 $0x3F, v1;
	v9 =	vld.idx.msk [tilespmem:v12+s18+$0x0], $0xffff  }
0x6b6: {  	v3 =	vadd.f32 v4, v3;
	v4 =	vmul.f32 v5, v11;
	v5 =	vld.idx.msk [tilespmem:v16+s20+$0x0], $0xffff  }
0x6b7: {  	v7 =	vld.idx.msk [tilespmem:v7+s18+$0x0], $0xffff  }
0x6b8: {  	v3 =	vadd.f32 v4, v3;
	v4 =	vmul.f32 v6, v13;
	v6 =	vld.idx.msk [tilespmem:v14+s20+$0x0], $0xffff  }
0x6b9: {  	v2 =	vld.idx.msk [tilespmem:v2+s18+$0x0], $0xffff  }
0x6ba: {  	v3 =	vadd.f32 v4, v3;
	v4 =	vmul.f32 v8, v10;
	v1 =	vld.idx.msk [tilespmem:v1+s20+$0x0], $0xffff;
	_ =	sdelay $0x1  }
0x6bb: {  	v3 =	vadd.f32 v4, v3;
	v4 =	vmul.f32 v5, v9;
	_ =	sdelay $0x1  }
0x6bc: {  	v3 =	vadd.f32 v4, v3;
	v4 =	vmul.f32 v6, v7;
	_ =	sdelay $0x1  }
0x6bd: {  	v3 =	vadd.f32 v4, v3;
	v1 =	vmul.f32 v1, v2;
	_ =	sdelay $0x1  }
0x6be: {  	v1 =	vadd.f32 v1, v3;
	_ =	sdelay $0x1  }
0x6bf: {  	v1 =	vsub.f32 $0.0e+00, v1;
	_ =	sdelay $0x1  }
0x6c0: {  	v1 =	vmul.f32 $1.442695020e+00, v1;
	_ =	sdelay $0x1  }
0x6c1: {  	(erf) = vpow2.f32 v1;
	_ =	sdelay $0x8  }
0x6c2: {  	v1 =	vpop (erf)  }
0x6c3: {  	v1 =	vadd.f32 $1.000000000e+00, v1;
	_ =	sdelay $0x1  }
0x6c4: {  	(erf) = vrcp.f32 v1;
	_ =	sdelay $0x7  }
.Ltmp3:
0x6c5: {  	(pc) =	sbr.rel @p0 .LBB2_8-.Ltmp3, $4  }
0x6c6: {  	s0 =	sadd.s32 $0x10, s0;
	v1 =	vpop (erf)  }
0x6c7: {  	s3 =	sadd.s32 $0x10, s3;
	[tilespmem:s0+$0x0] =	vst v1  }
0x6c8: {  	s17 =	sadd.s32 $0x10, s17;
	v1 =	vld [tilespmem:s3+$0x0]  }
0x6c9: {  	s23 =	sadd.s32 $0x10, s23;
	v2 =	vld [tilespmem:s17+$0x0]  }
0x6ca: {  	_ =	sdelay $0x1  }
0x6cb: {  	v3 =	vmov s19  }
0x6cc: {  	v3 =	vshll.u32 v3, $0x7;
	v1 =	vshll.u32 v1, $0x6  }
0x6cd: {  	v3 =	vor.u32 v0, v3;
	v1 =	vand.u32 $0x40, v1;
	v2 =	vshll.u32 v2, $0x6  }
0x6ce: {  	v4 =	vand.u32 $0x40, v2;
	v2 =	vor.u32 v3, v1  }
0x6cf: {  	v1 =	vor.u32 v3, v4  }
0x6d0: {  	v3 =	vor.u32 $0x1, v2  }
0x6d1: {  	v4 =	vor.u32 $0x1, v1  }
0x6d2: {  	v5 =	vor.u32 $0x2, v2  }
0x6d3: {  	v7 =	vor.u32 $0x2, v1;
	v6 =	vld.idx.msk [tilespmem:v2+s18+$0x0], $0xffff  }
0x6d4: {  	v9 =	vor.u32 $0x3, v2;
	v8 =	vld.idx.msk [tilespmem:v1+s20+$0x0], $0xffff  }
0x6d5: {  	v10 =	vor.u32 $0x3, v1;
	v3 =	vld.idx.msk [tilespmem:v3+s18+$0x0], $0xffff  }
0x6d6: {  	v11 =	vor.u32 $0x4, v2;
	v4 =	vld.idx.msk [tilespmem:v4+s20+$0x0], $0xffff  }
0x6d7: {  	v12 =	vor.u32 $0x4, v1;
	v5 =	vld.idx.msk [tilespmem:v5+s18+$0x0], $0xffff  }
0x6d8: {  	v13 =	vor.u32 $0x5, v2;
	v7 =	vld.idx.msk [tilespmem:v7+s20+$0x0], $0xffff  }
0x6d9: {  	v14 =	vor.u32 $0x5, v1;
	v9 =	vld.idx.msk [tilespmem:v9+s18+$0x0], $0xffff;
	v6 =	vmul.f32 v8, v6  }
0x6da: {  	v53 =	vor.u32 $0x6, v2;
	v52 =	vld.idx.msk [tilespmem:v10+s20+$0x0], $0xffff  }
0x6db: {  	v15 =	vor.u32 $0x6, v1;
	v11 =	vld.idx.msk [tilespmem:v11+s18+$0x0], $0xffff;
	v3 =	vmul.f32 v4, v3;
	v6 =	vadd.f32 $0.0e+00, v6  }
0x6dc: {  	v55 =	vor.u32 $0x7, v2;
	v54 =	vld.idx.msk [tilespmem:v12+s20+$0x0], $0xffff  }
0x6dd: {  	v16 =	vor.u32 $0x7, v1;
	v13 =	vld.idx.msk [tilespmem:v13+s18+$0x0], $0xffff;
	v5 =	vmul.f32 v7, v5;
	v3 =	vadd.f32 v3, v6  }
0x6de: {  	v58 =	vor.u32 $0x8, v1;
	v56 =	vld.idx.msk [tilespmem:v14+s20+$0x0], $0xffff  }
0x6df: {  	v57 =	vor.u32 $0x8, v2;
	v10 =	vld.idx.msk [tilespmem:v53+s18+$0x0], $0xffff;
	v59 =	vmul.f32 v52, v9;
	v3 =	vadd.f32 v5, v3  }
0x6e0: {  	v62 =	vor.u32 $0x9, v1;
	v60 =	vld.idx.msk [tilespmem:v15+s20+$0x0], $0xffff  }
0x6e1: {  	v61 =	vor.u32 $0x9, v2;
	v12 =	vld.idx.msk [tilespmem:v55+s18+$0x0], $0xffff;
	v4 =	vmul.f32 v54, v11;
	v3 =	vadd.f32 v59, v3  }
0x6e2: {  	v21 =	vor.u32 $0xA, v1;
	v63 =	vld.idx.msk [tilespmem:v16+s20+$0x0], $0xffff  }
0x6e3: {  	v20 =	vor.u32 $0xA, v2;
	v23 =	vld.idx.msk [tilespmem:v58+s20+$0x0], $0xffff;
	v22 =	vmul.f32 v56, v13;
	v3 =	vadd.f32 v4, v3  }
0x6e4: {  	v25 =	vor.u32 $0xB, v1;
	v7 =	vld.idx.msk [tilespmem:v57+s18+$0x0], $0xffff  }
0x6e5: {  	v24 =	vor.u32 $0xB, v2;
	v27 =	vld.idx.msk [tilespmem:v62+s20+$0x0], $0xffff;
	v26 =	vmul.f32 v60, v10;
	v3 =	vadd.f32 v22, v3  }
0x6e6: {  	v29 =	vor.u32 $0xC, v1;
	v9 =	vld.idx.msk [tilespmem:v61+s18+$0x0], $0xffff  }
0x6e7: {  	v28 =	vor.u32 $0xC, v2;
	v31 =	vld.idx.msk [tilespmem:v21+s20+$0x0], $0xffff;
	v30 =	vmul.f32 v63, v12;
	v3 =	vadd.f32 v26, v3  }
0x6e8: {  	v33 =	vor.u32 $0xD, v1;
	v11 =	vld.idx.msk [tilespmem:v20+s18+$0x0], $0xffff  }
0x6e9: {  	v32 =	vor.u32 $0xD, v2;
	v35 =	vld.idx.msk [tilespmem:v25+s20+$0x0], $0xffff;
	v34 =	vmul.f32 v23, v7;
	v3 =	vadd.f32 v30, v3  }
0x6ea: {  	v37 =	vor.u32 $0xE, v1;
	v13 =	vld.idx.msk [tilespmem:v24+s18+$0x0], $0xffff  }
0x6eb: {  	v36 =	vor.u32 $0xE, v2;
	v39 =	vld.idx.msk [tilespmem:v29+s20+$0x0], $0xffff;
	v38 =	vmul.f32 v27, v9;
	v3 =	vadd.f32 v34, v3  }
0x6ec: {  	v41 =	vor.u32 $0xF, v1;
	v10 =	vld.idx.msk [tilespmem:v28+s18+$0x0], $0xffff  }
0x6ed: {  	v40 =	vor.u32 $0xF, v2;
	v43 =	vld.idx.msk [tilespmem:v33+s20+$0x0], $0xffff;
	v42 =	vmul.f32 v31, v11;
	v3 =	vadd.f32 v38, v3  }
0x6ee: {  	v45 =	vor.u32 $0x10, v1;
	v12 =	vld.idx.msk [tilespmem:v32+s18+$0x0], $0xffff  }
0x6ef: {  	v44 =	vor.u32 $0x10, v2;
	v47 =	vld.idx.msk [tilespmem:v37+s20+$0x0], $0xffff;
	v46 =	vmul.f32 v35, v13;
	v3 =	vadd.f32 v42, v3  }
0x6f0: {  	v48 =	vor.u32 $0x11, v2;
	v7 =	vld.idx.msk [tilespmem:v36+s18+$0x0], $0xffff  }
0x6f1: {  	v49 =	vor.u32 $0x11, v1;
	v51 =	vld.idx.msk [tilespmem:v41+s20+$0x0], $0xffff;
	v50 =	vmul.f32 v39, v10;
	v3 =	vadd.f32 v46, v3  }
0x6f2: {  	v53 =	vor.u32 $0x12, v1;
	v9 =	vld.idx.msk [tilespmem:v40+s18+$0x0], $0xffff  }
0x6f3: {  	v55 =	vld.idx.msk [tilespmem:v45+s20+$0x0], $0xffff;
	v52 =	vor.u32 $0x12, v2;
	v54 =	vmul.f32 v43, v12;
	v3 =	vadd.f32 v50, v3  }
0x6f4: {  	v56 =	vor.u32 $0x13, v2;
	v11 =	vld.idx.msk [tilespmem:v44+s18+$0x0], $0xffff  }
0x6f5: {  	v57 =	vor.u32 $0x13, v1;
	v13 =	vld.idx.msk [tilespmem:v48+s18+$0x0], $0xffff;
	v58 =	vmul.f32 v47, v7;
	v3 =	vadd.f32 v54, v3  }
0x6f6: {  	v61 =	vor.u32 $0x14, v1;
	v59 =	vld.idx.msk [tilespmem:v49+s20+$0x0], $0xffff  }
0x6f7: {  	v60 =	vor.u32 $0x14, v2;
	v63 =	vld.idx.msk [tilespmem:v53+s20+$0x0], $0xffff;
	v62 =	vmul.f32 v51, v9;
	v3 =	vadd.f32 v58, v3  }
0x6f8: {  	v21 =	vor.u32 $0x15, v1;
	v10 =	vld.idx.msk [tilespmem:v52+s18+$0x0], $0xffff  }
0x6f9: {  	v20 =	vor.u32 $0x15, v2;
	v12 =	vld.idx.msk [tilespmem:v56+s18+$0x0], $0xffff;
	v22 =	vmul.f32 v55, v11;
	v3 =	vadd.f32 v62, v3  }
0x6fa: {  	v25 =	vor.u32 $0x16, v1;
	v23 =	vld.idx.msk [tilespmem:v57+s20+$0x0], $0xffff  }
0x6fb: {  	v24 =	vor.u32 $0x16, v2;
	v27 =	vld.idx.msk [tilespmem:v61+s20+$0x0], $0xffff;
	v26 =	vmul.f32 v59, v13;
	v3 =	vadd.f32 v22, v3  }
0x6fc: {  	v29 =	vor.u32 $0x17, v1;
	v7 =	vld.idx.msk [tilespmem:v60+s18+$0x0], $0xffff  }
0x6fd: {  	v28 =	vor.u32 $0x17, v2;
	v31 =	vld.idx.msk [tilespmem:v21+s20+$0x0], $0xffff;
	v30 =	vmul.f32 v63, v10;
	v3 =	vadd.f32 v26, v3  }
0x6fe: {  	v33 =	vor.u32 $0x18, v1;
	v9 =	vld.idx.msk [tilespmem:v20+s18+$0x0], $0xffff  }
0x6ff: {  	v32 =	vor.u32 $0x18, v2;
	v35 =	vld.idx.msk [tilespmem:v25+s20+$0x0], $0xffff;
	v34 =	vmul.f32 v23, v12;
	v3 =	vadd.f32 v30, v3  }
0x700: {  	v37 =	vor.u32 $0x19, v1;
	v11 =	vld.idx.msk [tilespmem:v24+s18+$0x0], $0xffff  }
0x701: {  	v36 =	vor.u32 $0x19, v2;
	v39 =	vld.idx.msk [tilespmem:v29+s20+$0x0], $0xffff;
	v38 =	vmul.f32 v27, v7;
	v3 =	vadd.f32 v34, v3  }
0x702: {  	v41 =	vor.u32 $0x1A, v1;
	v13 =	vld.idx.msk [tilespmem:v28+s18+$0x0], $0xffff  }
0x703: {  	v40 =	vor.u32 $0x1A, v2;
	v43 =	vld.idx.msk [tilespmem:v33+s20+$0x0], $0xffff;
	v42 =	vmul.f32 v31, v9;
	v3 =	vadd.f32 v38, v3  }
0x704: {  	v45 =	vor.u32 $0x1B, v1;
	v10 =	vld.idx.msk [tilespmem:v32+s18+$0x0], $0xffff  }
0x705: {  	v44 =	vor.u32 $0x1B, v2;
	v47 =	vld.idx.msk [tilespmem:v37+s20+$0x0], $0xffff;
	v46 =	vmul.f32 v35, v11;
	v3 =	vadd.f32 v42, v3  }
0x706: {  	v49 =	vor.u32 $0x1C, v1;
	v12 =	vld.idx.msk [tilespmem:v36+s18+$0x0], $0xffff  }
0x707: {  	v48 =	vor.u32 $0x1C, v2;
	v51 =	vld.idx.msk [tilespmem:v41+s20+$0x0], $0xffff;
	v50 =	vmul.f32 v39, v13;
	v3 =	vadd.f32 v46, v3  }
0x708: {  	v53 =	vor.u32 $0x1D, v1;
	v7 =	vld.idx.msk [tilespmem:v40+s18+$0x0], $0xffff  }
0x709: {  	v52 =	vor.u32 $0x1D, v2;
	v55 =	vld.idx.msk [tilespmem:v45+s20+$0x0], $0xffff;
	v54 =	vmul.f32 v43, v10;
	v3 =	vadd.f32 v50, v3  }
0x70a: {  	v57 =	vor.u32 $0x1E, v1;
	v9 =	vld.idx.msk [tilespmem:v44+s18+$0x0], $0xffff  }
0x70b: {  	v56 =	vor.u32 $0x1E, v2;
	v59 =	vld.idx.msk [tilespmem:v49+s20+$0x0], $0xffff;
	v58 =	vmul.f32 v47, v12;
	v3 =	vadd.f32 v54, v3  }
0x70c: {  	v61 =	vor.u32 $0x1F, v1;
	v11 =	vld.idx.msk [tilespmem:v48+s18+$0x0], $0xffff  }
0x70d: {  	v60 =	vor.u32 $0x1F, v2;
	v63 =	vld.idx.msk [tilespmem:v53+s20+$0x0], $0xffff;
	v62 =	vmul.f32 v51, v7;
	v3 =	vadd.f32 v58, v3  }
0x70e: {  	v21 =	vor.u32 $0x20, v1;
	v13 =	vld.idx.msk [tilespmem:v52+s18+$0x0], $0xffff  }
0x70f: {  	v20 =	vor.u32 $0x20, v2;
	v23 =	vld.idx.msk [tilespmem:v57+s20+$0x0], $0xffff;
	v22 =	vmul.f32 v55, v9;
	v3 =	vadd.f32 v62, v3  }
0x710: {  	v25 =	vor.u32 $0x21, v1;
	v10 =	vld.idx.msk [tilespmem:v56+s18+$0x0], $0xffff  }
0x711: {  	v24 =	vor.u32 $0x21, v2;
	v27 =	vld.idx.msk [tilespmem:v61+s20+$0x0], $0xffff;
	v26 =	vmul.f32 v59, v11;
	v3 =	vadd.f32 v22, v3  }
0x712: {  	v29 =	vor.u32 $0x22, v1;
	v12 =	vld.idx.msk [tilespmem:v60+s18+$0x0], $0xffff  }
0x713: {  	v28 =	vor.u32 $0x22, v2;
	v31 =	vld.idx.msk [tilespmem:v21+s20+$0x0], $0xffff;
	v30 =	vmul.f32 v63, v13;
	v3 =	vadd.f32 v26, v3  }
0x714: {  	v33 =	vor.u32 $0x23, v1;
	v7 =	vld.idx.msk [tilespmem:v20+s18+$0x0], $0xffff  }
0x715: {  	v32 =	vor.u32 $0x23, v2;
	v35 =	vld.idx.msk [tilespmem:v25+s20+$0x0], $0xffff;
	v34 =	vmul.f32 v23, v10;
	v3 =	vadd.f32 v30, v3  }
0x716: {  	v37 =	vor.u32 $0x24, v1;
	v9 =	vld.idx.msk [tilespmem:v24+s18+$0x0], $0xffff  }
0x717: {  	v36 =	vor.u32 $0x24, v2;
	v39 =	vld.idx.msk [tilespmem:v29+s20+$0x0], $0xffff;
	v38 =	vmul.f32 v27, v12;
	v3 =	vadd.f32 v34, v3  }
0x718: {  	v41 =	vor.u32 $0x25, v1;
	v11 =	vld.idx.msk [tilespmem:v28+s18+$0x0], $0xffff  }
0x719: {  	v40 =	vor.u32 $0x25, v2;
	v43 =	vld.idx.msk [tilespmem:v33+s20+$0x0], $0xffff;
	v42 =	vmul.f32 v31, v7;
	v3 =	vadd.f32 v38, v3  }
0x71a: {  	v45 =	vor.u32 $0x26, v1;
	v13 =	vld.idx.msk [tilespmem:v32+s18+$0x0], $0xffff  }
0x71b: {  	v44 =	vor.u32 $0x26, v2;
	v47 =	vld.idx.msk [tilespmem:v37+s20+$0x0], $0xffff;
	v46 =	vmul.f32 v35, v9;
	v3 =	vadd.f32 v42, v3  }
0x71c: {  	v49 =	vor.u32 $0x27, v1;
	v10 =	vld.idx.msk [tilespmem:v36+s18+$0x0], $0xffff  }
0x71d: {  	v48 =	vor.u32 $0x27, v2;
	v51 =	vld.idx.msk [tilespmem:v41+s20+$0x0], $0xffff;
	v50 =	vmul.f32 v39, v11;
	v3 =	vadd.f32 v46, v3  }
0x71e: {  	v53 =	vor.u32 $0x28, v1;
	v12 =	vld.idx.msk [tilespmem:v40+s18+$0x0], $0xffff  }
0x71f: {  	v52 =	vor.u32 $0x28, v2;
	v55 =	vld.idx.msk [tilespmem:v45+s20+$0x0], $0xffff;
	v54 =	vmul.f32 v43, v13;
	v3 =	vadd.f32 v50, v3  }
0x720: {  	v57 =	vor.u32 $0x29, v1;
	v7 =	vld.idx.msk [tilespmem:v44+s18+$0x0], $0xffff  }
0x721: {  	v56 =	vor.u32 $0x29, v2;
	v59 =	vld.idx.msk [tilespmem:v49+s20+$0x0], $0xffff;
	v58 =	vmul.f32 v47, v10;
	v3 =	vadd.f32 v54, v3  }
0x722: {  	v61 =	vor.u32 $0x2A, v1;
	v9 =	vld.idx.msk [tilespmem:v48+s18+$0x0], $0xffff  }
0x723: {  	v60 =	vor.u32 $0x2A, v2;
	v63 =	vld.idx.msk [tilespmem:v53+s20+$0x0], $0xffff;
	v62 =	vmul.f32 v51, v12;
	v3 =	vadd.f32 v58, v3  }
0x724: {  	v21 =	vor.u32 $0x2B, v1;
	v11 =	vld.idx.msk [tilespmem:v52+s18+$0x0], $0xffff  }
0x725: {  	v20 =	vor.u32 $0x2B, v2;
	v23 =	vld.idx.msk [tilespmem:v57+s20+$0x0], $0xffff;
	v22 =	vmul.f32 v55, v7;
	v3 =	vadd.f32 v62, v3  }
0x726: {  	v25 =	vor.u32 $0x2C, v1;
	v13 =	vld.idx.msk [tilespmem:v56+s18+$0x0], $0xffff  }
0x727: {  	v24 =	vor.u32 $0x2C, v2;
	v27 =	vld.idx.msk [tilespmem:v61+s20+$0x0], $0xffff;
	v26 =	vmul.f32 v59, v9;
	v3 =	vadd.f32 v22, v3  }
0x728: {  	v29 =	vor.u32 $0x2D, v1;
	v10 =	vld.idx.msk [tilespmem:v60+s18+$0x0], $0xffff  }
0x729: {  	v28 =	vor.u32 $0x2D, v2;
	v31 =	vld.idx.msk [tilespmem:v21+s20+$0x0], $0xffff;
	v30 =	vmul.f32 v63, v11;
	v3 =	vadd.f32 v26, v3  }
0x72a: {  	v33 =	vor.u32 $0x2E, v1;
	v12 =	vld.idx.msk [tilespmem:v20+s18+$0x0], $0xffff  }
0x72b: {  	v32 =	vor.u32 $0x2E, v2;
	v35 =	vld.idx.msk [tilespmem:v25+s20+$0x0], $0xffff;
	v34 =	vmul.f32 v23, v13;
	v3 =	vadd.f32 v30, v3  }
0x72c: {  	v37 =	vor.u32 $0x2F, v1;
	v7 =	vld.idx.msk [tilespmem:v24+s18+$0x0], $0xffff  }
0x72d: {  	v36 =	vor.u32 $0x2F, v2;
	v39 =	vld.idx.msk [tilespmem:v29+s20+$0x0], $0xffff;
	v38 =	vmul.f32 v27, v10;
	v3 =	vadd.f32 v34, v3  }
0x72e: {  	v41 =	vor.u32 $0x30, v1;
	v9 =	vld.idx.msk [tilespmem:v28+s18+$0x0], $0xffff  }
0x72f: {  	v40 =	vor.u32 $0x30, v2;
	v43 =	vld.idx.msk [tilespmem:v33+s20+$0x0], $0xffff;
	v42 =	vmul.f32 v31, v12;
	v3 =	vadd.f32 v38, v3  }
0x730: {  	v45 =	vor.u32 $0x31, v1;
	v11 =	vld.idx.msk [tilespmem:v32+s18+$0x0], $0xffff  }
0x731: {  	v44 =	vor.u32 $0x31, v2;
	v47 =	vld.idx.msk [tilespmem:v37+s20+$0x0], $0xffff;
	v46 =	vmul.f32 v35, v7;
	v3 =	vadd.f32 v42, v3  }
0x732: {  	v49 =	vor.u32 $0x32, v1;
	v13 =	vld.idx.msk [tilespmem:v36+s18+$0x0], $0xffff  }
0x733: {  	v48 =	vor.u32 $0x32, v2;
	v51 =	vld.idx.msk [tilespmem:v41+s20+$0x0], $0xffff;
	v50 =	vmul.f32 v39, v9;
	v3 =	vadd.f32 v46, v3  }
0x734: {  	v53 =	vor.u32 $0x33, v1;
	v10 =	vld.idx.msk [tilespmem:v40+s18+$0x0], $0xffff  }
0x735: {  	v52 =	vor.u32 $0x33, v2;
	v55 =	vld.idx.msk [tilespmem:v45+s20+$0x0], $0xffff;
	v54 =	vmul.f32 v43, v11;
	v3 =	vadd.f32 v50, v3  }
0x736: {  	v57 =	vor.u32 $0x34, v1;
	v12 =	vld.idx.msk [tilespmem:v44+s18+$0x0], $0xffff  }
0x737: {  	v56 =	vor.u32 $0x34, v2;
	v59 =	vld.idx.msk [tilespmem:v49+s20+$0x0], $0xffff;
	v58 =	vmul.f32 v47, v13;
	v3 =	vadd.f32 v54, v3  }
0x738: {  	v61 =	vor.u32 $0x35, v1;
	v7 =	vld.idx.msk [tilespmem:v48+s18+$0x0], $0xffff  }
0x739: {  	v60 =	vor.u32 $0x35, v2;
	v63 =	vld.idx.msk [tilespmem:v53+s20+$0x0], $0xffff;
	v62 =	vmul.f32 v51, v10;
	v3 =	vadd.f32 v58, v3  }
0x73a: {  	v21 =	vor.u32 $0x36, v1;
	v9 =	vld.idx.msk [tilespmem:v52+s18+$0x0], $0xffff  }
0x73b: {  	v20 =	vor.u32 $0x36, v2;
	v23 =	vld.idx.msk [tilespmem:v57+s20+$0x0], $0xffff;
	v22 =	vmul.f32 v55, v12;
	v3 =	vadd.f32 v62, v3  }
0x73c: {  	v25 =	vor.u32 $0x37, v1;
	v11 =	vld.idx.msk [tilespmem:v56+s18+$0x0], $0xffff  }
0x73d: {  	v24 =	vor.u32 $0x37, v2;
	v27 =	vld.idx.msk [tilespmem:v61+s20+$0x0], $0xffff;
	v26 =	vmul.f32 v59, v7;
	v3 =	vadd.f32 v22, v3  }
0x73e: {  	v29 =	vor.u32 $0x38, v1;
	v13 =	vld.idx.msk [tilespmem:v60+s18+$0x0], $0xffff  }
0x73f: {  	v28 =	vor.u32 $0x38, v2;
	v31 =	vld.idx.msk [tilespmem:v21+s20+$0x0], $0xffff;
	v30 =	vmul.f32 v63, v9;
	v3 =	vadd.f32 v26, v3  }
0x740: {  	v33 =	vor.u32 $0x39, v1;
	v10 =	vld.idx.msk [tilespmem:v20+s18+$0x0], $0xffff  }
0x741: {  	v32 =	vor.u32 $0x39, v2;
	v35 =	vld.idx.msk [tilespmem:v25+s20+$0x0], $0xffff;
	v34 =	vmul.f32 v23, v11;
	v3 =	vadd.f32 v30, v3  }
0x742: {  	v37 =	vor.u32 $0x3A, v1;
	v12 =	vld.idx.msk [tilespmem:v24+s18+$0x0], $0xffff  }
0x743: {  	v36 =	vor.u32 $0x3A, v2;
	v39 =	vld.idx.msk [tilespmem:v29+s20+$0x0], $0xffff;
	v38 =	vmul.f32 v27, v13;
	v3 =	vadd.f32 v34, v3  }
0x744: {  	v41 =	vor.u32 $0x3B, v1;
	v7 =	vld.idx.msk [tilespmem:v28+s18+$0x0], $0xffff  }
0x745: {  	v40 =	vor.u32 $0x3B, v2;
	v43 =	vld.idx.msk [tilespmem:v33+s20+$0x0], $0xffff;
	v42 =	vmul.f32 v31, v10;
	v3 =	vadd.f32 v38, v3  }
0x746: {  	v45 =	vor.u32 $0x3C, v1;
	v9 =	vld.idx.msk [tilespmem:v32+s18+$0x0], $0xffff  }
0x747: {  	v44 =	vor.u32 $0x3C, v2;
	v47 =	vld.idx.msk [tilespmem:v37+s20+$0x0], $0xffff;
	v46 =	vmul.f32 v35, v12;
	v3 =	vadd.f32 v42, v3  }
0x748: {  	v48 =	vor.u32 $0x3D, v2;
	v11 =	vld.idx.msk [tilespmem:v36+s18+$0x0], $0xffff  }
0x749: {  	v49 =	vor.u32 $0x3D, v1;
	v51 =	vld.idx.msk [tilespmem:v41+s20+$0x0], $0xffff;
	v50 =	vmul.f32 v39, v7;
	v3 =	vadd.f32 v46, v3  }
0x74a: {  	v53 =	vor.u32 $0x3E, v1;
	v13 =	vld.idx.msk [tilespmem:v40+s18+$0x0], $0xffff  }
0x74b: {  	v52 =	vor.u32 $0x3E, v2;
	v55 =	vld.idx.msk [tilespmem:v45+s20+$0x0], $0xffff;
	v54 =	vmul.f32 v43, v9;
	v3 =	vadd.f32 v50, v3  }
0x74c: {  	v1 =	vor.u32 $0x3F, v1;
	v10 =	vld.idx.msk [tilespmem:v44+s18+$0x0], $0xffff  }
0x74d: {  	v2 =	vor.u32 $0x3F, v2;
	v56 =	vld.idx.msk [tilespmem:v48+s18+$0x0], $0xffff;
	v57 =	vmul.f32 v47, v11;
	v3 =	vadd.f32 v54, v3  }
0x74e: {  	v58 =	vld.idx.msk [tilespmem:v49+s20+$0x0], $0xffff  }
0x74f: {  	v60 =	vld.idx.msk [tilespmem:v53+s20+$0x0], $0xffff;
	v59 =	vmul.f32 v51, v13;
	v3 =	vadd.f32 v57, v3  }
0x750: {  	v7 =	vld.idx.msk [tilespmem:v52+s18+$0x0], $0xffff  }
0x751: {  	v1 =	vld.idx.msk [tilespmem:v1+s20+$0x0], $0xffff;
	v61 =	vmul.f32 v55, v10;
	v3 =	vadd.f32 v59, v3  }
0x752: {  	v2 =	vld.idx.msk [tilespmem:v2+s18+$0x0], $0xffff  }
0x753: {  	v62 =	vmul.f32 v58, v56;
	v3 =	vadd.f32 v61, v3;
	_ =	sdelay $0x1  }
0x754: {  	v63 =	vmul.f32 v60, v7;
	v3 =	vadd.f32 v62, v3;
	_ =	sdelay $0x1  }
0x755: {  	v1 =	vmul.f32 v1, v2;
	v3 =	vadd.f32 v63, v3;
	_ =	sdelay $0x1  }
0x756: {  	v1 =	vadd.f32 v1, v3;
	_ =	sdelay $0x1  }
0x757: {  	v1 =	vsub.f32 $0.0e+00, v1;
	_ =	sdelay $0x1  }
0x758: {  	v1 =	vmul.f32 $1.442695020e+00, v1;
	_ =	sdelay $0x1  }
0x759: {  	(erf) = vpow2.f32 v1;
	_ =	sdelay $0x8  }
0x75a: {  	v1 =	vpop (erf)  }
0x75b: {  	v1 =	vadd.f32 $1.000000000e+00, v1;
	_ =	sdelay $0x1  }
0x75c: {  	(erf) = vrcp.f32 v1;
	_ =	sdelay $0x7  }
0x75d: {  	s31 =	sadd.s32 $0x1, s31  }
0x75e: {  	s0 =	sadd.s32 $0x10, s0;
	p0 =	sne.s32 s31, s10;
	v1 =	vpop (erf)  }
.Ltmp4:
0x75f: {  	[tilespmem:s0+$0x0] =	vst v1;
	(pc) =	sbr.rel @p0 .LBB2_1-.Ltmp4, $4  }
0x760: {  	[hbm4b:s9+s4] =	stream.linear.scatter [tilespmem:s30], [sflag:$0x5], $0x200, $0x38;
	[tilespmem:$0x10A00] =	vst v63  }
0x761: {  	_ =	swait.ge [sflag:s11], $0x200  }
0x762: {  	[sflag:s11] =	ssyncset.done $0x0  }
0x763: {  	[sflag:s11] =	ssyncadd.s32 $0xFFFFFE00  }
0x764: {  	_ =	sfence.sel $0x180000  }
0x765: {  	[bflag:$0x0] =	sbarrier.arrive $0xFFFF  }
0x766: {  	_ =	strace $0x90000047  }
0x767: {  	s0 =	stileid.u32;
	[bflag:$0x2] =	sbarrier.arrive $0xFFFF  }
0x768: {  	p0 =	sne.s32 s0, $0x0;
	s0 =	rddreg [dreg:$0x7]  }
0x769: {  	s0 =	sadd.s32 @!p0 $0x100000, s0  }
0x76a: {  	[sflag:s0] =	ssyncadd.tile.s32 @!p0 $0x1;
	_ =	shalt  }
.Lfunc_end2:
_tile_overlayer_lowered:
.L_overlay_start_2:
0x76b: {  	(tag) =	ssettag $0x2  }
0x76c: {  	s0 =	rddreg [dreg:$0x0];
	s2 =	stileid.u32  }
0x76d: {  	s1 =	rddreg [dreg:$0x1];
	p0 =	sne.s32 s2, $0x0  }
0x76e: {  	s3 =	rddreg [dreg:$0x2];
	[bflag:$0x3] =	sbarrier.arrive $0xFFFF;
	s2 =	simm.s32 @!p0 $0x1C05  }
0x76f: {  	[timem:s3], [sflag:s2] =	dma.local @!p0 [hbm:s0], s1  }
0x770: {  	s0 =	simm.s32 @!p0 $0x5  }
0x771: {  	_ =	swait.ge @!p0 [sflag:s0], s1  }
0x772: {  	s1 =	ssub.s32 @!p0 $0x0, s1;
	[sflag:s0] =	ssyncset.done @!p0 $0x0  }
0x773: {  	[sflag:s0] =	ssyncadd.s32 @!p0 s1  }
0x774: {  	[bflag:$0x3] =	sbarrier.arrive $0xFFFF  }
0x775: {  	_ =	shalt  }

</sc_bundles>
